<compile_context>
chip_gen: v7x
topology: tpu7x:2x2x1
jax: 0.10.2.dev20260603
libtpu: 0.0.44.dev20260713+nightly
codegen_flags: <defaults>
</compile_context>

<pallas_src>
import functools

import jax
import jax.numpy as jnp
from jax import lax
from jax.experimental import pallas as pl
from jax.experimental.pallas import tpu as pltpu
from jax.experimental.pallas import tpu_sc as plsc

NC = 2
NS = 16
NW = NC * NS
DEGW = 16


def _sc_segment_sum(h, edge4, n_pad, n_chunks, chunk):
    d = h.shape[1]
    rows_per_tile = n_pad // NS
    z_sweeps = rows_per_tile // chunk
    nbuf = 3
    sblk = 25
    n_blk = n_chunks // sblk
    mesh = plsc.VectorSubcoreMesh(
        core_axis_name="c", subcore_axis_name="s", num_cores=NC, num_subcores=NS
    )

    @functools.partial(
        pl.kernel,
        out_type=(
            jax.ShapeDtypeStruct((NC, n_pad, d), jnp.float32),
            jax.ShapeDtypeStruct((NC, n_pad, DEGW), jnp.float32),
        ),
        mesh=mesh,
        compiler_params=pltpu.CompilerParams(use_tc_tiling_on_sc=False),
        scratch_types=[
            pltpu.VMEM((sblk, chunk), jnp.int32),
            pltpu.VMEM((sblk, chunk), jnp.int32),
            pltpu.VMEM((nbuf, chunk, d), jnp.float32),
            pltpu.VMEM((chunk, DEGW), jnp.float32),
            pltpu.VMEM_SHARED((n_pad, d), jnp.float32),
            pltpu.VMEM_SHARED((n_pad, DEGW), jnp.float32),
            [pltpu.SemaphoreType.DMA] * nbuf,
            pltpu.SemaphoreType.DMA,
            pltpu.SemaphoreType.DMA,
        ],
    )
    def seg_kernel(h_hbm, edge_hbm, s_out, deg_out,
                   src_v, dst_v, rows_v, ones_v,
                   s_sh, deg_sh, sem_g, sem_o, sem_p):
        cid = lax.axis_index("c")
        sid = lax.axis_index("s")
        wid = sid * NC + cid
        row0 = sid * rows_per_tile

        zvec = jnp.zeros((16,), jnp.float32)
        onevec = jnp.ones((16,), jnp.float32)

        def zero_bufs(i, carry):
            for k in range(d // 16):
                rows_v[0, i, pl.ds(k * 16, 16)] = zvec
            ones_v[i, :] = zvec
            return carry

        lax.fori_loop(0, chunk, zero_bufs, 0)

        zcopies = []
        for r in range(z_sweeps):
            zcopies.append(pltpu.async_copy(
                rows_v.at[0], s_sh.at[pl.ds(row0 + r * chunk, chunk)], sem_p))
            zcopies.append(pltpu.async_copy(
                ones_v, deg_sh.at[pl.ds(row0 + r * chunk, chunk)], sem_p))
        for cp in zcopies:
            cp.wait()

        def fill_ones(i, carry):
            ones_v[i, :] = onevec
            return carry

        lax.fori_loop(0, chunk, fill_ones, 0)
        plsc.subcore_barrier()

        def gather_wait(b):
            pltpu.make_async_copy(
                h_hbm.at[src_v.at[0]], rows_v.at[b], sem_g[b]).wait()

        def ones_wait(j, carry):
            pltpu.make_async_copy(
                ones_v, deg_sh.at[dst_v.at[0]], sem_o).wait()
            return carry

        def block(blk, carry):
            pltpu.sync_copy(edge_hbm.at[0, wid, pl.ds(blk * sblk, sblk)], src_v)
            pltpu.sync_copy(edge_hbm.at[1, wid, pl.ds(blk * sblk, sblk)], dst_v)
            for p in range(nbuf):
                pltpu.async_copy(h_hbm.at[src_v.at[p]], rows_v.at[p],
                                 sem_g[p])
            for p in range(sblk):
                s = p % nbuf
                gather_wait(s)
                pltpu.sync_copy(rows_v.at[s], s_sh.at[dst_v.at[p]], add=True)
                pltpu.async_copy(ones_v, deg_sh.at[dst_v.at[p]],
                                 sem_o, add=True)
                if p + nbuf < sblk:
                    pltpu.async_copy(h_hbm.at[src_v.at[p + nbuf]],
                                     rows_v.at[s], sem_g[s])
            return carry

        lax.fori_loop(0, n_blk, block, 0)
        lax.fori_loop(0, n_chunks, ones_wait, 0)
        plsc.subcore_barrier()

        pltpu.sync_copy(s_sh.at[pl.ds(row0, rows_per_tile)],
                        s_out.at[cid, pl.ds(row0, rows_per_tile)])
        pltpu.sync_copy(deg_sh.at[pl.ds(row0, rows_per_tile)],
                        deg_out.at[cid, pl.ds(row0, rows_per_tile)])

    return seg_kernel(h, edge4)


def _tc_dense(h, s_part, deg_part, snorm, a, b, b_pre, wh, wa, b_post):
    n, d = h.shape
    n_pad = s_part.shape[1]
    hi = lax.Precision.DEFAULT

    def body(h_ref, s_ref, deg_ref, sn_ref, a_ref, b_ref, bpre_ref,
             wh_ref, wa_ref, bpost_ref, o_ref):
        hh = h_ref[...]
        s = s_ref[0, :n] + s_ref[1, :n]
        dsum = deg_ref[0] + deg_ref[1]
        km = lax.broadcasted_iota(jnp.int32, (d, 8 * d), 0)
        mm = lax.broadcasted_iota(jnp.int32, (d, 8 * d), 1)
        sel = jnp.where(km == (mm // d) * DEGW, 1.0, 0.0)
        deg = jnp.reshape(
            jnp.dot(dsum, sel, preferred_element_type=jnp.float32,
                    precision=hi), (n_pad, d))[:n]
        hb = jnp.dot(hh, b_ref[...], preferred_element_type=jnp.float32,
                     precision=hi)
        agg = jnp.dot(s, a_ref[...], preferred_element_type=jnp.float32,
                      precision=hi) + deg * (hb + bpre_ref[...])
        h2 = (jnp.dot(hh, wh_ref[...], preferred_element_type=jnp.float32,
                      precision=hi)
              + jnp.dot(agg, wa_ref[...], preferred_element_type=jnp.float32,
                        precision=hi)
              + bpost_ref[...])
        o_ref[...] = hh + sn_ref[...] * h2

    return pl.pallas_call(
        body,
        out_shape=jax.ShapeDtypeStruct((n, d), jnp.float32),
    )(h, s_part, deg_part.reshape(2, -1, 128), snorm, a, b,
      b_pre.reshape(1, d), wh, wa, b_post.reshape(1, d))


def kernel(h, edge_index, e, snorm_n, W_pre, b_pre, W_post, b_post):
    n, d = h.shape
    n_edges = edge_index.shape[1]
    chunk = 80
    n_chunks = n_edges // (NW * chunk)
    n_pad = ((n + NS * chunk - 1) // (NS * chunk)) * (NS * chunk)
    edge4 = edge_index.reshape(2, NW, n_chunks, chunk)
    s_part, deg_part = _sc_segment_sum(h, edge4, n_pad, n_chunks, chunk)
    return _tc_dense(h, s_part, deg_part, snorm_n,
                     W_pre[:d], W_pre[d:], b_pre,
                     W_post[:d], W_post[d:], b_post)

# --- scband reference (transcript-rebuilt; emitter-appended) ---
"""Pipeline reference for scband-mplayer-6614249636266 (READ-ONLY COPY).

The authoritative reference and input builder live on the scoring server;
editing this copy changes nothing except your own understanding.
"""

import jax, jax.numpy as jnp
import numpy as np

N = 10000
E = 320000
D = 128


def setup_inputs(seed: int = 0) -> dict:
    key = jax.random.key(seed)
    ks = jax.random.split(key, 8)
    h = jax.random.normal(ks[0], (N, D), dtype=jnp.float32)
    edge_index = jax.random.randint(ks[1], (2, E), 0, N, dtype=jnp.int32)
    e = jax.random.normal(ks[2], (E, 4), dtype=jnp.float32)
    snorm_n = jax.random.uniform(ks[3], (N, 1), dtype=jnp.float32)
    # pretrans MLP: 1 layer, (2*in_dim) -> in_dim, no activation (last_activation='none')
    W_pre = jax.random.normal(ks[4], (2 * D, D), dtype=jnp.float32) * 0.05
    b_pre = jnp.zeros((D,), dtype=jnp.float32)
    # posttrans MLP: 1 layer, (2*in_dim) -> out_dim, no activation, no batch norm
    W_post = jax.random.normal(ks[5], (2 * D, D), dtype=jnp.float32) * 0.05
    b_post = jnp.zeros((D,), dtype=jnp.float32)
    return {
        'h': h,
        'edge_index': edge_index,
        'e': e,
        'snorm_n': snorm_n,
        'W_pre': W_pre,
        'b_pre': b_pre,
        'W_post': W_post,
        'b_post': b_post,
    }


def reference(h, edge_index, e, snorm_n, W_pre, b_pre, W_post, b_post):
    # edge_features=False, distance_net_dim=0 -> e is unused
    src = edge_index[0]
    dst = edge_index[1]
    # pretrans_edges: z2 = [src_feat, dst_feat]; msg = pretrans(z2)
    z2 = jnp.concatenate([jnp.take(h, src, axis=0), jnp.take(h, dst, axis=0)], axis=1)
    msg = z2 @ W_pre + b_pre
    # message_func passes edge data 'e'; fn.sum('e','feat') -> segment-sum into dst nodes
    agg = jax.ops.segment_sum(msg, dst, num_segments=N)
    # posttrans on [h, aggregated]
    h2 = jnp.concatenate([h, agg], axis=1) @ W_post + b_post
    # graph_norm=True
    h2 = h2 * snorm_n
    # dropout p=0.0 -> identity; residual=True (in_dim == out_dim)
    h_out = h + h2
    return h_out

if __name__ == "__main__":
    import jax
    _d = setup_inputs()
    print(jax.jit(kernel)(*tuple(_d.values())))

</pallas_src>

<mosaic_0001>
#map = affine_map<(d0, d1) -> (0, 0)>
#map1 = affine_map<(d0, d1) -> (0, 0, 0, 0)>
#map2 = affine_map<(d0, d1) -> (0, 0, 0)>
module attributes {stable_mosaic.version = 14 : i64} {
  func.func @seg_kernel(%arg0: i32, %arg1: i32, %arg2: memref<10000x128xf32, #tpu.memory_space<hbm>>, %arg3: memref<2x32x125x80xi32, #tpu.memory_space<hbm>>, %arg4: memref<2x10240x128xf32, #tpu.memory_space<hbm>>, %arg5: memref<2x10240x16xf32, #tpu.memory_space<hbm>>, %arg6: memref<25x80xi32, #tpu.memory_space<vmem>>, %arg7: memref<25x80xi32, #tpu.memory_space<vmem>>, %arg8: memref<3x80x128xf32, #tpu.memory_space<vmem>>, %arg9: memref<80x16xf32, #tpu.memory_space<vmem>>, %arg10: memref<10240x128xf32, #tpu.memory_space<vmem_shared>>, %arg11: memref<10240x16xf32, #tpu.memory_space<vmem_shared>>, %arg12: memref<!tpu.dma_semaphore, #tpu.memory_space<semaphore_mem>>, %arg13: memref<!tpu.dma_semaphore, #tpu.memory_space<semaphore_mem>>, %arg14: memref<!tpu.dma_semaphore, #tpu.memory_space<semaphore_mem>>, %arg15: memref<!tpu.dma_semaphore, #tpu.memory_space<semaphore_mem>>, %arg16: memref<!tpu.dma_semaphore, #tpu.memory_space<semaphore_mem>>) attributes {dimension_semantics = [#tpu.dimension_semantics<core_parallel>, #tpu.dimension_semantics<subcore_parallel>], iteration_bounds = array<i64: 2, 16>, scalar_prefetch = 0 : i64, scratch_operands = 11 : i64, tpu.core_type = #tpu.core_type<sc_vector_subcore>, window_params = [{transform_indices = #map}, {transform_indices = #map1}, {transform_indices = #map2}, {transform_indices = #map2}]} {
    %mul3A = arith.constant 2 : i32
    %mul3A_0 = arith.muli %arg1, %mul3A : i32
    %add3A = arith.addi %mul3A_0, %arg0 : i32
    %mul3A_1 = arith.constant 640 : i32
    %mul3A_2 = arith.muli %arg1, %mul3A_1 : i32
    %broadcast_in_dim3A = arith.constant 0.000000e+00 : f32
    %broadcast_in_dim3A_3 = vector.broadcast %broadcast_in_dim3A : f32 to vector<16xf32>
    %broadcast_in_dim3A_4 = arith.constant 1.000000e+00 : f32
    %broadcast_in_dim3A_5 = vector.broadcast %broadcast_in_dim3A_4 : f32 to vector<16xf32>
    %scan3A = arith.constant 0 : i32
    %scan3A_6 = arith.constant 0 : i32
    %scan3A_7 = arith.constant 80 : i32
    %scan3A_8 = arith.addi %scan3A_6, %scan3A_7 : i32
    %scan3A_9 = arith.constant 1 : i32
    scf.for %scan3A_332 = %scan3A_6 to %scan3A_8 step %scan3A_9  : i32 {
      %swap3A = arith.constant 0 : i32
      %swap3A_333 = arith.index_cast %swap3A : i32 to index
      %swap3A_334 = arith.index_cast %scan3A_332 : i32 to index
      %swap3A_335 = arith.constant 0 : index
      %swap3A_336 = tpu.vector_load %arg8[%swap3A_333, %swap3A_334, %swap3A_335] {strides = array<i32>} : memref<3x80x128xf32, #tpu.memory_space<vmem>>, vector<1x1x16xf32>,
      %swap3A_337 = vector.shape_cast %swap3A_336 : vector<1x1x16xf32> to vector<16xf32>
      %swap3A_338 = vector.shape_cast %broadcast_in_dim3A_3 : vector<16xf32> to vector<1x1x16xf32>
      tpu.vector_store %arg8[%swap3A_333, %swap3A_334, %swap3A_335], %swap3A_338 {strides = array<i32>} : memref<3x80x128xf32, #tpu.memory_space<vmem>>, vector<1x1x16xf32>,
      %swap3A_339 = arith.constant 0 : i32
      %swap3A_340 = arith.index_cast %swap3A_339 : i32 to index
      %swap3A_341 = arith.index_cast %scan3A_332 : i32 to index
      %swap3A_342 = arith.constant 16 : index
      %swap3A_343 = tpu.vector_load %arg8[%swap3A_340, %swap3A_341, %swap3A_342] {strides = array<i32>} : memref<3x80x128xf32, #tpu.memory_space<vmem>>, vector<1x1x16xf32>,
      %swap3A_344 = vector.shape_cast %swap3A_343 : vector<1x1x16xf32> to vector<16xf32>
      %swap3A_345 = vector.shape_cast %broadcast_in_dim3A_3 : vector<16xf32> to vector<1x1x16xf32>
      tpu.vector_store %arg8[%swap3A_340, %swap3A_341, %swap3A_342], %swap3A_345 {strides = array<i32>} : memref<3x80x128xf32, #tpu.memory_space<vmem>>, vector<1x1x16xf32>,
      %swap3A_346 = arith.constant 0 : i32
      %swap3A_347 = arith.index_cast %swap3A_346 : i32 to index
      %swap3A_348 = arith.index_cast %scan3A_332 : i32 to index
      %swap3A_349 = arith.constant 32 : index
      %swap3A_350 = tpu.vector_load %arg8[%swap3A_347, %swap3A_348, %swap3A_349] {strides = array<i32>} : memref<3x80x128xf32, #tpu.memory_space<vmem>>, vector<1x1x16xf32>,
      %swap3A_351 = vector.shape_cast %swap3A_350 : vector<1x1x16xf32> to vector<16xf32>
      %swap3A_352 = vector.shape_cast %broadcast_in_dim3A_3 : vector<16xf32> to vector<1x1x16xf32>
      tpu.vector_store %arg8[%swap3A_347, %swap3A_348, %swap3A_349], %swap3A_352 {strides = array<i32>} : memref<3x80x128xf32, #tpu.memory_space<vmem>>, vector<1x1x16xf32>,
      %swap3A_353 = arith.constant 0 : i32
      %swap3A_354 = arith.index_cast %swap3A_353 : i32 to index
      %swap3A_355 = arith.index_cast %scan3A_332 : i32 to index
      %swap3A_356 = arith.constant 48 : index
      %swap3A_357 = tpu.vector_load %arg8[%swap3A_354, %swap3A_355, %swap3A_356] {strides = array<i32>} : memref<3x80x128xf32, #tpu.memory_space<vmem>>, vector<1x1x16xf32>,
      %swap3A_358 = vector.shape_cast %swap3A_357 : vector<1x1x16xf32> to vector<16xf32>
      %swap3A_359 = vector.shape_cast %broadcast_in_dim3A_3 : vector<16xf32> to vector<1x1x16xf32>
      tpu.vector_store %arg8[%swap3A_354, %swap3A_355, %swap3A_356], %swap3A_359 {strides = array<i32>} : memref<3x80x128xf32, #tpu.memory_space<vmem>>, vector<1x1x16xf32>,
      %swap3A_360 = arith.constant 0 : i32
      %swap3A_361 = arith.index_cast %swap3A_360 : i32 to index
      %swap3A_362 = arith.index_cast %scan3A_332 : i32 to index
      %swap3A_363 = arith.constant 64 : index
      %swap3A_364 = tpu.vector_load %arg8[%swap3A_361, %swap3A_362, %swap3A_363] {strides = array<i32>} : memref<3x80x128xf32, #tpu.memory_space<vmem>>, vector<1x1x16xf32>,
      %swap3A_365 = vector.shape_cast %swap3A_364 : vector<1x1x16xf32> to vector<16xf32>
      %swap3A_366 = vector.shape_cast %broadcast_in_dim3A_3 : vector<16xf32> to vector<1x1x16xf32>
      tpu.vector_store %arg8[%swap3A_361, %swap3A_362, %swap3A_363], %swap3A_366 {strides = array<i32>} : memref<3x80x128xf32, #tpu.memory_space<vmem>>, vector<1x1x16xf32>,
      %swap3A_367 = arith.constant 0 : i32
      %swap3A_368 = arith.index_cast %swap3A_367 : i32 to index
      %swap3A_369 = arith.index_cast %scan3A_332 : i32 to index
      %swap3A_370 = arith.constant 80 : index
      %swap3A_371 = tpu.vector_load %arg8[%swap3A_368, %swap3A_369, %swap3A_370] {strides = array<i32>} : memref<3x80x128xf32, #tpu.memory_space<vmem>>, vector<1x1x16xf32>,
      %swap3A_372 = vector.shape_cast %swap3A_371 : vector<1x1x16xf32> to vector<16xf32>
      %swap3A_373 = vector.shape_cast %broadcast_in_dim3A_3 : vector<16xf32> to vector<1x1x16xf32>
      tpu.vector_store %arg8[%swap3A_368, %swap3A_369, %swap3A_370], %swap3A_373 {strides = array<i32>} : memref<3x80x128xf32, #tpu.memory_space<vmem>>, vector<1x1x16xf32>,
      %swap3A_374 = arith.constant 0 : i32
      %swap3A_375 = arith.index_cast %swap3A_374 : i32 to index
      %swap3A_376 = arith.index_cast %scan3A_332 : i32 to index
      %swap3A_377 = arith.constant 96 : index
      %swap3A_378 = tpu.vector_load %arg8[%swap3A_375, %swap3A_376, %swap3A_377] {strides = array<i32>} : memref<3x80x128xf32, #tpu.memory_space<vmem>>, vector<1x1x16xf32>,
      %swap3A_379 = vector.shape_cast %swap3A_378 : vector<1x1x16xf32> to vector<16xf32>
      %swap3A_380 = vector.shape_cast %broadcast_in_dim3A_3 : vector<16xf32> to vector<1x1x16xf32>
      tpu.vector_store %arg8[%swap3A_375, %swap3A_376, %swap3A_377], %swap3A_380 {strides = array<i32>} : memref<3x80x128xf32, #tpu.memory_space<vmem>>, vector<1x1x16xf32>,
      %swap3A_381 = arith.constant 0 : i32
      %swap3A_382 = arith.index_cast %swap3A_381 : i32 to index
      %swap3A_383 = arith.index_cast %scan3A_332 : i32 to index
      %swap3A_384 = arith.constant 112 : index
      %swap3A_385 = tpu.vector_load %arg8[%swap3A_382, %swap3A_383, %swap3A_384] {strides = array<i32>} : memref<3x80x128xf32, #tpu.memory_space<vmem>>, vector<1x1x16xf32>,
      %swap3A_386 = vector.shape_cast %swap3A_385 : vector<1x1x16xf32> to vector<16xf32>
      %swap3A_387 = vector.shape_cast %broadcast_in_dim3A_3 : vector<16xf32> to vector<1x1x16xf32>
      tpu.vector_store %arg8[%swap3A_382, %swap3A_383, %swap3A_384], %swap3A_387 {strides = array<i32>} : memref<3x80x128xf32, #tpu.memory_space<vmem>>, vector<1x1x16xf32>,
      %swap3A_388 = arith.index_cast %scan3A_332 : i32 to index
      %swap3A_389 = arith.constant 0 : index
      %swap3A_390 = tpu.vector_load %arg9[%swap3A_388, %swap3A_389] {strides = array<i32>} : memref<80x16xf32, #tpu.memory_space<vmem>>, vector<1x16xf32>,
      %swap3A_391 = vector.shape_cast %swap3A_390 : vector<1x16xf32> to vector<16xf32>
      %swap3A_392 = vector.shape_cast %broadcast_in_dim3A_3 : vector<16xf32> to vector<1x16xf32>
      tpu.vector_store %arg9[%swap3A_388, %swap3A_389], %swap3A_392 {strides = array<i32>} : memref<80x16xf32, #tpu.memory_space<vmem>>, vector<1x16xf32>,
    }
    %scan3A_10 = arith.constant 80 : i32
    %add3A_11 = arith.constant 0 : i32
    %add3A_12 = arith.addi %mul3A_2, %add3A_11 : i32
    %dma_start3A = arith.constant 0 : i32
    %dma_start3A_13 = arith.constant 0 : i32
    %dma_start3A_14 = arith.constant 0 : i32
    %dma_start3A_15 = tpu.memref_slice %arg8[%dma_start3A, %dma_start3A_13, %dma_start3A_14] : memref<3x80x128xf32, #tpu.memory_space<vmem>> -> memref<1x80x128xf32, #tpu.memory_space<vmem>>
    %dma_start3A_16 = tpu.memref_squeeze %dma_start3A_15 : memref<1x80x128xf32, #tpu.memory_space<vmem>> -> memref<80x128xf32, #tpu.memory_space<vmem>>
    %dma_start3A_17 = arith.constant 0 : i32
    %dma_start3A_18 = tpu.memref_slice %arg10[%add3A_12, %dma_start3A_17] : memref<10240x128xf32, #tpu.memory_space<vmem_shared>> -> memref<80x128xf32, #tpu.memory_space<vmem_shared>>
    %dma_start3A_19 = arith.constant 0 : i32
    %dma_start3A_20 = tpu.memref_slice %arg10[%add3A_12, %dma_start3A_19] : memref<10240x128xf32, #tpu.memory_space<vmem_shared>> -> memref<80x128xf32, #tpu.memory_space<vmem_shared>>
    %dma_start3A_21 = arith.constant 0 : i32
    %dma_start3A_22 = arith.constant 0 : i32
    %dma_start3A_23 = tpu.memref_slice %arg8[%dma_start3A, %dma_start3A_21, %dma_start3A_22] : memref<3x80x128xf32, #tpu.memory_space<vmem>> -> memref<1x80x128xf32, #tpu.memory_space<vmem>>
    %dma_start3A_24 = tpu.memref_squeeze %dma_start3A_23 : memref<1x80x128xf32, #tpu.memory_space<vmem>> -> memref<80x128xf32, #tpu.memory_space<vmem>>
    tpu.enqueue_dma source(%dma_start3A_24 : memref<80x128xf32, #tpu.memory_space<vmem>>) target(%dma_start3A_20 : memref<80x128xf32, #tpu.memory_space<vmem_shared>>) target_semaphore(%arg16 : memref<!tpu.dma_semaphore, #tpu.memory_space<semaphore_mem>>)
    %add3A_25 = arith.constant 0 : i32
    %add3A_26 = arith.addi %mul3A_2, %add3A_25 : i32
    %dma_start3A_27 = arith.constant 0 : i32
    %dma_start3A_28 = tpu.memref_slice %arg11[%add3A_26, %dma_start3A_27] : memref<10240x16xf32, #tpu.memory_space<vmem_shared>> -> memref<80x16xf32, #tpu.memory_space<vmem_shared>>
    %dma_start3A_29 = arith.constant 0 : i32
    %dma_start3A_30 = tpu.memref_slice %arg11[%add3A_26, %dma_start3A_29] : memref<10240x16xf32, #tpu.memory_space<vmem_shared>> -> memref<80x16xf32, #tpu.memory_space<vmem_shared>>
    tpu.enqueue_dma source(%arg9 : memref<80x16xf32, #tpu.memory_space<vmem>>) target(%dma_start3A_30 : memref<80x16xf32, #tpu.memory_space<vmem_shared>>) target_semaphore(%arg16 : memref<!tpu.dma_semaphore, #tpu.memory_space<semaphore_mem>>)
    %add3A_31 = arith.constant 80 : i32
    %add3A_32 = arith.addi %mul3A_2, %add3A_31 : i32
    %dma_start3A_33 = arith.constant 0 : i32
    %dma_start3A_34 = arith.constant 0 : i32
    %dma_start3A_35 = arith.constant 0 : i32
    %dma_start3A_36 = tpu.memref_slice %arg8[%dma_start3A_33, %dma_start3A_34, %dma_start3A_35] : memref<3x80x128xf32, #tpu.memory_space<vmem>> -> memref<1x80x128xf32, #tpu.memory_space<vmem>>
    %dma_start3A_37 = tpu.memref_squeeze %dma_start3A_36 : memref<1x80x128xf32, #tpu.memory_space<vmem>> -> memref<80x128xf32, #tpu.memory_space<vmem>>
    %dma_start3A_38 = arith.constant 0 : i32
    %dma_start3A_39 = tpu.memref_slice %arg10[%add3A_32, %dma_start3A_38] : memref<10240x128xf32, #tpu.memory_space<vmem_shared>> -> memref<80x128xf32, #tpu.memory_space<vmem_shared>>
    %dma_start3A_40 = arith.constant 0 : i32
    %dma_start3A_41 = tpu.memref_slice %arg10[%add3A_32, %dma_start3A_40] : memref<10240x128xf32, #tpu.memory_space<vmem_shared>> -> memref<80x128xf32, #tpu.memory_space<vmem_shared>>
    %dma_start3A_42 = arith.constant 0 : i32
    %dma_start3A_43 = arith.constant 0 : i32
    %dma_start3A_44 = tpu.memref_slice %arg8[%dma_start3A_33, %dma_start3A_42, %dma_start3A_43] : memref<3x80x128xf32, #tpu.memory_space<vmem>> -> memref<1x80x128xf32, #tpu.memory_space<vmem>>
    %dma_start3A_45 = tpu.memref_squeeze %dma_start3A_44 : memref<1x80x128xf32, #tpu.memory_space<vmem>> -> memref<80x128xf32, #tpu.memory_space<vmem>>
    tpu.enqueue_dma source(%dma_start3A_45 : memref<80x128xf32, #tpu.memory_space<vmem>>) target(%dma_start3A_41 : memref<80x128xf32, #tpu.memory_space<vmem_shared>>) target_semaphore(%arg16 : memref<!tpu.dma_semaphore, #tpu.memory_space<semaphore_mem>>)
    %add3A_46 = arith.constant 80 : i32
    %add3A_47 = arith.addi %mul3A_2, %add3A_46 : i32
    %dma_start3A_48 = arith.constant 0 : i32
    %dma_start3A_49 = tpu.memref_slice %arg11[%add3A_47, %dma_start3A_48] : memref<10240x16xf32, #tpu.memory_space<vmem_shared>> -> memref<80x16xf32, #tpu.memory_space<vmem_shared>>
    %dma_start3A_50 = arith.constant 0 : i32
    %dma_start3A_51 = tpu.memref_slice %arg11[%add3A_47, %dma_start3A_50] : memref<10240x16xf32, #tpu.memory_space<vmem_shared>> -> memref<80x16xf32, #tpu.memory_space<vmem_shared>>
    tpu.enqueue_dma source(%arg9 : memref<80x16xf32, #tpu.memory_space<vmem>>) target(%dma_start3A_51 : memref<80x16xf32, #tpu.memory_space<vmem_shared>>) target_semaphore(%arg16 : memref<!tpu.dma_semaphore, #tpu.memory_space<semaphore_mem>>)
    %add3A_52 = arith.constant 160 : i32
    %add3A_53 = arith.addi %mul3A_2, %add3A_52 : i32
    %dma_start3A_54 = arith.constant 0 : i32
    %dma_start3A_55 = arith.constant 0 : i32
    %dma_start3A_56 = arith.constant 0 : i32
    %dma_start3A_57 = tpu.memref_slice %arg8[%dma_start3A_54, %dma_start3A_55, %dma_start3A_56] : memref<3x80x128xf32, #tpu.memory_space<vmem>> -> memref<1x80x128xf32, #tpu.memory_space<vmem>>
    %dma_start3A_58 = tpu.memref_squeeze %dma_start3A_57 : memref<1x80x128xf32, #tpu.memory_space<vmem>> -> memref<80x128xf32, #tpu.memory_space<vmem>>
    %dma_start3A_59 = arith.constant 0 : i32
    %dma_start3A_60 = tpu.memref_slice %arg10[%add3A_53, %dma_start3A_59] : memref<10240x128xf32, #tpu.memory_space<vmem_shared>> -> memref<80x128xf32, #tpu.memory_space<vmem_shared>>
    %dma_start3A_61 = arith.constant 0 : i32
    %dma_start3A_62 = tpu.memref_slice %arg10[%add3A_53, %dma_start3A_61] : memref<10240x128xf32, #tpu.memory_space<vmem_shared>> -> memref<80x128xf32, #tpu.memory_space<vmem_shared>>
    %dma_start3A_63 = arith.constant 0 : i32
    %dma_start3A_64 = arith.constant 0 : i32
    %dma_start3A_65 = tpu.memref_slice %arg8[%dma_start3A_54, %dma_start3A_63, %dma_start3A_64] : memref<3x80x128xf32, #tpu.memory_space<vmem>> -> memref<1x80x128xf32, #tpu.memory_space<vmem>>
    %dma_start3A_66 = tpu.memref_squeeze %dma_start3A_65 : memref<1x80x128xf32, #tpu.memory_space<vmem>> -> memref<80x128xf32, #tpu.memory_space<vmem>>
    tpu.enqueue_dma source(%dma_start3A_66 : memref<80x128xf32, #tpu.memory_space<vmem>>) target(%dma_start3A_62 : memref<80x128xf32, #tpu.memory_space<vmem_shared>>) target_semaphore(%arg16 : memref<!tpu.dma_semaphore, #tpu.memory_space<semaphore_mem>>)
    %add3A_67 = arith.constant 160 : i32
    %add3A_68 = arith.addi %mul3A_2, %add3A_67 : i32
    %dma_start3A_69 = arith.constant 0 : i32
    %dma_start3A_70 = tpu.memref_slice %arg11[%add3A_68, %dma_start3A_69] : memref<10240x16xf32, #tpu.memory_space<vmem_shared>> -> memref<80x16xf32, #tpu.memory_space<vmem_shared>>
    %dma_start3A_71 = arith.constant 0 : i32
    %dma_start3A_72 = tpu.memref_slice %arg11[%add3A_68, %dma_start3A_71] : memref<10240x16xf32, #tpu.memory_space<vmem_shared>> -> memref<80x16xf32, #tpu.memory_space<vmem_shared>>
    tpu.enqueue_dma source(%arg9 : memref<80x16xf32, #tpu.memory_space<vmem>>) target(%dma_start3A_72 : memref<80x16xf32, #tpu.memory_space<vmem_shared>>) target_semaphore(%arg16 : memref<!tpu.dma_semaphore, #tpu.memory_space<semaphore_mem>>)
    %add3A_73 = arith.constant 240 : i32
    %add3A_74 = arith.addi %mul3A_2, %add3A_73 : i32
    %dma_start3A_75 = arith.constant 0 : i32
    %dma_start3A_76 = arith.constant 0 : i32
    %dma_start3A_77 = arith.constant 0 : i32
    %dma_start3A_78 = tpu.memref_slice %arg8[%dma_start3A_75, %dma_start3A_76, %dma_start3A_77] : memref<3x80x128xf32, #tpu.memory_space<vmem>> -> memref<1x80x128xf32, #tpu.memory_space<vmem>>
    %dma_start3A_79 = tpu.memref_squeeze %dma_start3A_78 : memref<1x80x128xf32, #tpu.memory_space<vmem>> -> memref<80x128xf32, #tpu.memory_space<vmem>>
    %dma_start3A_80 = arith.constant 0 : i32
    %dma_start3A_81 = tpu.memref_slice %arg10[%add3A_74, %dma_start3A_80] : memref<10240x128xf32, #tpu.memory_space<vmem_shared>> -> memref<80x128xf32, #tpu.memory_space<vmem_shared>>
    %dma_start3A_82 = arith.constant 0 : i32
    %dma_start3A_83 = tpu.memref_slice %arg10[%add3A_74, %dma_start3A_82] : memref<10240x128xf32, #tpu.memory_space<vmem_shared>> -> memref<80x128xf32, #tpu.memory_space<vmem_shared>>
    %dma_start3A_84 = arith.constant 0 : i32
    %dma_start3A_85 = arith.constant 0 : i32
    %dma_start3A_86 = tpu.memref_slice %arg8[%dma_start3A_75, %dma_start3A_84, %dma_start3A_85] : memref<3x80x128xf32, #tpu.memory_space<vmem>> -> memref<1x80x128xf32, #tpu.memory_space<vmem>>
    %dma_start3A_87 = tpu.memref_squeeze %dma_start3A_86 : memref<1x80x128xf32, #tpu.memory_space<vmem>> -> memref<80x128xf32, #tpu.memory_space<vmem>>
    tpu.enqueue_dma source(%dma_start3A_87 : memref<80x128xf32, #tpu.memory_space<vmem>>) target(%dma_start3A_83 : memref<80x128xf32, #tpu.memory_space<vmem_shared>>) target_semaphore(%arg16 : memref<!tpu.dma_semaphore, #tpu.memory_space<semaphore_mem>>)
    %add3A_88 = arith.constant 240 : i32
    %add3A_89 = arith.addi %mul3A_2, %add3A_88 : i32
    %dma_start3A_90 = arith.constant 0 : i32
    %dma_start3A_91 = tpu.memref_slice %arg11[%add3A_89, %dma_start3A_90] : memref<10240x16xf32, #tpu.memory_space<vmem_shared>> -> memref<80x16xf32, #tpu.memory_space<vmem_shared>>
    %dma_start3A_92 = arith.constant 0 : i32
    %dma_start3A_93 = tpu.memref_slice %arg11[%add3A_89, %dma_start3A_92] : memref<10240x16xf32, #tpu.memory_space<vmem_shared>> -> memref<80x16xf32, #tpu.memory_space<vmem_shared>>
    tpu.enqueue_dma source(%arg9 : memref<80x16xf32, #tpu.memory_space<vmem>>) target(%dma_start3A_93 : memref<80x16xf32, #tpu.memory_space<vmem_shared>>) target_semaphore(%arg16 : memref<!tpu.dma_semaphore, #tpu.memory_space<semaphore_mem>>)
    %add3A_94 = arith.constant 320 : i32
    %add3A_95 = arith.addi %mul3A_2, %add3A_94 : i32
    %dma_start3A_96 = arith.constant 0 : i32
    %dma_start3A_97 = arith.constant 0 : i32
    %dma_start3A_98 = arith.constant 0 : i32
    %dma_start3A_99 = tpu.memref_slice %arg8[%dma_start3A_96, %dma_start3A_97, %dma_start3A_98] : memref<3x80x128xf32, #tpu.memory_space<vmem>> -> memref<1x80x128xf32, #tpu.memory_space<vmem>>
    %dma_start3A_100 = tpu.memref_squeeze %dma_start3A_99 : memref<1x80x128xf32, #tpu.memory_space<vmem>> -> memref<80x128xf32, #tpu.memory_space<vmem>>
    %dma_start3A_101 = arith.constant 0 : i32
    %dma_start3A_102 = tpu.memref_slice %arg10[%add3A_95, %dma_start3A_101] : memref<10240x128xf32, #tpu.memory_space<vmem_shared>> -> memref<80x128xf32, #tpu.memory_space<vmem_shared>>
    %dma_start3A_103 = arith.constant 0 : i32
    %dma_start3A_104 = tpu.memref_slice %arg10[%add3A_95, %dma_start3A_103] : memref<10240x128xf32, #tpu.memory_space<vmem_shared>> -> memref<80x128xf32, #tpu.memory_space<vmem_shared>>
    %dma_start3A_105 = arith.constant 0 : i32
    %dma_start3A_106 = arith.constant 0 : i32
    %dma_start3A_107 = tpu.memref_slice %arg8[%dma_start3A_96, %dma_start3A_105, %dma_start3A_106] : memref<3x80x128xf32, #tpu.memory_space<vmem>> -> memref<1x80x128xf32, #tpu.memory_space<vmem>>
    %dma_start3A_108 = tpu.memref_squeeze %dma_start3A_107 : memref<1x80x128xf32, #tpu.memory_space<vmem>> -> memref<80x128xf32, #tpu.memory_space<vmem>>
    tpu.enqueue_dma source(%dma_start3A_108 : memref<80x128xf32, #tpu.memory_space<vmem>>) target(%dma_start3A_104 : memref<80x128xf32, #tpu.memory_space<vmem_shared>>) target_semaphore(%arg16 : memref<!tpu.dma_semaphore, #tpu.memory_space<semaphore_mem>>)
    %add3A_109 = arith.constant 320 : i32
    %add3A_110 = arith.addi %mul3A_2, %add3A_109 : i32
    %dma_start3A_111 = arith.constant 0 : i32
    %dma_start3A_112 = tpu.memref_slice %arg11[%add3A_110, %dma_start3A_111] : memref<10240x16xf32, #tpu.memory_space<vmem_shared>> -> memref<80x16xf32, #tpu.memory_space<vmem_shared>>
    %dma_start3A_113 = arith.constant 0 : i32
    %dma_start3A_114 = tpu.memref_slice %arg11[%add3A_110, %dma_start3A_113] : memref<10240x16xf32, #tpu.memory_space<vmem_shared>> -> memref<80x16xf32, #tpu.memory_space<vmem_shared>>
    tpu.enqueue_dma source(%arg9 : memref<80x16xf32, #tpu.memory_space<vmem>>) target(%dma_start3A_114 : memref<80x16xf32, #tpu.memory_space<vmem_shared>>) target_semaphore(%arg16 : memref<!tpu.dma_semaphore, #tpu.memory_space<semaphore_mem>>)
    %add3A_115 = arith.constant 400 : i32
    %add3A_116 = arith.addi %mul3A_2, %add3A_115 : i32
    %dma_start3A_117 = arith.constant 0 : i32
    %dma_start3A_118 = arith.constant 0 : i32
    %dma_start3A_119 = arith.constant 0 : i32
    %dma_start3A_120 = tpu.memref_slice %arg8[%dma_start3A_117, %dma_start3A_118, %dma_start3A_119] : memref<3x80x128xf32, #tpu.memory_space<vmem>> -> memref<1x80x128xf32, #tpu.memory_space<vmem>>
    %dma_start3A_121 = tpu.memref_squeeze %dma_start3A_120 : memref<1x80x128xf32, #tpu.memory_space<vmem>> -> memref<80x128xf32, #tpu.memory_space<vmem>>
    %dma_start3A_122 = arith.constant 0 : i32
    %dma_start3A_123 = tpu.memref_slice %arg10[%add3A_116, %dma_start3A_122] : memref<10240x128xf32, #tpu.memory_space<vmem_shared>> -> memref<80x128xf32, #tpu.memory_space<vmem_shared>>
    %dma_start3A_124 = arith.constant 0 : i32
    %dma_start3A_125 = tpu.memref_slice %arg10[%add3A_116, %dma_start3A_124] : memref<10240x128xf32, #tpu.memory_space<vmem_shared>> -> memref<80x128xf32, #tpu.memory_space<vmem_shared>>
    %dma_start3A_126 = arith.constant 0 : i32
    %dma_start3A_127 = arith.constant 0 : i32
    %dma_start3A_128 = tpu.memref_slice %arg8[%dma_start3A_117, %dma_start3A_126, %dma_start3A_127] : memref<3x80x128xf32, #tpu.memory_space<vmem>> -> memref<1x80x128xf32, #tpu.memory_space<vmem>>
    %dma_start3A_129 = tpu.memref_squeeze %dma_start3A_128 : memref<1x80x128xf32, #tpu.memory_space<vmem>> -> memref<80x128xf32, #tpu.memory_space<vmem>>
    tpu.enqueue_dma source(%dma_start3A_129 : memref<80x128xf32, #tpu.memory_space<vmem>>) target(%dma_start3A_125 : memref<80x128xf32, #tpu.memory_space<vmem_shared>>) target_semaphore(%arg16 : memref<!tpu.dma_semaphore, #tpu.memory_space<semaphore_mem>>)
    %add3A_130 = arith.constant 400 : i32
    %add3A_131 = arith.addi %mul3A_2, %add3A_130 : i32
    %dma_start3A_132 = arith.constant 0 : i32
    %dma_start3A_133 = tpu.memref_slice %arg11[%add3A_131, %dma_start3A_132] : memref<10240x16xf32, #tpu.memory_space<vmem_shared>> -> memref<80x16xf32, #tpu.memory_space<vmem_shared>>
    %dma_start3A_134 = arith.constant 0 : i32
    %dma_start3A_135 = tpu.memref_slice %arg11[%add3A_131, %dma_start3A_134] : memref<10240x16xf32, #tpu.memory_space<vmem_shared>> -> memref<80x16xf32, #tpu.memory_space<vmem_shared>>
    tpu.enqueue_dma source(%arg9 : memref<80x16xf32, #tpu.memory_space<vmem>>) target(%dma_start3A_135 : memref<80x16xf32, #tpu.memory_space<vmem_shared>>) target_semaphore(%arg16 : memref<!tpu.dma_semaphore, #tpu.memory_space<semaphore_mem>>)
    %add3A_136 = arith.constant 480 : i32
    %add3A_137 = arith.addi %mul3A_2, %add3A_136 : i32
    %dma_start3A_138 = arith.constant 0 : i32
    %dma_start3A_139 = arith.constant 0 : i32
    %dma_start3A_140 = arith.constant 0 : i32
    %dma_start3A_141 = tpu.memref_slice %arg8[%dma_start3A_138, %dma_start3A_139, %dma_start3A_140] : memref<3x80x128xf32, #tpu.memory_space<vmem>> -> memref<1x80x128xf32, #tpu.memory_space<vmem>>
    %dma_start3A_142 = tpu.memref_squeeze %dma_start3A_141 : memref<1x80x128xf32, #tpu.memory_space<vmem>> -> memref<80x128xf32, #tpu.memory_space<vmem>>
    %dma_start3A_143 = arith.constant 0 : i32
    %dma_start3A_144 = tpu.memref_slice %arg10[%add3A_137, %dma_start3A_143] : memref<10240x128xf32, #tpu.memory_space<vmem_shared>> -> memref<80x128xf32, #tpu.memory_space<vmem_shared>>
    %dma_start3A_145 = arith.constant 0 : i32
    %dma_start3A_146 = tpu.memref_slice %arg10[%add3A_137, %dma_start3A_145] : memref<10240x128xf32, #tpu.memory_space<vmem_shared>> -> memref<80x128xf32, #tpu.memory_space<vmem_shared>>
    %dma_start3A_147 = arith.constant 0 : i32
    %dma_start3A_148 = arith.constant 0 : i32
    %dma_start3A_149 = tpu.memref_slice %arg8[%dma_start3A_138, %dma_start3A_147, %dma_start3A_148] : memref<3x80x128xf32, #tpu.memory_space<vmem>> -> memref<1x80x128xf32, #tpu.memory_space<vmem>>
    %dma_start3A_150 = tpu.memref_squeeze %dma_start3A_149 : memref<1x80x128xf32, #tpu.memory_space<vmem>> -> memref<80x128xf32, #tpu.memory_space<vmem>>
    tpu.enqueue_dma source(%dma_start3A_150 : memref<80x128xf32, #tpu.memory_space<vmem>>) target(%dma_start3A_146 : memref<80x128xf32, #tpu.memory_space<vmem_shared>>) target_semaphore(%arg16 : memref<!tpu.dma_semaphore, #tpu.memory_space<semaphore_mem>>)
    %add3A_151 = arith.constant 480 : i32
    %add3A_152 = arith.addi %mul3A_2, %add3A_151 : i32
    %dma_start3A_153 = arith.constant 0 : i32
    %dma_start3A_154 = tpu.memref_slice %arg11[%add3A_152, %dma_start3A_153] : memref<10240x16xf32, #tpu.memory_space<vmem_shared>> -> memref<80x16xf32, #tpu.memory_space<vmem_shared>>
    %dma_start3A_155 = arith.constant 0 : i32
    %dma_start3A_156 = tpu.memref_slice %arg11[%add3A_152, %dma_start3A_155] : memref<10240x16xf32, #tpu.memory_space<vmem_shared>> -> memref<80x16xf32, #tpu.memory_space<vmem_shared>>
    tpu.enqueue_dma source(%arg9 : memref<80x16xf32, #tpu.memory_space<vmem>>) target(%dma_start3A_156 : memref<80x16xf32, #tpu.memory_space<vmem_shared>>) target_semaphore(%arg16 : memref<!tpu.dma_semaphore, #tpu.memory_space<semaphore_mem>>)
    %add3A_157 = arith.constant 560 : i32
    %add3A_158 = arith.addi %mul3A_2, %add3A_157 : i32
    %dma_start3A_159 = arith.constant 0 : i32
    %dma_start3A_160 = arith.constant 0 : i32
    %dma_start3A_161 = arith.constant 0 : i32
    %dma_start3A_162 = tpu.memref_slice %arg8[%dma_start3A_159, %dma_start3A_160, %dma_start3A_161] : memref<3x80x128xf32, #tpu.memory_space<vmem>> -> memref<1x80x128xf32, #tpu.memory_space<vmem>>
    %dma_start3A_163 = tpu.memref_squeeze %dma_start3A_162 : memref<1x80x128xf32, #tpu.memory_space<vmem>> -> memref<80x128xf32, #tpu.memory_space<vmem>>
    %dma_start3A_164 = arith.constant 0 : i32
    %dma_start3A_165 = tpu.memref_slice %arg10[%add3A_158, %dma_start3A_164] : memref<10240x128xf32, #tpu.memory_space<vmem_shared>> -> memref<80x128xf32, #tpu.memory_space<vmem_shared>>
    %dma_start3A_166 = arith.constant 0 : i32
    %dma_start3A_167 = tpu.memref_slice %arg10[%add3A_158, %dma_start3A_166] : memref<10240x128xf32, #tpu.memory_space<vmem_shared>> -> memref<80x128xf32, #tpu.memory_space<vmem_shared>>
    %dma_start3A_168 = arith.constant 0 : i32
    %dma_start3A_169 = arith.constant 0 : i32
    %dma_start3A_170 = tpu.memref_slice %arg8[%dma_start3A_159, %dma_start3A_168, %dma_start3A_169] : memref<3x80x128xf32, #tpu.memory_space<vmem>> -> memref<1x80x128xf32, #tpu.memory_space<vmem>>
    %dma_start3A_171 = tpu.memref_squeeze %dma_start3A_170 : memref<1x80x128xf32, #tpu.memory_space<vmem>> -> memref<80x128xf32, #tpu.memory_space<vmem>>
    tpu.enqueue_dma source(%dma_start3A_171 : memref<80x128xf32, #tpu.memory_space<vmem>>) target(%dma_start3A_167 : memref<80x128xf32, #tpu.memory_space<vmem_shared>>) target_semaphore(%arg16 : memref<!tpu.dma_semaphore, #tpu.memory_space<semaphore_mem>>)
    %add3A_172 = arith.constant 560 : i32
    %add3A_173 = arith.addi %mul3A_2, %add3A_172 : i32
    %dma_start3A_174 = arith.constant 0 : i32
    %dma_start3A_175 = tpu.memref_slice %arg11[%add3A_173, %dma_start3A_174] : memref<10240x16xf32, #tpu.memory_space<vmem_shared>> -> memref<80x16xf32, #tpu.memory_space<vmem_shared>>
    %dma_start3A_176 = arith.constant 0 : i32
    %dma_start3A_177 = tpu.memref_slice %arg11[%add3A_173, %dma_start3A_176] : memref<10240x16xf32, #tpu.memory_space<vmem_shared>> -> memref<80x16xf32, #tpu.memory_space<vmem_shared>>
    tpu.enqueue_dma source(%arg9 : memref<80x16xf32, #tpu.memory_space<vmem>>) target(%dma_start3A_177 : memref<80x16xf32, #tpu.memory_space<vmem_shared>>) target_semaphore(%arg16 : memref<!tpu.dma_semaphore, #tpu.memory_space<semaphore_mem>>)
    %dma_wait3A = arith.constant 0 : i32
    %dma_wait3A_178 = arith.constant 0 : i32
    %dma_wait3A_179 = arith.constant 0 : i32
    %dma_wait3A_180 = tpu.memref_slice %arg8[%dma_wait3A, %dma_wait3A_178, %dma_wait3A_179] : memref<3x80x128xf32, #tpu.memory_space<vmem>> -> memref<1x80x128xf32, #tpu.memory_space<vmem>>
    %dma_wait3A_181 = tpu.memref_squeeze %dma_wait3A_180 : memref<1x80x128xf32, #tpu.memory_space<vmem>> -> memref<80x128xf32, #tpu.memory_space<vmem>>
    %dma_wait3A_182 = arith.constant 0 : i32
    %dma_wait3A_183 = tpu.memref_slice %arg10[%add3A_12, %dma_wait3A_182] : memref<10240x128xf32, #tpu.memory_space<vmem_shared>> -> memref<80x128xf32, #tpu.memory_space<vmem_shared>>
    %dma_wait3A_184 = arith.constant 0 : i32
    %dma_wait3A_185 = tpu.memref_slice %arg10[%add3A_12, %dma_wait3A_184] : memref<10240x128xf32, #tpu.memory_space<vmem_shared>> -> memref<80x128xf32, #tpu.memory_space<vmem_shared>>
    %dma_wait3A_186 = arith.constant 0 : i32
    %dma_wait3A_187 = arith.constant 0 : i32
    %dma_wait3A_188 = tpu.memref_slice %arg8[%dma_wait3A, %dma_wait3A_186, %dma_wait3A_187] : memref<3x80x128xf32, #tpu.memory_space<vmem>> -> memref<1x80x128xf32, #tpu.memory_space<vmem>>
    %dma_wait3A_189 = tpu.memref_squeeze %dma_wait3A_188 : memref<1x80x128xf32, #tpu.memory_space<vmem>> -> memref<80x128xf32, #tpu.memory_space<vmem>>
    tpu.wait_dma2 semaphore(%arg16 : memref<!tpu.dma_semaphore, #tpu.memory_space<semaphore_mem>>) src(%dma_wait3A_189 : memref<80x128xf32, #tpu.memory_space<vmem>>) dst(%dma_wait3A_185 : memref<80x128xf32, #tpu.memory_space<vmem_shared>>)
    %dma_wait3A_190 = arith.constant 0 : i32
    %dma_wait3A_191 = tpu.memref_slice %arg11[%add3A_26, %dma_wait3A_190] : memref<10240x16xf32, #tpu.memory_space<vmem_shared>> -> memref<80x16xf32, #tpu.memory_space<vmem_shared>>
    %dma_wait3A_192 = arith.constant 0 : i32
    %dma_wait3A_193 = tpu.memref_slice %arg11[%add3A_26, %dma_wait3A_192] : memref<10240x16xf32, #tpu.memory_space<vmem_shared>> -> memref<80x16xf32, #tpu.memory_space<vmem_shared>>
    tpu.wait_dma2 semaphore(%arg16 : memref<!tpu.dma_semaphore, #tpu.memory_space<semaphore_mem>>) src(%arg9 : memref<80x16xf32, #tpu.memory_space<vmem>>) dst(%dma_wait3A_193 : memref<80x16xf32, #tpu.memory_space<vmem_shared>>)
    %dma_wait3A_194 = arith.constant 0 : i32
    %dma_wait3A_195 = arith.constant 0 : i32
    %dma_wait3A_196 = arith.constant 0 : i32
    %dma_wait3A_197 = tpu.memref_slice %arg8[%dma_wait3A_194, %dma_wait3A_195, %dma_wait3A_196] : memref<3x80x128xf32, #tpu.memory_space<vmem>> -> memref<1x80x128xf32, #tpu.memory_space<vmem>>
    %dma_wait3A_198 = tpu.memref_squeeze %dma_wait3A_197 : memref<1x80x128xf32, #tpu.memory_space<vmem>> -> memref<80x128xf32, #tpu.memory_space<vmem>>
    %dma_wait3A_199 = arith.constant 0 : i32
    %dma_wait3A_200 = tpu.memref_slice %arg10[%add3A_32, %dma_wait3A_199] : memref<10240x128xf32, #tpu.memory_space<vmem_shared>> -> memref<80x128xf32, #tpu.memory_space<vmem_shared>>
    %dma_wait3A_201 = arith.constant 0 : i32
    %dma_wait3A_202 = tpu.memref_slice %arg10[%add3A_32, %dma_wait3A_201] : memref<10240x128xf32, #tpu.memory_space<vmem_shared>> -> memref<80x128xf32, #tpu.memory_space<vmem_shared>>
    %dma_wait3A_203 = arith.constant 0 : i32
    %dma_wait3A_204 = arith.constant 0 : i32
    %dma_wait3A_205 = tpu.memref_slice %arg8[%dma_wait3A_194, %dma_wait3A_203, %dma_wait3A_204] : memref<3x80x128xf32, #tpu.memory_space<vmem>> -> memref<1x80x128xf32, #tpu.memory_space<vmem>>
    %dma_wait3A_206 = tpu.memref_squeeze %dma_wait3A_205 : memref<1x80x128xf32, #tpu.memory_space<vmem>> -> memref<80x128xf32, #tpu.memory_space<vmem>>
    tpu.wait_dma2 semaphore(%arg16 : memref<!tpu.dma_semaphore, #tpu.memory_space<semaphore_mem>>) src(%dma_wait3A_206 : memref<80x128xf32, #tpu.memory_space<vmem>>) dst(%dma_wait3A_202 : memref<80x128xf32, #tpu.memory_space<vmem_shared>>)
    %dma_wait3A_207 = arith.constant 0 : i32
    %dma_wait3A_208 = tpu.memref_slice %arg11[%add3A_47, %dma_wait3A_207] : memref<10240x16xf32, #tpu.memory_space<vmem_shared>> -> memref<80x16xf32, #tpu.memory_space<vmem_shared>>
    %dma_wait3A_209 = arith.constant 0 : i32
    %dma_wait3A_210 = tpu.memref_slice %arg11[%add3A_47, %dma_wait3A_209] : memref<10240x16xf32, #tpu.memory_space<vmem_shared>> -> memref<80x16xf32, #tpu.memory_space<vmem_shared>>
    tpu.wait_dma2 semaphore(%arg16 : memref<!tpu.dma_semaphore, #tpu.memory_space<semaphore_mem>>) src(%arg9 : memref<80x16xf32, #tpu.memory_space<vmem>>) dst(%dma_wait3A_210 : memref<80x16xf32, #tpu.memory_space<vmem_shared>>)
    %dma_wait3A_211 = arith.constant 0 : i32
    %dma_wait3A_212 = arith.constant 0 : i32
    %dma_wait3A_213 = arith.constant 0 : i32
    %dma_wait3A_214 = tpu.memref_slice %arg8[%dma_wait3A_211, %dma_wait3A_212, %dma_wait3A_213] : memref<3x80x128xf32, #tpu.memory_space<vmem>> -> memref<1x80x128xf32, #tpu.memory_space<vmem>>
    %dma_wait3A_215 = tpu.memref_squeeze %dma_wait3A_214 : memref<1x80x128xf32, #tpu.memory_space<vmem>> -> memref<80x128xf32, #tpu.memory_space<vmem>>
    %dma_wait3A_216 = arith.constant 0 : i32
    %dma_wait3A_217 = tpu.memref_slice %arg10[%add3A_53, %dma_wait3A_216] : memref<10240x128xf32, #tpu.memory_space<vmem_shared>> -> memref<80x128xf32, #tpu.memory_space<vmem_shared>>
    %dma_wait3A_218 = arith.constant 0 : i32
    %dma_wait3A_219 = tpu.memref_slice %arg10[%add3A_53, %dma_wait3A_218] : memref<10240x128xf32, #tpu.memory_space<vmem_shared>> -> memref<80x128xf32, #tpu.memory_space<vmem_shared>>
    %dma_wait3A_220 = arith.constant 0 : i32
    %dma_wait3A_221 = arith.constant 0 : i32
    %dma_wait3A_222 = tpu.memref_slice %arg8[%dma_wait3A_211, %dma_wait3A_220, %dma_wait3A_221] : memref<3x80x128xf32, #tpu.memory_space<vmem>> -> memref<1x80x128xf32, #tpu.memory_space<vmem>>
    %dma_wait3A_223 = tpu.memref_squeeze %dma_wait3A_222 : memref<1x80x128xf32, #tpu.memory_space<vmem>> -> memref<80x128xf32, #tpu.memory_space<vmem>>
    tpu.wait_dma2 semaphore(%arg16 : memref<!tpu.dma_semaphore, #tpu.memory_space<semaphore_mem>>) src(%dma_wait3A_223 : memref<80x128xf32, #tpu.memory_space<vmem>>) dst(%dma_wait3A_219 : memref<80x128xf32, #tpu.memory_space<vmem_shared>>)
    %dma_wait3A_224 = arith.constant 0 : i32
    %dma_wait3A_225 = tpu.memref_slice %arg11[%add3A_68, %dma_wait3A_224] : memref<10240x16xf32, #tpu.memory_space<vmem_shared>> -> memref<80x16xf32, #tpu.memory_space<vmem_shared>>
    %dma_wait3A_226 = arith.constant 0 : i32
    %dma_wait3A_227 = tpu.memref_slice %arg11[%add3A_68, %dma_wait3A_226] : memref<10240x16xf32, #tpu.memory_space<vmem_shared>> -> memref<80x16xf32, #tpu.memory_space<vmem_shared>>
    tpu.wait_dma2 semaphore(%arg16 : memref<!tpu.dma_semaphore, #tpu.memory_space<semaphore_mem>>) src(%arg9 : memref<80x16xf32, #tpu.memory_space<vmem>>) dst(%dma_wait3A_227 : memref<80x16xf32, #tpu.memory_space<vmem_shared>>)
    %dma_wait3A_228 = arith.constant 0 : i32
    %dma_wait3A_229 = arith.constant 0 : i32
    %dma_wait3A_230 = arith.constant 0 : i32
    %dma_wait3A_231 = tpu.memref_slice %arg8[%dma_wait3A_228, %dma_wait3A_229, %dma_wait3A_230] : memref<3x80x128xf32, #tpu.memory_space<vmem>> -> memref<1x80x128xf32, #tpu.memory_space<vmem>>
    %dma_wait3A_232 = tpu.memref_squeeze %dma_wait3A_231 : memref<1x80x128xf32, #tpu.memory_space<vmem>> -> memref<80x128xf32, #tpu.memory_space<vmem>>
    %dma_wait3A_233 = arith.constant 0 : i32
    %dma_wait3A_234 = tpu.memref_slice %arg10[%add3A_74, %dma_wait3A_233] : memref<10240x128xf32, #tpu.memory_space<vmem_shared>> -> memref<80x128xf32, #tpu.memory_space<vmem_shared>>
    %dma_wait3A_235 = arith.constant 0 : i32
    %dma_wait3A_236 = tpu.memref_slice %arg10[%add3A_74, %dma_wait3A_235] : memref<10240x128xf32, #tpu.memory_space<vmem_shared>> -> memref<80x128xf32, #tpu.memory_space<vmem_shared>>
    %dma_wait3A_237 = arith.constant 0 : i32
    %dma_wait3A_238 = arith.constant 0 : i32
    %dma_wait3A_239 = tpu.memref_slice %arg8[%dma_wait3A_228, %dma_wait3A_237, %dma_wait3A_238] : memref<3x80x128xf32, #tpu.memory_space<vmem>> -> memref<1x80x128xf32, #tpu.memory_space<vmem>>
    %dma_wait3A_240 = tpu.memref_squeeze %dma_wait3A_239 : memref<1x80x128xf32, #tpu.memory_space<vmem>> -> memref<80x128xf32, #tpu.memory_space<vmem>>
    tpu.wait_dma2 semaphore(%arg16 : memref<!tpu.dma_semaphore, #tpu.memory_space<semaphore_mem>>) src(%dma_wait3A_240 : memref<80x128xf32, #tpu.memory_space<vmem>>) dst(%dma_wait3A_236 : memref<80x128xf32, #tpu.memory_space<vmem_shared>>)
    %dma_wait3A_241 = arith.constant 0 : i32
    %dma_wait3A_242 = tpu.memref_slice %arg11[%add3A_89, %dma_wait3A_241] : memref<10240x16xf32, #tpu.memory_space<vmem_shared>> -> memref<80x16xf32, #tpu.memory_space<vmem_shared>>
    %dma_wait3A_243 = arith.constant 0 : i32
    %dma_wait3A_244 = tpu.memref_slice %arg11[%add3A_89, %dma_wait3A_243] : memref<10240x16xf32, #tpu.memory_space<vmem_shared>> -> memref<80x16xf32, #tpu.memory_space<vmem_shared>>
    tpu.wait_dma2 semaphore(%arg16 : memref<!tpu.dma_semaphore, #tpu.memory_space<semaphore_mem>>) src(%arg9 : memref<80x16xf32, #tpu.memory_space<vmem>>) dst(%dma_wait3A_244 : memref<80x16xf32, #tpu.memory_space<vmem_shared>>)
    %dma_wait3A_245 = arith.constant 0 : i32
    %dma_wait3A_246 = arith.constant 0 : i32
    %dma_wait3A_247 = arith.constant 0 : i32
    %dma_wait3A_248 = tpu.memref_slice %arg8[%dma_wait3A_245, %dma_wait3A_246, %dma_wait3A_247] : memref<3x80x128xf32, #tpu.memory_space<vmem>> -> memref<1x80x128xf32, #tpu.memory_space<vmem>>
    %dma_wait3A_249 = tpu.memref_squeeze %dma_wait3A_248 : memref<1x80x128xf32, #tpu.memory_space<vmem>> -> memref<80x128xf32, #tpu.memory_space<vmem>>
    %dma_wait3A_250 = arith.constant 0 : i32
    %dma_wait3A_251 = tpu.memref_slice %arg10[%add3A_95, %dma_wait3A_250] : memref<10240x128xf32, #tpu.memory_space<vmem_shared>> -> memref<80x128xf32, #tpu.memory_space<vmem_shared>>
    %dma_wait3A_252 = arith.constant 0 : i32
    %dma_wait3A_253 = tpu.memref_slice %arg10[%add3A_95, %dma_wait3A_252] : memref<10240x128xf32, #tpu.memory_space<vmem_shared>> -> memref<80x128xf32, #tpu.memory_space<vmem_shared>>
    %dma_wait3A_254 = arith.constant 0 : i32
    %dma_wait3A_255 = arith.constant 0 : i32
    %dma_wait3A_256 = tpu.memref_slice %arg8[%dma_wait3A_245, %dma_wait3A_254, %dma_wait3A_255] : memref<3x80x128xf32, #tpu.memory_space<vmem>> -> memref<1x80x128xf32, #tpu.memory_space<vmem>>
    %dma_wait3A_257 = tpu.memref_squeeze %dma_wait3A_256 : memref<1x80x128xf32, #tpu.memory_space<vmem>> -> memref<80x128xf32, #tpu.memory_space<vmem>>
    tpu.wait_dma2 semaphore(%arg16 : memref<!tpu.dma_semaphore, #tpu.memory_space<semaphore_mem>>) src(%dma_wait3A_257 : memref<80x128xf32, #tpu.memory_space<vmem>>) dst(%dma_wait3A_253 : memref<80x128xf32, #tpu.memory_space<vmem_shared>>)
    %dma_wait3A_258 = arith.constant 0 : i32
    %dma_wait3A_259 = tpu.memref_slice %arg11[%add3A_110, %dma_wait3A_258] : memref<10240x16xf32, #tpu.memory_space<vmem_shared>> -> memref<80x16xf32, #tpu.memory_space<vmem_shared>>
    %dma_wait3A_260 = arith.constant 0 : i32
    %dma_wait3A_261 = tpu.memref_slice %arg11[%add3A_110, %dma_wait3A_260] : memref<10240x16xf32, #tpu.memory_space<vmem_shared>> -> memref<80x16xf32, #tpu.memory_space<vmem_shared>>
    tpu.wait_dma2 semaphore(%arg16 : memref<!tpu.dma_semaphore, #tpu.memory_space<semaphore_mem>>) src(%arg9 : memref<80x16xf32, #tpu.memory_space<vmem>>) dst(%dma_wait3A_261 : memref<80x16xf32, #tpu.memory_space<vmem_shared>>)
    %dma_wait3A_262 = arith.constant 0 : i32
    %dma_wait3A_263 = arith.constant 0 : i32
    %dma_wait3A_264 = arith.constant 0 : i32
    %dma_wait3A_265 = tpu.memref_slice %arg8[%dma_wait3A_262, %dma_wait3A_263, %dma_wait3A_264] : memref<3x80x128xf32, #tpu.memory_space<vmem>> -> memref<1x80x128xf32, #tpu.memory_space<vmem>>
    %dma_wait3A_266 = tpu.memref_squeeze %dma_wait3A_265 : memref<1x80x128xf32, #tpu.memory_space<vmem>> -> memref<80x128xf32, #tpu.memory_space<vmem>>
    %dma_wait3A_267 = arith.constant 0 : i32
    %dma_wait3A_268 = tpu.memref_slice %arg10[%add3A_116, %dma_wait3A_267] : memref<10240x128xf32, #tpu.memory_space<vmem_shared>> -> memref<80x128xf32, #tpu.memory_space<vmem_shared>>
    %dma_wait3A_269 = arith.constant 0 : i32
    %dma_wait3A_270 = tpu.memref_slice %arg10[%add3A_116, %dma_wait3A_269] : memref<10240x128xf32, #tpu.memory_space<vmem_shared>> -> memref<80x128xf32, #tpu.memory_space<vmem_shared>>
    %dma_wait3A_271 = arith.constant 0 : i32
    %dma_wait3A_272 = arith.constant 0 : i32
    %dma_wait3A_273 = tpu.memref_slice %arg8[%dma_wait3A_262, %dma_wait3A_271, %dma_wait3A_272] : memref<3x80x128xf32, #tpu.memory_space<vmem>> -> memref<1x80x128xf32, #tpu.memory_space<vmem>>
    %dma_wait3A_274 = tpu.memref_squeeze %dma_wait3A_273 : memref<1x80x128xf32, #tpu.memory_space<vmem>> -> memref<80x128xf32, #tpu.memory_space<vmem>>
    tpu.wait_dma2 semaphore(%arg16 : memref<!tpu.dma_semaphore, #tpu.memory_space<semaphore_mem>>) src(%dma_wait3A_274 : memref<80x128xf32, #tpu.memory_space<vmem>>) dst(%dma_wait3A_270 : memref<80x128xf32, #tpu.memory_space<vmem_shared>>)
    %dma_wait3A_275 = arith.constant 0 : i32
    %dma_wait3A_276 = tpu.memref_slice %arg11[%add3A_131, %dma_wait3A_275] : memref<10240x16xf32, #tpu.memory_space<vmem_shared>> -> memref<80x16xf32, #tpu.memory_space<vmem_shared>>
    %dma_wait3A_277 = arith.constant 0 : i32
    %dma_wait3A_278 = tpu.memref_slice %arg11[%add3A_131, %dma_wait3A_277] : memref<10240x16xf32, #tpu.memory_space<vmem_shared>> -> memref<80x16xf32, #tpu.memory_space<vmem_shared>>
    tpu.wait_dma2 semaphore(%arg16 : memref<!tpu.dma_semaphore, #tpu.memory_space<semaphore_mem>>) src(%arg9 : memref<80x16xf32, #tpu.memory_space<vmem>>) dst(%dma_wait3A_278 : memref<80x16xf32, #tpu.memory_space<vmem_shared>>)
    %dma_wait3A_279 = arith.constant 0 : i32
    %dma_wait3A_280 = arith.constant 0 : i32
    %dma_wait3A_281 = arith.constant 0 : i32
    %dma_wait3A_282 = tpu.memref_slice %arg8[%dma_wait3A_279, %dma_wait3A_280, %dma_wait3A_281] : memref<3x80x128xf32, #tpu.memory_space<vmem>> -> memref<1x80x128xf32, #tpu.memory_space<vmem>>
    %dma_wait3A_283 = tpu.memref_squeeze %dma_wait3A_282 : memref<1x80x128xf32, #tpu.memory_space<vmem>> -> memref<80x128xf32, #tpu.memory_space<vmem>>
    %dma_wait3A_284 = arith.constant 0 : i32
    %dma_wait3A_285 = tpu.memref_slice %arg10[%add3A_137, %dma_wait3A_284] : memref<10240x128xf32, #tpu.memory_space<vmem_shared>> -> memref<80x128xf32, #tpu.memory_space<vmem_shared>>
    %dma_wait3A_286 = arith.constant 0 : i32
    %dma_wait3A_287 = tpu.memref_slice %arg10[%add3A_137, %dma_wait3A_286] : memref<10240x128xf32, #tpu.memory_space<vmem_shared>> -> memref<80x128xf32, #tpu.memory_space<vmem_shared>>
    %dma_wait3A_288 = arith.constant 0 : i32
    %dma_wait3A_289 = arith.constant 0 : i32
    %dma_wait3A_290 = tpu.memref_slice %arg8[%dma_wait3A_279, %dma_wait3A_288, %dma_wait3A_289] : memref<3x80x128xf32, #tpu.memory_space<vmem>> -> memref<1x80x128xf32, #tpu.memory_space<vmem>>
    %dma_wait3A_291 = tpu.memref_squeeze %dma_wait3A_290 : memref<1x80x128xf32, #tpu.memory_space<vmem>> -> memref<80x128xf32, #tpu.memory_space<vmem>>
    tpu.wait_dma2 semaphore(%arg16 : memref<!tpu.dma_semaphore, #tpu.memory_space<semaphore_mem>>) src(%dma_wait3A_291 : memref<80x128xf32, #tpu.memory_space<vmem>>) dst(%dma_wait3A_287 : memref<80x128xf32, #tpu.memory_space<vmem_shared>>)
    %dma_wait3A_292 = arith.constant 0 : i32
    %dma_wait3A_293 = tpu.memref_slice %arg11[%add3A_152, %dma_wait3A_292] : memref<10240x16xf32, #tpu.memory_space<vmem_shared>> -> memref<80x16xf32, #tpu.memory_space<vmem_shared>>
    %dma_wait3A_294 = arith.constant 0 : i32
    %dma_wait3A_295 = tpu.memref_slice %arg11[%add3A_152, %dma_wait3A_294] : memref<10240x16xf32, #tpu.memory_space<vmem_shared>> -> memref<80x16xf32, #tpu.memory_space<vmem_shared>>
    tpu.wait_dma2 semaphore(%arg16 : memref<!tpu.dma_semaphore, #tpu.memory_space<semaphore_mem>>) src(%arg9 : memref<80x16xf32, #tpu.memory_space<vmem>>) dst(%dma_wait3A_295 : memref<80x16xf32, #tpu.memory_space<vmem_shared>>)
    %dma_wait3A_296 = arith.constant 0 : i32
    %dma_wait3A_297 = arith.constant 0 : i32
    %dma_wait3A_298 = arith.constant 0 : i32
    %dma_wait3A_299 = tpu.memref_slice %arg8[%dma_wait3A_296, %dma_wait3A_297, %dma_wait3A_298] : memref<3x80x128xf32, #tpu.memory_space<vmem>> -> memref<1x80x128xf32, #tpu.memory_space<vmem>>
    %dma_wait3A_300 = tpu.memref_squeeze %dma_wait3A_299 : memref<1x80x128xf32, #tpu.memory_space<vmem>> -> memref<80x128xf32, #tpu.memory_space<vmem>>
    %dma_wait3A_301 = arith.constant 0 : i32
    %dma_wait3A_302 = tpu.memref_slice %arg10[%add3A_158, %dma_wait3A_301] : memref<10240x128xf32, #tpu.memory_space<vmem_shared>> -> memref<80x128xf32, #tpu.memory_space<vmem_shared>>
    %dma_wait3A_303 = arith.constant 0 : i32
    %dma_wait3A_304 = tpu.memref_slice %arg10[%add3A_158, %dma_wait3A_303] : memref<10240x128xf32, #tpu.memory_space<vmem_shared>> -> memref<80x128xf32, #tpu.memory_space<vmem_shared>>
    %dma_wait3A_305 = arith.constant 0 : i32
    %dma_wait3A_306 = arith.constant 0 : i32
    %dma_wait3A_307 = tpu.memref_slice %arg8[%dma_wait3A_296, %dma_wait3A_305, %dma_wait3A_306] : memref<3x80x128xf32, #tpu.memory_space<vmem>> -> memref<1x80x128xf32, #tpu.memory_space<vmem>>
    %dma_wait3A_308 = tpu.memref_squeeze %dma_wait3A_307 : memref<1x80x128xf32, #tpu.memory_space<vmem>> -> memref<80x128xf32, #tpu.memory_space<vmem>>
    tpu.wait_dma2 semaphore(%arg16 : memref<!tpu.dma_semaphore, #tpu.memory_space<semaphore_mem>>) src(%dma_wait3A_308 : memref<80x128xf32, #tpu.memory_space<vmem>>) dst(%dma_wait3A_304 : memref<80x128xf32, #tpu.memory_space<vmem_shared>>)
    %dma_wait3A_309 = arith.constant 0 : i32
    %dma_wait3A_310 = tpu.memref_slice %arg11[%add3A_173, %dma_wait3A_309] : memref<10240x16xf32, #tpu.memory_space<vmem_shared>> -> memref<80x16xf32, #tpu.memory_space<vmem_shared>>
    %dma_wait3A_311 = arith.constant 0 : i32
    %dma_wait3A_312 = tpu.memref_slice %arg11[%add3A_173, %dma_wait3A_311] : memref<10240x16xf32, #tpu.memory_space<vmem_shared>> -> memref<80x16xf32, #tpu.memory_space<vmem_shared>>
    tpu.wait_dma2 semaphore(%arg16 : memref<!tpu.dma_semaphore, #tpu.memory_space<semaphore_mem>>) src(%arg9 : memref<80x16xf32, #tpu.memory_space<vmem>>) dst(%dma_wait3A_312 : memref<80x16xf32, #tpu.memory_space<vmem_shared>>)
    %scan3A_313 = arith.constant 0 : i32
    %scan3A_314 = arith.constant 0 : i32
    %scan3A_315 = arith.constant 80 : i32
    %scan3A_316 = arith.addi %scan3A_314, %scan3A_315 : i32
    %scan3A_317 = arith.constant 1 : i32
    scf.for %scan3A_332 = %scan3A_314 to %scan3A_316 step %scan3A_317  : i32 {
      %swap3A = arith.index_cast %scan3A_332 : i32 to index
      %swap3A_333 = arith.constant 0 : index
      %swap3A_334 = tpu.vector_load %arg9[%swap3A, %swap3A_333] {strides = array<i32>} : memref<80x16xf32, #tpu.memory_space<vmem>>, vector<1x16xf32>,
      %swap3A_335 = vector.shape_cast %swap3A_334 : vector<1x16xf32> to vector<16xf32>
      %swap3A_336 = vector.shape_cast %broadcast_in_dim3A_5 : vector<16xf32> to vector<1x16xf32>
      tpu.vector_store %arg9[%swap3A, %swap3A_333], %swap3A_336 {strides = array<i32>} : memref<80x16xf32, #tpu.memory_space<vmem>>, vector<1x16xf32>,
    }
    %scan3A_318 = arith.constant 80 : i32
    %barrier3A = arith.constant 0 : index
    tpu.barrier barrier_id(%barrier3A)
    %scan3A_319 = arith.constant 0 : i32
    %scan3A_320 = arith.constant 0 : i32
    %scan3A_321 = arith.constant 5 : i32
    %scan3A_322 = arith.addi %scan3A_320, %scan3A_321 : i32
    %scan3A_323 = arith.constant 1 : i32
    scf.for %scan3A_332 = %scan3A_320 to %scan3A_322 step %scan3A_323  : i32 {
      %mul3A_333 = arith.constant 25 : i32
      %mul3A_334 = arith.muli %scan3A_332, %mul3A_333 : i32
      %run_scoped3A = arith.constant 0 : i32
      "tpu.region"() ({
        %run_scoped3A_1163 = tpu.sem_alloc : memref<!tpu.dma_semaphore, #tpu.memory_space<semaphore_mem>>
        %dma_start3A_1164 = arith.constant 0 : i32
        %dma_start3A_1165 = tpu.memref_slice %arg3[%run_scoped3A, %add3A, %mul3A_334, %dma_start3A_1164] : memref<2x32x125x80xi32, #tpu.memory_space<hbm>> -> memref<1x1x25x80xi32, #tpu.memory_space<hbm>>
        %dma_start3A_1166 = tpu.memref_squeeze %dma_start3A_1165 : memref<1x1x25x80xi32, #tpu.memory_space<hbm>> -> memref<25x80xi32, #tpu.memory_space<hbm>>
        %dma_start3A_1167 = arith.constant 0 : i32
        %dma_start3A_1168 = tpu.memref_slice %arg3[%run_scoped3A, %add3A, %mul3A_334, %dma_start3A_1167] : memref<2x32x125x80xi32, #tpu.memory_space<hbm>> -> memref<1x1x25x80xi32, #tpu.memory_space<hbm>>
        %dma_start3A_1169 = tpu.memref_squeeze %dma_start3A_1168 : memref<1x1x25x80xi32, #tpu.memory_space<hbm>> -> memref<25x80xi32, #tpu.memory_space<hbm>>
        tpu.enqueue_dma source(%dma_start3A_1169 : memref<25x80xi32, #tpu.memory_space<hbm>>) target(%arg6 : memref<25x80xi32, #tpu.memory_space<vmem>>) target_semaphore(%run_scoped3A_1163 : memref<!tpu.dma_semaphore, #tpu.memory_space<semaphore_mem>>)
        %dma_wait3A_1170 = arith.constant 0 : i32
        %dma_wait3A_1171 = tpu.memref_slice %arg3[%run_scoped3A, %add3A, %mul3A_334, %dma_wait3A_1170] : memref<2x32x125x80xi32, #tpu.memory_space<hbm>> -> memref<1x1x25x80xi32, #tpu.memory_space<hbm>>
        %dma_wait3A_1172 = tpu.memref_squeeze %dma_wait3A_1171 : memref<1x1x25x80xi32, #tpu.memory_space<hbm>> -> memref<25x80xi32, #tpu.memory_space<hbm>>
        %dma_wait3A_1173 = arith.constant 0 : i32
        %dma_wait3A_1174 = tpu.memref_slice %arg3[%run_scoped3A, %add3A, %mul3A_334, %dma_wait3A_1173] : memref<2x32x125x80xi32, #tpu.memory_space<hbm>> -> memref<1x1x25x80xi32, #tpu.memory_space<hbm>>
        %dma_wait3A_1175 = tpu.memref_squeeze %dma_wait3A_1174 : memref<1x1x25x80xi32, #tpu.memory_space<hbm>> -> memref<25x80xi32, #tpu.memory_space<hbm>>
        tpu.wait_dma2 semaphore(%run_scoped3A_1163 : memref<!tpu.dma_semaphore, #tpu.memory_space<semaphore_mem>>) src(%dma_wait3A_1175 : memref<25x80xi32, #tpu.memory_space<hbm>>) dst(%arg6 : memref<25x80xi32, #tpu.memory_space<vmem>>)
        tpu.yield
      }) : () -> ()
      %mul3A_335 = arith.constant 25 : i32
      %mul3A_336 = arith.muli %scan3A_332, %mul3A_335 : i32
      %run_scoped3A_337 = arith.constant 1 : i32
      "tpu.region"() ({
        %run_scoped3A_1163 = tpu.sem_alloc : memref<!tpu.dma_semaphore, #tpu.memory_space<semaphore_mem>>
        %dma_start3A_1164 = arith.constant 0 : i32
        %dma_start3A_1165 = tpu.memref_slice %arg3[%run_scoped3A_337, %add3A, %mul3A_336, %dma_start3A_1164] : memref<2x32x125x80xi32, #tpu.memory_space<hbm>> -> memref<1x1x25x80xi32, #tpu.memory_space<hbm>>
        %dma_start3A_1166 = tpu.memref_squeeze %dma_start3A_1165 : memref<1x1x25x80xi32, #tpu.memory_space<hbm>> -> memref<25x80xi32, #tpu.memory_space<hbm>>
        %dma_start3A_1167 = arith.constant 0 : i32
        %dma_start3A_1168 = tpu.memref_slice %arg3[%run_scoped3A_337, %add3A, %mul3A_336, %dma_start3A_1167] : memref<2x32x125x80xi32, #tpu.memory_space<hbm>> -> memref<1x1x25x80xi32, #tpu.memory_space<hbm>>
        %dma_start3A_1169 = tpu.memref_squeeze %dma_start3A_1168 : memref<1x1x25x80xi32, #tpu.memory_space<hbm>> -> memref<25x80xi32, #tpu.memory_space<hbm>>
        tpu.enqueue_dma source(%dma_start3A_1169 : memref<25x80xi32, #tpu.memory_space<hbm>>) target(%arg7 : memref<25x80xi32, #tpu.memory_space<vmem>>) target_semaphore(%run_scoped3A_1163 : memref<!tpu.dma_semaphore, #tpu.memory_space<semaphore_mem>>)
        %dma_wait3A_1170 = arith.constant 0 : i32
        %dma_wait3A_1171 = tpu.memref_slice %arg3[%run_scoped3A_337, %add3A, %mul3A_336, %dma_wait3A_1170] : memref<2x32x125x80xi32, #tpu.memory_space<hbm>> -> memref<1x1x25x80xi32, #tpu.memory_space<hbm>>
        %dma_wait3A_1172 = tpu.memref_squeeze %dma_wait3A_1171 : memref<1x1x25x80xi32, #tpu.memory_space<hbm>> -> memref<25x80xi32, #tpu.memory_space<hbm>>
        %dma_wait3A_1173 = arith.constant 0 : i32
        %dma_wait3A_1174 = tpu.memref_slice %arg3[%run_scoped3A_337, %add3A, %mul3A_336, %dma_wait3A_1173] : memref<2x32x125x80xi32, #tpu.memory_space<hbm>> -> memref<1x1x25x80xi32, #tpu.memory_space<hbm>>
        %dma_wait3A_1175 = tpu.memref_squeeze %dma_wait3A_1174 : memref<1x1x25x80xi32, #tpu.memory_space<hbm>> -> memref<25x80xi32, #tpu.memory_space<hbm>>
        tpu.wait_dma2 semaphore(%run_scoped3A_1163 : memref<!tpu.dma_semaphore, #tpu.memory_space<semaphore_mem>>) src(%dma_wait3A_1175 : memref<25x80xi32, #tpu.memory_space<hbm>>) dst(%arg7 : memref<25x80xi32, #tpu.memory_space<vmem>>)
        tpu.yield
      }) : () -> ()
      %dma_start3A_338 = arith.constant 0 : i32
      %dma_start3A_339 = arith.constant 0 : i32
      %dma_start3A_340 = arith.constant 0 : i32
      %dma_start3A_341 = arith.constant 0 : i32
      %dma_start3A_342 = tpu.memref_slice %arg8[%dma_start3A_339, %dma_start3A_340, %dma_start3A_341] : memref<3x80x128xf32, #tpu.memory_space<vmem>> -> memref<1x80x128xf32, #tpu.memory_space<vmem>>
      %dma_start3A_343 = tpu.memref_squeeze %dma_start3A_342 : memref<1x80x128xf32, #tpu.memory_space<vmem>> -> memref<80x128xf32, #tpu.memory_space<vmem>>
      %dma_start3A_344 = arith.constant 0 : i32
      %dma_start3A_345 = tpu.memref_slice %arg6[%dma_start3A_338, %dma_start3A_344] : memref<25x80xi32, #tpu.memory_space<vmem>> -> memref<1x80xi32, #tpu.memory_space<vmem>>
      %dma_start3A_346 = tpu.memref_squeeze %dma_start3A_345 : memref<1x80xi32, #tpu.memory_space<vmem>> -> memref<80xi32, #tpu.memory_space<vmem>>
      %dma_start3A_347 = arith.constant 0 : i32
      %dma_start3A_348 = arith.constant 0 : i32
      %dma_start3A_349 = tpu.memref_slice %arg2[%dma_start3A_347, %dma_start3A_348] : memref<10000x128xf32, #tpu.memory_space<hbm>> -> memref<10000x128xf32, #tpu.memory_space<hbm>>
      tpu.enqueue_indirect_dma source(%dma_start3A_349 : memref<10000x128xf32, #tpu.memory_space<hbm>>) target(%dma_start3A_343 : memref<80x128xf32, #tpu.memory_space<vmem>>) offsets(%dma_start3A_346 : memref<80xi32, #tpu.memory_space<vmem>>) semaphore(%arg12 : memref<!tpu.dma_semaphore, #tpu.memory_space<semaphore_mem>>)
      %dma_start3A_350 = arith.constant 1 : i32
      %dma_start3A_351 = arith.constant 1 : i32
      %dma_start3A_352 = arith.constant 0 : i32
      %dma_start3A_353 = arith.constant 0 : i32
      %dma_start3A_354 = tpu.memref_slice %arg8[%dma_start3A_351, %dma_start3A_352, %dma_start3A_353] : memref<3x80x128xf32, #tpu.memory_space<vmem>> -> memref<1x80x128xf32, #tpu.memory_space<vmem>>
      %dma_start3A_355 = tpu.memref_squeeze %dma_start3A_354 : memref<1x80x128xf32, #tpu.memory_space<vmem>> -> memref<80x128xf32, #tpu.memory_space<vmem>>
      %dma_start3A_356 = arith.constant 0 : i32
      %dma_start3A_357 = tpu.memref_slice %arg6[%dma_start3A_350, %dma_start3A_356] : memref<25x80xi32, #tpu.memory_space<vmem>> -> memref<1x80xi32, #tpu.memory_space<vmem>>
      %dma_start3A_358 = tpu.memref_squeeze %dma_start3A_357 : memref<1x80xi32, #tpu.memory_space<vmem>> -> memref<80xi32, #tpu.memory_space<vmem>>
      %dma_start3A_359 = arith.constant 0 : i32
      %dma_start3A_360 = arith.constant 0 : i32
      %dma_start3A_361 = tpu.memref_slice %arg2[%dma_start3A_359, %dma_start3A_360] : memref<10000x128xf32, #tpu.memory_space<hbm>> -> memref<10000x128xf32, #tpu.memory_space<hbm>>
      tpu.enqueue_indirect_dma source(%dma_start3A_361 : memref<10000x128xf32, #tpu.memory_space<hbm>>) target(%dma_start3A_355 : memref<80x128xf32, #tpu.memory_space<vmem>>) offsets(%dma_start3A_358 : memref<80xi32, #tpu.memory_space<vmem>>) semaphore(%arg13 : memref<!tpu.dma_semaphore, #tpu.memory_space<semaphore_mem>>)
      %dma_start3A_362 = arith.constant 2 : i32
      %dma_start3A_363 = arith.constant 2 : i32
      %dma_start3A_364 = arith.constant 0 : i32
      %dma_start3A_365 = arith.constant 0 : i32
      %dma_start3A_366 = tpu.memref_slice %arg8[%dma_start3A_363, %dma_start3A_364, %dma_start3A_365] : memref<3x80x128xf32, #tpu.memory_space<vmem>> -> memref<1x80x128xf32, #tpu.memory_space<vmem>>
      %dma_start3A_367 = tpu.memref_squeeze %dma_start3A_366 : memref<1x80x128xf32, #tpu.memory_space<vmem>> -> memref<80x128xf32, #tpu.memory_space<vmem>>
      %dma_start3A_368 = arith.constant 0 : i32
      %dma_start3A_369 = tpu.memref_slice %arg6[%dma_start3A_362, %dma_start3A_368] : memref<25x80xi32, #tpu.memory_space<vmem>> -> memref<1x80xi32, #tpu.memory_space<vmem>>
      %dma_start3A_370 = tpu.memref_squeeze %dma_start3A_369 : memref<1x80xi32, #tpu.memory_space<vmem>> -> memref<80xi32, #tpu.memory_space<vmem>>
      %dma_start3A_371 = arith.constant 0 : i32
      %dma_start3A_372 = arith.constant 0 : i32
      %dma_start3A_373 = tpu.memref_slice %arg2[%dma_start3A_371, %dma_start3A_372] : memref<10000x128xf32, #tpu.memory_space<hbm>> -> memref<10000x128xf32, #tpu.memory_space<hbm>>
      tpu.enqueue_indirect_dma source(%dma_start3A_373 : memref<10000x128xf32, #tpu.memory_space<hbm>>) target(%dma_start3A_367 : memref<80x128xf32, #tpu.memory_space<vmem>>) offsets(%dma_start3A_370 : memref<80xi32, #tpu.memory_space<vmem>>) semaphore(%arg14 : memref<!tpu.dma_semaphore, #tpu.memory_space<semaphore_mem>>)
      %dma_wait3A_374 = arith.constant 0 : i32
      %dma_wait3A_375 = arith.constant 0 : i32
      %dma_wait3A_376 = arith.constant 0 : i32
      %dma_wait3A_377 = arith.constant 0 : i32
      %dma_wait3A_378 = tpu.memref_slice %arg8[%dma_wait3A_375, %dma_wait3A_376, %dma_wait3A_377] : memref<3x80x128xf32, #tpu.memory_space<vmem>> -> memref<1x80x128xf32, #tpu.memory_space<vmem>>
      %dma_wait3A_379 = tpu.memref_squeeze %dma_wait3A_378 : memref<1x80x128xf32, #tpu.memory_space<vmem>> -> memref<80x128xf32, #tpu.memory_space<vmem>>
      %dma_wait3A_380 = arith.constant 0 : i32
      %dma_wait3A_381 = tpu.memref_slice %arg6[%dma_wait3A_374, %dma_wait3A_380] : memref<25x80xi32, #tpu.memory_space<vmem>> -> memref<1x80xi32, #tpu.memory_space<vmem>>
      %dma_wait3A_382 = tpu.memref_squeeze %dma_wait3A_381 : memref<1x80xi32, #tpu.memory_space<vmem>> -> memref<80xi32, #tpu.memory_space<vmem>>
      %dma_wait3A_383 = arith.constant 0 : i32
      %dma_wait3A_384 = arith.constant 0 : i32
      %dma_wait3A_385 = tpu.memref_slice %arg2[%dma_wait3A_383, %dma_wait3A_384] : memref<10000x128xf32, #tpu.memory_space<hbm>> -> memref<10000x128xf32, #tpu.memory_space<hbm>>
      tpu.wait_indirect_dma semaphore(%arg12 : memref<!tpu.dma_semaphore, #tpu.memory_space<semaphore_mem>>) src(%dma_wait3A_385 : memref<10000x128xf32, #tpu.memory_space<hbm>>) dst(%dma_wait3A_379 : memref<80x128xf32, #tpu.memory_space<vmem>>)
      %run_scoped3A_386 = arith.constant 0 : i32
      %run_scoped3A_387 = arith.constant 0 : i32
      "tpu.region"() ({
        %run_scoped3A_1163 = tpu.sem_alloc : memref<!tpu.dma_semaphore, #tpu.memory_space<semaphore_mem>>
        %dma_start3A_1164 = arith.constant 0 : i32
        %dma_start3A_1165 = arith.constant 0 : i32
        %dma_start3A_1166 = tpu.memref_slice %arg8[%run_scoped3A_386, %dma_start3A_1164, %dma_start3A_1165] : memref<3x80x128xf32, #tpu.memory_space<vmem>> -> memref<1x80x128xf32, #tpu.memory_space<vmem>>
        %dma_start3A_1167 = tpu.memref_squeeze %dma_start3A_1166 : memref<1x80x128xf32, #tpu.memory_space<vmem>> -> memref<80x128xf32, #tpu.memory_space<vmem>>
        %dma_start3A_1168 = arith.constant 0 : i32
        %dma_start3A_1169 = tpu.memref_slice %arg7[%run_scoped3A_387, %dma_start3A_1168] : memref<25x80xi32, #tpu.memory_space<vmem>> -> memref<1x80xi32, #tpu.memory_space<vmem>>
        %dma_start3A_1170 = tpu.memref_squeeze %dma_start3A_1169 : memref<1x80xi32, #tpu.memory_space<vmem>> -> memref<80xi32, #tpu.memory_space<vmem>>
        %dma_start3A_1171 = arith.constant 0 : i32
        %dma_start3A_1172 = arith.constant 0 : i32
        %dma_start3A_1173 = tpu.memref_slice %arg10[%dma_start3A_1171, %dma_start3A_1172] : memref<10240x128xf32, #tpu.memory_space<vmem_shared>> -> memref<10240x128xf32, #tpu.memory_space<vmem_shared>>
        tpu.enqueue_indirect_dma source(%dma_start3A_1167 : memref<80x128xf32, #tpu.memory_space<vmem>>) target(%dma_start3A_1173 : memref<10240x128xf32, #tpu.memory_space<vmem_shared>>) offsets(%dma_start3A_1170 : memref<80xi32, #tpu.memory_space<vmem>>) semaphore(%run_scoped3A_1163 : memref<!tpu.dma_semaphore, #tpu.memory_space<semaphore_mem>>) {add = true}
        %dma_wait3A_1174 = arith.constant 0 : i32
        %dma_wait3A_1175 = arith.constant 0 : i32
        %dma_wait3A_1176 = tpu.memref_slice %arg8[%run_scoped3A_386, %dma_wait3A_1174, %dma_wait3A_1175] : memref<3x80x128xf32, #tpu.memory_space<vmem>> -> memref<1x80x128xf32, #tpu.memory_space<vmem>>
        %dma_wait3A_1177 = tpu.memref_squeeze %dma_wait3A_1176 : memref<1x80x128xf32, #tpu.memory_space<vmem>> -> memref<80x128xf32, #tpu.memory_space<vmem>>
        %dma_wait3A_1178 = arith.constant 0 : i32
        %dma_wait3A_1179 = tpu.memref_slice %arg7[%run_scoped3A_387, %dma_wait3A_1178] : memref<25x80xi32, #tpu.memory_space<vmem>> -> memref<1x80xi32, #tpu.memory_space<vmem>>
        %dma_wait3A_1180 = tpu.memref_squeeze %dma_wait3A_1179 : memref<1x80xi32, #tpu.memory_space<vmem>> -> memref<80xi32, #tpu.memory_space<vmem>>
        %dma_wait3A_1181 = arith.constant 0 : i32
        %dma_wait3A_1182 = arith.constant 0 : i32
        %dma_wait3A_1183 = tpu.memref_slice %arg10[%dma_wait3A_1181, %dma_wait3A_1182] : memref<10240x128xf32, #tpu.memory_space<vmem_shared>> -> memref<10240x128xf32, #tpu.memory_space<vmem_shared>>
        tpu.wait_indirect_dma semaphore(%run_scoped3A_1163 : memref<!tpu.dma_semaphore, #tpu.memory_space<semaphore_mem>>) src(%dma_wait3A_1177 : memref<80x128xf32, #tpu.memory_space<vmem>>) dst(%dma_wait3A_1183 : memref<10240x128xf32, #tpu.memory_space<vmem_shared>>)
        tpu.yield
      }) : () -> ()
      %dma_start3A_388 = arith.constant 0 : i32
      %dma_start3A_389 = arith.constant 0 : i32
      %dma_start3A_390 = tpu.memref_slice %arg7[%dma_start3A_388, %dma_start3A_389] : memref<25x80xi32, #tpu.memory_space<vmem>> -> memref<1x80xi32, #tpu.memory_space<vmem>>
      %dma_start3A_391 = tpu.memref_squeeze %dma_start3A_390 : memref<1x80xi32, #tpu.memory_space<vmem>> -> memref<80xi32, #tpu.memory_space<vmem>>
      %dma_start3A_392 = arith.constant 0 : i32
      %dma_start3A_393 = arith.constant 0 : i32
      %dma_start3A_394 = tpu.memref_slice %arg11[%dma_start3A_392, %dma_start3A_393] : memref<10240x16xf32, #tpu.memory_space<vmem_shared>> -> memref<10240x16xf32, #tpu.memory_space<vmem_shared>>
      tpu.enqueue_indirect_dma source(%arg9 : memref<80x16xf32, #tpu.memory_space<vmem>>) target(%dma_start3A_394 : memref<10240x16xf32, #tpu.memory_space<vmem_shared>>) offsets(%dma_start3A_391 : memref<80xi32, #tpu.memory_space<vmem>>) semaphore(%arg15 : memref<!tpu.dma_semaphore, #tpu.memory_space<semaphore_mem>>) {add = true}
      %dma_start3A_395 = arith.constant 3 : i32
      %dma_start3A_396 = arith.constant 0 : i32
      %dma_start3A_397 = arith.constant 0 : i32
      %dma_start3A_398 = arith.constant 0 : i32
      %dma_start3A_399 = tpu.memref_slice %arg8[%dma_start3A_396, %dma_start3A_397, %dma_start3A_398] : memref<3x80x128xf32, #tpu.memory_space<vmem>> -> memref<1x80x128xf32, #tpu.memory_space<vmem>>
      %dma_start3A_400 = tpu.memref_squeeze %dma_start3A_399 : memref<1x80x128xf32, #tpu.memory_space<vmem>> -> memref<80x128xf32, #tpu.memory_space<vmem>>
      %dma_start3A_401 = arith.constant 0 : i32
      %dma_start3A_402 = tpu.memref_slice %arg6[%dma_start3A_395, %dma_start3A_401] : memref<25x80xi32, #tpu.memory_space<vmem>> -> memref<1x80xi32, #tpu.memory_space<vmem>>
      %dma_start3A_403 = tpu.memref_squeeze %dma_start3A_402 : memref<1x80xi32, #tpu.memory_space<vmem>> -> memref<80xi32, #tpu.memory_space<vmem>>
      %dma_start3A_404 = arith.constant 0 : i32
      %dma_start3A_405 = arith.constant 0 : i32
      %dma_start3A_406 = tpu.memref_slice %arg2[%dma_start3A_404, %dma_start3A_405] : memref<10000x128xf32, #tpu.memory_space<hbm>> -> memref<10000x128xf32, #tpu.memory_space<hbm>>
      tpu.enqueue_indirect_dma source(%dma_start3A_406 : memref<10000x128xf32, #tpu.memory_space<hbm>>) target(%dma_start3A_400 : memref<80x128xf32, #tpu.memory_space<vmem>>) offsets(%dma_start3A_403 : memref<80xi32, #tpu.memory_space<vmem>>) semaphore(%arg12 : memref<!tpu.dma_semaphore, #tpu.memory_space<semaphore_mem>>)
      %dma_wait3A_407 = arith.constant 0 : i32
      %dma_wait3A_408 = arith.constant 1 : i32
      %dma_wait3A_409 = arith.constant 0 : i32
      %dma_wait3A_410 = arith.constant 0 : i32
      %dma_wait3A_411 = tpu.memref_slice %arg8[%dma_wait3A_408, %dma_wait3A_409, %dma_wait3A_410] : memref<3x80x128xf32, #tpu.memory_space<vmem>> -> memref<1x80x128xf32, #tpu.memory_space<vmem>>
      %dma_wait3A_412 = tpu.memref_squeeze %dma_wait3A_411 : memref<1x80x128xf32, #tpu.memory_space<vmem>> -> memref<80x128xf32, #tpu.memory_space<vmem>>
      %dma_wait3A_413 = arith.constant 0 : i32
      %dma_wait3A_414 = tpu.memref_slice %arg6[%dma_wait3A_407, %dma_wait3A_413] : memref<25x80xi32, #tpu.memory_space<vmem>> -> memref<1x80xi32, #tpu.memory_space<vmem>>
      %dma_wait3A_415 = tpu.memref_squeeze %dma_wait3A_414 : memref<1x80xi32, #tpu.memory_space<vmem>> -> memref<80xi32, #tpu.memory_space<vmem>>
      %dma_wait3A_416 = arith.constant 0 : i32
      %dma_wait3A_417 = arith.constant 0 : i32
      %dma_wait3A_418 = tpu.memref_slice %arg2[%dma_wait3A_416, %dma_wait3A_417] : memref<10000x128xf32, #tpu.memory_space<hbm>> -> memref<10000x128xf32, #tpu.memory_space<hbm>>
      tpu.wait_indirect_dma semaphore(%arg13 : memref<!tpu.dma_semaphore, #tpu.memory_space<semaphore_mem>>) src(%dma_wait3A_418 : memref<10000x128xf32, #tpu.memory_space<hbm>>) dst(%dma_wait3A_412 : memref<80x128xf32, #tpu.memory_space<vmem>>)
      %run_scoped3A_419 = arith.constant 1 : i32
      %run_scoped3A_420 = arith.constant 1 : i32
      "tpu.region"() ({
        %run_scoped3A_1163 = tpu.sem_alloc : memref<!tpu.dma_semaphore, #tpu.memory_space<semaphore_mem>>
        %dma_start3A_1164 = arith.constant 0 : i32
        %dma_start3A_1165 = arith.constant 0 : i32
        %dma_start3A_1166 = tpu.memref_slice %arg8[%run_scoped3A_419, %dma_start3A_1164, %dma_start3A_1165] : memref<3x80x128xf32, #tpu.memory_space<vmem>> -> memref<1x80x128xf32, #tpu.memory_space<vmem>>
        %dma_start3A_1167 = tpu.memref_squeeze %dma_start3A_1166 : memref<1x80x128xf32, #tpu.memory_space<vmem>> -> memref<80x128xf32, #tpu.memory_space<vmem>>
        %dma_start3A_1168 = arith.constant 0 : i32
        %dma_start3A_1169 = tpu.memref_slice %arg7[%run_scoped3A_420, %dma_start3A_1168] : memref<25x80xi32, #tpu.memory_space<vmem>> -> memref<1x80xi32, #tpu.memory_space<vmem>>
        %dma_start3A_1170 = tpu.memref_squeeze %dma_start3A_1169 : memref<1x80xi32, #tpu.memory_space<vmem>> -> memref<80xi32, #tpu.memory_space<vmem>>
        %dma_start3A_1171 = arith.constant 0 : i32
        %dma_start3A_1172 = arith.constant 0 : i32
        %dma_start3A_1173 = tpu.memref_slice %arg10[%dma_start3A_1171, %dma_start3A_1172] : memref<10240x128xf32, #tpu.memory_space<vmem_shared>> -> memref<10240x128xf32, #tpu.memory_space<vmem_shared>>
        tpu.enqueue_indirect_dma source(%dma_start3A_1167 : memref<80x128xf32, #tpu.memory_space<vmem>>) target(%dma_start3A_1173 : memref<10240x128xf32, #tpu.memory_space<vmem_shared>>) offsets(%dma_start3A_1170 : memref<80xi32, #tpu.memory_space<vmem>>) semaphore(%run_scoped3A_1163 : memref<!tpu.dma_semaphore, #tpu.memory_space<semaphore_mem>>) {add = true}
        %dma_wait3A_1174 = arith.constant 0 : i32
        %dma_wait3A_1175 = arith.constant 0 : i32
        %dma_wait3A_1176 = tpu.memref_slice %arg8[%run_scoped3A_419, %dma_wait3A_1174, %dma_wait3A_1175] : memref<3x80x128xf32, #tpu.memory_space<vmem>> -> memref<1x80x128xf32, #tpu.memory_space<vmem>>
        %dma_wait3A_1177 = tpu.memref_squeeze %dma_wait3A_1176 : memref<1x80x128xf32, #tpu.memory_space<vmem>> -> memref<80x128xf32, #tpu.memory_space<vmem>>
        %dma_wait3A_1178 = arith.constant 0 : i32
        %dma_wait3A_1179 = tpu.memref_slice %arg7[%run_scoped3A_420, %dma_wait3A_1178] : memref<25x80xi32, #tpu.memory_space<vmem>> -> memref<1x80xi32, #tpu.memory_space<vmem>>
        %dma_wait3A_1180 = tpu.memref_squeeze %dma_wait3A_1179 : memref<1x80xi32, #tpu.memory_space<vmem>> -> memref<80xi32, #tpu.memory_space<vmem>>
        %dma_wait3A_1181 = arith.constant 0 : i32
        %dma_wait3A_1182 = arith.constant 0 : i32
        %dma_wait3A_1183 = tpu.memref_slice %arg10[%dma_wait3A_1181, %dma_wait3A_1182] : memref<10240x128xf32, #tpu.memory_space<vmem_shared>> -> memref<10240x128xf32, #tpu.memory_space<vmem_shared>>
        tpu.wait_indirect_dma semaphore(%run_scoped3A_1163 : memref<!tpu.dma_semaphore, #tpu.memory_space<semaphore_mem>>) src(%dma_wait3A_1177 : memref<80x128xf32, #tpu.memory_space<vmem>>) dst(%dma_wait3A_1183 : memref<10240x128xf32, #tpu.memory_space<vmem_shared>>)
        tpu.yield
      }) : () -> ()
      %dma_start3A_421 = arith.constant 1 : i32
      %dma_start3A_422 = arith.constant 0 : i32
      %dma_start3A_423 = tpu.memref_slice %arg7[%dma_start3A_421, %dma_start3A_422] : memref<25x80xi32, #tpu.memory_space<vmem>> -> memref<1x80xi32, #tpu.memory_space<vmem>>
      %dma_start3A_424 = tpu.memref_squeeze %dma_start3A_423 : memref<1x80xi32, #tpu.memory_space<vmem>> -> memref<80xi32, #tpu.memory_space<vmem>>
      %dma_start3A_425 = arith.constant 0 : i32
      %dma_start3A_426 = arith.constant 0 : i32
      %dma_start3A_427 = tpu.memref_slice %arg11[%dma_start3A_425, %dma_start3A_426] : memref<10240x16xf32, #tpu.memory_space<vmem_shared>> -> memref<10240x16xf32, #tpu.memory_space<vmem_shared>>
      tpu.enqueue_indirect_dma source(%arg9 : memref<80x16xf32, #tpu.memory_space<vmem>>) target(%dma_start3A_427 : memref<10240x16xf32, #tpu.memory_space<vmem_shared>>) offsets(%dma_start3A_424 : memref<80xi32, #tpu.memory_space<vmem>>) semaphore(%arg15 : memref<!tpu.dma_semaphore, #tpu.memory_space<semaphore_mem>>) {add = true}
      %dma_start3A_428 = arith.constant 4 : i32
      %dma_start3A_429 = arith.constant 1 : i32
      %dma_start3A_430 = arith.constant 0 : i32
      %dma_start3A_431 = arith.constant 0 : i32
      %dma_start3A_432 = tpu.memref_slice %arg8[%dma_start3A_429, %dma_start3A_430, %dma_start3A_431] : memref<3x80x128xf32, #tpu.memory_space<vmem>> -> memref<1x80x128xf32, #tpu.memory_space<vmem>>
      %dma_start3A_433 = tpu.memref_squeeze %dma_start3A_432 : memref<1x80x128xf32, #tpu.memory_space<vmem>> -> memref<80x128xf32, #tpu.memory_space<vmem>>
      %dma_start3A_434 = arith.constant 0 : i32
      %dma_start3A_435 = tpu.memref_slice %arg6[%dma_start3A_428, %dma_start3A_434] : memref<25x80xi32, #tpu.memory_space<vmem>> -> memref<1x80xi32, #tpu.memory_space<vmem>>
      %dma_start3A_436 = tpu.memref_squeeze %dma_start3A_435 : memref<1x80xi32, #tpu.memory_space<vmem>> -> memref<80xi32, #tpu.memory_space<vmem>>
      %dma_start3A_437 = arith.constant 0 : i32
      %dma_start3A_438 = arith.constant 0 : i32
      %dma_start3A_439 = tpu.memref_slice %arg2[%dma_start3A_437, %dma_start3A_438] : memref<10000x128xf32, #tpu.memory_space<hbm>> -> memref<10000x128xf32, #tpu.memory_space<hbm>>
      tpu.enqueue_indirect_dma source(%dma_start3A_439 : memref<10000x128xf32, #tpu.memory_space<hbm>>) target(%dma_start3A_433 : memref<80x128xf32, #tpu.memory_space<vmem>>) offsets(%dma_start3A_436 : memref<80xi32, #tpu.memory_space<vmem>>) semaphore(%arg13 : memref<!tpu.dma_semaphore, #tpu.memory_space<semaphore_mem>>)
      %dma_wait3A_440 = arith.constant 0 : i32
      %dma_wait3A_441 = arith.constant 2 : i32
      %dma_wait3A_442 = arith.constant 0 : i32
      %dma_wait3A_443 = arith.constant 0 : i32
      %dma_wait3A_444 = tpu.memref_slice %arg8[%dma_wait3A_441, %dma_wait3A_442, %dma_wait3A_443] : memref<3x80x128xf32, #tpu.memory_space<vmem>> -> memref<1x80x128xf32, #tpu.memory_space<vmem>>
      %dma_wait3A_445 = tpu.memref_squeeze %dma_wait3A_444 : memref<1x80x128xf32, #tpu.memory_space<vmem>> -> memref<80x128xf32, #tpu.memory_space<vmem>>
      %dma_wait3A_446 = arith.constant 0 : i32
      %dma_wait3A_447 = tpu.memref_slice %arg6[%dma_wait3A_440, %dma_wait3A_446] : memref<25x80xi32, #tpu.memory_space<vmem>> -> memref<1x80xi32, #tpu.memory_space<vmem>>
      %dma_wait3A_448 = tpu.memref_squeeze %dma_wait3A_447 : memref<1x80xi32, #tpu.memory_space<vmem>> -> memref<80xi32, #tpu.memory_space<vmem>>
      %dma_wait3A_449 = arith.constant 0 : i32
      %dma_wait3A_450 = arith.constant 0 : i32
      %dma_wait3A_451 = tpu.memref_slice %arg2[%dma_wait3A_449, %dma_wait3A_450] : memref<10000x128xf32, #tpu.memory_space<hbm>> -> memref<10000x128xf32, #tpu.memory_space<hbm>>
      tpu.wait_indirect_dma semaphore(%arg14 : memref<!tpu.dma_semaphore, #tpu.memory_space<semaphore_mem>>) src(%dma_wait3A_451 : memref<10000x128xf32, #tpu.memory_space<hbm>>) dst(%dma_wait3A_445 : memref<80x128xf32, #tpu.memory_space<vmem>>)
      %run_scoped3A_452 = arith.constant 2 : i32
      %run_scoped3A_453 = arith.constant 2 : i32
      "tpu.region"() ({
        %run_scoped3A_1163 = tpu.sem_alloc : memref<!tpu.dma_semaphore, #tpu.memory_space<semaphore_mem>>
        %dma_start3A_1164 = arith.constant 0 : i32
        %dma_start3A_1165 = arith.constant 0 : i32
        %dma_start3A_1166 = tpu.memref_slice %arg8[%run_scoped3A_452, %dma_start3A_1164, %dma_start3A_1165] : memref<3x80x128xf32, #tpu.memory_space<vmem>> -> memref<1x80x128xf32, #tpu.memory_space<vmem>>
        %dma_start3A_1167 = tpu.memref_squeeze %dma_start3A_1166 : memref<1x80x128xf32, #tpu.memory_space<vmem>> -> memref<80x128xf32, #tpu.memory_space<vmem>>
        %dma_start3A_1168 = arith.constant 0 : i32
        %dma_start3A_1169 = tpu.memref_slice %arg7[%run_scoped3A_453, %dma_start3A_1168] : memref<25x80xi32, #tpu.memory_space<vmem>> -> memref<1x80xi32, #tpu.memory_space<vmem>>
        %dma_start3A_1170 = tpu.memref_squeeze %dma_start3A_1169 : memref<1x80xi32, #tpu.memory_space<vmem>> -> memref<80xi32, #tpu.memory_space<vmem>>
        %dma_start3A_1171 = arith.constant 0 : i32
        %dma_start3A_1172 = arith.constant 0 : i32
        %dma_start3A_1173 = tpu.memref_slice %arg10[%dma_start3A_1171, %dma_start3A_1172] : memref<10240x128xf32, #tpu.memory_space<vmem_shared>> -> memref<10240x128xf32, #tpu.memory_space<vmem_shared>>
        tpu.enqueue_indirect_dma source(%dma_start3A_1167 : memref<80x128xf32, #tpu.memory_space<vmem>>) target(%dma_start3A_1173 : memref<10240x128xf32, #tpu.memory_space<vmem_shared>>) offsets(%dma_start3A_1170 : memref<80xi32, #tpu.memory_space<vmem>>) semaphore(%run_scoped3A_1163 : memref<!tpu.dma_semaphore, #tpu.memory_space<semaphore_mem>>) {add = true}
        %dma_wait3A_1174 = arith.constant 0 : i32
        %dma_wait3A_1175 = arith.constant 0 : i32
        %dma_wait3A_1176 = tpu.memref_slice %arg8[%run_scoped3A_452, %dma_wait3A_1174, %dma_wait3A_1175] : memref<3x80x128xf32, #tpu.memory_space<vmem>> -> memref<1x80x128xf32, #tpu.memory_space<vmem>>
        %dma_wait3A_1177 = tpu.memref_squeeze %dma_wait3A_1176 : memref<1x80x128xf32, #tpu.memory_space<vmem>> -> memref<80x128xf32, #tpu.memory_space<vmem>>
        %dma_wait3A_1178 = arith.constant 0 : i32
        %dma_wait3A_1179 = tpu.memref_slice %arg7[%run_scoped3A_453, %dma_wait3A_1178] : memref<25x80xi32, #tpu.memory_space<vmem>> -> memref<1x80xi32, #tpu.memory_space<vmem>>
        %dma_wait3A_1180 = tpu.memref_squeeze %dma_wait3A_1179 : memref<1x80xi32, #tpu.memory_space<vmem>> -> memref<80xi32, #tpu.memory_space<vmem>>
        %dma_wait3A_1181 = arith.constant 0 : i32
        %dma_wait3A_1182 = arith.constant 0 : i32
        %dma_wait3A_1183 = tpu.memref_slice %arg10[%dma_wait3A_1181, %dma_wait3A_1182] : memref<10240x128xf32, #tpu.memory_space<vmem_shared>> -> memref<10240x128xf32, #tpu.memory_space<vmem_shared>>
        tpu.wait_indirect_dma semaphore(%run_scoped3A_1163 : memref<!tpu.dma_semaphore, #tpu.memory_space<semaphore_mem>>) src(%dma_wait3A_1177 : memref<80x128xf32, #tpu.memory_space<vmem>>) dst(%dma_wait3A_1183 : memref<10240x128xf32, #tpu.memory_space<vmem_shared>>)
        tpu.yield
      }) : () -> ()
      %dma_start3A_454 = arith.constant 2 : i32
      %dma_start3A_455 = arith.constant 0 : i32
      %dma_start3A_456 = tpu.memref_slice %arg7[%dma_start3A_454, %dma_start3A_455] : memref<25x80xi32, #tpu.memory_space<vmem>> -> memref<1x80xi32, #tpu.memory_space<vmem>>
      %dma_start3A_457 = tpu.memref_squeeze %dma_start3A_456 : memref<1x80xi32, #tpu.memory_space<vmem>> -> memref<80xi32, #tpu.memory_space<vmem>>
      %dma_start3A_458 = arith.constant 0 : i32
      %dma_start3A_459 = arith.constant 0 : i32
      %dma_start3A_460 = tpu.memref_slice %arg11[%dma_start3A_458, %dma_start3A_459] : memref<10240x16xf32, #tpu.memory_space<vmem_shared>> -> memref<10240x16xf32, #tpu.memory_space<vmem_shared>>
      tpu.enqueue_indirect_dma source(%arg9 : memref<80x16xf32, #tpu.memory_space<vmem>>) target(%dma_start3A_460 : memref<10240x16xf32, #tpu.memory_space<vmem_shared>>) offsets(%dma_start3A_457 : memref<80xi32, #tpu.memory_space<vmem>>) semaphore(%arg15 : memref<!tpu.dma_semaphore, #tpu.memory_space<semaphore_mem>>) {add = true}
      %dma_start3A_461 = arith.constant 5 : i32
      %dma_start3A_462 = arith.constant 2 : i32
      %dma_start3A_463 = arith.constant 0 : i32
      %dma_start3A_464 = arith.constant 0 : i32
      %dma_start3A_465 = tpu.memref_slice %arg8[%dma_start3A_462, %dma_start3A_463, %dma_start3A_464] : memref<3x80x128xf32, #tpu.memory_space<vmem>> -> memref<1x80x128xf32, #tpu.memory_space<vmem>>
      %dma_start3A_466 = tpu.memref_squeeze %dma_start3A_465 : memref<1x80x128xf32, #tpu.memory_space<vmem>> -> memref<80x128xf32, #tpu.memory_space<vmem>>
      %dma_start3A_467 = arith.constant 0 : i32
      %dma_start3A_468 = tpu.memref_slice %arg6[%dma_start3A_461, %dma_start3A_467] : memref<25x80xi32, #tpu.memory_space<vmem>> -> memref<1x80xi32, #tpu.memory_space<vmem>>
      %dma_start3A_469 = tpu.memref_squeeze %dma_start3A_468 : memref<1x80xi32, #tpu.memory_space<vmem>> -> memref<80xi32, #tpu.memory_space<vmem>>
      %dma_start3A_470 = arith.constant 0 : i32
      %dma_start3A_471 = arith.constant 0 : i32
      %dma_start3A_472 = tpu.memref_slice %arg2[%dma_start3A_470, %dma_start3A_471] : memref<10000x128xf32, #tpu.memory_space<hbm>> -> memref<10000x128xf32, #tpu.memory_space<hbm>>
      tpu.enqueue_indirect_dma source(%dma_start3A_472 : memref<10000x128xf32, #tpu.memory_space<hbm>>) target(%dma_start3A_466 : memref<80x128xf32, #tpu.memory_space<vmem>>) offsets(%dma_start3A_469 : memref<80xi32, #tpu.memory_space<vmem>>) semaphore(%arg14 : memref<!tpu.dma_semaphore, #tpu.memory_space<semaphore_mem>>)
      %dma_wait3A_473 = arith.constant 0 : i32
      %dma_wait3A_474 = arith.constant 0 : i32
      %dma_wait3A_475 = arith.constant 0 : i32
      %dma_wait3A_476 = arith.constant 0 : i32
      %dma_wait3A_477 = tpu.memref_slice %arg8[%dma_wait3A_474, %dma_wait3A_475, %dma_wait3A_476] : memref<3x80x128xf32, #tpu.memory_space<vmem>> -> memref<1x80x128xf32, #tpu.memory_space<vmem>>
      %dma_wait3A_478 = tpu.memref_squeeze %dma_wait3A_477 : memref<1x80x128xf32, #tpu.memory_space<vmem>> -> memref<80x128xf32, #tpu.memory_space<vmem>>
      %dma_wait3A_479 = arith.constant 0 : i32
      %dma_wait3A_480 = tpu.memref_slice %arg6[%dma_wait3A_473, %dma_wait3A_479] : memref<25x80xi32, #tpu.memory_space<vmem>> -> memref<1x80xi32, #tpu.memory_space<vmem>>
      %dma_wait3A_481 = tpu.memref_squeeze %dma_wait3A_480 : memref<1x80xi32, #tpu.memory_space<vmem>> -> memref<80xi32, #tpu.memory_space<vmem>>
      %dma_wait3A_482 = arith.constant 0 : i32
      %dma_wait3A_483 = arith.constant 0 : i32
      %dma_wait3A_484 = tpu.memref_slice %arg2[%dma_wait3A_482, %dma_wait3A_483] : memref<10000x128xf32, #tpu.memory_space<hbm>> -> memref<10000x128xf32, #tpu.memory_space<hbm>>
      tpu.wait_indirect_dma semaphore(%arg12 : memref<!tpu.dma_semaphore, #tpu.memory_space<semaphore_mem>>) src(%dma_wait3A_484 : memref<10000x128xf32, #tpu.memory_space<hbm>>) dst(%dma_wait3A_478 : memref<80x128xf32, #tpu.memory_space<vmem>>)
      %run_scoped3A_485 = arith.constant 0 : i32
      %run_scoped3A_486 = arith.constant 3 : i32
      "tpu.region"() ({
        %run_scoped3A_1163 = tpu.sem_alloc : memref<!tpu.dma_semaphore, #tpu.memory_space<semaphore_mem>>
        %dma_start3A_1164 = arith.constant 0 : i32
        %dma_start3A_1165 = arith.constant 0 : i32
        %dma_start3A_1166 = tpu.memref_slice %arg8[%run_scoped3A_485, %dma_start3A_1164, %dma_start3A_1165] : memref<3x80x128xf32, #tpu.memory_space<vmem>> -> memref<1x80x128xf32, #tpu.memory_space<vmem>>
        %dma_start3A_1167 = tpu.memref_squeeze %dma_start3A_1166 : memref<1x80x128xf32, #tpu.memory_space<vmem>> -> memref<80x128xf32, #tpu.memory_space<vmem>>
        %dma_start3A_1168 = arith.constant 0 : i32
        %dma_start3A_1169 = tpu.memref_slice %arg7[%run_scoped3A_486, %dma_start3A_1168] : memref<25x80xi32, #tpu.memory_space<vmem>> -> memref<1x80xi32, #tpu.memory_space<vmem>>
        %dma_start3A_1170 = tpu.memref_squeeze %dma_start3A_1169 : memref<1x80xi32, #tpu.memory_space<vmem>> -> memref<80xi32, #tpu.memory_space<vmem>>
        %dma_start3A_1171 = arith.constant 0 : i32
        %dma_start3A_1172 = arith.constant 0 : i32
        %dma_start3A_1173 = tpu.memref_slice %arg10[%dma_start3A_1171, %dma_start3A_1172] : memref<10240x128xf32, #tpu.memory_space<vmem_shared>> -> memref<10240x128xf32, #tpu.memory_space<vmem_shared>>
        tpu.enqueue_indirect_dma source(%dma_start3A_1167 : memref<80x128xf32, #tpu.memory_space<vmem>>) target(%dma_start3A_1173 : memref<10240x128xf32, #tpu.memory_space<vmem_shared>>) offsets(%dma_start3A_1170 : memref<80xi32, #tpu.memory_space<vmem>>) semaphore(%run_scoped3A_1163 : memref<!tpu.dma_semaphore, #tpu.memory_space<semaphore_mem>>) {add = true}
        %dma_wait3A_1174 = arith.constant 0 : i32
        %dma_wait3A_1175 = arith.constant 0 : i32
        %dma_wait3A_1176 = tpu.memref_slice %arg8[%run_scoped3A_485, %dma_wait3A_1174, %dma_wait3A_1175] : memref<3x80x128xf32, #tpu.memory_space<vmem>> -> memref<1x80x128xf32, #tpu.memory_space<vmem>>
        %dma_wait3A_1177 = tpu.memref_squeeze %dma_wait3A_1176 : memref<1x80x128xf32, #tpu.memory_space<vmem>> -> memref<80x128xf32, #tpu.memory_space<vmem>>
        %dma_wait3A_1178 = arith.constant 0 : i32
        %dma_wait3A_1179 = tpu.memref_slice %arg7[%run_scoped3A_486, %dma_wait3A_1178] : memref<25x80xi32, #tpu.memory_space<vmem>> -> memref<1x80xi32, #tpu.memory_space<vmem>>
        %dma_wait3A_1180 = tpu.memref_squeeze %dma_wait3A_1179 : memref<1x80xi32, #tpu.memory_space<vmem>> -> memref<80xi32, #tpu.memory_space<vmem>>
        %dma_wait3A_1181 = arith.constant 0 : i32
        %dma_wait3A_1182 = arith.constant 0 : i32
        %dma_wait3A_1183 = tpu.memref_slice %arg10[%dma_wait3A_1181, %dma_wait3A_1182] : memref<10240x128xf32, #tpu.memory_space<vmem_shared>> -> memref<10240x128xf32, #tpu.memory_space<vmem_shared>>
        tpu.wait_indirect_dma semaphore(%run_scoped3A_1163 : memref<!tpu.dma_semaphore, #tpu.memory_space<semaphore_mem>>) src(%dma_wait3A_1177 : memref<80x128xf32, #tpu.memory_space<vmem>>) dst(%dma_wait3A_1183 : memref<10240x128xf32, #tpu.memory_space<vmem_shared>>)
        tpu.yield
      }) : () -> ()
      %dma_start3A_487 = arith.constant 3 : i32
      %dma_start3A_488 = arith.constant 0 : i32
      %dma_start3A_489 = tpu.memref_slice %arg7[%dma_start3A_487, %dma_start3A_488] : memref<25x80xi32, #tpu.memory_space<vmem>> -> memref<1x80xi32, #tpu.memory_space<vmem>>
      %dma_start3A_490 = tpu.memref_squeeze %dma_start3A_489 : memref<1x80xi32, #tpu.memory_space<vmem>> -> memref<80xi32, #tpu.memory_space<vmem>>
      %dma_start3A_491 = arith.constant 0 : i32
      %dma_start3A_492 = arith.constant 0 : i32
      %dma_start3A_493 = tpu.memref_slice %arg11[%dma_start3A_491, %dma_start3A_492] : memref<10240x16xf32, #tpu.memory_space<vmem_shared>> -> memref<10240x16xf32, #tpu.memory_space<vmem_shared>>
      tpu.enqueue_indirect_dma source(%arg9 : memref<80x16xf32, #tpu.memory_space<vmem>>) target(%dma_start3A_493 : memref<10240x16xf32, #tpu.memory_space<vmem_shared>>) offsets(%dma_start3A_490 : memref<80xi32, #tpu.memory_space<vmem>>) semaphore(%arg15 : memref<!tpu.dma_semaphore, #tpu.memory_space<semaphore_mem>>) {add = true}
      %dma_start3A_494 = arith.constant 6 : i32
      %dma_start3A_495 = arith.constant 0 : i32
      %dma_start3A_496 = arith.constant 0 : i32
      %dma_start3A_497 = arith.constant 0 : i32
      %dma_start3A_498 = tpu.memref_slice %arg8[%dma_start3A_495, %dma_start3A_496, %dma_start3A_497] : memref<3x80x128xf32, #tpu.memory_space<vmem>> -> memref<1x80x128xf32, #tpu.memory_space<vmem>>
      %dma_start3A_499 = tpu.memref_squeeze %dma_start3A_498 : memref<1x80x128xf32, #tpu.memory_space<vmem>> -> memref<80x128xf32, #tpu.memory_space<vmem>>
      %dma_start3A_500 = arith.constant 0 : i32
      %dma_start3A_501 = tpu.memref_slice %arg6[%dma_start3A_494, %dma_start3A_500] : memref<25x80xi32, #tpu.memory_space<vmem>> -> memref<1x80xi32, #tpu.memory_space<vmem>>
      %dma_start3A_502 = tpu.memref_squeeze %dma_start3A_501 : memref<1x80xi32, #tpu.memory_space<vmem>> -> memref<80xi32, #tpu.memory_space<vmem>>
      %dma_start3A_503 = arith.constant 0 : i32
      %dma_start3A_504 = arith.constant 0 : i32
      %dma_start3A_505 = tpu.memref_slice %arg2[%dma_start3A_503, %dma_start3A_504] : memref<10000x128xf32, #tpu.memory_space<hbm>> -> memref<10000x128xf32, #tpu.memory_space<hbm>>
      tpu.enqueue_indirect_dma source(%dma_start3A_505 : memref<10000x128xf32, #tpu.memory_space<hbm>>) target(%dma_start3A_499 : memref<80x128xf32, #tpu.memory_space<vmem>>) offsets(%dma_start3A_502 : memref<80xi32, #tpu.memory_space<vmem>>) semaphore(%arg12 : memref<!tpu.dma_semaphore, #tpu.memory_space<semaphore_mem>>)
      %dma_wait3A_506 = arith.constant 0 : i32
      %dma_wait3A_507 = arith.constant 1 : i32
      %dma_wait3A_508 = arith.constant 0 : i32
      %dma_wait3A_509 = arith.constant 0 : i32
      %dma_wait3A_510 = tpu.memref_slice %arg8[%dma_wait3A_507, %dma_wait3A_508, %dma_wait3A_509] : memref<3x80x128xf32, #tpu.memory_space<vmem>> -> memref<1x80x128xf32, #tpu.memory_space<vmem>>
      %dma_wait3A_511 = tpu.memref_squeeze %dma_wait3A_510 : memref<1x80x128xf32, #tpu.memory_space<vmem>> -> memref<80x128xf32, #tpu.memory_space<vmem>>
      %dma_wait3A_512 = arith.constant 0 : i32
      %dma_wait3A_513 = tpu.memref_slice %arg6[%dma_wait3A_506, %dma_wait3A_512] : memref<25x80xi32, #tpu.memory_space<vmem>> -> memref<1x80xi32, #tpu.memory_space<vmem>>
      %dma_wait3A_514 = tpu.memref_squeeze %dma_wait3A_513 : memref<1x80xi32, #tpu.memory_space<vmem>> -> memref<80xi32, #tpu.memory_space<vmem>>
      %dma_wait3A_515 = arith.constant 0 : i32
      %dma_wait3A_516 = arith.constant 0 : i32
      %dma_wait3A_517 = tpu.memref_slice %arg2[%dma_wait3A_515, %dma_wait3A_516] : memref<10000x128xf32, #tpu.memory_space<hbm>> -> memref<10000x128xf32, #tpu.memory_space<hbm>>
      tpu.wait_indirect_dma semaphore(%arg13 : memref<!tpu.dma_semaphore, #tpu.memory_space<semaphore_mem>>) src(%dma_wait3A_517 : memref<10000x128xf32, #tpu.memory_space<hbm>>) dst(%dma_wait3A_511 : memref<80x128xf32, #tpu.memory_space<vmem>>)
      %run_scoped3A_518 = arith.constant 1 : i32
      %run_scoped3A_519 = arith.constant 4 : i32
      "tpu.region"() ({
        %run_scoped3A_1163 = tpu.sem_alloc : memref<!tpu.dma_semaphore, #tpu.memory_space<semaphore_mem>>
        %dma_start3A_1164 = arith.constant 0 : i32
        %dma_start3A_1165 = arith.constant 0 : i32
        %dma_start3A_1166 = tpu.memref_slice %arg8[%run_scoped3A_518, %dma_start3A_1164, %dma_start3A_1165] : memref<3x80x128xf32, #tpu.memory_space<vmem>> -> memref<1x80x128xf32, #tpu.memory_space<vmem>>
        %dma_start3A_1167 = tpu.memref_squeeze %dma_start3A_1166 : memref<1x80x128xf32, #tpu.memory_space<vmem>> -> memref<80x128xf32, #tpu.memory_space<vmem>>
        %dma_start3A_1168 = arith.constant 0 : i32
        %dma_start3A_1169 = tpu.memref_slice %arg7[%run_scoped3A_519, %dma_start3A_1168] : memref<25x80xi32, #tpu.memory_space<vmem>> -> memref<1x80xi32, #tpu.memory_space<vmem>>
        %dma_start3A_1170 = tpu.memref_squeeze %dma_start3A_1169 : memref<1x80xi32, #tpu.memory_space<vmem>> -> memref<80xi32, #tpu.memory_space<vmem>>
        %dma_start3A_1171 = arith.constant 0 : i32
        %dma_start3A_1172 = arith.constant 0 : i32
        %dma_start3A_1173 = tpu.memref_slice %arg10[%dma_start3A_1171, %dma_start3A_1172] : memref<10240x128xf32, #tpu.memory_space<vmem_shared>> -> memref<10240x128xf32, #tpu.memory_space<vmem_shared>>
        tpu.enqueue_indirect_dma source(%dma_start3A_1167 : memref<80x128xf32, #tpu.memory_space<vmem>>) target(%dma_start3A_1173 : memref<10240x128xf32, #tpu.memory_space<vmem_shared>>) offsets(%dma_start3A_1170 : memref<80xi32, #tpu.memory_space<vmem>>) semaphore(%run_scoped3A_1163 : memref<!tpu.dma_semaphore, #tpu.memory_space<semaphore_mem>>) {add = true}
        %dma_wait3A_1174 = arith.constant 0 : i32
        %dma_wait3A_1175 = arith.constant 0 : i32
        %dma_wait3A_1176 = tpu.memref_slice %arg8[%run_scoped3A_518, %dma_wait3A_1174, %dma_wait3A_1175] : memref<3x80x128xf32, #tpu.memory_space<vmem>> -> memref<1x80x128xf32, #tpu.memory_space<vmem>>
        %dma_wait3A_1177 = tpu.memref_squeeze %dma_wait3A_1176 : memref<1x80x128xf32, #tpu.memory_space<vmem>> -> memref<80x128xf32, #tpu.memory_space<vmem>>
        %dma_wait3A_1178 = arith.constant 0 : i32
        %dma_wait3A_1179 = tpu.memref_slice %arg7[%run_scoped3A_519, %dma_wait3A_1178] : memref<25x80xi32, #tpu.memory_space<vmem>> -> memref<1x80xi32, #tpu.memory_space<vmem>>
        %dma_wait3A_1180 = tpu.memref_squeeze %dma_wait3A_1179 : memref<1x80xi32, #tpu.memory_space<vmem>> -> memref<80xi32, #tpu.memory_space<vmem>>
        %dma_wait3A_1181 = arith.constant 0 : i32
        %dma_wait3A_1182 = arith.constant 0 : i32
        %dma_wait3A_1183 = tpu.memref_slice %arg10[%dma_wait3A_1181, %dma_wait3A_1182] : memref<10240x128xf32, #tpu.memory_space<vmem_shared>> -> memref<10240x128xf32, #tpu.memory_space<vmem_shared>>
        tpu.wait_indirect_dma semaphore(%run_scoped3A_1163 : memref<!tpu.dma_semaphore, #tpu.memory_space<semaphore_mem>>) src(%dma_wait3A_1177 : memref<80x128xf32, #tpu.memory_space<vmem>>) dst(%dma_wait3A_1183 : memref<10240x128xf32, #tpu.memory_space<vmem_shared>>)
        tpu.yield
      }) : () -> ()
      %dma_start3A_520 = arith.constant 4 : i32
      %dma_start3A_521 = arith.constant 0 : i32
      %dma_start3A_522 = tpu.memref_slice %arg7[%dma_start3A_520, %dma_start3A_521] : memref<25x80xi32, #tpu.memory_space<vmem>> -> memref<1x80xi32, #tpu.memory_space<vmem>>
      %dma_start3A_523 = tpu.memref_squeeze %dma_start3A_522 : memref<1x80xi32, #tpu.memory_space<vmem>> -> memref<80xi32, #tpu.memory_space<vmem>>
      %dma_start3A_524 = arith.constant 0 : i32
      %dma_start3A_525 = arith.constant 0 : i32
      %dma_start3A_526 = tpu.memref_slice %arg11[%dma_start3A_524, %dma_start3A_525] : memref<10240x16xf32, #tpu.memory_space<vmem_shared>> -> memref<10240x16xf32, #tpu.memory_space<vmem_shared>>
      tpu.enqueue_indirect_dma source(%arg9 : memref<80x16xf32, #tpu.memory_space<vmem>>) target(%dma_start3A_526 : memref<10240x16xf32, #tpu.memory_space<vmem_shared>>) offsets(%dma_start3A_523 : memref<80xi32, #tpu.memory_space<vmem>>) semaphore(%arg15 : memref<!tpu.dma_semaphore, #tpu.memory_space<semaphore_mem>>) {add = true}
      %dma_start3A_527 = arith.constant 7 : i32
      %dma_start3A_528 = arith.constant 1 : i32
      %dma_start3A_529 = arith.constant 0 : i32
      %dma_start3A_530 = arith.constant 0 : i32
      %dma_start3A_531 = tpu.memref_slice %arg8[%dma_start3A_528, %dma_start3A_529, %dma_start3A_530] : memref<3x80x128xf32, #tpu.memory_space<vmem>> -> memref<1x80x128xf32, #tpu.memory_space<vmem>>
      %dma_start3A_532 = tpu.memref_squeeze %dma_start3A_531 : memref<1x80x128xf32, #tpu.memory_space<vmem>> -> memref<80x128xf32, #tpu.memory_space<vmem>>
      %dma_start3A_533 = arith.constant 0 : i32
      %dma_start3A_534 = tpu.memref_slice %arg6[%dma_start3A_527, %dma_start3A_533] : memref<25x80xi32, #tpu.memory_space<vmem>> -> memref<1x80xi32, #tpu.memory_space<vmem>>
      %dma_start3A_535 = tpu.memref_squeeze %dma_start3A_534 : memref<1x80xi32, #tpu.memory_space<vmem>> -> memref<80xi32, #tpu.memory_space<vmem>>
      %dma_start3A_536 = arith.constant 0 : i32
      %dma_start3A_537 = arith.constant 0 : i32
      %dma_start3A_538 = tpu.memref_slice %arg2[%dma_start3A_536, %dma_start3A_537] : memref<10000x128xf32, #tpu.memory_space<hbm>> -> memref<10000x128xf32, #tpu.memory_space<hbm>>
      tpu.enqueue_indirect_dma source(%dma_start3A_538 : memref<10000x128xf32, #tpu.memory_space<hbm>>) target(%dma_start3A_532 : memref<80x128xf32, #tpu.memory_space<vmem>>) offsets(%dma_start3A_535 : memref<80xi32, #tpu.memory_space<vmem>>) semaphore(%arg13 : memref<!tpu.dma_semaphore, #tpu.memory_space<semaphore_mem>>)
      %dma_wait3A_539 = arith.constant 0 : i32
      %dma_wait3A_540 = arith.constant 2 : i32
      %dma_wait3A_541 = arith.constant 0 : i32
      %dma_wait3A_542 = arith.constant 0 : i32
      %dma_wait3A_543 = tpu.memref_slice %arg8[%dma_wait3A_540, %dma_wait3A_541, %dma_wait3A_542] : memref<3x80x128xf32, #tpu.memory_space<vmem>> -> memref<1x80x128xf32, #tpu.memory_space<vmem>>
      %dma_wait3A_544 = tpu.memref_squeeze %dma_wait3A_543 : memref<1x80x128xf32, #tpu.memory_space<vmem>> -> memref<80x128xf32, #tpu.memory_space<vmem>>
      %dma_wait3A_545 = arith.constant 0 : i32
      %dma_wait3A_546 = tpu.memref_slice %arg6[%dma_wait3A_539, %dma_wait3A_545] : memref<25x80xi32, #tpu.memory_space<vmem>> -> memref<1x80xi32, #tpu.memory_space<vmem>>
      %dma_wait3A_547 = tpu.memref_squeeze %dma_wait3A_546 : memref<1x80xi32, #tpu.memory_space<vmem>> -> memref<80xi32, #tpu.memory_space<vmem>>
      %dma_wait3A_548 = arith.constant 0 : i32
      %dma_wait3A_549 = arith.constant 0 : i32
      %dma_wait3A_550 = tpu.memref_slice %arg2[%dma_wait3A_548, %dma_wait3A_549] : memref<10000x128xf32, #tpu.memory_space<hbm>> -> memref<10000x128xf32, #tpu.memory_space<hbm>>
      tpu.wait_indirect_dma semaphore(%arg14 : memref<!tpu.dma_semaphore, #tpu.memory_space<semaphore_mem>>) src(%dma_wait3A_550 : memref<10000x128xf32, #tpu.memory_space<hbm>>) dst(%dma_wait3A_544 : memref<80x128xf32, #tpu.memory_space<vmem>>)
      %run_scoped3A_551 = arith.constant 2 : i32
      %run_scoped3A_552 = arith.constant 5 : i32
      "tpu.region"() ({
        %run_scoped3A_1163 = tpu.sem_alloc : memref<!tpu.dma_semaphore, #tpu.memory_space<semaphore_mem>>
        %dma_start3A_1164 = arith.constant 0 : i32
        %dma_start3A_1165 = arith.constant 0 : i32
        %dma_start3A_1166 = tpu.memref_slice %arg8[%run_scoped3A_551, %dma_start3A_1164, %dma_start3A_1165] : memref<3x80x128xf32, #tpu.memory_space<vmem>> -> memref<1x80x128xf32, #tpu.memory_space<vmem>>
        %dma_start3A_1167 = tpu.memref_squeeze %dma_start3A_1166 : memref<1x80x128xf32, #tpu.memory_space<vmem>> -> memref<80x128xf32, #tpu.memory_space<vmem>>
        %dma_start3A_1168 = arith.constant 0 : i32
        %dma_start3A_1169 = tpu.memref_slice %arg7[%run_scoped3A_552, %dma_start3A_1168] : memref<25x80xi32, #tpu.memory_space<vmem>> -> memref<1x80xi32, #tpu.memory_space<vmem>>
        %dma_start3A_1170 = tpu.memref_squeeze %dma_start3A_1169 : memref<1x80xi32, #tpu.memory_space<vmem>> -> memref<80xi32, #tpu.memory_space<vmem>>
        %dma_start3A_1171 = arith.constant 0 : i32
        %dma_start3A_1172 = arith.constant 0 : i32
        %dma_start3A_1173 = tpu.memref_slice %arg10[%dma_start3A_1171, %dma_start3A_1172] : memref<10240x128xf32, #tpu.memory_space<vmem_shared>> -> memref<10240x128xf32, #tpu.memory_space<vmem_shared>>
        tpu.enqueue_indirect_dma source(%dma_start3A_1167 : memref<80x128xf32, #tpu.memory_space<vmem>>) target(%dma_start3A_1173 : memref<10240x128xf32, #tpu.memory_space<vmem_shared>>) offsets(%dma_start3A_1170 : memref<80xi32, #tpu.memory_space<vmem>>) semaphore(%run_scoped3A_1163 : memref<!tpu.dma_semaphore, #tpu.memory_space<semaphore_mem>>) {add = true}
        %dma_wait3A_1174 = arith.constant 0 : i32
        %dma_wait3A_1175 = arith.constant 0 : i32
        %dma_wait3A_1176 = tpu.memref_slice %arg8[%run_scoped3A_551, %dma_wait3A_1174, %dma_wait3A_1175] : memref<3x80x128xf32, #tpu.memory_space<vmem>> -> memref<1x80x128xf32, #tpu.memory_space<vmem>>
        %dma_wait3A_1177 = tpu.memref_squeeze %dma_wait3A_1176 : memref<1x80x128xf32, #tpu.memory_space<vmem>> -> memref<80x128xf32, #tpu.memory_space<vmem>>
        %dma_wait3A_1178 = arith.constant 0 : i32
        %dma_wait3A_1179 = tpu.memref_slice %arg7[%run_scoped3A_552, %dma_wait3A_1178] : memref<25x80xi32, #tpu.memory_space<vmem>> -> memref<1x80xi32, #tpu.memory_space<vmem>>
        %dma_wait3A_1180 = tpu.memref_squeeze %dma_wait3A_1179 : memref<1x80xi32, #tpu.memory_space<vmem>> -> memref<80xi32, #tpu.memory_space<vmem>>
        %dma_wait3A_1181 = arith.constant 0 : i32
        %dma_wait3A_1182 = arith.constant 0 : i32
        %dma_wait3A_1183 = tpu.memref_slice %arg10[%dma_wait3A_1181, %dma_wait3A_1182] : memref<10240x128xf32, #tpu.memory_space<vmem_shared>> -> memref<10240x128xf32, #tpu.memory_space<vmem_shared>>
        tpu.wait_indirect_dma semaphore(%run_scoped3A_1163 : memref<!tpu.dma_semaphore, #tpu.memory_space<semaphore_mem>>) src(%dma_wait3A_1177 : memref<80x128xf32, #tpu.memory_space<vmem>>) dst(%dma_wait3A_1183 : memref<10240x128xf32, #tpu.memory_space<vmem_shared>>)
        tpu.yield
      }) : () -> ()
      %dma_start3A_553 = arith.constant 5 : i32
      %dma_start3A_554 = arith.constant 0 : i32
      %dma_start3A_555 = tpu.memref_slice %arg7[%dma_start3A_553, %dma_start3A_554] : memref<25x80xi32, #tpu.memory_space<vmem>> -> memref<1x80xi32, #tpu.memory_space<vmem>>
      %dma_start3A_556 = tpu.memref_squeeze %dma_start3A_555 : memref<1x80xi32, #tpu.memory_space<vmem>> -> memref<80xi32, #tpu.memory_space<vmem>>
      %dma_start3A_557 = arith.constant 0 : i32
      %dma_start3A_558 = arith.constant 0 : i32
      %dma_start3A_559 = tpu.memref_slice %arg11[%dma_start3A_557, %dma_start3A_558] : memref<10240x16xf32, #tpu.memory_space<vmem_shared>> -> memref<10240x16xf32, #tpu.memory_space<vmem_shared>>
      tpu.enqueue_indirect_dma source(%arg9 : memref<80x16xf32, #tpu.memory_space<vmem>>) target(%dma_start3A_559 : memref<10240x16xf32, #tpu.memory_space<vmem_shared>>) offsets(%dma_start3A_556 : memref<80xi32, #tpu.memory_space<vmem>>) semaphore(%arg15 : memref<!tpu.dma_semaphore, #tpu.memory_space<semaphore_mem>>) {add = true}
      %dma_start3A_560 = arith.constant 8 : i32
      %dma_start3A_561 = arith.constant 2 : i32
      %dma_start3A_562 = arith.constant 0 : i32
      %dma_start3A_563 = arith.constant 0 : i32
      %dma_start3A_564 = tpu.memref_slice %arg8[%dma_start3A_561, %dma_start3A_562, %dma_start3A_563] : memref<3x80x128xf32, #tpu.memory_space<vmem>> -> memref<1x80x128xf32, #tpu.memory_space<vmem>>
      %dma_start3A_565 = tpu.memref_squeeze %dma_start3A_564 : memref<1x80x128xf32, #tpu.memory_space<vmem>> -> memref<80x128xf32, #tpu.memory_space<vmem>>
      %dma_start3A_566 = arith.constant 0 : i32
      %dma_start3A_567 = tpu.memref_slice %arg6[%dma_start3A_560, %dma_start3A_566] : memref<25x80xi32, #tpu.memory_space<vmem>> -> memref<1x80xi32, #tpu.memory_space<vmem>>
      %dma_start3A_568 = tpu.memref_squeeze %dma_start3A_567 : memref<1x80xi32, #tpu.memory_space<vmem>> -> memref<80xi32, #tpu.memory_space<vmem>>
      %dma_start3A_569 = arith.constant 0 : i32
      %dma_start3A_570 = arith.constant 0 : i32
      %dma_start3A_571 = tpu.memref_slice %arg2[%dma_start3A_569, %dma_start3A_570] : memref<10000x128xf32, #tpu.memory_space<hbm>> -> memref<10000x128xf32, #tpu.memory_space<hbm>>
      tpu.enqueue_indirect_dma source(%dma_start3A_571 : memref<10000x128xf32, #tpu.memory_space<hbm>>) target(%dma_start3A_565 : memref<80x128xf32, #tpu.memory_space<vmem>>) offsets(%dma_start3A_568 : memref<80xi32, #tpu.memory_space<vmem>>) semaphore(%arg14 : memref<!tpu.dma_semaphore, #tpu.memory_space<semaphore_mem>>)
      %dma_wait3A_572 = arith.constant 0 : i32
      %dma_wait3A_573 = arith.constant 0 : i32
      %dma_wait3A_574 = arith.constant 0 : i32
      %dma_wait3A_575 = arith.constant 0 : i32
      %dma_wait3A_576 = tpu.memref_slice %arg8[%dma_wait3A_573, %dma_wait3A_574, %dma_wait3A_575] : memref<3x80x128xf32, #tpu.memory_space<vmem>> -> memref<1x80x128xf32, #tpu.memory_space<vmem>>
      %dma_wait3A_577 = tpu.memref_squeeze %dma_wait3A_576 : memref<1x80x128xf32, #tpu.memory_space<vmem>> -> memref<80x128xf32, #tpu.memory_space<vmem>>
      %dma_wait3A_578 = arith.constant 0 : i32
      %dma_wait3A_579 = tpu.memref_slice %arg6[%dma_wait3A_572, %dma_wait3A_578] : memref<25x80xi32, #tpu.memory_space<vmem>> -> memref<1x80xi32, #tpu.memory_space<vmem>>
      %dma_wait3A_580 = tpu.memref_squeeze %dma_wait3A_579 : memref<1x80xi32, #tpu.memory_space<vmem>> -> memref<80xi32, #tpu.memory_space<vmem>>
      %dma_wait3A_581 = arith.constant 0 : i32
      %dma_wait3A_582 = arith.constant 0 : i32
      %dma_wait3A_583 = tpu.memref_slice %arg2[%dma_wait3A_581, %dma_wait3A_582] : memref<10000x128xf32, #tpu.memory_space<hbm>> -> memref<10000x128xf32, #tpu.memory_space<hbm>>
      tpu.wait_indirect_dma semaphore(%arg12 : memref<!tpu.dma_semaphore, #tpu.memory_space<semaphore_mem>>) src(%dma_wait3A_583 : memref<10000x128xf32, #tpu.memory_space<hbm>>) dst(%dma_wait3A_577 : memref<80x128xf32, #tpu.memory_space<vmem>>)
      %run_scoped3A_584 = arith.constant 0 : i32
      %run_scoped3A_585 = arith.constant 6 : i32
      "tpu.region"() ({
        %run_scoped3A_1163 = tpu.sem_alloc : memref<!tpu.dma_semaphore, #tpu.memory_space<semaphore_mem>>
        %dma_start3A_1164 = arith.constant 0 : i32
        %dma_start3A_1165 = arith.constant 0 : i32
        %dma_start3A_1166 = tpu.memref_slice %arg8[%run_scoped3A_584, %dma_start3A_1164, %dma_start3A_1165] : memref<3x80x128xf32, #tpu.memory_space<vmem>> -> memref<1x80x128xf32, #tpu.memory_space<vmem>>
        %dma_start3A_1167 = tpu.memref_squeeze %dma_start3A_1166 : memref<1x80x128xf32, #tpu.memory_space<vmem>> -> memref<80x128xf32, #tpu.memory_space<vmem>>
        %dma_start3A_1168 = arith.constant 0 : i32
        %dma_start3A_1169 = tpu.memref_slice %arg7[%run_scoped3A_585, %dma_start3A_1168] : memref<25x80xi32, #tpu.memory_space<vmem>> -> memref<1x80xi32, #tpu.memory_space<vmem>>
        %dma_start3A_1170 = tpu.memref_squeeze %dma_start3A_1169 : memref<1x80xi32, #tpu.memory_space<vmem>> -> memref<80xi32, #tpu.memory_space<vmem>>
        %dma_start3A_1171 = arith.constant 0 : i32
        %dma_start3A_1172 = arith.constant 0 : i32
        %dma_start3A_1173 = tpu.memref_slice %arg10[%dma_start3A_1171, %dma_start3A_1172] : memref<10240x128xf32, #tpu.memory_space<vmem_shared>> -> memref<10240x128xf32, #tpu.memory_space<vmem_shared>>
        tpu.enqueue_indirect_dma source(%dma_start3A_1167 : memref<80x128xf32, #tpu.memory_space<vmem>>) target(%dma_start3A_1173 : memref<10240x128xf32, #tpu.memory_space<vmem_shared>>) offsets(%dma_start3A_1170 : memref<80xi32, #tpu.memory_space<vmem>>) semaphore(%run_scoped3A_1163 : memref<!tpu.dma_semaphore, #tpu.memory_space<semaphore_mem>>) {add = true}
        %dma_wait3A_1174 = arith.constant 0 : i32
        %dma_wait3A_1175 = arith.constant 0 : i32
        %dma_wait3A_1176 = tpu.memref_slice %arg8[%run_scoped3A_584, %dma_wait3A_1174, %dma_wait3A_1175] : memref<3x80x128xf32, #tpu.memory_space<vmem>> -> memref<1x80x128xf32, #tpu.memory_space<vmem>>
        %dma_wait3A_1177 = tpu.memref_squeeze %dma_wait3A_1176 : memref<1x80x128xf32, #tpu.memory_space<vmem>> -> memref<80x128xf32, #tpu.memory_space<vmem>>
        %dma_wait3A_1178 = arith.constant 0 : i32
        %dma_wait3A_1179 = tpu.memref_slice %arg7[%run_scoped3A_585, %dma_wait3A_1178] : memref<25x80xi32, #tpu.memory_space<vmem>> -> memref<1x80xi32, #tpu.memory_space<vmem>>
        %dma_wait3A_1180 = tpu.memref_squeeze %dma_wait3A_1179 : memref<1x80xi32, #tpu.memory_space<vmem>> -> memref<80xi32, #tpu.memory_space<vmem>>
        %dma_wait3A_1181 = arith.constant 0 : i32
        %dma_wait3A_1182 = arith.constant 0 : i32
        %dma_wait3A_1183 = tpu.memref_slice %arg10[%dma_wait3A_1181, %dma_wait3A_1182] : memref<10240x128xf32, #tpu.memory_space<vmem_shared>> -> memref<10240x128xf32, #tpu.memory_space<vmem_shared>>
        tpu.wait_indirect_dma semaphore(%run_scoped3A_1163 : memref<!tpu.dma_semaphore, #tpu.memory_space<semaphore_mem>>) src(%dma_wait3A_1177 : memref<80x128xf32, #tpu.memory_space<vmem>>) dst(%dma_wait3A_1183 : memref<10240x128xf32, #tpu.memory_space<vmem_shared>>)
        tpu.yield
      }) : () -> ()
      %dma_start3A_586 = arith.constant 6 : i32
      %dma_start3A_587 = arith.constant 0 : i32
      %dma_start3A_588 = tpu.memref_slice %arg7[%dma_start3A_586, %dma_start3A_587] : memref<25x80xi32, #tpu.memory_space<vmem>> -> memref<1x80xi32, #tpu.memory_space<vmem>>
      %dma_start3A_589 = tpu.memref_squeeze %dma_start3A_588 : memref<1x80xi32, #tpu.memory_space<vmem>> -> memref<80xi32, #tpu.memory_space<vmem>>
      %dma_start3A_590 = arith.constant 0 : i32
      %dma_start3A_591 = arith.constant 0 : i32
      %dma_start3A_592 = tpu.memref_slice %arg11[%dma_start3A_590, %dma_start3A_591] : memref<10240x16xf32, #tpu.memory_space<vmem_shared>> -> memref<10240x16xf32, #tpu.memory_space<vmem_shared>>
      tpu.enqueue_indirect_dma source(%arg9 : memref<80x16xf32, #tpu.memory_space<vmem>>) target(%dma_start3A_592 : memref<10240x16xf32, #tpu.memory_space<vmem_shared>>) offsets(%dma_start3A_589 : memref<80xi32, #tpu.memory_space<vmem>>) semaphore(%arg15 : memref<!tpu.dma_semaphore, #tpu.memory_space<semaphore_mem>>) {add = true}
      %dma_start3A_593 = arith.constant 9 : i32
      %dma_start3A_594 = arith.constant 0 : i32
      %dma_start3A_595 = arith.constant 0 : i32
      %dma_start3A_596 = arith.constant 0 : i32
      %dma_start3A_597 = tpu.memref_slice %arg8[%dma_start3A_594, %dma_start3A_595, %dma_start3A_596] : memref<3x80x128xf32, #tpu.memory_space<vmem>> -> memref<1x80x128xf32, #tpu.memory_space<vmem>>
      %dma_start3A_598 = tpu.memref_squeeze %dma_start3A_597 : memref<1x80x128xf32, #tpu.memory_space<vmem>> -> memref<80x128xf32, #tpu.memory_space<vmem>>
      %dma_start3A_599 = arith.constant 0 : i32
      %dma_start3A_600 = tpu.memref_slice %arg6[%dma_start3A_593, %dma_start3A_599] : memref<25x80xi32, #tpu.memory_space<vmem>> -> memref<1x80xi32, #tpu.memory_space<vmem>>
      %dma_start3A_601 = tpu.memref_squeeze %dma_start3A_600 : memref<1x80xi32, #tpu.memory_space<vmem>> -> memref<80xi32, #tpu.memory_space<vmem>>
      %dma_start3A_602 = arith.constant 0 : i32
      %dma_start3A_603 = arith.constant 0 : i32
      %dma_start3A_604 = tpu.memref_slice %arg2[%dma_start3A_602, %dma_start3A_603] : memref<10000x128xf32, #tpu.memory_space<hbm>> -> memref<10000x128xf32, #tpu.memory_space<hbm>>
      tpu.enqueue_indirect_dma source(%dma_start3A_604 : memref<10000x128xf32, #tpu.memory_space<hbm>>) target(%dma_start3A_598 : memref<80x128xf32, #tpu.memory_space<vmem>>) offsets(%dma_start3A_601 : memref<80xi32, #tpu.memory_space<vmem>>) semaphore(%arg12 : memref<!tpu.dma_semaphore, #tpu.memory_space<semaphore_mem>>)
      %dma_wait3A_605 = arith.constant 0 : i32
      %dma_wait3A_606 = arith.constant 1 : i32
      %dma_wait3A_607 = arith.constant 0 : i32
      %dma_wait3A_608 = arith.constant 0 : i32
      %dma_wait3A_609 = tpu.memref_slice %arg8[%dma_wait3A_606, %dma_wait3A_607, %dma_wait3A_608] : memref<3x80x128xf32, #tpu.memory_space<vmem>> -> memref<1x80x128xf32, #tpu.memory_space<vmem>>
      %dma_wait3A_610 = tpu.memref_squeeze %dma_wait3A_609 : memref<1x80x128xf32, #tpu.memory_space<vmem>> -> memref<80x128xf32, #tpu.memory_space<vmem>>
      %dma_wait3A_611 = arith.constant 0 : i32
      %dma_wait3A_612 = tpu.memref_slice %arg6[%dma_wait3A_605, %dma_wait3A_611] : memref<25x80xi32, #tpu.memory_space<vmem>> -> memref<1x80xi32, #tpu.memory_space<vmem>>
      %dma_wait3A_613 = tpu.memref_squeeze %dma_wait3A_612 : memref<1x80xi32, #tpu.memory_space<vmem>> -> memref<80xi32, #tpu.memory_space<vmem>>
      %dma_wait3A_614 = arith.constant 0 : i32
      %dma_wait3A_615 = arith.constant 0 : i32
      %dma_wait3A_616 = tpu.memref_slice %arg2[%dma_wait3A_614, %dma_wait3A_615] : memref<10000x128xf32, #tpu.memory_space<hbm>> -> memref<10000x128xf32, #tpu.memory_space<hbm>>
      tpu.wait_indirect_dma semaphore(%arg13 : memref<!tpu.dma_semaphore, #tpu.memory_space<semaphore_mem>>) src(%dma_wait3A_616 : memref<10000x128xf32, #tpu.memory_space<hbm>>) dst(%dma_wait3A_610 : memref<80x128xf32, #tpu.memory_space<vmem>>)
      %run_scoped3A_617 = arith.constant 1 : i32
      %run_scoped3A_618 = arith.constant 7 : i32
      "tpu.region"() ({
        %run_scoped3A_1163 = tpu.sem_alloc : memref<!tpu.dma_semaphore, #tpu.memory_space<semaphore_mem>>
        %dma_start3A_1164 = arith.constant 0 : i32
        %dma_start3A_1165 = arith.constant 0 : i32
        %dma_start3A_1166 = tpu.memref_slice %arg8[%run_scoped3A_617, %dma_start3A_1164, %dma_start3A_1165] : memref<3x80x128xf32, #tpu.memory_space<vmem>> -> memref<1x80x128xf32, #tpu.memory_space<vmem>>
        %dma_start3A_1167 = tpu.memref_squeeze %dma_start3A_1166 : memref<1x80x128xf32, #tpu.memory_space<vmem>> -> memref<80x128xf32, #tpu.memory_space<vmem>>
        %dma_start3A_1168 = arith.constant 0 : i32
        %dma_start3A_1169 = tpu.memref_slice %arg7[%run_scoped3A_618, %dma_start3A_1168] : memref<25x80xi32, #tpu.memory_space<vmem>> -> memref<1x80xi32, #tpu.memory_space<vmem>>
        %dma_start3A_1170 = tpu.memref_squeeze %dma_start3A_1169 : memref<1x80xi32, #tpu.memory_space<vmem>> -> memref<80xi32, #tpu.memory_space<vmem>>
        %dma_start3A_1171 = arith.constant 0 : i32
        %dma_start3A_1172 = arith.constant 0 : i32
        %dma_start3A_1173 = tpu.memref_slice %arg10[%dma_start3A_1171, %dma_start3A_1172] : memref<10240x128xf32, #tpu.memory_space<vmem_shared>> -> memref<10240x128xf32, #tpu.memory_space<vmem_shared>>
        tpu.enqueue_indirect_dma source(%dma_start3A_1167 : memref<80x128xf32, #tpu.memory_space<vmem>>) target(%dma_start3A_1173 : memref<10240x128xf32, #tpu.memory_space<vmem_shared>>) offsets(%dma_start3A_1170 : memref<80xi32, #tpu.memory_space<vmem>>) semaphore(%run_scoped3A_1163 : memref<!tpu.dma_semaphore, #tpu.memory_space<semaphore_mem>>) {add = true}
        %dma_wait3A_1174 = arith.constant 0 : i32
        %dma_wait3A_1175 = arith.constant 0 : i32
        %dma_wait3A_1176 = tpu.memref_slice %arg8[%run_scoped3A_617, %dma_wait3A_1174, %dma_wait3A_1175] : memref<3x80x128xf32, #tpu.memory_space<vmem>> -> memref<1x80x128xf32, #tpu.memory_space<vmem>>
        %dma_wait3A_1177 = tpu.memref_squeeze %dma_wait3A_1176 : memref<1x80x128xf32, #tpu.memory_space<vmem>> -> memref<80x128xf32, #tpu.memory_space<vmem>>
        %dma_wait3A_1178 = arith.constant 0 : i32
        %dma_wait3A_1179 = tpu.memref_slice %arg7[%run_scoped3A_618, %dma_wait3A_1178] : memref<25x80xi32, #tpu.memory_space<vmem>> -> memref<1x80xi32, #tpu.memory_space<vmem>>
        %dma_wait3A_1180 = tpu.memref_squeeze %dma_wait3A_1179 : memref<1x80xi32, #tpu.memory_space<vmem>> -> memref<80xi32, #tpu.memory_space<vmem>>
        %dma_wait3A_1181 = arith.constant 0 : i32
        %dma_wait3A_1182 = arith.constant 0 : i32
        %dma_wait3A_1183 = tpu.memref_slice %arg10[%dma_wait3A_1181, %dma_wait3A_1182] : memref<10240x128xf32, #tpu.memory_space<vmem_shared>> -> memref<10240x128xf32, #tpu.memory_space<vmem_shared>>
        tpu.wait_indirect_dma semaphore(%run_scoped3A_1163 : memref<!tpu.dma_semaphore, #tpu.memory_space<semaphore_mem>>) src(%dma_wait3A_1177 : memref<80x128xf32, #tpu.memory_space<vmem>>) dst(%dma_wait3A_1183 : memref<10240x128xf32, #tpu.memory_space<vmem_shared>>)
        tpu.yield
      }) : () -> ()
      %dma_start3A_619 = arith.constant 7 : i32
      %dma_start3A_620 = arith.constant 0 : i32
      %dma_start3A_621 = tpu.memref_slice %arg7[%dma_start3A_619, %dma_start3A_620] : memref<25x80xi32, #tpu.memory_space<vmem>> -> memref<1x80xi32, #tpu.memory_space<vmem>>
      %dma_start3A_622 = tpu.memref_squeeze %dma_start3A_621 : memref<1x80xi32, #tpu.memory_space<vmem>> -> memref<80xi32, #tpu.memory_space<vmem>>
      %dma_start3A_623 = arith.constant 0 : i32
      %dma_start3A_624 = arith.constant 0 : i32
      %dma_start3A_625 = tpu.memref_slice %arg11[%dma_start3A_623, %dma_start3A_624] : memref<10240x16xf32, #tpu.memory_space<vmem_shared>> -> memref<10240x16xf32, #tpu.memory_space<vmem_shared>>
      tpu.enqueue_indirect_dma source(%arg9 : memref<80x16xf32, #tpu.memory_space<vmem>>) target(%dma_start3A_625 : memref<10240x16xf32, #tpu.memory_space<vmem_shared>>) offsets(%dma_start3A_622 : memref<80xi32, #tpu.memory_space<vmem>>) semaphore(%arg15 : memref<!tpu.dma_semaphore, #tpu.memory_space<semaphore_mem>>) {add = true}
      %dma_start3A_626 = arith.constant 10 : i32
      %dma_start3A_627 = arith.constant 1 : i32
      %dma_start3A_628 = arith.constant 0 : i32
      %dma_start3A_629 = arith.constant 0 : i32
      %dma_start3A_630 = tpu.memref_slice %arg8[%dma_start3A_627, %dma_start3A_628, %dma_start3A_629] : memref<3x80x128xf32, #tpu.memory_space<vmem>> -> memref<1x80x128xf32, #tpu.memory_space<vmem>>
      %dma_start3A_631 = tpu.memref_squeeze %dma_start3A_630 : memref<1x80x128xf32, #tpu.memory_space<vmem>> -> memref<80x128xf32, #tpu.memory_space<vmem>>
      %dma_start3A_632 = arith.constant 0 : i32
      %dma_start3A_633 = tpu.memref_slice %arg6[%dma_start3A_626, %dma_start3A_632] : memref<25x80xi32, #tpu.memory_space<vmem>> -> memref<1x80xi32, #tpu.memory_space<vmem>>
      %dma_start3A_634 = tpu.memref_squeeze %dma_start3A_633 : memref<1x80xi32, #tpu.memory_space<vmem>> -> memref<80xi32, #tpu.memory_space<vmem>>
      %dma_start3A_635 = arith.constant 0 : i32
      %dma_start3A_636 = arith.constant 0 : i32
      %dma_start3A_637 = tpu.memref_slice %arg2[%dma_start3A_635, %dma_start3A_636] : memref<10000x128xf32, #tpu.memory_space<hbm>> -> memref<10000x128xf32, #tpu.memory_space<hbm>>
      tpu.enqueue_indirect_dma source(%dma_start3A_637 : memref<10000x128xf32, #tpu.memory_space<hbm>>) target(%dma_start3A_631 : memref<80x128xf32, #tpu.memory_space<vmem>>) offsets(%dma_start3A_634 : memref<80xi32, #tpu.memory_space<vmem>>) semaphore(%arg13 : memref<!tpu.dma_semaphore, #tpu.memory_space<semaphore_mem>>)
      %dma_wait3A_638 = arith.constant 0 : i32
      %dma_wait3A_639 = arith.constant 2 : i32
      %dma_wait3A_640 = arith.constant 0 : i32
      %dma_wait3A_641 = arith.constant 0 : i32
      %dma_wait3A_642 = tpu.memref_slice %arg8[%dma_wait3A_639, %dma_wait3A_640, %dma_wait3A_641] : memref<3x80x128xf32, #tpu.memory_space<vmem>> -> memref<1x80x128xf32, #tpu.memory_space<vmem>>
      %dma_wait3A_643 = tpu.memref_squeeze %dma_wait3A_642 : memref<1x80x128xf32, #tpu.memory_space<vmem>> -> memref<80x128xf32, #tpu.memory_space<vmem>>
      %dma_wait3A_644 = arith.constant 0 : i32
      %dma_wait3A_645 = tpu.memref_slice %arg6[%dma_wait3A_638, %dma_wait3A_644] : memref<25x80xi32, #tpu.memory_space<vmem>> -> memref<1x80xi32, #tpu.memory_space<vmem>>
      %dma_wait3A_646 = tpu.memref_squeeze %dma_wait3A_645 : memref<1x80xi32, #tpu.memory_space<vmem>> -> memref<80xi32, #tpu.memory_space<vmem>>
      %dma_wait3A_647 = arith.constant 0 : i32
      %dma_wait3A_648 = arith.constant 0 : i32
      %dma_wait3A_649 = tpu.memref_slice %arg2[%dma_wait3A_647, %dma_wait3A_648] : memref<10000x128xf32, #tpu.memory_space<hbm>> -> memref<10000x128xf32, #tpu.memory_space<hbm>>
      tpu.wait_indirect_dma semaphore(%arg14 : memref<!tpu.dma_semaphore, #tpu.memory_space<semaphore_mem>>) src(%dma_wait3A_649 : memref<10000x128xf32, #tpu.memory_space<hbm>>) dst(%dma_wait3A_643 : memref<80x128xf32, #tpu.memory_space<vmem>>)
      %run_scoped3A_650 = arith.constant 2 : i32
      %run_scoped3A_651 = arith.constant 8 : i32
      "tpu.region"() ({
        %run_scoped3A_1163 = tpu.sem_alloc : memref<!tpu.dma_semaphore, #tpu.memory_space<semaphore_mem>>
        %dma_start3A_1164 = arith.constant 0 : i32
        %dma_start3A_1165 = arith.constant 0 : i32
        %dma_start3A_1166 = tpu.memref_slice %arg8[%run_scoped3A_650, %dma_start3A_1164, %dma_start3A_1165] : memref<3x80x128xf32, #tpu.memory_space<vmem>> -> memref<1x80x128xf32, #tpu.memory_space<vmem>>
        %dma_start3A_1167 = tpu.memref_squeeze %dma_start3A_1166 : memref<1x80x128xf32, #tpu.memory_space<vmem>> -> memref<80x128xf32, #tpu.memory_space<vmem>>
        %dma_start3A_1168 = arith.constant 0 : i32
        %dma_start3A_1169 = tpu.memref_slice %arg7[%run_scoped3A_651, %dma_start3A_1168] : memref<25x80xi32, #tpu.memory_space<vmem>> -> memref<1x80xi32, #tpu.memory_space<vmem>>
        %dma_start3A_1170 = tpu.memref_squeeze %dma_start3A_1169 : memref<1x80xi32, #tpu.memory_space<vmem>> -> memref<80xi32, #tpu.memory_space<vmem>>
        %dma_start3A_1171 = arith.constant 0 : i32
        %dma_start3A_1172 = arith.constant 0 : i32
        %dma_start3A_1173 = tpu.memref_slice %arg10[%dma_start3A_1171, %dma_start3A_1172] : memref<10240x128xf32, #tpu.memory_space<vmem_shared>> -> memref<10240x128xf32, #tpu.memory_space<vmem_shared>>
        tpu.enqueue_indirect_dma source(%dma_start3A_1167 : memref<80x128xf32, #tpu.memory_space<vmem>>) target(%dma_start3A_1173 : memref<10240x128xf32, #tpu.memory_space<vmem_shared>>) offsets(%dma_start3A_1170 : memref<80xi32, #tpu.memory_space<vmem>>) semaphore(%run_scoped3A_1163 : memref<!tpu.dma_semaphore, #tpu.memory_space<semaphore_mem>>) {add = true}
        %dma_wait3A_1174 = arith.constant 0 : i32
        %dma_wait3A_1175 = arith.constant 0 : i32
        %dma_wait3A_1176 = tpu.memref_slice %arg8[%run_scoped3A_650, %dma_wait3A_1174, %dma_wait3A_1175] : memref<3x80x128xf32, #tpu.memory_space<vmem>> -> memref<1x80x128xf32, #tpu.memory_space<vmem>>
        %dma_wait3A_1177 = tpu.memref_squeeze %dma_wait3A_1176 : memref<1x80x128xf32, #tpu.memory_space<vmem>> -> memref<80x128xf32, #tpu.memory_space<vmem>>
        %dma_wait3A_1178 = arith.constant 0 : i32
        %dma_wait3A_1179 = tpu.memref_slice %arg7[%run_scoped3A_651, %dma_wait3A_1178] : memref<25x80xi32, #tpu.memory_space<vmem>> -> memref<1x80xi32, #tpu.memory_space<vmem>>
        %dma_wait3A_1180 = tpu.memref_squeeze %dma_wait3A_1179 : memref<1x80xi32, #tpu.memory_space<vmem>> -> memref<80xi32, #tpu.memory_space<vmem>>
        %dma_wait3A_1181 = arith.constant 0 : i32
        %dma_wait3A_1182 = arith.constant 0 : i32
        %dma_wait3A_1183 = tpu.memref_slice %arg10[%dma_wait3A_1181, %dma_wait3A_1182] : memref<10240x128xf32, #tpu.memory_space<vmem_shared>> -> memref<10240x128xf32, #tpu.memory_space<vmem_shared>>
        tpu.wait_indirect_dma semaphore(%run_scoped3A_1163 : memref<!tpu.dma_semaphore, #tpu.memory_space<semaphore_mem>>) src(%dma_wait3A_1177 : memref<80x128xf32, #tpu.memory_space<vmem>>) dst(%dma_wait3A_1183 : memref<10240x128xf32, #tpu.memory_space<vmem_shared>>)
        tpu.yield
      }) : () -> ()
      %dma_start3A_652 = arith.constant 8 : i32
      %dma_start3A_653 = arith.constant 0 : i32
      %dma_start3A_654 = tpu.memref_slice %arg7[%dma_start3A_652, %dma_start3A_653] : memref<25x80xi32, #tpu.memory_space<vmem>> -> memref<1x80xi32, #tpu.memory_space<vmem>>
      %dma_start3A_655 = tpu.memref_squeeze %dma_start3A_654 : memref<1x80xi32, #tpu.memory_space<vmem>> -> memref<80xi32, #tpu.memory_space<vmem>>
      %dma_start3A_656 = arith.constant 0 : i32
      %dma_start3A_657 = arith.constant 0 : i32
      %dma_start3A_658 = tpu.memref_slice %arg11[%dma_start3A_656, %dma_start3A_657] : memref<10240x16xf32, #tpu.memory_space<vmem_shared>> -> memref<10240x16xf32, #tpu.memory_space<vmem_shared>>
      tpu.enqueue_indirect_dma source(%arg9 : memref<80x16xf32, #tpu.memory_space<vmem>>) target(%dma_start3A_658 : memref<10240x16xf32, #tpu.memory_space<vmem_shared>>) offsets(%dma_start3A_655 : memref<80xi32, #tpu.memory_space<vmem>>) semaphore(%arg15 : memref<!tpu.dma_semaphore, #tpu.memory_space<semaphore_mem>>) {add = true}
      %dma_start3A_659 = arith.constant 11 : i32
      %dma_start3A_660 = arith.constant 2 : i32
      %dma_start3A_661 = arith.constant 0 : i32
      %dma_start3A_662 = arith.constant 0 : i32
      %dma_start3A_663 = tpu.memref_slice %arg8[%dma_start3A_660, %dma_start3A_661, %dma_start3A_662] : memref<3x80x128xf32, #tpu.memory_space<vmem>> -> memref<1x80x128xf32, #tpu.memory_space<vmem>>
      %dma_start3A_664 = tpu.memref_squeeze %dma_start3A_663 : memref<1x80x128xf32, #tpu.memory_space<vmem>> -> memref<80x128xf32, #tpu.memory_space<vmem>>
      %dma_start3A_665 = arith.constant 0 : i32
      %dma_start3A_666 = tpu.memref_slice %arg6[%dma_start3A_659, %dma_start3A_665] : memref<25x80xi32, #tpu.memory_space<vmem>> -> memref<1x80xi32, #tpu.memory_space<vmem>>
      %dma_start3A_667 = tpu.memref_squeeze %dma_start3A_666 : memref<1x80xi32, #tpu.memory_space<vmem>> -> memref<80xi32, #tpu.memory_space<vmem>>
      %dma_start3A_668 = arith.constant 0 : i32
      %dma_start3A_669 = arith.constant 0 : i32
      %dma_start3A_670 = tpu.memref_slice %arg2[%dma_start3A_668, %dma_start3A_669] : memref<10000x128xf32, #tpu.memory_space<hbm>> -> memref<10000x128xf32, #tpu.memory_space<hbm>>
      tpu.enqueue_indirect_dma source(%dma_start3A_670 : memref<10000x128xf32, #tpu.memory_space<hbm>>) target(%dma_start3A_664 : memref<80x128xf32, #tpu.memory_space<vmem>>) offsets(%dma_start3A_667 : memref<80xi32, #tpu.memory_space<vmem>>) semaphore(%arg14 : memref<!tpu.dma_semaphore, #tpu.memory_space<semaphore_mem>>)
      %dma_wait3A_671 = arith.constant 0 : i32
      %dma_wait3A_672 = arith.constant 0 : i32
      %dma_wait3A_673 = arith.constant 0 : i32
      %dma_wait3A_674 = arith.constant 0 : i32
      %dma_wait3A_675 = tpu.memref_slice %arg8[%dma_wait3A_672, %dma_wait3A_673, %dma_wait3A_674] : memref<3x80x128xf32, #tpu.memory_space<vmem>> -> memref<1x80x128xf32, #tpu.memory_space<vmem>>
      %dma_wait3A_676 = tpu.memref_squeeze %dma_wait3A_675 : memref<1x80x128xf32, #tpu.memory_space<vmem>> -> memref<80x128xf32, #tpu.memory_space<vmem>>
      %dma_wait3A_677 = arith.constant 0 : i32
      %dma_wait3A_678 = tpu.memref_slice %arg6[%dma_wait3A_671, %dma_wait3A_677] : memref<25x80xi32, #tpu.memory_space<vmem>> -> memref<1x80xi32, #tpu.memory_space<vmem>>
      %dma_wait3A_679 = tpu.memref_squeeze %dma_wait3A_678 : memref<1x80xi32, #tpu.memory_space<vmem>> -> memref<80xi32, #tpu.memory_space<vmem>>
      %dma_wait3A_680 = arith.constant 0 : i32
      %dma_wait3A_681 = arith.constant 0 : i32
      %dma_wait3A_682 = tpu.memref_slice %arg2[%dma_wait3A_680, %dma_wait3A_681] : memref<10000x128xf32, #tpu.memory_space<hbm>> -> memref<10000x128xf32, #tpu.memory_space<hbm>>
      tpu.wait_indirect_dma semaphore(%arg12 : memref<!tpu.dma_semaphore, #tpu.memory_space<semaphore_mem>>) src(%dma_wait3A_682 : memref<10000x128xf32, #tpu.memory_space<hbm>>) dst(%dma_wait3A_676 : memref<80x128xf32, #tpu.memory_space<vmem>>)
      %run_scoped3A_683 = arith.constant 0 : i32
      %run_scoped3A_684 = arith.constant 9 : i32
      "tpu.region"() ({
        %run_scoped3A_1163 = tpu.sem_alloc : memref<!tpu.dma_semaphore, #tpu.memory_space<semaphore_mem>>
        %dma_start3A_1164 = arith.constant 0 : i32
        %dma_start3A_1165 = arith.constant 0 : i32
        %dma_start3A_1166 = tpu.memref_slice %arg8[%run_scoped3A_683, %dma_start3A_1164, %dma_start3A_1165] : memref<3x80x128xf32, #tpu.memory_space<vmem>> -> memref<1x80x128xf32, #tpu.memory_space<vmem>>
        %dma_start3A_1167 = tpu.memref_squeeze %dma_start3A_1166 : memref<1x80x128xf32, #tpu.memory_space<vmem>> -> memref<80x128xf32, #tpu.memory_space<vmem>>
        %dma_start3A_1168 = arith.constant 0 : i32
        %dma_start3A_1169 = tpu.memref_slice %arg7[%run_scoped3A_684, %dma_start3A_1168] : memref<25x80xi32, #tpu.memory_space<vmem>> -> memref<1x80xi32, #tpu.memory_space<vmem>>
        %dma_start3A_1170 = tpu.memref_squeeze %dma_start3A_1169 : memref<1x80xi32, #tpu.memory_space<vmem>> -> memref<80xi32, #tpu.memory_space<vmem>>
        %dma_start3A_1171 = arith.constant 0 : i32
        %dma_start3A_1172 = arith.constant 0 : i32
        %dma_start3A_1173 = tpu.memref_slice %arg10[%dma_start3A_1171, %dma_start3A_1172] : memref<10240x128xf32, #tpu.memory_space<vmem_shared>> -> memref<10240x128xf32, #tpu.memory_space<vmem_shared>>
        tpu.enqueue_indirect_dma source(%dma_start3A_1167 : memref<80x128xf32, #tpu.memory_space<vmem>>) target(%dma_start3A_1173 : memref<10240x128xf32, #tpu.memory_space<vmem_shared>>) offsets(%dma_start3A_1170 : memref<80xi32, #tpu.memory_space<vmem>>) semaphore(%run_scoped3A_1163 : memref<!tpu.dma_semaphore, #tpu.memory_space<semaphore_mem>>) {add = true}
        %dma_wait3A_1174 = arith.constant 0 : i32
        %dma_wait3A_1175 = arith.constant 0 : i32
        %dma_wait3A_1176 = tpu.memref_slice %arg8[%run_scoped3A_683, %dma_wait3A_1174, %dma_wait3A_1175] : memref<3x80x128xf32, #tpu.memory_space<vmem>> -> memref<1x80x128xf32, #tpu.memory_space<vmem>>
        %dma_wait3A_1177 = tpu.memref_squeeze %dma_wait3A_1176 : memref<1x80x128xf32, #tpu.memory_space<vmem>> -> memref<80x128xf32, #tpu.memory_space<vmem>>
        %dma_wait3A_1178 = arith.constant 0 : i32
        %dma_wait3A_1179 = tpu.memref_slice %arg7[%run_scoped3A_684, %dma_wait3A_1178] : memref<25x80xi32, #tpu.memory_space<vmem>> -> memref<1x80xi32, #tpu.memory_space<vmem>>
        %dma_wait3A_1180 = tpu.memref_squeeze %dma_wait3A_1179 : memref<1x80xi32, #tpu.memory_space<vmem>> -> memref<80xi32, #tpu.memory_space<vmem>>
        %dma_wait3A_1181 = arith.constant 0 : i32
        %dma_wait3A_1182 = arith.constant 0 : i32
        %dma_wait3A_1183 = tpu.memref_slice %arg10[%dma_wait3A_1181, %dma_wait3A_1182] : memref<10240x128xf32, #tpu.memory_space<vmem_shared>> -> memref<10240x128xf32, #tpu.memory_space<vmem_shared>>
        tpu.wait_indirect_dma semaphore(%run_scoped3A_1163 : memref<!tpu.dma_semaphore, #tpu.memory_space<semaphore_mem>>) src(%dma_wait3A_1177 : memref<80x128xf32, #tpu.memory_space<vmem>>) dst(%dma_wait3A_1183 : memref<10240x128xf32, #tpu.memory_space<vmem_shared>>)
        tpu.yield
      }) : () -> ()
      %dma_start3A_685 = arith.constant 9 : i32
      %dma_start3A_686 = arith.constant 0 : i32
      %dma_start3A_687 = tpu.memref_slice %arg7[%dma_start3A_685, %dma_start3A_686] : memref<25x80xi32, #tpu.memory_space<vmem>> -> memref<1x80xi32, #tpu.memory_space<vmem>>
      %dma_start3A_688 = tpu.memref_squeeze %dma_start3A_687 : memref<1x80xi32, #tpu.memory_space<vmem>> -> memref<80xi32, #tpu.memory_space<vmem>>
      %dma_start3A_689 = arith.constant 0 : i32
      %dma_start3A_690 = arith.constant 0 : i32
      %dma_start3A_691 = tpu.memref_slice %arg11[%dma_start3A_689, %dma_start3A_690] : memref<10240x16xf32, #tpu.memory_space<vmem_shared>> -> memref<10240x16xf32, #tpu.memory_space<vmem_shared>>
      tpu.enqueue_indirect_dma source(%arg9 : memref<80x16xf32, #tpu.memory_space<vmem>>) target(%dma_start3A_691 : memref<10240x16xf32, #tpu.memory_space<vmem_shared>>) offsets(%dma_start3A_688 : memref<80xi32, #tpu.memory_space<vmem>>) semaphore(%arg15 : memref<!tpu.dma_semaphore, #tpu.memory_space<semaphore_mem>>) {add = true}
      %dma_start3A_692 = arith.constant 12 : i32
      %dma_start3A_693 = arith.constant 0 : i32
      %dma_start3A_694 = arith.constant 0 : i32
      %dma_start3A_695 = arith.constant 0 : i32
      %dma_start3A_696 = tpu.memref_slice %arg8[%dma_start3A_693, %dma_start3A_694, %dma_start3A_695] : memref<3x80x128xf32, #tpu.memory_space<vmem>> -> memref<1x80x128xf32, #tpu.memory_space<vmem>>
      %dma_start3A_697 = tpu.memref_squeeze %dma_start3A_696 : memref<1x80x128xf32, #tpu.memory_space<vmem>> -> memref<80x128xf32, #tpu.memory_space<vmem>>
      %dma_start3A_698 = arith.constant 0 : i32
      %dma_start3A_699 = tpu.memref_slice %arg6[%dma_start3A_692, %dma_start3A_698] : memref<25x80xi32, #tpu.memory_space<vmem>> -> memref<1x80xi32, #tpu.memory_space<vmem>>
      %dma_start3A_700 = tpu.memref_squeeze %dma_start3A_699 : memref<1x80xi32, #tpu.memory_space<vmem>> -> memref<80xi32, #tpu.memory_space<vmem>>
      %dma_start3A_701 = arith.constant 0 : i32
      %dma_start3A_702 = arith.constant 0 : i32
      %dma_start3A_703 = tpu.memref_slice %arg2[%dma_start3A_701, %dma_start3A_702] : memref<10000x128xf32, #tpu.memory_space<hbm>> -> memref<10000x128xf32, #tpu.memory_space<hbm>>
      tpu.enqueue_indirect_dma source(%dma_start3A_703 : memref<10000x128xf32, #tpu.memory_space<hbm>>) target(%dma_start3A_697 : memref<80x128xf32, #tpu.memory_space<vmem>>) offsets(%dma_start3A_700 : memref<80xi32, #tpu.memory_space<vmem>>) semaphore(%arg12 : memref<!tpu.dma_semaphore, #tpu.memory_space<semaphore_mem>>)
      %dma_wait3A_704 = arith.constant 0 : i32
      %dma_wait3A_705 = arith.constant 1 : i32
      %dma_wait3A_706 = arith.constant 0 : i32
      %dma_wait3A_707 = arith.constant 0 : i32
      %dma_wait3A_708 = tpu.memref_slice %arg8[%dma_wait3A_705, %dma_wait3A_706, %dma_wait3A_707] : memref<3x80x128xf32, #tpu.memory_space<vmem>> -> memref<1x80x128xf32, #tpu.memory_space<vmem>>
      %dma_wait3A_709 = tpu.memref_squeeze %dma_wait3A_708 : memref<1x80x128xf32, #tpu.memory_space<vmem>> -> memref<80x128xf32, #tpu.memory_space<vmem>>
      %dma_wait3A_710 = arith.constant 0 : i32
      %dma_wait3A_711 = tpu.memref_slice %arg6[%dma_wait3A_704, %dma_wait3A_710] : memref<25x80xi32, #tpu.memory_space<vmem>> -> memref<1x80xi32, #tpu.memory_space<vmem>>
      %dma_wait3A_712 = tpu.memref_squeeze %dma_wait3A_711 : memref<1x80xi32, #tpu.memory_space<vmem>> -> memref<80xi32, #tpu.memory_space<vmem>>
      %dma_wait3A_713 = arith.constant 0 : i32
      %dma_wait3A_714 = arith.constant 0 : i32
      %dma_wait3A_715 = tpu.memref_slice %arg2[%dma_wait3A_713, %dma_wait3A_714] : memref<10000x128xf32, #tpu.memory_space<hbm>> -> memref<10000x128xf32, #tpu.memory_space<hbm>>
      tpu.wait_indirect_dma semaphore(%arg13 : memref<!tpu.dma_semaphore, #tpu.memory_space<semaphore_mem>>) src(%dma_wait3A_715 : memref<10000x128xf32, #tpu.memory_space<hbm>>) dst(%dma_wait3A_709 : memref<80x128xf32, #tpu.memory_space<vmem>>)
      %run_scoped3A_716 = arith.constant 1 : i32
      %run_scoped3A_717 = arith.constant 10 : i32
      "tpu.region"() ({
        %run_scoped3A_1163 = tpu.sem_alloc : memref<!tpu.dma_semaphore, #tpu.memory_space<semaphore_mem>>
        %dma_start3A_1164 = arith.constant 0 : i32
        %dma_start3A_1165 = arith.constant 0 : i32
        %dma_start3A_1166 = tpu.memref_slice %arg8[%run_scoped3A_716, %dma_start3A_1164, %dma_start3A_1165] : memref<3x80x128xf32, #tpu.memory_space<vmem>> -> memref<1x80x128xf32, #tpu.memory_space<vmem>>
        %dma_start3A_1167 = tpu.memref_squeeze %dma_start3A_1166 : memref<1x80x128xf32, #tpu.memory_space<vmem>> -> memref<80x128xf32, #tpu.memory_space<vmem>>
        %dma_start3A_1168 = arith.constant 0 : i32
        %dma_start3A_1169 = tpu.memref_slice %arg7[%run_scoped3A_717, %dma_start3A_1168] : memref<25x80xi32, #tpu.memory_space<vmem>> -> memref<1x80xi32, #tpu.memory_space<vmem>>
        %dma_start3A_1170 = tpu.memref_squeeze %dma_start3A_1169 : memref<1x80xi32, #tpu.memory_space<vmem>> -> memref<80xi32, #tpu.memory_space<vmem>>
        %dma_start3A_1171 = arith.constant 0 : i32
        %dma_start3A_1172 = arith.constant 0 : i32
        %dma_start3A_1173 = tpu.memref_slice %arg10[%dma_start3A_1171, %dma_start3A_1172] : memref<10240x128xf32, #tpu.memory_space<vmem_shared>> -> memref<10240x128xf32, #tpu.memory_space<vmem_shared>>
        tpu.enqueue_indirect_dma source(%dma_start3A_1167 : memref<80x128xf32, #tpu.memory_space<vmem>>) target(%dma_start3A_1173 : memref<10240x128xf32, #tpu.memory_space<vmem_shared>>) offsets(%dma_start3A_1170 : memref<80xi32, #tpu.memory_space<vmem>>) semaphore(%run_scoped3A_1163 : memref<!tpu.dma_semaphore, #tpu.memory_space<semaphore_mem>>) {add = true}
        %dma_wait3A_1174 = arith.constant 0 : i32
        %dma_wait3A_1175 = arith.constant 0 : i32
        %dma_wait3A_1176 = tpu.memref_slice %arg8[%run_scoped3A_716, %dma_wait3A_1174, %dma_wait3A_1175] : memref<3x80x128xf32, #tpu.memory_space<vmem>> -> memref<1x80x128xf32, #tpu.memory_space<vmem>>
        %dma_wait3A_1177 = tpu.memref_squeeze %dma_wait3A_1176 : memref<1x80x128xf32, #tpu.memory_space<vmem>> -> memref<80x128xf32, #tpu.memory_space<vmem>>
        %dma_wait3A_1178 = arith.constant 0 : i32
        %dma_wait3A_1179 = tpu.memref_slice %arg7[%run_scoped3A_717, %dma_wait3A_1178] : memref<25x80xi32, #tpu.memory_space<vmem>> -> memref<1x80xi32, #tpu.memory_space<vmem>>
        %dma_wait3A_1180 = tpu.memref_squeeze %dma_wait3A_1179 : memref<1x80xi32, #tpu.memory_space<vmem>> -> memref<80xi32, #tpu.memory_space<vmem>>
        %dma_wait3A_1181 = arith.constant 0 : i32
        %dma_wait3A_1182 = arith.constant 0 : i32
        %dma_wait3A_1183 = tpu.memref_slice %arg10[%dma_wait3A_1181, %dma_wait3A_1182] : memref<10240x128xf32, #tpu.memory_space<vmem_shared>> -> memref<10240x128xf32, #tpu.memory_space<vmem_shared>>
        tpu.wait_indirect_dma semaphore(%run_scoped3A_1163 : memref<!tpu.dma_semaphore, #tpu.memory_space<semaphore_mem>>) src(%dma_wait3A_1177 : memref<80x128xf32, #tpu.memory_space<vmem>>) dst(%dma_wait3A_1183 : memref<10240x128xf32, #tpu.memory_space<vmem_shared>>)
        tpu.yield
      }) : () -> ()
      %dma_start3A_718 = arith.constant 10 : i32
      %dma_start3A_719 = arith.constant 0 : i32
      %dma_start3A_720 = tpu.memref_slice %arg7[%dma_start3A_718, %dma_start3A_719] : memref<25x80xi32, #tpu.memory_space<vmem>> -> memref<1x80xi32, #tpu.memory_space<vmem>>
      %dma_start3A_721 = tpu.memref_squeeze %dma_start3A_720 : memref<1x80xi32, #tpu.memory_space<vmem>> -> memref<80xi32, #tpu.memory_space<vmem>>
      %dma_start3A_722 = arith.constant 0 : i32
      %dma_start3A_723 = arith.constant 0 : i32
      %dma_start3A_724 = tpu.memref_slice %arg11[%dma_start3A_722, %dma_start3A_723] : memref<10240x16xf32, #tpu.memory_space<vmem_shared>> -> memref<10240x16xf32, #tpu.memory_space<vmem_shared>>
      tpu.enqueue_indirect_dma source(%arg9 : memref<80x16xf32, #tpu.memory_space<vmem>>) target(%dma_start3A_724 : memref<10240x16xf32, #tpu.memory_space<vmem_shared>>) offsets(%dma_start3A_721 : memref<80xi32, #tpu.memory_space<vmem>>) semaphore(%arg15 : memref<!tpu.dma_semaphore, #tpu.memory_space<semaphore_mem>>) {add = true}
      %dma_start3A_725 = arith.constant 13 : i32
      %dma_start3A_726 = arith.constant 1 : i32
      %dma_start3A_727 = arith.constant 0 : i32
      %dma_start3A_728 = arith.constant 0 : i32
      %dma_start3A_729 = tpu.memref_slice %arg8[%dma_start3A_726, %dma_start3A_727, %dma_start3A_728] : memref<3x80x128xf32, #tpu.memory_space<vmem>> -> memref<1x80x128xf32, #tpu.memory_space<vmem>>
      %dma_start3A_730 = tpu.memref_squeeze %dma_start3A_729 : memref<1x80x128xf32, #tpu.memory_space<vmem>> -> memref<80x128xf32, #tpu.memory_space<vmem>>
      %dma_start3A_731 = arith.constant 0 : i32
      %dma_start3A_732 = tpu.memref_slice %arg6[%dma_start3A_725, %dma_start3A_731] : memref<25x80xi32, #tpu.memory_space<vmem>> -> memref<1x80xi32, #tpu.memory_space<vmem>>
      %dma_start3A_733 = tpu.memref_squeeze %dma_start3A_732 : memref<1x80xi32, #tpu.memory_space<vmem>> -> memref<80xi32, #tpu.memory_space<vmem>>
      %dma_start3A_734 = arith.constant 0 : i32
      %dma_start3A_735 = arith.constant 0 : i32
      %dma_start3A_736 = tpu.memref_slice %arg2[%dma_start3A_734, %dma_start3A_735] : memref<10000x128xf32, #tpu.memory_space<hbm>> -> memref<10000x128xf32, #tpu.memory_space<hbm>>
      tpu.enqueue_indirect_dma source(%dma_start3A_736 : memref<10000x128xf32, #tpu.memory_space<hbm>>) target(%dma_start3A_730 : memref<80x128xf32, #tpu.memory_space<vmem>>) offsets(%dma_start3A_733 : memref<80xi32, #tpu.memory_space<vmem>>) semaphore(%arg13 : memref<!tpu.dma_semaphore, #tpu.memory_space<semaphore_mem>>)
      %dma_wait3A_737 = arith.constant 0 : i32
      %dma_wait3A_738 = arith.constant 2 : i32
      %dma_wait3A_739 = arith.constant 0 : i32
      %dma_wait3A_740 = arith.constant 0 : i32
      %dma_wait3A_741 = tpu.memref_slice %arg8[%dma_wait3A_738, %dma_wait3A_739, %dma_wait3A_740] : memref<3x80x128xf32, #tpu.memory_space<vmem>> -> memref<1x80x128xf32, #tpu.memory_space<vmem>>
      %dma_wait3A_742 = tpu.memref_squeeze %dma_wait3A_741 : memref<1x80x128xf32, #tpu.memory_space<vmem>> -> memref<80x128xf32, #tpu.memory_space<vmem>>
      %dma_wait3A_743 = arith.constant 0 : i32
      %dma_wait3A_744 = tpu.memref_slice %arg6[%dma_wait3A_737, %dma_wait3A_743] : memref<25x80xi32, #tpu.memory_space<vmem>> -> memref<1x80xi32, #tpu.memory_space<vmem>>
      %dma_wait3A_745 = tpu.memref_squeeze %dma_wait3A_744 : memref<1x80xi32, #tpu.memory_space<vmem>> -> memref<80xi32, #tpu.memory_space<vmem>>
      %dma_wait3A_746 = arith.constant 0 : i32
      %dma_wait3A_747 = arith.constant 0 : i32
      %dma_wait3A_748 = tpu.memref_slice %arg2[%dma_wait3A_746, %dma_wait3A_747] : memref<10000x128xf32, #tpu.memory_space<hbm>> -> memref<10000x128xf32, #tpu.memory_space<hbm>>
      tpu.wait_indirect_dma semaphore(%arg14 : memref<!tpu.dma_semaphore, #tpu.memory_space<semaphore_mem>>) src(%dma_wait3A_748 : memref<10000x128xf32, #tpu.memory_space<hbm>>) dst(%dma_wait3A_742 : memref<80x128xf32, #tpu.memory_space<vmem>>)
      %run_scoped3A_749 = arith.constant 2 : i32
      %run_scoped3A_750 = arith.constant 11 : i32
      "tpu.region"() ({
        %run_scoped3A_1163 = tpu.sem_alloc : memref<!tpu.dma_semaphore, #tpu.memory_space<semaphore_mem>>
        %dma_start3A_1164 = arith.constant 0 : i32
        %dma_start3A_1165 = arith.constant 0 : i32
        %dma_start3A_1166 = tpu.memref_slice %arg8[%run_scoped3A_749, %dma_start3A_1164, %dma_start3A_1165] : memref<3x80x128xf32, #tpu.memory_space<vmem>> -> memref<1x80x128xf32, #tpu.memory_space<vmem>>
        %dma_start3A_1167 = tpu.memref_squeeze %dma_start3A_1166 : memref<1x80x128xf32, #tpu.memory_space<vmem>> -> memref<80x128xf32, #tpu.memory_space<vmem>>
        %dma_start3A_1168 = arith.constant 0 : i32
        %dma_start3A_1169 = tpu.memref_slice %arg7[%run_scoped3A_750, %dma_start3A_1168] : memref<25x80xi32, #tpu.memory_space<vmem>> -> memref<1x80xi32, #tpu.memory_space<vmem>>
        %dma_start3A_1170 = tpu.memref_squeeze %dma_start3A_1169 : memref<1x80xi32, #tpu.memory_space<vmem>> -> memref<80xi32, #tpu.memory_space<vmem>>
        %dma_start3A_1171 = arith.constant 0 : i32
        %dma_start3A_1172 = arith.constant 0 : i32
        %dma_start3A_1173 = tpu.memref_slice %arg10[%dma_start3A_1171, %dma_start3A_1172] : memref<10240x128xf32, #tpu.memory_space<vmem_shared>> -> memref<10240x128xf32, #tpu.memory_space<vmem_shared>>
        tpu.enqueue_indirect_dma source(%dma_start3A_1167 : memref<80x128xf32, #tpu.memory_space<vmem>>) target(%dma_start3A_1173 : memref<10240x128xf32, #tpu.memory_space<vmem_shared>>) offsets(%dma_start3A_1170 : memref<80xi32, #tpu.memory_space<vmem>>) semaphore(%run_scoped3A_1163 : memref<!tpu.dma_semaphore, #tpu.memory_space<semaphore_mem>>) {add = true}
        %dma_wait3A_1174 = arith.constant 0 : i32
        %dma_wait3A_1175 = arith.constant 0 : i32
        %dma_wait3A_1176 = tpu.memref_slice %arg8[%run_scoped3A_749, %dma_wait3A_1174, %dma_wait3A_1175] : memref<3x80x128xf32, #tpu.memory_space<vmem>> -> memref<1x80x128xf32, #tpu.memory_space<vmem>>
        %dma_wait3A_1177 = tpu.memref_squeeze %dma_wait3A_1176 : memref<1x80x128xf32, #tpu.memory_space<vmem>> -> memref<80x128xf32, #tpu.memory_space<vmem>>
        %dma_wait3A_1178 = arith.constant 0 : i32
        %dma_wait3A_1179 = tpu.memref_slice %arg7[%run_scoped3A_750, %dma_wait3A_1178] : memref<25x80xi32, #tpu.memory_space<vmem>> -> memref<1x80xi32, #tpu.memory_space<vmem>>
        %dma_wait3A_1180 = tpu.memref_squeeze %dma_wait3A_1179 : memref<1x80xi32, #tpu.memory_space<vmem>> -> memref<80xi32, #tpu.memory_space<vmem>>
        %dma_wait3A_1181 = arith.constant 0 : i32
        %dma_wait3A_1182 = arith.constant 0 : i32
        %dma_wait3A_1183 = tpu.memref_slice %arg10[%dma_wait3A_1181, %dma_wait3A_1182] : memref<10240x128xf32, #tpu.memory_space<vmem_shared>> -> memref<10240x128xf32, #tpu.memory_space<vmem_shared>>
        tpu.wait_indirect_dma semaphore(%run_scoped3A_1163 : memref<!tpu.dma_semaphore, #tpu.memory_space<semaphore_mem>>) src(%dma_wait3A_1177 : memref<80x128xf32, #tpu.memory_space<vmem>>) dst(%dma_wait3A_1183 : memref<10240x128xf32, #tpu.memory_space<vmem_shared>>)
        tpu.yield
      }) : () -> ()
      %dma_start3A_751 = arith.constant 11 : i32
      %dma_start3A_752 = arith.constant 0 : i32
      %dma_start3A_753 = tpu.memref_slice %arg7[%dma_start3A_751, %dma_start3A_752] : memref<25x80xi32, #tpu.memory_space<vmem>> -> memref<1x80xi32, #tpu.memory_space<vmem>>
      %dma_start3A_754 = tpu.memref_squeeze %dma_start3A_753 : memref<1x80xi32, #tpu.memory_space<vmem>> -> memref<80xi32, #tpu.memory_space<vmem>>
      %dma_start3A_755 = arith.constant 0 : i32
      %dma_start3A_756 = arith.constant 0 : i32
      %dma_start3A_757 = tpu.memref_slice %arg11[%dma_start3A_755, %dma_start3A_756] : memref<10240x16xf32, #tpu.memory_space<vmem_shared>> -> memref<10240x16xf32, #tpu.memory_space<vmem_shared>>
      tpu.enqueue_indirect_dma source(%arg9 : memref<80x16xf32, #tpu.memory_space<vmem>>) target(%dma_start3A_757 : memref<10240x16xf32, #tpu.memory_space<vmem_shared>>) offsets(%dma_start3A_754 : memref<80xi32, #tpu.memory_space<vmem>>) semaphore(%arg15 : memref<!tpu.dma_semaphore, #tpu.memory_space<semaphore_mem>>) {add = true}
      %dma_start3A_758 = arith.constant 14 : i32
      %dma_start3A_759 = arith.constant 2 : i32
      %dma_start3A_760 = arith.constant 0 : i32
      %dma_start3A_761 = arith.constant 0 : i32
      %dma_start3A_762 = tpu.memref_slice %arg8[%dma_start3A_759, %dma_start3A_760, %dma_start3A_761] : memref<3x80x128xf32, #tpu.memory_space<vmem>> -> memref<1x80x128xf32, #tpu.memory_space<vmem>>
      %dma_start3A_763 = tpu.memref_squeeze %dma_start3A_762 : memref<1x80x128xf32, #tpu.memory_space<vmem>> -> memref<80x128xf32, #tpu.memory_space<vmem>>
      %dma_start3A_764 = arith.constant 0 : i32
      %dma_start3A_765 = tpu.memref_slice %arg6[%dma_start3A_758, %dma_start3A_764] : memref<25x80xi32, #tpu.memory_space<vmem>> -> memref<1x80xi32, #tpu.memory_space<vmem>>
      %dma_start3A_766 = tpu.memref_squeeze %dma_start3A_765 : memref<1x80xi32, #tpu.memory_space<vmem>> -> memref<80xi32, #tpu.memory_space<vmem>>
      %dma_start3A_767 = arith.constant 0 : i32
      %dma_start3A_768 = arith.constant 0 : i32
      %dma_start3A_769 = tpu.memref_slice %arg2[%dma_start3A_767, %dma_start3A_768] : memref<10000x128xf32, #tpu.memory_space<hbm>> -> memref<10000x128xf32, #tpu.memory_space<hbm>>
      tpu.enqueue_indirect_dma source(%dma_start3A_769 : memref<10000x128xf32, #tpu.memory_space<hbm>>) target(%dma_start3A_763 : memref<80x128xf32, #tpu.memory_space<vmem>>) offsets(%dma_start3A_766 : memref<80xi32, #tpu.memory_space<vmem>>) semaphore(%arg14 : memref<!tpu.dma_semaphore, #tpu.memory_space<semaphore_mem>>)
      %dma_wait3A_770 = arith.constant 0 : i32
      %dma_wait3A_771 = arith.constant 0 : i32
      %dma_wait3A_772 = arith.constant 0 : i32
      %dma_wait3A_773 = arith.constant 0 : i32
      %dma_wait3A_774 = tpu.memref_slice %arg8[%dma_wait3A_771, %dma_wait3A_772, %dma_wait3A_773] : memref<3x80x128xf32, #tpu.memory_space<vmem>> -> memref<1x80x128xf32, #tpu.memory_space<vmem>>
      %dma_wait3A_775 = tpu.memref_squeeze %dma_wait3A_774 : memref<1x80x128xf32, #tpu.memory_space<vmem>> -> memref<80x128xf32, #tpu.memory_space<vmem>>
      %dma_wait3A_776 = arith.constant 0 : i32
      %dma_wait3A_777 = tpu.memref_slice %arg6[%dma_wait3A_770, %dma_wait3A_776] : memref<25x80xi32, #tpu.memory_space<vmem>> -> memref<1x80xi32, #tpu.memory_space<vmem>>
      %dma_wait3A_778 = tpu.memref_squeeze %dma_wait3A_777 : memref<1x80xi32, #tpu.memory_space<vmem>> -> memref<80xi32, #tpu.memory_space<vmem>>
      %dma_wait3A_779 = arith.constant 0 : i32
      %dma_wait3A_780 = arith.constant 0 : i32
      %dma_wait3A_781 = tpu.memref_slice %arg2[%dma_wait3A_779, %dma_wait3A_780] : memref<10000x128xf32, #tpu.memory_space<hbm>> -> memref<10000x128xf32, #tpu.memory_space<hbm>>
      tpu.wait_indirect_dma semaphore(%arg12 : memref<!tpu.dma_semaphore, #tpu.memory_space<semaphore_mem>>) src(%dma_wait3A_781 : memref<10000x128xf32, #tpu.memory_space<hbm>>) dst(%dma_wait3A_775 : memref<80x128xf32, #tpu.memory_space<vmem>>)
      %run_scoped3A_782 = arith.constant 0 : i32
      %run_scoped3A_783 = arith.constant 12 : i32
      "tpu.region"() ({
        %run_scoped3A_1163 = tpu.sem_alloc : memref<!tpu.dma_semaphore, #tpu.memory_space<semaphore_mem>>
        %dma_start3A_1164 = arith.constant 0 : i32
        %dma_start3A_1165 = arith.constant 0 : i32
        %dma_start3A_1166 = tpu.memref_slice %arg8[%run_scoped3A_782, %dma_start3A_1164, %dma_start3A_1165] : memref<3x80x128xf32, #tpu.memory_space<vmem>> -> memref<1x80x128xf32, #tpu.memory_space<vmem>>
        %dma_start3A_1167 = tpu.memref_squeeze %dma_start3A_1166 : memref<1x80x128xf32, #tpu.memory_space<vmem>> -> memref<80x128xf32, #tpu.memory_space<vmem>>
        %dma_start3A_1168 = arith.constant 0 : i32
        %dma_start3A_1169 = tpu.memref_slice %arg7[%run_scoped3A_783, %dma_start3A_1168] : memref<25x80xi32, #tpu.memory_space<vmem>> -> memref<1x80xi32, #tpu.memory_space<vmem>>
        %dma_start3A_1170 = tpu.memref_squeeze %dma_start3A_1169 : memref<1x80xi32, #tpu.memory_space<vmem>> -> memref<80xi32, #tpu.memory_space<vmem>>
        %dma_start3A_1171 = arith.constant 0 : i32
        %dma_start3A_1172 = arith.constant 0 : i32
        %dma_start3A_1173 = tpu.memref_slice %arg10[%dma_start3A_1171, %dma_start3A_1172] : memref<10240x128xf32, #tpu.memory_space<vmem_shared>> -> memref<10240x128xf32, #tpu.memory_space<vmem_shared>>
        tpu.enqueue_indirect_dma source(%dma_start3A_1167 : memref<80x128xf32, #tpu.memory_space<vmem>>) target(%dma_start3A_1173 : memref<10240x128xf32, #tpu.memory_space<vmem_shared>>) offsets(%dma_start3A_1170 : memref<80xi32, #tpu.memory_space<vmem>>) semaphore(%run_scoped3A_1163 : memref<!tpu.dma_semaphore, #tpu.memory_space<semaphore_mem>>) {add = true}
        %dma_wait3A_1174 = arith.constant 0 : i32
        %dma_wait3A_1175 = arith.constant 0 : i32
        %dma_wait3A_1176 = tpu.memref_slice %arg8[%run_scoped3A_782, %dma_wait3A_1174, %dma_wait3A_1175] : memref<3x80x128xf32, #tpu.memory_space<vmem>> -> memref<1x80x128xf32, #tpu.memory_space<vmem>>
        %dma_wait3A_1177 = tpu.memref_squeeze %dma_wait3A_1176 : memref<1x80x128xf32, #tpu.memory_space<vmem>> -> memref<80x128xf32, #tpu.memory_space<vmem>>
        %dma_wait3A_1178 = arith.constant 0 : i32
        %dma_wait3A_1179 = tpu.memref_slice %arg7[%run_scoped3A_783, %dma_wait3A_1178] : memref<25x80xi32, #tpu.memory_space<vmem>> -> memref<1x80xi32, #tpu.memory_space<vmem>>
        %dma_wait3A_1180 = tpu.memref_squeeze %dma_wait3A_1179 : memref<1x80xi32, #tpu.memory_space<vmem>> -> memref<80xi32, #tpu.memory_space<vmem>>
        %dma_wait3A_1181 = arith.constant 0 : i32
        %dma_wait3A_1182 = arith.constant 0 : i32
        %dma_wait3A_1183 = tpu.memref_slice %arg10[%dma_wait3A_1181, %dma_wait3A_1182] : memref<10240x128xf32, #tpu.memory_space<vmem_shared>> -> memref<10240x128xf32, #tpu.memory_space<vmem_shared>>
        tpu.wait_indirect_dma semaphore(%run_scoped3A_1163 : memref<!tpu.dma_semaphore, #tpu.memory_space<semaphore_mem>>) src(%dma_wait3A_1177 : memref<80x128xf32, #tpu.memory_space<vmem>>) dst(%dma_wait3A_1183 : memref<10240x128xf32, #tpu.memory_space<vmem_shared>>)
        tpu.yield
      }) : () -> ()
      %dma_start3A_784 = arith.constant 12 : i32
      %dma_start3A_785 = arith.constant 0 : i32
      %dma_start3A_786 = tpu.memref_slice %arg7[%dma_start3A_784, %dma_start3A_785] : memref<25x80xi32, #tpu.memory_space<vmem>> -> memref<1x80xi32, #tpu.memory_space<vmem>>
      %dma_start3A_787 = tpu.memref_squeeze %dma_start3A_786 : memref<1x80xi32, #tpu.memory_space<vmem>> -> memref<80xi32, #tpu.memory_space<vmem>>
      %dma_start3A_788 = arith.constant 0 : i32
      %dma_start3A_789 = arith.constant 0 : i32
      %dma_start3A_790 = tpu.memref_slice %arg11[%dma_start3A_788, %dma_start3A_789] : memref<10240x16xf32, #tpu.memory_space<vmem_shared>> -> memref<10240x16xf32, #tpu.memory_space<vmem_shared>>
      tpu.enqueue_indirect_dma source(%arg9 : memref<80x16xf32, #tpu.memory_space<vmem>>) target(%dma_start3A_790 : memref<10240x16xf32, #tpu.memory_space<vmem_shared>>) offsets(%dma_start3A_787 : memref<80xi32, #tpu.memory_space<vmem>>) semaphore(%arg15 : memref<!tpu.dma_semaphore, #tpu.memory_space<semaphore_mem>>) {add = true}
      %dma_start3A_791 = arith.constant 15 : i32
      %dma_start3A_792 = arith.constant 0 : i32
      %dma_start3A_793 = arith.constant 0 : i32
      %dma_start3A_794 = arith.constant 0 : i32
      %dma_start3A_795 = tpu.memref_slice %arg8[%dma_start3A_792, %dma_start3A_793, %dma_start3A_794] : memref<3x80x128xf32, #tpu.memory_space<vmem>> -> memref<1x80x128xf32, #tpu.memory_space<vmem>>
      %dma_start3A_796 = tpu.memref_squeeze %dma_start3A_795 : memref<1x80x128xf32, #tpu.memory_space<vmem>> -> memref<80x128xf32, #tpu.memory_space<vmem>>
      %dma_start3A_797 = arith.constant 0 : i32
      %dma_start3A_798 = tpu.memref_slice %arg6[%dma_start3A_791, %dma_start3A_797] : memref<25x80xi32, #tpu.memory_space<vmem>> -> memref<1x80xi32, #tpu.memory_space<vmem>>
      %dma_start3A_799 = tpu.memref_squeeze %dma_start3A_798 : memref<1x80xi32, #tpu.memory_space<vmem>> -> memref<80xi32, #tpu.memory_space<vmem>>
      %dma_start3A_800 = arith.constant 0 : i32
      %dma_start3A_801 = arith.constant 0 : i32
      %dma_start3A_802 = tpu.memref_slice %arg2[%dma_start3A_800, %dma_start3A_801] : memref<10000x128xf32, #tpu.memory_space<hbm>> -> memref<10000x128xf32, #tpu.memory_space<hbm>>
      tpu.enqueue_indirect_dma source(%dma_start3A_802 : memref<10000x128xf32, #tpu.memory_space<hbm>>) target(%dma_start3A_796 : memref<80x128xf32, #tpu.memory_space<vmem>>) offsets(%dma_start3A_799 : memref<80xi32, #tpu.memory_space<vmem>>) semaphore(%arg12 : memref<!tpu.dma_semaphore, #tpu.memory_space<semaphore_mem>>)
      %dma_wait3A_803 = arith.constant 0 : i32
      %dma_wait3A_804 = arith.constant 1 : i32
      %dma_wait3A_805 = arith.constant 0 : i32
      %dma_wait3A_806 = arith.constant 0 : i32
      %dma_wait3A_807 = tpu.memref_slice %arg8[%dma_wait3A_804, %dma_wait3A_805, %dma_wait3A_806] : memref<3x80x128xf32, #tpu.memory_space<vmem>> -> memref<1x80x128xf32, #tpu.memory_space<vmem>>
      %dma_wait3A_808 = tpu.memref_squeeze %dma_wait3A_807 : memref<1x80x128xf32, #tpu.memory_space<vmem>> -> memref<80x128xf32, #tpu.memory_space<vmem>>
      %dma_wait3A_809 = arith.constant 0 : i32
      %dma_wait3A_810 = tpu.memref_slice %arg6[%dma_wait3A_803, %dma_wait3A_809] : memref<25x80xi32, #tpu.memory_space<vmem>> -> memref<1x80xi32, #tpu.memory_space<vmem>>
      %dma_wait3A_811 = tpu.memref_squeeze %dma_wait3A_810 : memref<1x80xi32, #tpu.memory_space<vmem>> -> memref<80xi32, #tpu.memory_space<vmem>>
      %dma_wait3A_812 = arith.constant 0 : i32
      %dma_wait3A_813 = arith.constant 0 : i32
      %dma_wait3A_814 = tpu.memref_slice %arg2[%dma_wait3A_812, %dma_wait3A_813] : memref<10000x128xf32, #tpu.memory_space<hbm>> -> memref<10000x128xf32, #tpu.memory_space<hbm>>
      tpu.wait_indirect_dma semaphore(%arg13 : memref<!tpu.dma_semaphore, #tpu.memory_space<semaphore_mem>>) src(%dma_wait3A_814 : memref<10000x128xf32, #tpu.memory_space<hbm>>) dst(%dma_wait3A_808 : memref<80x128xf32, #tpu.memory_space<vmem>>)
      %run_scoped3A_815 = arith.constant 1 : i32
      %run_scoped3A_816 = arith.constant 13 : i32
      "tpu.region"() ({
        %run_scoped3A_1163 = tpu.sem_alloc : memref<!tpu.dma_semaphore, #tpu.memory_space<semaphore_mem>>
        %dma_start3A_1164 = arith.constant 0 : i32
        %dma_start3A_1165 = arith.constant 0 : i32
        %dma_start3A_1166 = tpu.memref_slice %arg8[%run_scoped3A_815, %dma_start3A_1164, %dma_start3A_1165] : memref<3x80x128xf32, #tpu.memory_space<vmem>> -> memref<1x80x128xf32, #tpu.memory_space<vmem>>
        %dma_start3A_1167 = tpu.memref_squeeze %dma_start3A_1166 : memref<1x80x128xf32, #tpu.memory_space<vmem>> -> memref<80x128xf32, #tpu.memory_space<vmem>>
        %dma_start3A_1168 = arith.constant 0 : i32
        %dma_start3A_1169 = tpu.memref_slice %arg7[%run_scoped3A_816, %dma_start3A_1168] : memref<25x80xi32, #tpu.memory_space<vmem>> -> memref<1x80xi32, #tpu.memory_space<vmem>>
        %dma_start3A_1170 = tpu.memref_squeeze %dma_start3A_1169 : memref<1x80xi32, #tpu.memory_space<vmem>> -> memref<80xi32, #tpu.memory_space<vmem>>
        %dma_start3A_1171 = arith.constant 0 : i32
        %dma_start3A_1172 = arith.constant 0 : i32
        %dma_start3A_1173 = tpu.memref_slice %arg10[%dma_start3A_1171, %dma_start3A_1172] : memref<10240x128xf32, #tpu.memory_space<vmem_shared>> -> memref<10240x128xf32, #tpu.memory_space<vmem_shared>>
        tpu.enqueue_indirect_dma source(%dma_start3A_1167 : memref<80x128xf32, #tpu.memory_space<vmem>>) target(%dma_start3A_1173 : memref<10240x128xf32, #tpu.memory_space<vmem_shared>>) offsets(%dma_start3A_1170 : memref<80xi32, #tpu.memory_space<vmem>>) semaphore(%run_scoped3A_1163 : memref<!tpu.dma_semaphore, #tpu.memory_space<semaphore_mem>>) {add = true}
        %dma_wait3A_1174 = arith.constant 0 : i32
        %dma_wait3A_1175 = arith.constant 0 : i32
        %dma_wait3A_1176 = tpu.memref_slice %arg8[%run_scoped3A_815, %dma_wait3A_1174, %dma_wait3A_1175] : memref<3x80x128xf32, #tpu.memory_space<vmem>> -> memref<1x80x128xf32, #tpu.memory_space<vmem>>
        %dma_wait3A_1177 = tpu.memref_squeeze %dma_wait3A_1176 : memref<1x80x128xf32, #tpu.memory_space<vmem>> -> memref<80x128xf32, #tpu.memory_space<vmem>>
        %dma_wait3A_1178 = arith.constant 0 : i32
        %dma_wait3A_1179 = tpu.memref_slice %arg7[%run_scoped3A_816, %dma_wait3A_1178] : memref<25x80xi32, #tpu.memory_space<vmem>> -> memref<1x80xi32, #tpu.memory_space<vmem>>
        %dma_wait3A_1180 = tpu.memref_squeeze %dma_wait3A_1179 : memref<1x80xi32, #tpu.memory_space<vmem>> -> memref<80xi32, #tpu.memory_space<vmem>>
        %dma_wait3A_1181 = arith.constant 0 : i32
        %dma_wait3A_1182 = arith.constant 0 : i32
        %dma_wait3A_1183 = tpu.memref_slice %arg10[%dma_wait3A_1181, %dma_wait3A_1182] : memref<10240x128xf32, #tpu.memory_space<vmem_shared>> -> memref<10240x128xf32, #tpu.memory_space<vmem_shared>>
        tpu.wait_indirect_dma semaphore(%run_scoped3A_1163 : memref<!tpu.dma_semaphore, #tpu.memory_space<semaphore_mem>>) src(%dma_wait3A_1177 : memref<80x128xf32, #tpu.memory_space<vmem>>) dst(%dma_wait3A_1183 : memref<10240x128xf32, #tpu.memory_space<vmem_shared>>)
        tpu.yield
      }) : () -> ()
      %dma_start3A_817 = arith.constant 13 : i32
      %dma_start3A_818 = arith.constant 0 : i32
      %dma_start3A_819 = tpu.memref_slice %arg7[%dma_start3A_817, %dma_start3A_818] : memref<25x80xi32, #tpu.memory_space<vmem>> -> memref<1x80xi32, #tpu.memory_space<vmem>>
      %dma_start3A_820 = tpu.memref_squeeze %dma_start3A_819 : memref<1x80xi32, #tpu.memory_space<vmem>> -> memref<80xi32, #tpu.memory_space<vmem>>
      %dma_start3A_821 = arith.constant 0 : i32
      %dma_start3A_822 = arith.constant 0 : i32
      %dma_start3A_823 = tpu.memref_slice %arg11[%dma_start3A_821, %dma_start3A_822] : memref<10240x16xf32, #tpu.memory_space<vmem_shared>> -> memref<10240x16xf32, #tpu.memory_space<vmem_shared>>
      tpu.enqueue_indirect_dma source(%arg9 : memref<80x16xf32, #tpu.memory_space<vmem>>) target(%dma_start3A_823 : memref<10240x16xf32, #tpu.memory_space<vmem_shared>>) offsets(%dma_start3A_820 : memref<80xi32, #tpu.memory_space<vmem>>) semaphore(%arg15 : memref<!tpu.dma_semaphore, #tpu.memory_space<semaphore_mem>>) {add = true}
      %dma_start3A_824 = arith.constant 16 : i32
      %dma_start3A_825 = arith.constant 1 : i32
      %dma_start3A_826 = arith.constant 0 : i32
      %dma_start3A_827 = arith.constant 0 : i32
      %dma_start3A_828 = tpu.memref_slice %arg8[%dma_start3A_825, %dma_start3A_826, %dma_start3A_827] : memref<3x80x128xf32, #tpu.memory_space<vmem>> -> memref<1x80x128xf32, #tpu.memory_space<vmem>>
      %dma_start3A_829 = tpu.memref_squeeze %dma_start3A_828 : memref<1x80x128xf32, #tpu.memory_space<vmem>> -> memref<80x128xf32, #tpu.memory_space<vmem>>
      %dma_start3A_830 = arith.constant 0 : i32
      %dma_start3A_831 = tpu.memref_slice %arg6[%dma_start3A_824, %dma_start3A_830] : memref<25x80xi32, #tpu.memory_space<vmem>> -> memref<1x80xi32, #tpu.memory_space<vmem>>
      %dma_start3A_832 = tpu.memref_squeeze %dma_start3A_831 : memref<1x80xi32, #tpu.memory_space<vmem>> -> memref<80xi32, #tpu.memory_space<vmem>>
      %dma_start3A_833 = arith.constant 0 : i32
      %dma_start3A_834 = arith.constant 0 : i32
      %dma_start3A_835 = tpu.memref_slice %arg2[%dma_start3A_833, %dma_start3A_834] : memref<10000x128xf32, #tpu.memory_space<hbm>> -> memref<10000x128xf32, #tpu.memory_space<hbm>>
      tpu.enqueue_indirect_dma source(%dma_start3A_835 : memref<10000x128xf32, #tpu.memory_space<hbm>>) target(%dma_start3A_829 : memref<80x128xf32, #tpu.memory_space<vmem>>) offsets(%dma_start3A_832 : memref<80xi32, #tpu.memory_space<vmem>>) semaphore(%arg13 : memref<!tpu.dma_semaphore, #tpu.memory_space<semaphore_mem>>)
      %dma_wait3A_836 = arith.constant 0 : i32
      %dma_wait3A_837 = arith.constant 2 : i32
      %dma_wait3A_838 = arith.constant 0 : i32
      %dma_wait3A_839 = arith.constant 0 : i32
      %dma_wait3A_840 = tpu.memref_slice %arg8[%dma_wait3A_837, %dma_wait3A_838, %dma_wait3A_839] : memref<3x80x128xf32, #tpu.memory_space<vmem>> -> memref<1x80x128xf32, #tpu.memory_space<vmem>>
      %dma_wait3A_841 = tpu.memref_squeeze %dma_wait3A_840 : memref<1x80x128xf32, #tpu.memory_space<vmem>> -> memref<80x128xf32, #tpu.memory_space<vmem>>
      %dma_wait3A_842 = arith.constant 0 : i32
      %dma_wait3A_843 = tpu.memref_slice %arg6[%dma_wait3A_836, %dma_wait3A_842] : memref<25x80xi32, #tpu.memory_space<vmem>> -> memref<1x80xi32, #tpu.memory_space<vmem>>
      %dma_wait3A_844 = tpu.memref_squeeze %dma_wait3A_843 : memref<1x80xi32, #tpu.memory_space<vmem>> -> memref<80xi32, #tpu.memory_space<vmem>>
      %dma_wait3A_845 = arith.constant 0 : i32
      %dma_wait3A_846 = arith.constant 0 : i32
      %dma_wait3A_847 = tpu.memref_slice %arg2[%dma_wait3A_845, %dma_wait3A_846] : memref<10000x128xf32, #tpu.memory_space<hbm>> -> memref<10000x128xf32, #tpu.memory_space<hbm>>
      tpu.wait_indirect_dma semaphore(%arg14 : memref<!tpu.dma_semaphore, #tpu.memory_space<semaphore_mem>>) src(%dma_wait3A_847 : memref<10000x128xf32, #tpu.memory_space<hbm>>) dst(%dma_wait3A_841 : memref<80x128xf32, #tpu.memory_space<vmem>>)
      %run_scoped3A_848 = arith.constant 2 : i32
      %run_scoped3A_849 = arith.constant 14 : i32
      "tpu.region"() ({
        %run_scoped3A_1163 = tpu.sem_alloc : memref<!tpu.dma_semaphore, #tpu.memory_space<semaphore_mem>>
        %dma_start3A_1164 = arith.constant 0 : i32
        %dma_start3A_1165 = arith.constant 0 : i32
        %dma_start3A_1166 = tpu.memref_slice %arg8[%run_scoped3A_848, %dma_start3A_1164, %dma_start3A_1165] : memref<3x80x128xf32, #tpu.memory_space<vmem>> -> memref<1x80x128xf32, #tpu.memory_space<vmem>>
        %dma_start3A_1167 = tpu.memref_squeeze %dma_start3A_1166 : memref<1x80x128xf32, #tpu.memory_space<vmem>> -> memref<80x128xf32, #tpu.memory_space<vmem>>
        %dma_start3A_1168 = arith.constant 0 : i32
        %dma_start3A_1169 = tpu.memref_slice %arg7[%run_scoped3A_849, %dma_start3A_1168] : memref<25x80xi32, #tpu.memory_space<vmem>> -> memref<1x80xi32, #tpu.memory_space<vmem>>
        %dma_start3A_1170 = tpu.memref_squeeze %dma_start3A_1169 : memref<1x80xi32, #tpu.memory_space<vmem>> -> memref<80xi32, #tpu.memory_space<vmem>>
        %dma_start3A_1171 = arith.constant 0 : i32
        %dma_start3A_1172 = arith.constant 0 : i32
        %dma_start3A_1173 = tpu.memref_slice %arg10[%dma_start3A_1171, %dma_start3A_1172] : memref<10240x128xf32, #tpu.memory_space<vmem_shared>> -> memref<10240x128xf32, #tpu.memory_space<vmem_shared>>
        tpu.enqueue_indirect_dma source(%dma_start3A_1167 : memref<80x128xf32, #tpu.memory_space<vmem>>) target(%dma_start3A_1173 : memref<10240x128xf32, #tpu.memory_space<vmem_shared>>) offsets(%dma_start3A_1170 : memref<80xi32, #tpu.memory_space<vmem>>) semaphore(%run_scoped3A_1163 : memref<!tpu.dma_semaphore, #tpu.memory_space<semaphore_mem>>) {add = true}
        %dma_wait3A_1174 = arith.constant 0 : i32
        %dma_wait3A_1175 = arith.constant 0 : i32
        %dma_wait3A_1176 = tpu.memref_slice %arg8[%run_scoped3A_848, %dma_wait3A_1174, %dma_wait3A_1175] : memref<3x80x128xf32, #tpu.memory_space<vmem>> -> memref<1x80x128xf32, #tpu.memory_space<vmem>>
        %dma_wait3A_1177 = tpu.memref_squeeze %dma_wait3A_1176 : memref<1x80x128xf32, #tpu.memory_space<vmem>> -> memref<80x128xf32, #tpu.memory_space<vmem>>
        %dma_wait3A_1178 = arith.constant 0 : i32
        %dma_wait3A_1179 = tpu.memref_slice %arg7[%run_scoped3A_849, %dma_wait3A_1178] : memref<25x80xi32, #tpu.memory_space<vmem>> -> memref<1x80xi32, #tpu.memory_space<vmem>>
        %dma_wait3A_1180 = tpu.memref_squeeze %dma_wait3A_1179 : memref<1x80xi32, #tpu.memory_space<vmem>> -> memref<80xi32, #tpu.memory_space<vmem>>
        %dma_wait3A_1181 = arith.constant 0 : i32
        %dma_wait3A_1182 = arith.constant 0 : i32
        %dma_wait3A_1183 = tpu.memref_slice %arg10[%dma_wait3A_1181, %dma_wait3A_1182] : memref<10240x128xf32, #tpu.memory_space<vmem_shared>> -> memref<10240x128xf32, #tpu.memory_space<vmem_shared>>
        tpu.wait_indirect_dma semaphore(%run_scoped3A_1163 : memref<!tpu.dma_semaphore, #tpu.memory_space<semaphore_mem>>) src(%dma_wait3A_1177 : memref<80x128xf32, #tpu.memory_space<vmem>>) dst(%dma_wait3A_1183 : memref<10240x128xf32, #tpu.memory_space<vmem_shared>>)
        tpu.yield
      }) : () -> ()
      %dma_start3A_850 = arith.constant 14 : i32
      %dma_start3A_851 = arith.constant 0 : i32
      %dma_start3A_852 = tpu.memref_slice %arg7[%dma_start3A_850, %dma_start3A_851] : memref<25x80xi32, #tpu.memory_space<vmem>> -> memref<1x80xi32, #tpu.memory_space<vmem>>
      %dma_start3A_853 = tpu.memref_squeeze %dma_start3A_852 : memref<1x80xi32, #tpu.memory_space<vmem>> -> memref<80xi32, #tpu.memory_space<vmem>>
      %dma_start3A_854 = arith.constant 0 : i32
      %dma_start3A_855 = arith.constant 0 : i32
      %dma_start3A_856 = tpu.memref_slice %arg11[%dma_start3A_854, %dma_start3A_855] : memref<10240x16xf32, #tpu.memory_space<vmem_shared>> -> memref<10240x16xf32, #tpu.memory_space<vmem_shared>>
      tpu.enqueue_indirect_dma source(%arg9 : memref<80x16xf32, #tpu.memory_space<vmem>>) target(%dma_start3A_856 : memref<10240x16xf32, #tpu.memory_space<vmem_shared>>) offsets(%dma_start3A_853 : memref<80xi32, #tpu.memory_space<vmem>>) semaphore(%arg15 : memref<!tpu.dma_semaphore, #tpu.memory_space<semaphore_mem>>) {add = true}
      %dma_start3A_857 = arith.constant 17 : i32
      %dma_start3A_858 = arith.constant 2 : i32
      %dma_start3A_859 = arith.constant 0 : i32
      %dma_start3A_860 = arith.constant 0 : i32
      %dma_start3A_861 = tpu.memref_slice %arg8[%dma_start3A_858, %dma_start3A_859, %dma_start3A_860] : memref<3x80x128xf32, #tpu.memory_space<vmem>> -> memref<1x80x128xf32, #tpu.memory_space<vmem>>
      %dma_start3A_862 = tpu.memref_squeeze %dma_start3A_861 : memref<1x80x128xf32, #tpu.memory_space<vmem>> -> memref<80x128xf32, #tpu.memory_space<vmem>>
      %dma_start3A_863 = arith.constant 0 : i32
      %dma_start3A_864 = tpu.memref_slice %arg6[%dma_start3A_857, %dma_start3A_863] : memref<25x80xi32, #tpu.memory_space<vmem>> -> memref<1x80xi32, #tpu.memory_space<vmem>>
      %dma_start3A_865 = tpu.memref_squeeze %dma_start3A_864 : memref<1x80xi32, #tpu.memory_space<vmem>> -> memref<80xi32, #tpu.memory_space<vmem>>
      %dma_start3A_866 = arith.constant 0 : i32
      %dma_start3A_867 = arith.constant 0 : i32
      %dma_start3A_868 = tpu.memref_slice %arg2[%dma_start3A_866, %dma_start3A_867] : memref<10000x128xf32, #tpu.memory_space<hbm>> -> memref<10000x128xf32, #tpu.memory_space<hbm>>
      tpu.enqueue_indirect_dma source(%dma_start3A_868 : memref<10000x128xf32, #tpu.memory_space<hbm>>) target(%dma_start3A_862 : memref<80x128xf32, #tpu.memory_space<vmem>>) offsets(%dma_start3A_865 : memref<80xi32, #tpu.memory_space<vmem>>) semaphore(%arg14 : memref<!tpu.dma_semaphore, #tpu.memory_space<semaphore_mem>>)
      %dma_wait3A_869 = arith.constant 0 : i32
      %dma_wait3A_870 = arith.constant 0 : i32
      %dma_wait3A_871 = arith.constant 0 : i32
      %dma_wait3A_872 = arith.constant 0 : i32
      %dma_wait3A_873 = tpu.memref_slice %arg8[%dma_wait3A_870, %dma_wait3A_871, %dma_wait3A_872] : memref<3x80x128xf32, #tpu.memory_space<vmem>> -> memref<1x80x128xf32, #tpu.memory_space<vmem>>
      %dma_wait3A_874 = tpu.memref_squeeze %dma_wait3A_873 : memref<1x80x128xf32, #tpu.memory_space<vmem>> -> memref<80x128xf32, #tpu.memory_space<vmem>>
      %dma_wait3A_875 = arith.constant 0 : i32
      %dma_wait3A_876 = tpu.memref_slice %arg6[%dma_wait3A_869, %dma_wait3A_875] : memref<25x80xi32, #tpu.memory_space<vmem>> -> memref<1x80xi32, #tpu.memory_space<vmem>>
      %dma_wait3A_877 = tpu.memref_squeeze %dma_wait3A_876 : memref<1x80xi32, #tpu.memory_space<vmem>> -> memref<80xi32, #tpu.memory_space<vmem>>
      %dma_wait3A_878 = arith.constant 0 : i32
      %dma_wait3A_879 = arith.constant 0 : i32
      %dma_wait3A_880 = tpu.memref_slice %arg2[%dma_wait3A_878, %dma_wait3A_879] : memref<10000x128xf32, #tpu.memory_space<hbm>> -> memref<10000x128xf32, #tpu.memory_space<hbm>>
      tpu.wait_indirect_dma semaphore(%arg12 : memref<!tpu.dma_semaphore, #tpu.memory_space<semaphore_mem>>) src(%dma_wait3A_880 : memref<10000x128xf32, #tpu.memory_space<hbm>>) dst(%dma_wait3A_874 : memref<80x128xf32, #tpu.memory_space<vmem>>)
      %run_scoped3A_881 = arith.constant 0 : i32
      %run_scoped3A_882 = arith.constant 15 : i32
      "tpu.region"() ({
        %run_scoped3A_1163 = tpu.sem_alloc : memref<!tpu.dma_semaphore, #tpu.memory_space<semaphore_mem>>
        %dma_start3A_1164 = arith.constant 0 : i32
        %dma_start3A_1165 = arith.constant 0 : i32
        %dma_start3A_1166 = tpu.memref_slice %arg8[%run_scoped3A_881, %dma_start3A_1164, %dma_start3A_1165] : memref<3x80x128xf32, #tpu.memory_space<vmem>> -> memref<1x80x128xf32, #tpu.memory_space<vmem>>
        %dma_start3A_1167 = tpu.memref_squeeze %dma_start3A_1166 : memref<1x80x128xf32, #tpu.memory_space<vmem>> -> memref<80x128xf32, #tpu.memory_space<vmem>>
        %dma_start3A_1168 = arith.constant 0 : i32
        %dma_start3A_1169 = tpu.memref_slice %arg7[%run_scoped3A_882, %dma_start3A_1168] : memref<25x80xi32, #tpu.memory_space<vmem>> -> memref<1x80xi32, #tpu.memory_space<vmem>>
        %dma_start3A_1170 = tpu.memref_squeeze %dma_start3A_1169 : memref<1x80xi32, #tpu.memory_space<vmem>> -> memref<80xi32, #tpu.memory_space<vmem>>
        %dma_start3A_1171 = arith.constant 0 : i32
        %dma_start3A_1172 = arith.constant 0 : i32
        %dma_start3A_1173 = tpu.memref_slice %arg10[%dma_start3A_1171, %dma_start3A_1172] : memref<10240x128xf32, #tpu.memory_space<vmem_shared>> -> memref<10240x128xf32, #tpu.memory_space<vmem_shared>>
        tpu.enqueue_indirect_dma source(%dma_start3A_1167 : memref<80x128xf32, #tpu.memory_space<vmem>>) target(%dma_start3A_1173 : memref<10240x128xf32, #tpu.memory_space<vmem_shared>>) offsets(%dma_start3A_1170 : memref<80xi32, #tpu.memory_space<vmem>>) semaphore(%run_scoped3A_1163 : memref<!tpu.dma_semaphore, #tpu.memory_space<semaphore_mem>>) {add = true}
        %dma_wait3A_1174 = arith.constant 0 : i32
        %dma_wait3A_1175 = arith.constant 0 : i32
        %dma_wait3A_1176 = tpu.memref_slice %arg8[%run_scoped3A_881, %dma_wait3A_1174, %dma_wait3A_1175] : memref<3x80x128xf32, #tpu.memory_space<vmem>> -> memref<1x80x128xf32, #tpu.memory_space<vmem>>
        %dma_wait3A_1177 = tpu.memref_squeeze %dma_wait3A_1176 : memref<1x80x128xf32, #tpu.memory_space<vmem>> -> memref<80x128xf32, #tpu.memory_space<vmem>>
        %dma_wait3A_1178 = arith.constant 0 : i32
        %dma_wait3A_1179 = tpu.memref_slice %arg7[%run_scoped3A_882, %dma_wait3A_1178] : memref<25x80xi32, #tpu.memory_space<vmem>> -> memref<1x80xi32, #tpu.memory_space<vmem>>
        %dma_wait3A_1180 = tpu.memref_squeeze %dma_wait3A_1179 : memref<1x80xi32, #tpu.memory_space<vmem>> -> memref<80xi32, #tpu.memory_space<vmem>>
        %dma_wait3A_1181 = arith.constant 0 : i32
        %dma_wait3A_1182 = arith.constant 0 : i32
        %dma_wait3A_1183 = tpu.memref_slice %arg10[%dma_wait3A_1181, %dma_wait3A_1182] : memref<10240x128xf32, #tpu.memory_space<vmem_shared>> -> memref<10240x128xf32, #tpu.memory_space<vmem_shared>>
        tpu.wait_indirect_dma semaphore(%run_scoped3A_1163 : memref<!tpu.dma_semaphore, #tpu.memory_space<semaphore_mem>>) src(%dma_wait3A_1177 : memref<80x128xf32, #tpu.memory_space<vmem>>) dst(%dma_wait3A_1183 : memref<10240x128xf32, #tpu.memory_space<vmem_shared>>)
        tpu.yield
      }) : () -> ()
      %dma_start3A_883 = arith.constant 15 : i32
      %dma_start3A_884 = arith.constant 0 : i32
      %dma_start3A_885 = tpu.memref_slice %arg7[%dma_start3A_883, %dma_start3A_884] : memref<25x80xi32, #tpu.memory_space<vmem>> -> memref<1x80xi32, #tpu.memory_space<vmem>>
      %dma_start3A_886 = tpu.memref_squeeze %dma_start3A_885 : memref<1x80xi32, #tpu.memory_space<vmem>> -> memref<80xi32, #tpu.memory_space<vmem>>
      %dma_start3A_887 = arith.constant 0 : i32
      %dma_start3A_888 = arith.constant 0 : i32
      %dma_start3A_889 = tpu.memref_slice %arg11[%dma_start3A_887, %dma_start3A_888] : memref<10240x16xf32, #tpu.memory_space<vmem_shared>> -> memref<10240x16xf32, #tpu.memory_space<vmem_shared>>
      tpu.enqueue_indirect_dma source(%arg9 : memref<80x16xf32, #tpu.memory_space<vmem>>) target(%dma_start3A_889 : memref<10240x16xf32, #tpu.memory_space<vmem_shared>>) offsets(%dma_start3A_886 : memref<80xi32, #tpu.memory_space<vmem>>) semaphore(%arg15 : memref<!tpu.dma_semaphore, #tpu.memory_space<semaphore_mem>>) {add = true}
      %dma_start3A_890 = arith.constant 18 : i32
      %dma_start3A_891 = arith.constant 0 : i32
      %dma_start3A_892 = arith.constant 0 : i32
      %dma_start3A_893 = arith.constant 0 : i32
      %dma_start3A_894 = tpu.memref_slice %arg8[%dma_start3A_891, %dma_start3A_892, %dma_start3A_893] : memref<3x80x128xf32, #tpu.memory_space<vmem>> -> memref<1x80x128xf32, #tpu.memory_space<vmem>>
      %dma_start3A_895 = tpu.memref_squeeze %dma_start3A_894 : memref<1x80x128xf32, #tpu.memory_space<vmem>> -> memref<80x128xf32, #tpu.memory_space<vmem>>
      %dma_start3A_896 = arith.constant 0 : i32
      %dma_start3A_897 = tpu.memref_slice %arg6[%dma_start3A_890, %dma_start3A_896] : memref<25x80xi32, #tpu.memory_space<vmem>> -> memref<1x80xi32, #tpu.memory_space<vmem>>
      %dma_start3A_898 = tpu.memref_squeeze %dma_start3A_897 : memref<1x80xi32, #tpu.memory_space<vmem>> -> memref<80xi32, #tpu.memory_space<vmem>>
      %dma_start3A_899 = arith.constant 0 : i32
      %dma_start3A_900 = arith.constant 0 : i32
      %dma_start3A_901 = tpu.memref_slice %arg2[%dma_start3A_899, %dma_start3A_900] : memref<10000x128xf32, #tpu.memory_space<hbm>> -> memref<10000x128xf32, #tpu.memory_space<hbm>>
      tpu.enqueue_indirect_dma source(%dma_start3A_901 : memref<10000x128xf32, #tpu.memory_space<hbm>>) target(%dma_start3A_895 : memref<80x128xf32, #tpu.memory_space<vmem>>) offsets(%dma_start3A_898 : memref<80xi32, #tpu.memory_space<vmem>>) semaphore(%arg12 : memref<!tpu.dma_semaphore, #tpu.memory_space<semaphore_mem>>)
      %dma_wait3A_902 = arith.constant 0 : i32
      %dma_wait3A_903 = arith.constant 1 : i32
      %dma_wait3A_904 = arith.constant 0 : i32
      %dma_wait3A_905 = arith.constant 0 : i32
      %dma_wait3A_906 = tpu.memref_slice %arg8[%dma_wait3A_903, %dma_wait3A_904, %dma_wait3A_905] : memref<3x80x128xf32, #tpu.memory_space<vmem>> -> memref<1x80x128xf32, #tpu.memory_space<vmem>>
      %dma_wait3A_907 = tpu.memref_squeeze %dma_wait3A_906 : memref<1x80x128xf32, #tpu.memory_space<vmem>> -> memref<80x128xf32, #tpu.memory_space<vmem>>
      %dma_wait3A_908 = arith.constant 0 : i32
      %dma_wait3A_909 = tpu.memref_slice %arg6[%dma_wait3A_902, %dma_wait3A_908] : memref<25x80xi32, #tpu.memory_space<vmem>> -> memref<1x80xi32, #tpu.memory_space<vmem>>
      %dma_wait3A_910 = tpu.memref_squeeze %dma_wait3A_909 : memref<1x80xi32, #tpu.memory_space<vmem>> -> memref<80xi32, #tpu.memory_space<vmem>>
      %dma_wait3A_911 = arith.constant 0 : i32
      %dma_wait3A_912 = arith.constant 0 : i32
      %dma_wait3A_913 = tpu.memref_slice %arg2[%dma_wait3A_911, %dma_wait3A_912] : memref<10000x128xf32, #tpu.memory_space<hbm>> -> memref<10000x128xf32, #tpu.memory_space<hbm>>
      tpu.wait_indirect_dma semaphore(%arg13 : memref<!tpu.dma_semaphore, #tpu.memory_space<semaphore_mem>>) src(%dma_wait3A_913 : memref<10000x128xf32, #tpu.memory_space<hbm>>) dst(%dma_wait3A_907 : memref<80x128xf32, #tpu.memory_space<vmem>>)
      %run_scoped3A_914 = arith.constant 1 : i32
      %run_scoped3A_915 = arith.constant 16 : i32
      "tpu.region"() ({
        %run_scoped3A_1163 = tpu.sem_alloc : memref<!tpu.dma_semaphore, #tpu.memory_space<semaphore_mem>>
        %dma_start3A_1164 = arith.constant 0 : i32
        %dma_start3A_1165 = arith.constant 0 : i32
        %dma_start3A_1166 = tpu.memref_slice %arg8[%run_scoped3A_914, %dma_start3A_1164, %dma_start3A_1165] : memref<3x80x128xf32, #tpu.memory_space<vmem>> -> memref<1x80x128xf32, #tpu.memory_space<vmem>>
        %dma_start3A_1167 = tpu.memref_squeeze %dma_start3A_1166 : memref<1x80x128xf32, #tpu.memory_space<vmem>> -> memref<80x128xf32, #tpu.memory_space<vmem>>
        %dma_start3A_1168 = arith.constant 0 : i32
        %dma_start3A_1169 = tpu.memref_slice %arg7[%run_scoped3A_915, %dma_start3A_1168] : memref<25x80xi32, #tpu.memory_space<vmem>> -> memref<1x80xi32, #tpu.memory_space<vmem>>
        %dma_start3A_1170 = tpu.memref_squeeze %dma_start3A_1169 : memref<1x80xi32, #tpu.memory_space<vmem>> -> memref<80xi32, #tpu.memory_space<vmem>>
        %dma_start3A_1171 = arith.constant 0 : i32
        %dma_start3A_1172 = arith.constant 0 : i32
        %dma_start3A_1173 = tpu.memref_slice %arg10[%dma_start3A_1171, %dma_start3A_1172] : memref<10240x128xf32, #tpu.memory_space<vmem_shared>> -> memref<10240x128xf32, #tpu.memory_space<vmem_shared>>
        tpu.enqueue_indirect_dma source(%dma_start3A_1167 : memref<80x128xf32, #tpu.memory_space<vmem>>) target(%dma_start3A_1173 : memref<10240x128xf32, #tpu.memory_space<vmem_shared>>) offsets(%dma_start3A_1170 : memref<80xi32, #tpu.memory_space<vmem>>) semaphore(%run_scoped3A_1163 : memref<!tpu.dma_semaphore, #tpu.memory_space<semaphore_mem>>) {add = true}
        %dma_wait3A_1174 = arith.constant 0 : i32
        %dma_wait3A_1175 = arith.constant 0 : i32
        %dma_wait3A_1176 = tpu.memref_slice %arg8[%run_scoped3A_914, %dma_wait3A_1174, %dma_wait3A_1175] : memref<3x80x128xf32, #tpu.memory_space<vmem>> -> memref<1x80x128xf32, #tpu.memory_space<vmem>>
        %dma_wait3A_1177 = tpu.memref_squeeze %dma_wait3A_1176 : memref<1x80x128xf32, #tpu.memory_space<vmem>> -> memref<80x128xf32, #tpu.memory_space<vmem>>
        %dma_wait3A_1178 = arith.constant 0 : i32
        %dma_wait3A_1179 = tpu.memref_slice %arg7[%run_scoped3A_915, %dma_wait3A_1178] : memref<25x80xi32, #tpu.memory_space<vmem>> -> memref<1x80xi32, #tpu.memory_space<vmem>>
        %dma_wait3A_1180 = tpu.memref_squeeze %dma_wait3A_1179 : memref<1x80xi32, #tpu.memory_space<vmem>> -> memref<80xi32, #tpu.memory_space<vmem>>
        %dma_wait3A_1181 = arith.constant 0 : i32
        %dma_wait3A_1182 = arith.constant 0 : i32
        %dma_wait3A_1183 = tpu.memref_slice %arg10[%dma_wait3A_1181, %dma_wait3A_1182] : memref<10240x128xf32, #tpu.memory_space<vmem_shared>> -> memref<10240x128xf32, #tpu.memory_space<vmem_shared>>
        tpu.wait_indirect_dma semaphore(%run_scoped3A_1163 : memref<!tpu.dma_semaphore, #tpu.memory_space<semaphore_mem>>) src(%dma_wait3A_1177 : memref<80x128xf32, #tpu.memory_space<vmem>>) dst(%dma_wait3A_1183 : memref<10240x128xf32, #tpu.memory_space<vmem_shared>>)
        tpu.yield
      }) : () -> ()
      %dma_start3A_916 = arith.constant 16 : i32
      %dma_start3A_917 = arith.constant 0 : i32
      %dma_start3A_918 = tpu.memref_slice %arg7[%dma_start3A_916, %dma_start3A_917] : memref<25x80xi32, #tpu.memory_space<vmem>> -> memref<1x80xi32, #tpu.memory_space<vmem>>
      %dma_start3A_919 = tpu.memref_squeeze %dma_start3A_918 : memref<1x80xi32, #tpu.memory_space<vmem>> -> memref<80xi32, #tpu.memory_space<vmem>>
      %dma_start3A_920 = arith.constant 0 : i32
      %dma_start3A_921 = arith.constant 0 : i32
      %dma_start3A_922 = tpu.memref_slice %arg11[%dma_start3A_920, %dma_start3A_921] : memref<10240x16xf32, #tpu.memory_space<vmem_shared>> -> memref<10240x16xf32, #tpu.memory_space<vmem_shared>>
      tpu.enqueue_indirect_dma source(%arg9 : memref<80x16xf32, #tpu.memory_space<vmem>>) target(%dma_start3A_922 : memref<10240x16xf32, #tpu.memory_space<vmem_shared>>) offsets(%dma_start3A_919 : memref<80xi32, #tpu.memory_space<vmem>>) semaphore(%arg15 : memref<!tpu.dma_semaphore, #tpu.memory_space<semaphore_mem>>) {add = true}
      %dma_start3A_923 = arith.constant 19 : i32
      %dma_start3A_924 = arith.constant 1 : i32
      %dma_start3A_925 = arith.constant 0 : i32
      %dma_start3A_926 = arith.constant 0 : i32
      %dma_start3A_927 = tpu.memref_slice %arg8[%dma_start3A_924, %dma_start3A_925, %dma_start3A_926] : memref<3x80x128xf32, #tpu.memory_space<vmem>> -> memref<1x80x128xf32, #tpu.memory_space<vmem>>
      %dma_start3A_928 = tpu.memref_squeeze %dma_start3A_927 : memref<1x80x128xf32, #tpu.memory_space<vmem>> -> memref<80x128xf32, #tpu.memory_space<vmem>>
      %dma_start3A_929 = arith.constant 0 : i32
      %dma_start3A_930 = tpu.memref_slice %arg6[%dma_start3A_923, %dma_start3A_929] : memref<25x80xi32, #tpu.memory_space<vmem>> -> memref<1x80xi32, #tpu.memory_space<vmem>>
      %dma_start3A_931 = tpu.memref_squeeze %dma_start3A_930 : memref<1x80xi32, #tpu.memory_space<vmem>> -> memref<80xi32, #tpu.memory_space<vmem>>
      %dma_start3A_932 = arith.constant 0 : i32
      %dma_start3A_933 = arith.constant 0 : i32
      %dma_start3A_934 = tpu.memref_slice %arg2[%dma_start3A_932, %dma_start3A_933] : memref<10000x128xf32, #tpu.memory_space<hbm>> -> memref<10000x128xf32, #tpu.memory_space<hbm>>
      tpu.enqueue_indirect_dma source(%dma_start3A_934 : memref<10000x128xf32, #tpu.memory_space<hbm>>) target(%dma_start3A_928 : memref<80x128xf32, #tpu.memory_space<vmem>>) offsets(%dma_start3A_931 : memref<80xi32, #tpu.memory_space<vmem>>) semaphore(%arg13 : memref<!tpu.dma_semaphore, #tpu.memory_space<semaphore_mem>>)
      %dma_wait3A_935 = arith.constant 0 : i32
      %dma_wait3A_936 = arith.constant 2 : i32
      %dma_wait3A_937 = arith.constant 0 : i32
      %dma_wait3A_938 = arith.constant 0 : i32
      %dma_wait3A_939 = tpu.memref_slice %arg8[%dma_wait3A_936, %dma_wait3A_937, %dma_wait3A_938] : memref<3x80x128xf32, #tpu.memory_space<vmem>> -> memref<1x80x128xf32, #tpu.memory_space<vmem>>
      %dma_wait3A_940 = tpu.memref_squeeze %dma_wait3A_939 : memref<1x80x128xf32, #tpu.memory_space<vmem>> -> memref<80x128xf32, #tpu.memory_space<vmem>>
      %dma_wait3A_941 = arith.constant 0 : i32
      %dma_wait3A_942 = tpu.memref_slice %arg6[%dma_wait3A_935, %dma_wait3A_941] : memref<25x80xi32, #tpu.memory_space<vmem>> -> memref<1x80xi32, #tpu.memory_space<vmem>>
      %dma_wait3A_943 = tpu.memref_squeeze %dma_wait3A_942 : memref<1x80xi32, #tpu.memory_space<vmem>> -> memref<80xi32, #tpu.memory_space<vmem>>
      %dma_wait3A_944 = arith.constant 0 : i32
      %dma_wait3A_945 = arith.constant 0 : i32
      %dma_wait3A_946 = tpu.memref_slice %arg2[%dma_wait3A_944, %dma_wait3A_945] : memref<10000x128xf32, #tpu.memory_space<hbm>> -> memref<10000x128xf32, #tpu.memory_space<hbm>>
      tpu.wait_indirect_dma semaphore(%arg14 : memref<!tpu.dma_semaphore, #tpu.memory_space<semaphore_mem>>) src(%dma_wait3A_946 : memref<10000x128xf32, #tpu.memory_space<hbm>>) dst(%dma_wait3A_940 : memref<80x128xf32, #tpu.memory_space<vmem>>)
      %run_scoped3A_947 = arith.constant 2 : i32
      %run_scoped3A_948 = arith.constant 17 : i32
      "tpu.region"() ({
        %run_scoped3A_1163 = tpu.sem_alloc : memref<!tpu.dma_semaphore, #tpu.memory_space<semaphore_mem>>
        %dma_start3A_1164 = arith.constant 0 : i32
        %dma_start3A_1165 = arith.constant 0 : i32
        %dma_start3A_1166 = tpu.memref_slice %arg8[%run_scoped3A_947, %dma_start3A_1164, %dma_start3A_1165] : memref<3x80x128xf32, #tpu.memory_space<vmem>> -> memref<1x80x128xf32, #tpu.memory_space<vmem>>
        %dma_start3A_1167 = tpu.memref_squeeze %dma_start3A_1166 : memref<1x80x128xf32, #tpu.memory_space<vmem>> -> memref<80x128xf32, #tpu.memory_space<vmem>>
        %dma_start3A_1168 = arith.constant 0 : i32
        %dma_start3A_1169 = tpu.memref_slice %arg7[%run_scoped3A_948, %dma_start3A_1168] : memref<25x80xi32, #tpu.memory_space<vmem>> -> memref<1x80xi32, #tpu.memory_space<vmem>>
        %dma_start3A_1170 = tpu.memref_squeeze %dma_start3A_1169 : memref<1x80xi32, #tpu.memory_space<vmem>> -> memref<80xi32, #tpu.memory_space<vmem>>
        %dma_start3A_1171 = arith.constant 0 : i32
        %dma_start3A_1172 = arith.constant 0 : i32
        %dma_start3A_1173 = tpu.memref_slice %arg10[%dma_start3A_1171, %dma_start3A_1172] : memref<10240x128xf32, #tpu.memory_space<vmem_shared>> -> memref<10240x128xf32, #tpu.memory_space<vmem_shared>>
        tpu.enqueue_indirect_dma source(%dma_start3A_1167 : memref<80x128xf32, #tpu.memory_space<vmem>>) target(%dma_start3A_1173 : memref<10240x128xf32, #tpu.memory_space<vmem_shared>>) offsets(%dma_start3A_1170 : memref<80xi32, #tpu.memory_space<vmem>>) semaphore(%run_scoped3A_1163 : memref<!tpu.dma_semaphore, #tpu.memory_space<semaphore_mem>>) {add = true}
        %dma_wait3A_1174 = arith.constant 0 : i32
        %dma_wait3A_1175 = arith.constant 0 : i32
        %dma_wait3A_1176 = tpu.memref_slice %arg8[%run_scoped3A_947, %dma_wait3A_1174, %dma_wait3A_1175] : memref<3x80x128xf32, #tpu.memory_space<vmem>> -> memref<1x80x128xf32, #tpu.memory_space<vmem>>
        %dma_wait3A_1177 = tpu.memref_squeeze %dma_wait3A_1176 : memref<1x80x128xf32, #tpu.memory_space<vmem>> -> memref<80x128xf32, #tpu.memory_space<vmem>>
        %dma_wait3A_1178 = arith.constant 0 : i32
        %dma_wait3A_1179 = tpu.memref_slice %arg7[%run_scoped3A_948, %dma_wait3A_1178] : memref<25x80xi32, #tpu.memory_space<vmem>> -> memref<1x80xi32, #tpu.memory_space<vmem>>
        %dma_wait3A_1180 = tpu.memref_squeeze %dma_wait3A_1179 : memref<1x80xi32, #tpu.memory_space<vmem>> -> memref<80xi32, #tpu.memory_space<vmem>>
        %dma_wait3A_1181 = arith.constant 0 : i32
        %dma_wait3A_1182 = arith.constant 0 : i32
        %dma_wait3A_1183 = tpu.memref_slice %arg10[%dma_wait3A_1181, %dma_wait3A_1182] : memref<10240x128xf32, #tpu.memory_space<vmem_shared>> -> memref<10240x128xf32, #tpu.memory_space<vmem_shared>>
        tpu.wait_indirect_dma semaphore(%run_scoped3A_1163 : memref<!tpu.dma_semaphore, #tpu.memory_space<semaphore_mem>>) src(%dma_wait3A_1177 : memref<80x128xf32, #tpu.memory_space<vmem>>) dst(%dma_wait3A_1183 : memref<10240x128xf32, #tpu.memory_space<vmem_shared>>)
        tpu.yield
      }) : () -> ()
      %dma_start3A_949 = arith.constant 17 : i32
      %dma_start3A_950 = arith.constant 0 : i32
      %dma_start3A_951 = tpu.memref_slice %arg7[%dma_start3A_949, %dma_start3A_950] : memref<25x80xi32, #tpu.memory_space<vmem>> -> memref<1x80xi32, #tpu.memory_space<vmem>>
      %dma_start3A_952 = tpu.memref_squeeze %dma_start3A_951 : memref<1x80xi32, #tpu.memory_space<vmem>> -> memref<80xi32, #tpu.memory_space<vmem>>
      %dma_start3A_953 = arith.constant 0 : i32
      %dma_start3A_954 = arith.constant 0 : i32
      %dma_start3A_955 = tpu.memref_slice %arg11[%dma_start3A_953, %dma_start3A_954] : memref<10240x16xf32, #tpu.memory_space<vmem_shared>> -> memref<10240x16xf32, #tpu.memory_space<vmem_shared>>
      tpu.enqueue_indirect_dma source(%arg9 : memref<80x16xf32, #tpu.memory_space<vmem>>) target(%dma_start3A_955 : memref<10240x16xf32, #tpu.memory_space<vmem_shared>>) offsets(%dma_start3A_952 : memref<80xi32, #tpu.memory_space<vmem>>) semaphore(%arg15 : memref<!tpu.dma_semaphore, #tpu.memory_space<semaphore_mem>>) {add = true}
      %dma_start3A_956 = arith.constant 20 : i32
      %dma_start3A_957 = arith.constant 2 : i32
      %dma_start3A_958 = arith.constant 0 : i32
      %dma_start3A_959 = arith.constant 0 : i32
      %dma_start3A_960 = tpu.memref_slice %arg8[%dma_start3A_957, %dma_start3A_958, %dma_start3A_959] : memref<3x80x128xf32, #tpu.memory_space<vmem>> -> memref<1x80x128xf32, #tpu.memory_space<vmem>>
      %dma_start3A_961 = tpu.memref_squeeze %dma_start3A_960 : memref<1x80x128xf32, #tpu.memory_space<vmem>> -> memref<80x128xf32, #tpu.memory_space<vmem>>
      %dma_start3A_962 = arith.constant 0 : i32
      %dma_start3A_963 = tpu.memref_slice %arg6[%dma_start3A_956, %dma_start3A_962] : memref<25x80xi32, #tpu.memory_space<vmem>> -> memref<1x80xi32, #tpu.memory_space<vmem>>
      %dma_start3A_964 = tpu.memref_squeeze %dma_start3A_963 : memref<1x80xi32, #tpu.memory_space<vmem>> -> memref<80xi32, #tpu.memory_space<vmem>>
      %dma_start3A_965 = arith.constant 0 : i32
      %dma_start3A_966 = arith.constant 0 : i32
      %dma_start3A_967 = tpu.memref_slice %arg2[%dma_start3A_965, %dma_start3A_966] : memref<10000x128xf32, #tpu.memory_space<hbm>> -> memref<10000x128xf32, #tpu.memory_space<hbm>>
      tpu.enqueue_indirect_dma source(%dma_start3A_967 : memref<10000x128xf32, #tpu.memory_space<hbm>>) target(%dma_start3A_961 : memref<80x128xf32, #tpu.memory_space<vmem>>) offsets(%dma_start3A_964 : memref<80xi32, #tpu.memory_space<vmem>>) semaphore(%arg14 : memref<!tpu.dma_semaphore, #tpu.memory_space<semaphore_mem>>)
      %dma_wait3A_968 = arith.constant 0 : i32
      %dma_wait3A_969 = arith.constant 0 : i32
      %dma_wait3A_970 = arith.constant 0 : i32
      %dma_wait3A_971 = arith.constant 0 : i32
      %dma_wait3A_972 = tpu.memref_slice %arg8[%dma_wait3A_969, %dma_wait3A_970, %dma_wait3A_971] : memref<3x80x128xf32, #tpu.memory_space<vmem>> -> memref<1x80x128xf32, #tpu.memory_space<vmem>>
      %dma_wait3A_973 = tpu.memref_squeeze %dma_wait3A_972 : memref<1x80x128xf32, #tpu.memory_space<vmem>> -> memref<80x128xf32, #tpu.memory_space<vmem>>
      %dma_wait3A_974 = arith.constant 0 : i32
      %dma_wait3A_975 = tpu.memref_slice %arg6[%dma_wait3A_968, %dma_wait3A_974] : memref<25x80xi32, #tpu.memory_space<vmem>> -> memref<1x80xi32, #tpu.memory_space<vmem>>
      %dma_wait3A_976 = tpu.memref_squeeze %dma_wait3A_975 : memref<1x80xi32, #tpu.memory_space<vmem>> -> memref<80xi32, #tpu.memory_space<vmem>>
      %dma_wait3A_977 = arith.constant 0 : i32
      %dma_wait3A_978 = arith.constant 0 : i32
      %dma_wait3A_979 = tpu.memref_slice %arg2[%dma_wait3A_977, %dma_wait3A_978] : memref<10000x128xf32, #tpu.memory_space<hbm>> -> memref<10000x128xf32, #tpu.memory_space<hbm>>
      tpu.wait_indirect_dma semaphore(%arg12 : memref<!tpu.dma_semaphore, #tpu.memory_space<semaphore_mem>>) src(%dma_wait3A_979 : memref<10000x128xf32, #tpu.memory_space<hbm>>) dst(%dma_wait3A_973 : memref<80x128xf32, #tpu.memory_space<vmem>>)
      %run_scoped3A_980 = arith.constant 0 : i32
      %run_scoped3A_981 = arith.constant 18 : i32
      "tpu.region"() ({
        %run_scoped3A_1163 = tpu.sem_alloc : memref<!tpu.dma_semaphore, #tpu.memory_space<semaphore_mem>>
        %dma_start3A_1164 = arith.constant 0 : i32
        %dma_start3A_1165 = arith.constant 0 : i32
        %dma_start3A_1166 = tpu.memref_slice %arg8[%run_scoped3A_980, %dma_start3A_1164, %dma_start3A_1165] : memref<3x80x128xf32, #tpu.memory_space<vmem>> -> memref<1x80x128xf32, #tpu.memory_space<vmem>>
        %dma_start3A_1167 = tpu.memref_squeeze %dma_start3A_1166 : memref<1x80x128xf32, #tpu.memory_space<vmem>> -> memref<80x128xf32, #tpu.memory_space<vmem>>
        %dma_start3A_1168 = arith.constant 0 : i32
        %dma_start3A_1169 = tpu.memref_slice %arg7[%run_scoped3A_981, %dma_start3A_1168] : memref<25x80xi32, #tpu.memory_space<vmem>> -> memref<1x80xi32, #tpu.memory_space<vmem>>
        %dma_start3A_1170 = tpu.memref_squeeze %dma_start3A_1169 : memref<1x80xi32, #tpu.memory_space<vmem>> -> memref<80xi32, #tpu.memory_space<vmem>>
        %dma_start3A_1171 = arith.constant 0 : i32
        %dma_start3A_1172 = arith.constant 0 : i32
        %dma_start3A_1173 = tpu.memref_slice %arg10[%dma_start3A_1171, %dma_start3A_1172] : memref<10240x128xf32, #tpu.memory_space<vmem_shared>> -> memref<10240x128xf32, #tpu.memory_space<vmem_shared>>
        tpu.enqueue_indirect_dma source(%dma_start3A_1167 : memref<80x128xf32, #tpu.memory_space<vmem>>) target(%dma_start3A_1173 : memref<10240x128xf32, #tpu.memory_space<vmem_shared>>) offsets(%dma_start3A_1170 : memref<80xi32, #tpu.memory_space<vmem>>) semaphore(%run_scoped3A_1163 : memref<!tpu.dma_semaphore, #tpu.memory_space<semaphore_mem>>) {add = true}
        %dma_wait3A_1174 = arith.constant 0 : i32
        %dma_wait3A_1175 = arith.constant 0 : i32
        %dma_wait3A_1176 = tpu.memref_slice %arg8[%run_scoped3A_980, %dma_wait3A_1174, %dma_wait3A_1175] : memref<3x80x128xf32, #tpu.memory_space<vmem>> -> memref<1x80x128xf32, #tpu.memory_space<vmem>>
        %dma_wait3A_1177 = tpu.memref_squeeze %dma_wait3A_1176 : memref<1x80x128xf32, #tpu.memory_space<vmem>> -> memref<80x128xf32, #tpu.memory_space<vmem>>
        %dma_wait3A_1178 = arith.constant 0 : i32
        %dma_wait3A_1179 = tpu.memref_slice %arg7[%run_scoped3A_981, %dma_wait3A_1178] : memref<25x80xi32, #tpu.memory_space<vmem>> -> memref<1x80xi32, #tpu.memory_space<vmem>>
        %dma_wait3A_1180 = tpu.memref_squeeze %dma_wait3A_1179 : memref<1x80xi32, #tpu.memory_space<vmem>> -> memref<80xi32, #tpu.memory_space<vmem>>
        %dma_wait3A_1181 = arith.constant 0 : i32
        %dma_wait3A_1182 = arith.constant 0 : i32
        %dma_wait3A_1183 = tpu.memref_slice %arg10[%dma_wait3A_1181, %dma_wait3A_1182] : memref<10240x128xf32, #tpu.memory_space<vmem_shared>> -> memref<10240x128xf32, #tpu.memory_space<vmem_shared>>
        tpu.wait_indirect_dma semaphore(%run_scoped3A_1163 : memref<!tpu.dma_semaphore, #tpu.memory_space<semaphore_mem>>) src(%dma_wait3A_1177 : memref<80x128xf32, #tpu.memory_space<vmem>>) dst(%dma_wait3A_1183 : memref<10240x128xf32, #tpu.memory_space<vmem_shared>>)
        tpu.yield
      }) : () -> ()
      %dma_start3A_982 = arith.constant 18 : i32
      %dma_start3A_983 = arith.constant 0 : i32
      %dma_start3A_984 = tpu.memref_slice %arg7[%dma_start3A_982, %dma_start3A_983] : memref<25x80xi32, #tpu.memory_space<vmem>> -> memref<1x80xi32, #tpu.memory_space<vmem>>
      %dma_start3A_985 = tpu.memref_squeeze %dma_start3A_984 : memref<1x80xi32, #tpu.memory_space<vmem>> -> memref<80xi32, #tpu.memory_space<vmem>>
      %dma_start3A_986 = arith.constant 0 : i32
      %dma_start3A_987 = arith.constant 0 : i32
      %dma_start3A_988 = tpu.memref_slice %arg11[%dma_start3A_986, %dma_start3A_987] : memref<10240x16xf32, #tpu.memory_space<vmem_shared>> -> memref<10240x16xf32, #tpu.memory_space<vmem_shared>>
      tpu.enqueue_indirect_dma source(%arg9 : memref<80x16xf32, #tpu.memory_space<vmem>>) target(%dma_start3A_988 : memref<10240x16xf32, #tpu.memory_space<vmem_shared>>) offsets(%dma_start3A_985 : memref<80xi32, #tpu.memory_space<vmem>>) semaphore(%arg15 : memref<!tpu.dma_semaphore, #tpu.memory_space<semaphore_mem>>) {add = true}
      %dma_start3A_989 = arith.constant 21 : i32
      %dma_start3A_990 = arith.constant 0 : i32
      %dma_start3A_991 = arith.constant 0 : i32
      %dma_start3A_992 = arith.constant 0 : i32
      %dma_start3A_993 = tpu.memref_slice %arg8[%dma_start3A_990, %dma_start3A_991, %dma_start3A_992] : memref<3x80x128xf32, #tpu.memory_space<vmem>> -> memref<1x80x128xf32, #tpu.memory_space<vmem>>
      %dma_start3A_994 = tpu.memref_squeeze %dma_start3A_993 : memref<1x80x128xf32, #tpu.memory_space<vmem>> -> memref<80x128xf32, #tpu.memory_space<vmem>>
      %dma_start3A_995 = arith.constant 0 : i32
      %dma_start3A_996 = tpu.memref_slice %arg6[%dma_start3A_989, %dma_start3A_995] : memref<25x80xi32, #tpu.memory_space<vmem>> -> memref<1x80xi32, #tpu.memory_space<vmem>>
      %dma_start3A_997 = tpu.memref_squeeze %dma_start3A_996 : memref<1x80xi32, #tpu.memory_space<vmem>> -> memref<80xi32, #tpu.memory_space<vmem>>
      %dma_start3A_998 = arith.constant 0 : i32
      %dma_start3A_999 = arith.constant 0 : i32
      %dma_start3A_1000 = tpu.memref_slice %arg2[%dma_start3A_998, %dma_start3A_999] : memref<10000x128xf32, #tpu.memory_space<hbm>> -> memref<10000x128xf32, #tpu.memory_space<hbm>>
      tpu.enqueue_indirect_dma source(%dma_start3A_1000 : memref<10000x128xf32, #tpu.memory_space<hbm>>) target(%dma_start3A_994 : memref<80x128xf32, #tpu.memory_space<vmem>>) offsets(%dma_start3A_997 : memref<80xi32, #tpu.memory_space<vmem>>) semaphore(%arg12 : memref<!tpu.dma_semaphore, #tpu.memory_space<semaphore_mem>>)
      %dma_wait3A_1001 = arith.constant 0 : i32
      %dma_wait3A_1002 = arith.constant 1 : i32
      %dma_wait3A_1003 = arith.constant 0 : i32
      %dma_wait3A_1004 = arith.constant 0 : i32
      %dma_wait3A_1005 = tpu.memref_slice %arg8[%dma_wait3A_1002, %dma_wait3A_1003, %dma_wait3A_1004] : memref<3x80x128xf32, #tpu.memory_space<vmem>> -> memref<1x80x128xf32, #tpu.memory_space<vmem>>
      %dma_wait3A_1006 = tpu.memref_squeeze %dma_wait3A_1005 : memref<1x80x128xf32, #tpu.memory_space<vmem>> -> memref<80x128xf32, #tpu.memory_space<vmem>>
      %dma_wait3A_1007 = arith.constant 0 : i32
      %dma_wait3A_1008 = tpu.memref_slice %arg6[%dma_wait3A_1001, %dma_wait3A_1007] : memref<25x80xi32, #tpu.memory_space<vmem>> -> memref<1x80xi32, #tpu.memory_space<vmem>>
      %dma_wait3A_1009 = tpu.memref_squeeze %dma_wait3A_1008 : memref<1x80xi32, #tpu.memory_space<vmem>> -> memref<80xi32, #tpu.memory_space<vmem>>
      %dma_wait3A_1010 = arith.constant 0 : i32
      %dma_wait3A_1011 = arith.constant 0 : i32
      %dma_wait3A_1012 = tpu.memref_slice %arg2[%dma_wait3A_1010, %dma_wait3A_1011] : memref<10000x128xf32, #tpu.memory_space<hbm>> -> memref<10000x128xf32, #tpu.memory_space<hbm>>
      tpu.wait_indirect_dma semaphore(%arg13 : memref<!tpu.dma_semaphore, #tpu.memory_space<semaphore_mem>>) src(%dma_wait3A_1012 : memref<10000x128xf32, #tpu.memory_space<hbm>>) dst(%dma_wait3A_1006 : memref<80x128xf32, #tpu.memory_space<vmem>>)
      %run_scoped3A_1013 = arith.constant 1 : i32
      %run_scoped3A_1014 = arith.constant 19 : i32
      "tpu.region"() ({
        %run_scoped3A_1163 = tpu.sem_alloc : memref<!tpu.dma_semaphore, #tpu.memory_space<semaphore_mem>>
        %dma_start3A_1164 = arith.constant 0 : i32
        %dma_start3A_1165 = arith.constant 0 : i32
        %dma_start3A_1166 = tpu.memref_slice %arg8[%run_scoped3A_1013, %dma_start3A_1164, %dma_start3A_1165] : memref<3x80x128xf32, #tpu.memory_space<vmem>> -> memref<1x80x128xf32, #tpu.memory_space<vmem>>
        %dma_start3A_1167 = tpu.memref_squeeze %dma_start3A_1166 : memref<1x80x128xf32, #tpu.memory_space<vmem>> -> memref<80x128xf32, #tpu.memory_space<vmem>>
        %dma_start3A_1168 = arith.constant 0 : i32
        %dma_start3A_1169 = tpu.memref_slice %arg7[%run_scoped3A_1014, %dma_start3A_1168] : memref<25x80xi32, #tpu.memory_space<vmem>> -> memref<1x80xi32, #tpu.memory_space<vmem>>
        %dma_start3A_1170 = tpu.memref_squeeze %dma_start3A_1169 : memref<1x80xi32, #tpu.memory_space<vmem>> -> memref<80xi32, #tpu.memory_space<vmem>>
        %dma_start3A_1171 = arith.constant 0 : i32
        %dma_start3A_1172 = arith.constant 0 : i32
        %dma_start3A_1173 = tpu.memref_slice %arg10[%dma_start3A_1171, %dma_start3A_1172] : memref<10240x128xf32, #tpu.memory_space<vmem_shared>> -> memref<10240x128xf32, #tpu.memory_space<vmem_shared>>
        tpu.enqueue_indirect_dma source(%dma_start3A_1167 : memref<80x128xf32, #tpu.memory_space<vmem>>) target(%dma_start3A_1173 : memref<10240x128xf32, #tpu.memory_space<vmem_shared>>) offsets(%dma_start3A_1170 : memref<80xi32, #tpu.memory_space<vmem>>) semaphore(%run_scoped3A_1163 : memref<!tpu.dma_semaphore, #tpu.memory_space<semaphore_mem>>) {add = true}
        %dma_wait3A_1174 = arith.constant 0 : i32
        %dma_wait3A_1175 = arith.constant 0 : i32
        %dma_wait3A_1176 = tpu.memref_slice %arg8[%run_scoped3A_1013, %dma_wait3A_1174, %dma_wait3A_1175] : memref<3x80x128xf32, #tpu.memory_space<vmem>> -> memref<1x80x128xf32, #tpu.memory_space<vmem>>
        %dma_wait3A_1177 = tpu.memref_squeeze %dma_wait3A_1176 : memref<1x80x128xf32, #tpu.memory_space<vmem>> -> memref<80x128xf32, #tpu.memory_space<vmem>>
        %dma_wait3A_1178 = arith.constant 0 : i32
        %dma_wait3A_1179 = tpu.memref_slice %arg7[%run_scoped3A_1014, %dma_wait3A_1178] : memref<25x80xi32, #tpu.memory_space<vmem>> -> memref<1x80xi32, #tpu.memory_space<vmem>>
        %dma_wait3A_1180 = tpu.memref_squeeze %dma_wait3A_1179 : memref<1x80xi32, #tpu.memory_space<vmem>> -> memref<80xi32, #tpu.memory_space<vmem>>
        %dma_wait3A_1181 = arith.constant 0 : i32
        %dma_wait3A_1182 = arith.constant 0 : i32
        %dma_wait3A_1183 = tpu.memref_slice %arg10[%dma_wait3A_1181, %dma_wait3A_1182] : memref<10240x128xf32, #tpu.memory_space<vmem_shared>> -> memref<10240x128xf32, #tpu.memory_space<vmem_shared>>
        tpu.wait_indirect_dma semaphore(%run_scoped3A_1163 : memref<!tpu.dma_semaphore, #tpu.memory_space<semaphore_mem>>) src(%dma_wait3A_1177 : memref<80x128xf32, #tpu.memory_space<vmem>>) dst(%dma_wait3A_1183 : memref<10240x128xf32, #tpu.memory_space<vmem_shared>>)
        tpu.yield
      }) : () -> ()
      %dma_start3A_1015 = arith.constant 19 : i32
      %dma_start3A_1016 = arith.constant 0 : i32
      %dma_start3A_1017 = tpu.memref_slice %arg7[%dma_start3A_1015, %dma_start3A_1016] : memref<25x80xi32, #tpu.memory_space<vmem>> -> memref<1x80xi32, #tpu.memory_space<vmem>>
      %dma_start3A_1018 = tpu.memref_squeeze %dma_start3A_1017 : memref<1x80xi32, #tpu.memory_space<vmem>> -> memref<80xi32, #tpu.memory_space<vmem>>
      %dma_start3A_1019 = arith.constant 0 : i32
      %dma_start3A_1020 = arith.constant 0 : i32
      %dma_start3A_1021 = tpu.memref_slice %arg11[%dma_start3A_1019, %dma_start3A_1020] : memref<10240x16xf32, #tpu.memory_space<vmem_shared>> -> memref<10240x16xf32, #tpu.memory_space<vmem_shared>>
      tpu.enqueue_indirect_dma source(%arg9 : memref<80x16xf32, #tpu.memory_space<vmem>>) target(%dma_start3A_1021 : memref<10240x16xf32, #tpu.memory_space<vmem_shared>>) offsets(%dma_start3A_1018 : memref<80xi32, #tpu.memory_space<vmem>>) semaphore(%arg15 : memref<!tpu.dma_semaphore, #tpu.memory_space<semaphore_mem>>) {add = true}
      %dma_start3A_1022 = arith.constant 22 : i32
      %dma_start3A_1023 = arith.constant 1 : i32
      %dma_start3A_1024 = arith.constant 0 : i32
      %dma_start3A_1025 = arith.constant 0 : i32
      %dma_start3A_1026 = tpu.memref_slice %arg8[%dma_start3A_1023, %dma_start3A_1024, %dma_start3A_1025] : memref<3x80x128xf32, #tpu.memory_space<vmem>> -> memref<1x80x128xf32, #tpu.memory_space<vmem>>
      %dma_start3A_1027 = tpu.memref_squeeze %dma_start3A_1026 : memref<1x80x128xf32, #tpu.memory_space<vmem>> -> memref<80x128xf32, #tpu.memory_space<vmem>>
      %dma_start3A_1028 = arith.constant 0 : i32
      %dma_start3A_1029 = tpu.memref_slice %arg6[%dma_start3A_1022, %dma_start3A_1028] : memref<25x80xi32, #tpu.memory_space<vmem>> -> memref<1x80xi32, #tpu.memory_space<vmem>>
      %dma_start3A_1030 = tpu.memref_squeeze %dma_start3A_1029 : memref<1x80xi32, #tpu.memory_space<vmem>> -> memref<80xi32, #tpu.memory_space<vmem>>
      %dma_start3A_1031 = arith.constant 0 : i32
      %dma_start3A_1032 = arith.constant 0 : i32
      %dma_start3A_1033 = tpu.memref_slice %arg2[%dma_start3A_1031, %dma_start3A_1032] : memref<10000x128xf32, #tpu.memory_space<hbm>> -> memref<10000x128xf32, #tpu.memory_space<hbm>>
      tpu.enqueue_indirect_dma source(%dma_start3A_1033 : memref<10000x128xf32, #tpu.memory_space<hbm>>) target(%dma_start3A_1027 : memref<80x128xf32, #tpu.memory_space<vmem>>) offsets(%dma_start3A_1030 : memref<80xi32, #tpu.memory_space<vmem>>) semaphore(%arg13 : memref<!tpu.dma_semaphore, #tpu.memory_space<semaphore_mem>>)
      %dma_wait3A_1034 = arith.constant 0 : i32
      %dma_wait3A_1035 = arith.constant 2 : i32
      %dma_wait3A_1036 = arith.constant 0 : i32
      %dma_wait3A_1037 = arith.constant 0 : i32
      %dma_wait3A_1038 = tpu.memref_slice %arg8[%dma_wait3A_1035, %dma_wait3A_1036, %dma_wait3A_1037] : memref<3x80x128xf32, #tpu.memory_space<vmem>> -> memref<1x80x128xf32, #tpu.memory_space<vmem>>
      %dma_wait3A_1039 = tpu.memref_squeeze %dma_wait3A_1038 : memref<1x80x128xf32, #tpu.memory_space<vmem>> -> memref<80x128xf32, #tpu.memory_space<vmem>>
      %dma_wait3A_1040 = arith.constant 0 : i32
      %dma_wait3A_1041 = tpu.memref_slice %arg6[%dma_wait3A_1034, %dma_wait3A_1040] : memref<25x80xi32, #tpu.memory_space<vmem>> -> memref<1x80xi32, #tpu.memory_space<vmem>>
      %dma_wait3A_1042 = tpu.memref_squeeze %dma_wait3A_1041 : memref<1x80xi32, #tpu.memory_space<vmem>> -> memref<80xi32, #tpu.memory_space<vmem>>
      %dma_wait3A_1043 = arith.constant 0 : i32
      %dma_wait3A_1044 = arith.constant 0 : i32
      %dma_wait3A_1045 = tpu.memref_slice %arg2[%dma_wait3A_1043, %dma_wait3A_1044] : memref<10000x128xf32, #tpu.memory_space<hbm>> -> memref<10000x128xf32, #tpu.memory_space<hbm>>
      tpu.wait_indirect_dma semaphore(%arg14 : memref<!tpu.dma_semaphore, #tpu.memory_space<semaphore_mem>>) src(%dma_wait3A_1045 : memref<10000x128xf32, #tpu.memory_space<hbm>>) dst(%dma_wait3A_1039 : memref<80x128xf32, #tpu.memory_space<vmem>>)
      %run_scoped3A_1046 = arith.constant 2 : i32
      %run_scoped3A_1047 = arith.constant 20 : i32
      "tpu.region"() ({
        %run_scoped3A_1163 = tpu.sem_alloc : memref<!tpu.dma_semaphore, #tpu.memory_space<semaphore_mem>>
        %dma_start3A_1164 = arith.constant 0 : i32
        %dma_start3A_1165 = arith.constant 0 : i32
        %dma_start3A_1166 = tpu.memref_slice %arg8[%run_scoped3A_1046, %dma_start3A_1164, %dma_start3A_1165] : memref<3x80x128xf32, #tpu.memory_space<vmem>> -> memref<1x80x128xf32, #tpu.memory_space<vmem>>
        %dma_start3A_1167 = tpu.memref_squeeze %dma_start3A_1166 : memref<1x80x128xf32, #tpu.memory_space<vmem>> -> memref<80x128xf32, #tpu.memory_space<vmem>>
        %dma_start3A_1168 = arith.constant 0 : i32
        %dma_start3A_1169 = tpu.memref_slice %arg7[%run_scoped3A_1047, %dma_start3A_1168] : memref<25x80xi32, #tpu.memory_space<vmem>> -> memref<1x80xi32, #tpu.memory_space<vmem>>
        %dma_start3A_1170 = tpu.memref_squeeze %dma_start3A_1169 : memref<1x80xi32, #tpu.memory_space<vmem>> -> memref<80xi32, #tpu.memory_space<vmem>>
        %dma_start3A_1171 = arith.constant 0 : i32
        %dma_start3A_1172 = arith.constant 0 : i32
        %dma_start3A_1173 = tpu.memref_slice %arg10[%dma_start3A_1171, %dma_start3A_1172] : memref<10240x128xf32, #tpu.memory_space<vmem_shared>> -> memref<10240x128xf32, #tpu.memory_space<vmem_shared>>
        tpu.enqueue_indirect_dma source(%dma_start3A_1167 : memref<80x128xf32, #tpu.memory_space<vmem>>) target(%dma_start3A_1173 : memref<10240x128xf32, #tpu.memory_space<vmem_shared>>) offsets(%dma_start3A_1170 : memref<80xi32, #tpu.memory_space<vmem>>) semaphore(%run_scoped3A_1163 : memref<!tpu.dma_semaphore, #tpu.memory_space<semaphore_mem>>) {add = true}
        %dma_wait3A_1174 = arith.constant 0 : i32
        %dma_wait3A_1175 = arith.constant 0 : i32
        %dma_wait3A_1176 = tpu.memref_slice %arg8[%run_scoped3A_1046, %dma_wait3A_1174, %dma_wait3A_1175] : memref<3x80x128xf32, #tpu.memory_space<vmem>> -> memref<1x80x128xf32, #tpu.memory_space<vmem>>
        %dma_wait3A_1177 = tpu.memref_squeeze %dma_wait3A_1176 : memref<1x80x128xf32, #tpu.memory_space<vmem>> -> memref<80x128xf32, #tpu.memory_space<vmem>>
        %dma_wait3A_1178 = arith.constant 0 : i32
        %dma_wait3A_1179 = tpu.memref_slice %arg7[%run_scoped3A_1047, %dma_wait3A_1178] : memref<25x80xi32, #tpu.memory_space<vmem>> -> memref<1x80xi32, #tpu.memory_space<vmem>>
        %dma_wait3A_1180 = tpu.memref_squeeze %dma_wait3A_1179 : memref<1x80xi32, #tpu.memory_space<vmem>> -> memref<80xi32, #tpu.memory_space<vmem>>
        %dma_wait3A_1181 = arith.constant 0 : i32
        %dma_wait3A_1182 = arith.constant 0 : i32
        %dma_wait3A_1183 = tpu.memref_slice %arg10[%dma_wait3A_1181, %dma_wait3A_1182] : memref<10240x128xf32, #tpu.memory_space<vmem_shared>> -> memref<10240x128xf32, #tpu.memory_space<vmem_shared>>
        tpu.wait_indirect_dma semaphore(%run_scoped3A_1163 : memref<!tpu.dma_semaphore, #tpu.memory_space<semaphore_mem>>) src(%dma_wait3A_1177 : memref<80x128xf32, #tpu.memory_space<vmem>>) dst(%dma_wait3A_1183 : memref<10240x128xf32, #tpu.memory_space<vmem_shared>>)
        tpu.yield
      }) : () -> ()
      %dma_start3A_1048 = arith.constant 20 : i32
      %dma_start3A_1049 = arith.constant 0 : i32
      %dma_start3A_1050 = tpu.memref_slice %arg7[%dma_start3A_1048, %dma_start3A_1049] : memref<25x80xi32, #tpu.memory_space<vmem>> -> memref<1x80xi32, #tpu.memory_space<vmem>>
      %dma_start3A_1051 = tpu.memref_squeeze %dma_start3A_1050 : memref<1x80xi32, #tpu.memory_space<vmem>> -> memref<80xi32, #tpu.memory_space<vmem>>
      %dma_start3A_1052 = arith.constant 0 : i32
      %dma_start3A_1053 = arith.constant 0 : i32
      %dma_start3A_1054 = tpu.memref_slice %arg11[%dma_start3A_1052, %dma_start3A_1053] : memref<10240x16xf32, #tpu.memory_space<vmem_shared>> -> memref<10240x16xf32, #tpu.memory_space<vmem_shared>>
      tpu.enqueue_indirect_dma source(%arg9 : memref<80x16xf32, #tpu.memory_space<vmem>>) target(%dma_start3A_1054 : memref<10240x16xf32, #tpu.memory_space<vmem_shared>>) offsets(%dma_start3A_1051 : memref<80xi32, #tpu.memory_space<vmem>>) semaphore(%arg15 : memref<!tpu.dma_semaphore, #tpu.memory_space<semaphore_mem>>) {add = true}
      %dma_start3A_1055 = arith.constant 23 : i32
      %dma_start3A_1056 = arith.constant 2 : i32
      %dma_start3A_1057 = arith.constant 0 : i32
      %dma_start3A_1058 = arith.constant 0 : i32
      %dma_start3A_1059 = tpu.memref_slice %arg8[%dma_start3A_1056, %dma_start3A_1057, %dma_start3A_1058] : memref<3x80x128xf32, #tpu.memory_space<vmem>> -> memref<1x80x128xf32, #tpu.memory_space<vmem>>
      %dma_start3A_1060 = tpu.memref_squeeze %dma_start3A_1059 : memref<1x80x128xf32, #tpu.memory_space<vmem>> -> memref<80x128xf32, #tpu.memory_space<vmem>>
      %dma_start3A_1061 = arith.constant 0 : i32
      %dma_start3A_1062 = tpu.memref_slice %arg6[%dma_start3A_1055, %dma_start3A_1061] : memref<25x80xi32, #tpu.memory_space<vmem>> -> memref<1x80xi32, #tpu.memory_space<vmem>>
      %dma_start3A_1063 = tpu.memref_squeeze %dma_start3A_1062 : memref<1x80xi32, #tpu.memory_space<vmem>> -> memref<80xi32, #tpu.memory_space<vmem>>
      %dma_start3A_1064 = arith.constant 0 : i32
      %dma_start3A_1065 = arith.constant 0 : i32
      %dma_start3A_1066 = tpu.memref_slice %arg2[%dma_start3A_1064, %dma_start3A_1065] : memref<10000x128xf32, #tpu.memory_space<hbm>> -> memref<10000x128xf32, #tpu.memory_space<hbm>>
      tpu.enqueue_indirect_dma source(%dma_start3A_1066 : memref<10000x128xf32, #tpu.memory_space<hbm>>) target(%dma_start3A_1060 : memref<80x128xf32, #tpu.memory_space<vmem>>) offsets(%dma_start3A_1063 : memref<80xi32, #tpu.memory_space<vmem>>) semaphore(%arg14 : memref<!tpu.dma_semaphore, #tpu.memory_space<semaphore_mem>>)
      %dma_wait3A_1067 = arith.constant 0 : i32
      %dma_wait3A_1068 = arith.constant 0 : i32
      %dma_wait3A_1069 = arith.constant 0 : i32
      %dma_wait3A_1070 = arith.constant 0 : i32
      %dma_wait3A_1071 = tpu.memref_slice %arg8[%dma_wait3A_1068, %dma_wait3A_1069, %dma_wait3A_1070] : memref<3x80x128xf32, #tpu.memory_space<vmem>> -> memref<1x80x128xf32, #tpu.memory_space<vmem>>
      %dma_wait3A_1072 = tpu.memref_squeeze %dma_wait3A_1071 : memref<1x80x128xf32, #tpu.memory_space<vmem>> -> memref<80x128xf32, #tpu.memory_space<vmem>>
      %dma_wait3A_1073 = arith.constant 0 : i32
      %dma_wait3A_1074 = tpu.memref_slice %arg6[%dma_wait3A_1067, %dma_wait3A_1073] : memref<25x80xi32, #tpu.memory_space<vmem>> -> memref<1x80xi32, #tpu.memory_space<vmem>>
      %dma_wait3A_1075 = tpu.memref_squeeze %dma_wait3A_1074 : memref<1x80xi32, #tpu.memory_space<vmem>> -> memref<80xi32, #tpu.memory_space<vmem>>
      %dma_wait3A_1076 = arith.constant 0 : i32
      %dma_wait3A_1077 = arith.constant 0 : i32
      %dma_wait3A_1078 = tpu.memref_slice %arg2[%dma_wait3A_1076, %dma_wait3A_1077] : memref<10000x128xf32, #tpu.memory_space<hbm>> -> memref<10000x128xf32, #tpu.memory_space<hbm>>
      tpu.wait_indirect_dma semaphore(%arg12 : memref<!tpu.dma_semaphore, #tpu.memory_space<semaphore_mem>>) src(%dma_wait3A_1078 : memref<10000x128xf32, #tpu.memory_space<hbm>>) dst(%dma_wait3A_1072 : memref<80x128xf32, #tpu.memory_space<vmem>>)
      %run_scoped3A_1079 = arith.constant 0 : i32
      %run_scoped3A_1080 = arith.constant 21 : i32
      "tpu.region"() ({
        %run_scoped3A_1163 = tpu.sem_alloc : memref<!tpu.dma_semaphore, #tpu.memory_space<semaphore_mem>>
        %dma_start3A_1164 = arith.constant 0 : i32
        %dma_start3A_1165 = arith.constant 0 : i32
        %dma_start3A_1166 = tpu.memref_slice %arg8[%run_scoped3A_1079, %dma_start3A_1164, %dma_start3A_1165] : memref<3x80x128xf32, #tpu.memory_space<vmem>> -> memref<1x80x128xf32, #tpu.memory_space<vmem>>
        %dma_start3A_1167 = tpu.memref_squeeze %dma_start3A_1166 : memref<1x80x128xf32, #tpu.memory_space<vmem>> -> memref<80x128xf32, #tpu.memory_space<vmem>>
        %dma_start3A_1168 = arith.constant 0 : i32
        %dma_start3A_1169 = tpu.memref_slice %arg7[%run_scoped3A_1080, %dma_start3A_1168] : memref<25x80xi32, #tpu.memory_space<vmem>> -> memref<1x80xi32, #tpu.memory_space<vmem>>
        %dma_start3A_1170 = tpu.memref_squeeze %dma_start3A_1169 : memref<1x80xi32, #tpu.memory_space<vmem>> -> memref<80xi32, #tpu.memory_space<vmem>>
        %dma_start3A_1171 = arith.constant 0 : i32
        %dma_start3A_1172 = arith.constant 0 : i32
        %dma_start3A_1173 = tpu.memref_slice %arg10[%dma_start3A_1171, %dma_start3A_1172] : memref<10240x128xf32, #tpu.memory_space<vmem_shared>> -> memref<10240x128xf32, #tpu.memory_space<vmem_shared>>
        tpu.enqueue_indirect_dma source(%dma_start3A_1167 : memref<80x128xf32, #tpu.memory_space<vmem>>) target(%dma_start3A_1173 : memref<10240x128xf32, #tpu.memory_space<vmem_shared>>) offsets(%dma_start3A_1170 : memref<80xi32, #tpu.memory_space<vmem>>) semaphore(%run_scoped3A_1163 : memref<!tpu.dma_semaphore, #tpu.memory_space<semaphore_mem>>) {add = true}
        %dma_wait3A_1174 = arith.constant 0 : i32
        %dma_wait3A_1175 = arith.constant 0 : i32
        %dma_wait3A_1176 = tpu.memref_slice %arg8[%run_scoped3A_1079, %dma_wait3A_1174, %dma_wait3A_1175] : memref<3x80x128xf32, #tpu.memory_space<vmem>> -> memref<1x80x128xf32, #tpu.memory_space<vmem>>
        %dma_wait3A_1177 = tpu.memref_squeeze %dma_wait3A_1176 : memref<1x80x128xf32, #tpu.memory_space<vmem>> -> memref<80x128xf32, #tpu.memory_space<vmem>>
        %dma_wait3A_1178 = arith.constant 0 : i32
        %dma_wait3A_1179 = tpu.memref_slice %arg7[%run_scoped3A_1080, %dma_wait3A_1178] : memref<25x80xi32, #tpu.memory_space<vmem>> -> memref<1x80xi32, #tpu.memory_space<vmem>>
        %dma_wait3A_1180 = tpu.memref_squeeze %dma_wait3A_1179 : memref<1x80xi32, #tpu.memory_space<vmem>> -> memref<80xi32, #tpu.memory_space<vmem>>
        %dma_wait3A_1181 = arith.constant 0 : i32
        %dma_wait3A_1182 = arith.constant 0 : i32
        %dma_wait3A_1183 = tpu.memref_slice %arg10[%dma_wait3A_1181, %dma_wait3A_1182] : memref<10240x128xf32, #tpu.memory_space<vmem_shared>> -> memref<10240x128xf32, #tpu.memory_space<vmem_shared>>
        tpu.wait_indirect_dma semaphore(%run_scoped3A_1163 : memref<!tpu.dma_semaphore, #tpu.memory_space<semaphore_mem>>) src(%dma_wait3A_1177 : memref<80x128xf32, #tpu.memory_space<vmem>>) dst(%dma_wait3A_1183 : memref<10240x128xf32, #tpu.memory_space<vmem_shared>>)
        tpu.yield
      }) : () -> ()
      %dma_start3A_1081 = arith.constant 21 : i32
      %dma_start3A_1082 = arith.constant 0 : i32
      %dma_start3A_1083 = tpu.memref_slice %arg7[%dma_start3A_1081, %dma_start3A_1082] : memref<25x80xi32, #tpu.memory_space<vmem>> -> memref<1x80xi32, #tpu.memory_space<vmem>>
      %dma_start3A_1084 = tpu.memref_squeeze %dma_start3A_1083 : memref<1x80xi32, #tpu.memory_space<vmem>> -> memref<80xi32, #tpu.memory_space<vmem>>
      %dma_start3A_1085 = arith.constant 0 : i32
      %dma_start3A_1086 = arith.constant 0 : i32
      %dma_start3A_1087 = tpu.memref_slice %arg11[%dma_start3A_1085, %dma_start3A_1086] : memref<10240x16xf32, #tpu.memory_space<vmem_shared>> -> memref<10240x16xf32, #tpu.memory_space<vmem_shared>>
      tpu.enqueue_indirect_dma source(%arg9 : memref<80x16xf32, #tpu.memory_space<vmem>>) target(%dma_start3A_1087 : memref<10240x16xf32, #tpu.memory_space<vmem_shared>>) offsets(%dma_start3A_1084 : memref<80xi32, #tpu.memory_space<vmem>>) semaphore(%arg15 : memref<!tpu.dma_semaphore, #tpu.memory_space<semaphore_mem>>) {add = true}
      %dma_start3A_1088 = arith.constant 24 : i32
      %dma_start3A_1089 = arith.constant 0 : i32
      %dma_start3A_1090 = arith.constant 0 : i32
      %dma_start3A_1091 = arith.constant 0 : i32
      %dma_start3A_1092 = tpu.memref_slice %arg8[%dma_start3A_1089, %dma_start3A_1090, %dma_start3A_1091] : memref<3x80x128xf32, #tpu.memory_space<vmem>> -> memref<1x80x128xf32, #tpu.memory_space<vmem>>
      %dma_start3A_1093 = tpu.memref_squeeze %dma_start3A_1092 : memref<1x80x128xf32, #tpu.memory_space<vmem>> -> memref<80x128xf32, #tpu.memory_space<vmem>>
      %dma_start3A_1094 = arith.constant 0 : i32
      %dma_start3A_1095 = tpu.memref_slice %arg6[%dma_start3A_1088, %dma_start3A_1094] : memref<25x80xi32, #tpu.memory_space<vmem>> -> memref<1x80xi32, #tpu.memory_space<vmem>>
      %dma_start3A_1096 = tpu.memref_squeeze %dma_start3A_1095 : memref<1x80xi32, #tpu.memory_space<vmem>> -> memref<80xi32, #tpu.memory_space<vmem>>
      %dma_start3A_1097 = arith.constant 0 : i32
      %dma_start3A_1098 = arith.constant 0 : i32
      %dma_start3A_1099 = tpu.memref_slice %arg2[%dma_start3A_1097, %dma_start3A_1098] : memref<10000x128xf32, #tpu.memory_space<hbm>> -> memref<10000x128xf32, #tpu.memory_space<hbm>>
      tpu.enqueue_indirect_dma source(%dma_start3A_1099 : memref<10000x128xf32, #tpu.memory_space<hbm>>) target(%dma_start3A_1093 : memref<80x128xf32, #tpu.memory_space<vmem>>) offsets(%dma_start3A_1096 : memref<80xi32, #tpu.memory_space<vmem>>) semaphore(%arg12 : memref<!tpu.dma_semaphore, #tpu.memory_space<semaphore_mem>>)
      %dma_wait3A_1100 = arith.constant 0 : i32
      %dma_wait3A_1101 = arith.constant 1 : i32
      %dma_wait3A_1102 = arith.constant 0 : i32
      %dma_wait3A_1103 = arith.constant 0 : i32
      %dma_wait3A_1104 = tpu.memref_slice %arg8[%dma_wait3A_1101, %dma_wait3A_1102, %dma_wait3A_1103] : memref<3x80x128xf32, #tpu.memory_space<vmem>> -> memref<1x80x128xf32, #tpu.memory_space<vmem>>
      %dma_wait3A_1105 = tpu.memref_squeeze %dma_wait3A_1104 : memref<1x80x128xf32, #tpu.memory_space<vmem>> -> memref<80x128xf32, #tpu.memory_space<vmem>>
      %dma_wait3A_1106 = arith.constant 0 : i32
      %dma_wait3A_1107 = tpu.memref_slice %arg6[%dma_wait3A_1100, %dma_wait3A_1106] : memref<25x80xi32, #tpu.memory_space<vmem>> -> memref<1x80xi32, #tpu.memory_space<vmem>>
      %dma_wait3A_1108 = tpu.memref_squeeze %dma_wait3A_1107 : memref<1x80xi32, #tpu.memory_space<vmem>> -> memref<80xi32, #tpu.memory_space<vmem>>
      %dma_wait3A_1109 = arith.constant 0 : i32
      %dma_wait3A_1110 = arith.constant 0 : i32
      %dma_wait3A_1111 = tpu.memref_slice %arg2[%dma_wait3A_1109, %dma_wait3A_1110] : memref<10000x128xf32, #tpu.memory_space<hbm>> -> memref<10000x128xf32, #tpu.memory_space<hbm>>
      tpu.wait_indirect_dma semaphore(%arg13 : memref<!tpu.dma_semaphore, #tpu.memory_space<semaphore_mem>>) src(%dma_wait3A_1111 : memref<10000x128xf32, #tpu.memory_space<hbm>>) dst(%dma_wait3A_1105 : memref<80x128xf32, #tpu.memory_space<vmem>>)
      %run_scoped3A_1112 = arith.constant 1 : i32
      %run_scoped3A_1113 = arith.constant 22 : i32
      "tpu.region"() ({
        %run_scoped3A_1163 = tpu.sem_alloc : memref<!tpu.dma_semaphore, #tpu.memory_space<semaphore_mem>>
        %dma_start3A_1164 = arith.constant 0 : i32
        %dma_start3A_1165 = arith.constant 0 : i32
        %dma_start3A_1166 = tpu.memref_slice %arg8[%run_scoped3A_1112, %dma_start3A_1164, %dma_start3A_1165] : memref<3x80x128xf32, #tpu.memory_space<vmem>> -> memref<1x80x128xf32, #tpu.memory_space<vmem>>
        %dma_start3A_1167 = tpu.memref_squeeze %dma_start3A_1166 : memref<1x80x128xf32, #tpu.memory_space<vmem>> -> memref<80x128xf32, #tpu.memory_space<vmem>>
        %dma_start3A_1168 = arith.constant 0 : i32
        %dma_start3A_1169 = tpu.memref_slice %arg7[%run_scoped3A_1113, %dma_start3A_1168] : memref<25x80xi32, #tpu.memory_space<vmem>> -> memref<1x80xi32, #tpu.memory_space<vmem>>
        %dma_start3A_1170 = tpu.memref_squeeze %dma_start3A_1169 : memref<1x80xi32, #tpu.memory_space<vmem>> -> memref<80xi32, #tpu.memory_space<vmem>>
        %dma_start3A_1171 = arith.constant 0 : i32
        %dma_start3A_1172 = arith.constant 0 : i32
        %dma_start3A_1173 = tpu.memref_slice %arg10[%dma_start3A_1171, %dma_start3A_1172] : memref<10240x128xf32, #tpu.memory_space<vmem_shared>> -> memref<10240x128xf32, #tpu.memory_space<vmem_shared>>
        tpu.enqueue_indirect_dma source(%dma_start3A_1167 : memref<80x128xf32, #tpu.memory_space<vmem>>) target(%dma_start3A_1173 : memref<10240x128xf32, #tpu.memory_space<vmem_shared>>) offsets(%dma_start3A_1170 : memref<80xi32, #tpu.memory_space<vmem>>) semaphore(%run_scoped3A_1163 : memref<!tpu.dma_semaphore, #tpu.memory_space<semaphore_mem>>) {add = true}
        %dma_wait3A_1174 = arith.constant 0 : i32
        %dma_wait3A_1175 = arith.constant 0 : i32
        %dma_wait3A_1176 = tpu.memref_slice %arg8[%run_scoped3A_1112, %dma_wait3A_1174, %dma_wait3A_1175] : memref<3x80x128xf32, #tpu.memory_space<vmem>> -> memref<1x80x128xf32, #tpu.memory_space<vmem>>
        %dma_wait3A_1177 = tpu.memref_squeeze %dma_wait3A_1176 : memref<1x80x128xf32, #tpu.memory_space<vmem>> -> memref<80x128xf32, #tpu.memory_space<vmem>>
        %dma_wait3A_1178 = arith.constant 0 : i32
        %dma_wait3A_1179 = tpu.memref_slice %arg7[%run_scoped3A_1113, %dma_wait3A_1178] : memref<25x80xi32, #tpu.memory_space<vmem>> -> memref<1x80xi32, #tpu.memory_space<vmem>>
        %dma_wait3A_1180 = tpu.memref_squeeze %dma_wait3A_1179 : memref<1x80xi32, #tpu.memory_space<vmem>> -> memref<80xi32, #tpu.memory_space<vmem>>
        %dma_wait3A_1181 = arith.constant 0 : i32
        %dma_wait3A_1182 = arith.constant 0 : i32
        %dma_wait3A_1183 = tpu.memref_slice %arg10[%dma_wait3A_1181, %dma_wait3A_1182] : memref<10240x128xf32, #tpu.memory_space<vmem_shared>> -> memref<10240x128xf32, #tpu.memory_space<vmem_shared>>
        tpu.wait_indirect_dma semaphore(%run_scoped3A_1163 : memref<!tpu.dma_semaphore, #tpu.memory_space<semaphore_mem>>) src(%dma_wait3A_1177 : memref<80x128xf32, #tpu.memory_space<vmem>>) dst(%dma_wait3A_1183 : memref<10240x128xf32, #tpu.memory_space<vmem_shared>>)
        tpu.yield
      }) : () -> ()
      %dma_start3A_1114 = arith.constant 22 : i32
      %dma_start3A_1115 = arith.constant 0 : i32
      %dma_start3A_1116 = tpu.memref_slice %arg7[%dma_start3A_1114, %dma_start3A_1115] : memref<25x80xi32, #tpu.memory_space<vmem>> -> memref<1x80xi32, #tpu.memory_space<vmem>>
      %dma_start3A_1117 = tpu.memref_squeeze %dma_start3A_1116 : memref<1x80xi32, #tpu.memory_space<vmem>> -> memref<80xi32, #tpu.memory_space<vmem>>
      %dma_start3A_1118 = arith.constant 0 : i32
      %dma_start3A_1119 = arith.constant 0 : i32
      %dma_start3A_1120 = tpu.memref_slice %arg11[%dma_start3A_1118, %dma_start3A_1119] : memref<10240x16xf32, #tpu.memory_space<vmem_shared>> -> memref<10240x16xf32, #tpu.memory_space<vmem_shared>>
      tpu.enqueue_indirect_dma source(%arg9 : memref<80x16xf32, #tpu.memory_space<vmem>>) target(%dma_start3A_1120 : memref<10240x16xf32, #tpu.memory_space<vmem_shared>>) offsets(%dma_start3A_1117 : memref<80xi32, #tpu.memory_space<vmem>>) semaphore(%arg15 : memref<!tpu.dma_semaphore, #tpu.memory_space<semaphore_mem>>) {add = true}
      %dma_wait3A_1121 = arith.constant 0 : i32
      %dma_wait3A_1122 = arith.constant 2 : i32
      %dma_wait3A_1123 = arith.constant 0 : i32
      %dma_wait3A_1124 = arith.constant 0 : i32
      %dma_wait3A_1125 = tpu.memref_slice %arg8[%dma_wait3A_1122, %dma_wait3A_1123, %dma_wait3A_1124] : memref<3x80x128xf32, #tpu.memory_space<vmem>> -> memref<1x80x128xf32, #tpu.memory_space<vmem>>
      %dma_wait3A_1126 = tpu.memref_squeeze %dma_wait3A_1125 : memref<1x80x128xf32, #tpu.memory_space<vmem>> -> memref<80x128xf32, #tpu.memory_space<vmem>>
      %dma_wait3A_1127 = arith.constant 0 : i32
      %dma_wait3A_1128 = tpu.memref_slice %arg6[%dma_wait3A_1121, %dma_wait3A_1127] : memref<25x80xi32, #tpu.memory_space<vmem>> -> memref<1x80xi32, #tpu.memory_space<vmem>>
      %dma_wait3A_1129 = tpu.memref_squeeze %dma_wait3A_1128 : memref<1x80xi32, #tpu.memory_space<vmem>> -> memref<80xi32, #tpu.memory_space<vmem>>
      %dma_wait3A_1130 = arith.constant 0 : i32
      %dma_wait3A_1131 = arith.constant 0 : i32
      %dma_wait3A_1132 = tpu.memref_slice %arg2[%dma_wait3A_1130, %dma_wait3A_1131] : memref<10000x128xf32, #tpu.memory_space<hbm>> -> memref<10000x128xf32, #tpu.memory_space<hbm>>
      tpu.wait_indirect_dma semaphore(%arg14 : memref<!tpu.dma_semaphore, #tpu.memory_space<semaphore_mem>>) src(%dma_wait3A_1132 : memref<10000x128xf32, #tpu.memory_space<hbm>>) dst(%dma_wait3A_1126 : memref<80x128xf32, #tpu.memory_space<vmem>>)
      %run_scoped3A_1133 = arith.constant 2 : i32
      %run_scoped3A_1134 = arith.constant 23 : i32
      "tpu.region"() ({
        %run_scoped3A_1163 = tpu.sem_alloc : memref<!tpu.dma_semaphore, #tpu.memory_space<semaphore_mem>>
        %dma_start3A_1164 = arith.constant 0 : i32
        %dma_start3A_1165 = arith.constant 0 : i32
        %dma_start3A_1166 = tpu.memref_slice %arg8[%run_scoped3A_1133, %dma_start3A_1164, %dma_start3A_1165] : memref<3x80x128xf32, #tpu.memory_space<vmem>> -> memref<1x80x128xf32, #tpu.memory_space<vmem>>
        %dma_start3A_1167 = tpu.memref_squeeze %dma_start3A_1166 : memref<1x80x128xf32, #tpu.memory_space<vmem>> -> memref<80x128xf32, #tpu.memory_space<vmem>>
        %dma_start3A_1168 = arith.constant 0 : i32
        %dma_start3A_1169 = tpu.memref_slice %arg7[%run_scoped3A_1134, %dma_start3A_1168] : memref<25x80xi32, #tpu.memory_space<vmem>> -> memref<1x80xi32, #tpu.memory_space<vmem>>
        %dma_start3A_1170 = tpu.memref_squeeze %dma_start3A_1169 : memref<1x80xi32, #tpu.memory_space<vmem>> -> memref<80xi32, #tpu.memory_space<vmem>>
        %dma_start3A_1171 = arith.constant 0 : i32
        %dma_start3A_1172 = arith.constant 0 : i32
        %dma_start3A_1173 = tpu.memref_slice %arg10[%dma_start3A_1171, %dma_start3A_1172] : memref<10240x128xf32, #tpu.memory_space<vmem_shared>> -> memref<10240x128xf32, #tpu.memory_space<vmem_shared>>
        tpu.enqueue_indirect_dma source(%dma_start3A_1167 : memref<80x128xf32, #tpu.memory_space<vmem>>) target(%dma_start3A_1173 : memref<10240x128xf32, #tpu.memory_space<vmem_shared>>) offsets(%dma_start3A_1170 : memref<80xi32, #tpu.memory_space<vmem>>) semaphore(%run_scoped3A_1163 : memref<!tpu.dma_semaphore, #tpu.memory_space<semaphore_mem>>) {add = true}
        %dma_wait3A_1174 = arith.constant 0 : i32
        %dma_wait3A_1175 = arith.constant 0 : i32
        %dma_wait3A_1176 = tpu.memref_slice %arg8[%run_scoped3A_1133, %dma_wait3A_1174, %dma_wait3A_1175] : memref<3x80x128xf32, #tpu.memory_space<vmem>> -> memref<1x80x128xf32, #tpu.memory_space<vmem>>
        %dma_wait3A_1177 = tpu.memref_squeeze %dma_wait3A_1176 : memref<1x80x128xf32, #tpu.memory_space<vmem>> -> memref<80x128xf32, #tpu.memory_space<vmem>>
        %dma_wait3A_1178 = arith.constant 0 : i32
        %dma_wait3A_1179 = tpu.memref_slice %arg7[%run_scoped3A_1134, %dma_wait3A_1178] : memref<25x80xi32, #tpu.memory_space<vmem>> -> memref<1x80xi32, #tpu.memory_space<vmem>>
        %dma_wait3A_1180 = tpu.memref_squeeze %dma_wait3A_1179 : memref<1x80xi32, #tpu.memory_space<vmem>> -> memref<80xi32, #tpu.memory_space<vmem>>
        %dma_wait3A_1181 = arith.constant 0 : i32
        %dma_wait3A_1182 = arith.constant 0 : i32
        %dma_wait3A_1183 = tpu.memref_slice %arg10[%dma_wait3A_1181, %dma_wait3A_1182] : memref<10240x128xf32, #tpu.memory_space<vmem_shared>> -> memref<10240x128xf32, #tpu.memory_space<vmem_shared>>
        tpu.wait_indirect_dma semaphore(%run_scoped3A_1163 : memref<!tpu.dma_semaphore, #tpu.memory_space<semaphore_mem>>) src(%dma_wait3A_1177 : memref<80x128xf32, #tpu.memory_space<vmem>>) dst(%dma_wait3A_1183 : memref<10240x128xf32, #tpu.memory_space<vmem_shared>>)
        tpu.yield
      }) : () -> ()
      %dma_start3A_1135 = arith.constant 23 : i32
      %dma_start3A_1136 = arith.constant 0 : i32
      %dma_start3A_1137 = tpu.memref_slice %arg7[%dma_start3A_1135, %dma_start3A_1136] : memref<25x80xi32, #tpu.memory_space<vmem>> -> memref<1x80xi32, #tpu.memory_space<vmem>>
      %dma_start3A_1138 = tpu.memref_squeeze %dma_start3A_1137 : memref<1x80xi32, #tpu.memory_space<vmem>> -> memref<80xi32, #tpu.memory_space<vmem>>
      %dma_start3A_1139 = arith.constant 0 : i32
      %dma_start3A_1140 = arith.constant 0 : i32
      %dma_start3A_1141 = tpu.memref_slice %arg11[%dma_start3A_1139, %dma_start3A_1140] : memref<10240x16xf32, #tpu.memory_space<vmem_shared>> -> memref<10240x16xf32, #tpu.memory_space<vmem_shared>>
      tpu.enqueue_indirect_dma source(%arg9 : memref<80x16xf32, #tpu.memory_space<vmem>>) target(%dma_start3A_1141 : memref<10240x16xf32, #tpu.memory_space<vmem_shared>>) offsets(%dma_start3A_1138 : memref<80xi32, #tpu.memory_space<vmem>>) semaphore(%arg15 : memref<!tpu.dma_semaphore, #tpu.memory_space<semaphore_mem>>) {add = true}
      %dma_wait3A_1142 = arith.constant 0 : i32
      %dma_wait3A_1143 = arith.constant 0 : i32
      %dma_wait3A_1144 = arith.constant 0 : i32
      %dma_wait3A_1145 = arith.constant 0 : i32
      %dma_wait3A_1146 = tpu.memref_slice %arg8[%dma_wait3A_1143, %dma_wait3A_1144, %dma_wait3A_1145] : memref<3x80x128xf32, #tpu.memory_space<vmem>> -> memref<1x80x128xf32, #tpu.memory_space<vmem>>
      %dma_wait3A_1147 = tpu.memref_squeeze %dma_wait3A_1146 : memref<1x80x128xf32, #tpu.memory_space<vmem>> -> memref<80x128xf32, #tpu.memory_space<vmem>>
      %dma_wait3A_1148 = arith.constant 0 : i32
      %dma_wait3A_1149 = tpu.memref_slice %arg6[%dma_wait3A_1142, %dma_wait3A_1148] : memref<25x80xi32, #tpu.memory_space<vmem>> -> memref<1x80xi32, #tpu.memory_space<vmem>>
      %dma_wait3A_1150 = tpu.memref_squeeze %dma_wait3A_1149 : memref<1x80xi32, #tpu.memory_space<vmem>> -> memref<80xi32, #tpu.memory_space<vmem>>
      %dma_wait3A_1151 = arith.constant 0 : i32
      %dma_wait3A_1152 = arith.constant 0 : i32
      %dma_wait3A_1153 = tpu.memref_slice %arg2[%dma_wait3A_1151, %dma_wait3A_1152] : memref<10000x128xf32, #tpu.memory_space<hbm>> -> memref<10000x128xf32, #tpu.memory_space<hbm>>
      tpu.wait_indirect_dma semaphore(%arg12 : memref<!tpu.dma_semaphore, #tpu.memory_space<semaphore_mem>>) src(%dma_wait3A_1153 : memref<10000x128xf32, #tpu.memory_space<hbm>>) dst(%dma_wait3A_1147 : memref<80x128xf32, #tpu.memory_space<vmem>>)
      %run_scoped3A_1154 = arith.constant 0 : i32
      %run_scoped3A_1155 = arith.constant 24 : i32
      "tpu.region"() ({
        %run_scoped3A_1163 = tpu.sem_alloc : memref<!tpu.dma_semaphore, #tpu.memory_space<semaphore_mem>>
        %dma_start3A_1164 = arith.constant 0 : i32
        %dma_start3A_1165 = arith.constant 0 : i32
        %dma_start3A_1166 = tpu.memref_slice %arg8[%run_scoped3A_1154, %dma_start3A_1164, %dma_start3A_1165] : memref<3x80x128xf32, #tpu.memory_space<vmem>> -> memref<1x80x128xf32, #tpu.memory_space<vmem>>
        %dma_start3A_1167 = tpu.memref_squeeze %dma_start3A_1166 : memref<1x80x128xf32, #tpu.memory_space<vmem>> -> memref<80x128xf32, #tpu.memory_space<vmem>>
        %dma_start3A_1168 = arith.constant 0 : i32
        %dma_start3A_1169 = tpu.memref_slice %arg7[%run_scoped3A_1155, %dma_start3A_1168] : memref<25x80xi32, #tpu.memory_space<vmem>> -> memref<1x80xi32, #tpu.memory_space<vmem>>
        %dma_start3A_1170 = tpu.memref_squeeze %dma_start3A_1169 : memref<1x80xi32, #tpu.memory_space<vmem>> -> memref<80xi32, #tpu.memory_space<vmem>>
        %dma_start3A_1171 = arith.constant 0 : i32
        %dma_start3A_1172 = arith.constant 0 : i32
        %dma_start3A_1173 = tpu.memref_slice %arg10[%dma_start3A_1171, %dma_start3A_1172] : memref<10240x128xf32, #tpu.memory_space<vmem_shared>> -> memref<10240x128xf32, #tpu.memory_space<vmem_shared>>
        tpu.enqueue_indirect_dma source(%dma_start3A_1167 : memref<80x128xf32, #tpu.memory_space<vmem>>) target(%dma_start3A_1173 : memref<10240x128xf32, #tpu.memory_space<vmem_shared>>) offsets(%dma_start3A_1170 : memref<80xi32, #tpu.memory_space<vmem>>) semaphore(%run_scoped3A_1163 : memref<!tpu.dma_semaphore, #tpu.memory_space<semaphore_mem>>) {add = true}
        %dma_wait3A_1174 = arith.constant 0 : i32
        %dma_wait3A_1175 = arith.constant 0 : i32
        %dma_wait3A_1176 = tpu.memref_slice %arg8[%run_scoped3A_1154, %dma_wait3A_1174, %dma_wait3A_1175] : memref<3x80x128xf32, #tpu.memory_space<vmem>> -> memref<1x80x128xf32, #tpu.memory_space<vmem>>
        %dma_wait3A_1177 = tpu.memref_squeeze %dma_wait3A_1176 : memref<1x80x128xf32, #tpu.memory_space<vmem>> -> memref<80x128xf32, #tpu.memory_space<vmem>>
        %dma_wait3A_1178 = arith.constant 0 : i32
        %dma_wait3A_1179 = tpu.memref_slice %arg7[%run_scoped3A_1155, %dma_wait3A_1178] : memref<25x80xi32, #tpu.memory_space<vmem>> -> memref<1x80xi32, #tpu.memory_space<vmem>>
        %dma_wait3A_1180 = tpu.memref_squeeze %dma_wait3A_1179 : memref<1x80xi32, #tpu.memory_space<vmem>> -> memref<80xi32, #tpu.memory_space<vmem>>
        %dma_wait3A_1181 = arith.constant 0 : i32
        %dma_wait3A_1182 = arith.constant 0 : i32
        %dma_wait3A_1183 = tpu.memref_slice %arg10[%dma_wait3A_1181, %dma_wait3A_1182] : memref<10240x128xf32, #tpu.memory_space<vmem_shared>> -> memref<10240x128xf32, #tpu.memory_space<vmem_shared>>
        tpu.wait_indirect_dma semaphore(%run_scoped3A_1163 : memref<!tpu.dma_semaphore, #tpu.memory_space<semaphore_mem>>) src(%dma_wait3A_1177 : memref<80x128xf32, #tpu.memory_space<vmem>>) dst(%dma_wait3A_1183 : memref<10240x128xf32, #tpu.memory_space<vmem_shared>>)
        tpu.yield
      }) : () -> ()
      %dma_start3A_1156 = arith.constant 24 : i32
      %dma_start3A_1157 = arith.constant 0 : i32
      %dma_start3A_1158 = tpu.memref_slice %arg7[%dma_start3A_1156, %dma_start3A_1157] : memref<25x80xi32, #tpu.memory_space<vmem>> -> memref<1x80xi32, #tpu.memory_space<vmem>>
      %dma_start3A_1159 = tpu.memref_squeeze %dma_start3A_1158 : memref<1x80xi32, #tpu.memory_space<vmem>> -> memref<80xi32, #tpu.memory_space<vmem>>
      %dma_start3A_1160 = arith.constant 0 : i32
      %dma_start3A_1161 = arith.constant 0 : i32
      %dma_start3A_1162 = tpu.memref_slice %arg11[%dma_start3A_1160, %dma_start3A_1161] : memref<10240x16xf32, #tpu.memory_space<vmem_shared>> -> memref<10240x16xf32, #tpu.memory_space<vmem_shared>>
      tpu.enqueue_indirect_dma source(%arg9 : memref<80x16xf32, #tpu.memory_space<vmem>>) target(%dma_start3A_1162 : memref<10240x16xf32, #tpu.memory_space<vmem_shared>>) offsets(%dma_start3A_1159 : memref<80xi32, #tpu.memory_space<vmem>>) semaphore(%arg15 : memref<!tpu.dma_semaphore, #tpu.memory_space<semaphore_mem>>) {add = true}
    }
    %scan3A_324 = arith.constant 5 : i32
    %scan3A_325 = arith.constant 0 : i32
    %scan3A_326 = arith.constant 0 : i32
    %scan3A_327 = arith.constant 125 : i32
    %scan3A_328 = arith.addi %scan3A_326, %scan3A_327 : i32
    %scan3A_329 = arith.constant 1 : i32
    scf.for %scan3A_332 = %scan3A_326 to %scan3A_328 step %scan3A_329  : i32 {
      %dma_wait3A_333 = arith.constant 0 : i32
      %dma_wait3A_334 = arith.constant 0 : i32
      %dma_wait3A_335 = tpu.memref_slice %arg7[%dma_wait3A_333, %dma_wait3A_334] : memref<25x80xi32, #tpu.memory_space<vmem>> -> memref<1x80xi32, #tpu.memory_space<vmem>>
      %dma_wait3A_336 = tpu.memref_squeeze %dma_wait3A_335 : memref<1x80xi32, #tpu.memory_space<vmem>> -> memref<80xi32, #tpu.memory_space<vmem>>
      %dma_wait3A_337 = arith.constant 0 : i32
      %dma_wait3A_338 = arith.constant 0 : i32
      %dma_wait3A_339 = tpu.memref_slice %arg11[%dma_wait3A_337, %dma_wait3A_338] : memref<10240x16xf32, #tpu.memory_space<vmem_shared>> -> memref<10240x16xf32, #tpu.memory_space<vmem_shared>>
      tpu.wait_indirect_dma semaphore(%arg15 : memref<!tpu.dma_semaphore, #tpu.memory_space<semaphore_mem>>) src(%arg9 : memref<80x16xf32, #tpu.memory_space<vmem>>) dst(%dma_wait3A_339 : memref<10240x16xf32, #tpu.memory_space<vmem_shared>>)
    }
    %scan3A_330 = arith.constant 125 : i32
    %barrier3A_331 = arith.constant 0 : index
    tpu.barrier barrier_id(%barrier3A_331)
    "tpu.region"() ({
      %run_scoped3A = tpu.sem_alloc : memref<!tpu.dma_semaphore, #tpu.memory_space<semaphore_mem>>
      %dma_start3A_332 = arith.constant 0 : i32
      %dma_start3A_333 = tpu.memref_slice %arg4[%arg0, %mul3A_2, %dma_start3A_332] : memref<2x10240x128xf32, #tpu.memory_space<hbm>> -> memref<1x640x128xf32, #tpu.memory_space<hbm>>
      %dma_start3A_334 = tpu.memref_squeeze %dma_start3A_333 : memref<1x640x128xf32, #tpu.memory_space<hbm>> -> memref<640x128xf32, #tpu.memory_space<hbm>>
      %dma_start3A_335 = arith.constant 0 : i32
      %dma_start3A_336 = tpu.memref_slice %arg10[%mul3A_2, %dma_start3A_335] : memref<10240x128xf32, #tpu.memory_space<vmem_shared>> -> memref<640x128xf32, #tpu.memory_space<vmem_shared>>
      tpu.enqueue_dma source(%dma_start3A_336 : memref<640x128xf32, #tpu.memory_space<vmem_shared>>) target(%dma_start3A_334 : memref<640x128xf32, #tpu.memory_space<hbm>>) target_semaphore(%run_scoped3A : memref<!tpu.dma_semaphore, #tpu.memory_space<semaphore_mem>>)
      %dma_wait3A_337 = arith.constant 0 : i32
      %dma_wait3A_338 = tpu.memref_slice %arg4[%arg0, %mul3A_2, %dma_wait3A_337] : memref<2x10240x128xf32, #tpu.memory_space<hbm>> -> memref<1x640x128xf32, #tpu.memory_space<hbm>>
      %dma_wait3A_339 = tpu.memref_squeeze %dma_wait3A_338 : memref<1x640x128xf32, #tpu.memory_space<hbm>> -> memref<640x128xf32, #tpu.memory_space<hbm>>
      %dma_wait3A_340 = arith.constant 0 : i32
      %dma_wait3A_341 = tpu.memref_slice %arg10[%mul3A_2, %dma_wait3A_340] : memref<10240x128xf32, #tpu.memory_space<vmem_shared>> -> memref<640x128xf32, #tpu.memory_space<vmem_shared>>
      tpu.wait_dma2 semaphore(%run_scoped3A : memref<!tpu.dma_semaphore, #tpu.memory_space<semaphore_mem>>) src(%dma_wait3A_341 : memref<640x128xf32, #tpu.memory_space<vmem_shared>>) dst(%dma_wait3A_339 : memref<640x128xf32, #tpu.memory_space<hbm>>)
      tpu.yield
    }) : () -> ()
    "tpu.region"() ({
      %run_scoped3A = tpu.sem_alloc : memref<!tpu.dma_semaphore, #tpu.memory_space<semaphore_mem>>
      %dma_start3A_332 = arith.constant 0 : i32
      %dma_start3A_333 = tpu.memref_slice %arg5[%arg0, %mul3A_2, %dma_start3A_332] : memref<2x10240x16xf32, #tpu.memory_space<hbm>> -> memref<1x640x16xf32, #tpu.memory_space<hbm>>
      %dma_start3A_334 = tpu.memref_squeeze %dma_start3A_333 : memref<1x640x16xf32, #tpu.memory_space<hbm>> -> memref<640x16xf32, #tpu.memory_space<hbm>>
      %dma_start3A_335 = arith.constant 0 : i32
      %dma_start3A_336 = tpu.memref_slice %arg11[%mul3A_2, %dma_start3A_335] : memref<10240x16xf32, #tpu.memory_space<vmem_shared>> -> memref<640x16xf32, #tpu.memory_space<vmem_shared>>
      tpu.enqueue_dma source(%dma_start3A_336 : memref<640x16xf32, #tpu.memory_space<vmem_shared>>) target(%dma_start3A_334 : memref<640x16xf32, #tpu.memory_space<hbm>>) target_semaphore(%run_scoped3A : memref<!tpu.dma_semaphore, #tpu.memory_space<semaphore_mem>>)
      %dma_wait3A_337 = arith.constant 0 : i32
      %dma_wait3A_338 = tpu.memref_slice %arg5[%arg0, %mul3A_2, %dma_wait3A_337] : memref<2x10240x16xf32, #tpu.memory_space<hbm>> -> memref<1x640x16xf32, #tpu.memory_space<hbm>>
      %dma_wait3A_339 = tpu.memref_squeeze %dma_wait3A_338 : memref<1x640x16xf32, #tpu.memory_space<hbm>> -> memref<640x16xf32, #tpu.memory_space<hbm>>
      %dma_wait3A_340 = arith.constant 0 : i32
      %dma_wait3A_341 = tpu.memref_slice %arg11[%mul3A_2, %dma_wait3A_340] : memref<10240x16xf32, #tpu.memory_space<vmem_shared>> -> memref<640x16xf32, #tpu.memory_space<vmem_shared>>
      tpu.wait_dma2 semaphore(%run_scoped3A : memref<!tpu.dma_semaphore, #tpu.memory_space<semaphore_mem>>) src(%dma_wait3A_341 : memref<640x16xf32, #tpu.memory_space<vmem_shared>>) dst(%dma_wait3A_339 : memref<640x16xf32, #tpu.memory_space<hbm>>)
      tpu.yield
    }) : () -> ()
    return
  }
}

module attributes {stable_mosaic.version = 14 : i64} {
  func.func @body(%arg0: memref<10000x128xf32, #tpu.memory_space<vmem>>, %arg1: memref<2x10240x128xf32, #tpu.memory_space<vmem>>, %arg2: memref<2x1280x128xf32, #tpu.memory_space<vmem>>, %arg3: memref<10000x1xf32, #tpu.memory_space<vmem>>, %arg4: memref<128x128xf32, #tpu.memory_space<vmem>>, %arg5: memref<128x128xf32, #tpu.memory_space<vmem>>, %arg6: memref<1x128xf32, #tpu.memory_space<vmem>>, %arg7: memref<128x128xf32, #tpu.memory_space<vmem>>, %arg8: memref<128x128xf32, #tpu.memory_space<vmem>>, %arg9: memref<1x128xf32, #tpu.memory_space<vmem>>, %arg10: memref<10000x128xf32, #tpu.memory_space<vmem>>) attributes {dimension_semantics = [], scalar_prefetch = 0 : i64, scratch_operands = 0 : i64, tpu.core_type = #tpu.core_type<tc>} {
    %get3A = arith.constant 0 : index
    %get3A_0 = arith.constant 0 : index
    %get3A_1 = vector.load %arg0[%get3A, %get3A_0] : memref<10000x128xf32, #tpu.memory_space<vmem>>, vector<10000x128xf32>
    %get3A_2 = arith.constant 0 : index
    %get3A_3 = arith.constant 0 : index
    %get3A_4 = arith.constant 0 : index
    %get3A_5 = vector.load %arg1[%get3A_2, %get3A_3, %get3A_4] : memref<2x10240x128xf32, #tpu.memory_space<vmem>>, vector<1x10000x128xf32>
    %get3A_6 = vector.shape_cast %get3A_5 : vector<1x10000x128xf32> to vector<10000x128xf32>
    %get3A_7 = arith.constant 1 : index
    %get3A_8 = arith.constant 0 : index
    %get3A_9 = arith.constant 0 : index
    %get3A_10 = vector.load %arg1[%get3A_7, %get3A_8, %get3A_9] : memref<2x10240x128xf32, #tpu.memory_space<vmem>>, vector<1x10000x128xf32>
    %get3A_11 = vector.shape_cast %get3A_10 : vector<1x10000x128xf32> to vector<10000x128xf32>
    %add3A = arith.addf %get3A_6, %get3A_11 : vector<10000x128xf32>
    %get3A_12 = arith.constant 0 : index
    %get3A_13 = arith.constant 0 : index
    %get3A_14 = arith.constant 0 : index
    %get3A_15 = vector.load %arg2[%get3A_12, %get3A_13, %get3A_14] : memref<2x1280x128xf32, #tpu.memory_space<vmem>>, vector<1x1280x128xf32>
    %get3A_16 = vector.shape_cast %get3A_15 : vector<1x1280x128xf32> to vector<1280x128xf32>
    %get3A_17 = arith.constant 1 : index
    %get3A_18 = arith.constant 0 : index
    %get3A_19 = arith.constant 0 : index
    %get3A_20 = vector.load %arg2[%get3A_17, %get3A_18, %get3A_19] : memref<2x1280x128xf32, #tpu.memory_space<vmem>>, vector<1x1280x128xf32>
    %get3A_21 = vector.shape_cast %get3A_20 : vector<1x1280x128xf32> to vector<1280x128xf32>
    %add3A_22 = arith.addf %get3A_16, %get3A_21 : vector<1280x128xf32>
    %iota3A = tpu.iota {dimensions = array<i32: 0>} : vector<128x1024xi32>
    %iota3A_23 = tpu.iota {dimensions = array<i32: 1>} : vector<128x1024xi32>
    %jit3A = arith.constant 128 : i32
    %div3A = vector.broadcast %jit3A : i32 to vector<128x1024xi32>
    %div3A_24 = arith.divsi %iota3A_23, %div3A : vector<128x1024xi32>
    %sign3A = arith.constant 0 : i32
    %sign3A_25 = vector.broadcast %sign3A : i32 to vector<128x1024xi32>
    %sign3A_26 = arith.cmpi sgt, %iota3A_23, %sign3A_25 : vector<128x1024xi32>
    %sign3A_27 = arith.extui %sign3A_26 : vector<128x1024xi1> to vector<128x1024xi32>
    %sign3A_28 = arith.constant 0 : i32
    %sign3A_29 = vector.broadcast %sign3A_28 : i32 to vector<128x1024xi32>
    %sign3A_30 = arith.cmpi slt, %iota3A_23, %sign3A_29 : vector<128x1024xi32>
    %sign3A_31 = arith.extui %sign3A_30 : vector<128x1024xi1> to vector<128x1024xi32>
    %sign3A_32 = arith.subi %sign3A_27, %sign3A_31 : vector<128x1024xi32>
    %sign3A_33 = arith.constant 0 : i32
    %sign3A_34 = arith.cmpi sgt, %jit3A, %sign3A_33 : i32
    %sign3A_35 = arith.extui %sign3A_34 : i1 to i32
    %sign3A_36 = arith.constant 0 : i32
    %sign3A_37 = arith.cmpi slt, %jit3A, %sign3A_36 : i32
    %sign3A_38 = arith.extui %sign3A_37 : i1 to i32
    %sign3A_39 = arith.subi %sign3A_35, %sign3A_38 : i32
    %ne3A = vector.broadcast %sign3A_39 : i32 to vector<128x1024xi32>
    %ne3A_40 = arith.cmpi ne, %sign3A_32, %ne3A : vector<128x1024xi32>
    %rem3A = vector.broadcast %jit3A : i32 to vector<128x1024xi32>
    %rem3A_41 = arith.remsi %iota3A_23, %rem3A : vector<128x1024xi32>
    %ne3A_42 = arith.constant 0 : i32
    %ne3A_43 = vector.broadcast %ne3A_42 : i32 to vector<128x1024xi32>
    %ne3A_44 = arith.cmpi ne, %rem3A_41, %ne3A_43 : vector<128x1024xi32>
    %and3A = arith.andi %ne3A_40, %ne3A_44 : vector<128x1024xi1>
    %sub3A = arith.constant 1 : i32
    %sub3A_45 = vector.broadcast %sub3A : i32 to vector<128x1024xi32>
    %sub3A_46 = arith.subi %div3A_24, %sub3A_45 : vector<128x1024xi32>
    %select_n3A = arith.select %and3A, %sub3A_46, %div3A_24 : vector<128x1024xi1>, vector<128x1024xi32>
    %mul3A = arith.constant 16 : i32
    %mul3A_47 = vector.broadcast %mul3A : i32 to vector<128x1024xi32>
    %mul3A_48 = arith.muli %select_n3A, %mul3A_47 : vector<128x1024xi32>
    %eq3A = arith.cmpi eq, %iota3A, %mul3A_48 : vector<128x1024xi32>
    %jit3A_49 = arith.constant 1.000000e+00 : f32
    %jit3A_50 = arith.constant 0.000000e+00 : f32
    %broadcast_in_dim3A = vector.broadcast %jit3A_49 : f32 to vector<128x1024xf32>
    %broadcast_in_dim3A_51 = vector.broadcast %jit3A_50 : f32 to vector<128x1024xf32>
    %select_n3A_52 = arith.select %eq3A, %broadcast_in_dim3A, %broadcast_in_dim3A_51 : vector<128x1024xi1>, vector<128x1024xf32>
    %dot_general3A = arith.constant dense<0.000000e+00> : vector<1280x1024xf32>
    %dot_general3A_53 = tpu.matmul %add3A_22, %select_n3A_52, %dot_general3A {dimension_numbers = #tpu.dot_dimension_numbers<[1], [0], [0], [1], [0, 0, 1, 1], [], []>, transpose_lhs_hint = false} : vector<1280x128xf32>, vector<128x1024xf32>, vector<1280x1024xf32> -> vector<1280x1024xf32>
    %reshape3A = vector.shape_cast %dot_general3A_53 : vector<1280x1024xf32> to vector<10240x128xf32>
    %slice3A = vector.extract_strided_slice %reshape3A {offsets = [0, 0], sizes = [10000, 128], strides = [1, 1]} : vector<10240x128xf32> to vector<10000x128xf32>
    %get3A_54 = arith.constant 0 : index
    %get3A_55 = arith.constant 0 : index
    %get3A_56 = vector.load %arg5[%get3A_54, %get3A_55] : memref<128x128xf32, #tpu.memory_space<vmem>>, vector<128x128xf32>
    %dot_general3A_57 = arith.constant dense<0.000000e+00> : vector<10000x128xf32>
    %dot_general3A_58 = tpu.matmul %get3A_1, %get3A_56, %dot_general3A_57 {dimension_numbers = #tpu.dot_dimension_numbers<[1], [0], [0], [1], [0, 0, 1, 1], [], []>, transpose_lhs_hint = false} : vector<10000x128xf32>, vector<128x128xf32>, vector<10000x128xf32> -> vector<10000x128xf32>
    %get3A_59 = arith.constant 0 : index
    %get3A_60 = arith.constant 0 : index
    %get3A_61 = vector.load %arg4[%get3A_59, %get3A_60] : memref<128x128xf32, #tpu.memory_space<vmem>>, vector<128x128xf32>
    %dot_general3A_62 = arith.constant dense<0.000000e+00> : vector<10000x128xf32>
    %dot_general3A_63 = tpu.matmul %add3A, %get3A_61, %dot_general3A_62 {dimension_numbers = #tpu.dot_dimension_numbers<[1], [0], [0], [1], [0, 0, 1, 1], [], []>, transpose_lhs_hint = false} : vector<10000x128xf32>, vector<128x128xf32>, vector<10000x128xf32> -> vector<10000x128xf32>
    %get3A_64 = arith.constant 0 : index
    %get3A_65 = arith.constant 0 : index
    %get3A_66 = vector.load %arg6[%get3A_64, %get3A_65] : memref<1x128xf32, #tpu.memory_space<vmem>>, vector<1x128xf32>
    %add3A_67 = vector.broadcast %get3A_66 : vector<1x128xf32> to vector<10000x128xf32>
    %add3A_68 = arith.addf %dot_general3A_58, %add3A_67 : vector<10000x128xf32>
    %mul3A_69 = arith.mulf %slice3A, %add3A_68 : vector<10000x128xf32>
    %add3A_70 = arith.addf %dot_general3A_63, %mul3A_69 : vector<10000x128xf32>
    %get3A_71 = arith.constant 0 : index
    %get3A_72 = arith.constant 0 : index
    %get3A_73 = vector.load %arg7[%get3A_71, %get3A_72] : memref<128x128xf32, #tpu.memory_space<vmem>>, vector<128x128xf32>
    %dot_general3A_74 = arith.constant dense<0.000000e+00> : vector<10000x128xf32>
    %dot_general3A_75 = tpu.matmul %get3A_1, %get3A_73, %dot_general3A_74 {dimension_numbers = #tpu.dot_dimension_numbers<[1], [0], [0], [1], [0, 0, 1, 1], [], []>, transpose_lhs_hint = false} : vector<10000x128xf32>, vector<128x128xf32>, vector<10000x128xf32> -> vector<10000x128xf32>
    %get3A_76 = arith.constant 0 : index
    %get3A_77 = arith.constant 0 : index
    %get3A_78 = vector.load %arg8[%get3A_76, %get3A_77] : memref<128x128xf32, #tpu.memory_space<vmem>>, vector<128x128xf32>
    %dot_general3A_79 = arith.constant dense<0.000000e+00> : vector<10000x128xf32>
    %dot_general3A_80 = tpu.matmul %add3A_70, %get3A_78, %dot_general3A_79 {dimension_numbers = #tpu.dot_dimension_numbers<[1], [0], [0], [1], [0, 0, 1, 1], [], []>, transpose_lhs_hint = false} : vector<10000x128xf32>, vector<128x128xf32>, vector<10000x128xf32> -> vector<10000x128xf32>
    %add3A_81 = arith.addf %dot_general3A_75, %dot_general3A_80 : vector<10000x128xf32>
    %get3A_82 = arith.constant 0 : index
    %get3A_83 = arith.constant 0 : index
    %get3A_84 = vector.load %arg9[%get3A_82, %get3A_83] : memref<1x128xf32, #tpu.memory_space<vmem>>, vector<1x128xf32>
    %add3A_85 = vector.broadcast %get3A_84 : vector<1x128xf32> to vector<10000x128xf32>
    %add3A_86 = arith.addf %add3A_81, %add3A_85 : vector<10000x128xf32>
    %get3A_87 = arith.constant 0 : index
    %get3A_88 = arith.constant 0 : index
    %get3A_89 = vector.load %arg3[%get3A_87, %get3A_88] : memref<10000x1xf32, #tpu.memory_space<vmem>>, vector<10000x1xf32>
    %mul3A_90 = vector.broadcast %get3A_89 : vector<10000x1xf32> to vector<10000x128xf32>
    %mul3A_91 = arith.mulf %mul3A_90, %add3A_86 : vector<10000x128xf32>
    %add3A_92 = arith.addf %get3A_1, %mul3A_91 : vector<10000x128xf32>
    %swap3A = arith.constant 0 : index
    %swap3A_93 = arith.constant 0 : index
    %swap3A_94 = vector.load %arg10[%swap3A, %swap3A_93] : memref<10000x128xf32, #tpu.memory_space<vmem>>, vector<10000x128xf32>
    tpu.vector_store %arg10[%swap3A, %swap3A_93], %add3A_92 {strides = array<i32>} : memref<10000x128xf32, #tpu.memory_space<vmem>>, vector<10000x128xf32>,
    return
  }
}

</mosaic_0001>

<sc_bundles>
// kernel: kernel.4.cloned.1.call-start
scs
__scs_entry_jumppad:
0x0: {  	(pc) =	sbr.rel $0x88, $3  }
0x1: {  	(tag) =	ssettag $0x0;
	lr =	simm.s32 $0x1  }
0x2: {  	[smem:$0x3F9A] =	sst lr;
	_ =	strace $0xD0000000  }
0x3: {  	_ = 	snop  }
0x4: {  	_ = 	snop  }
0x5: {  	_ = 	snop  }
0x6: {  	_ = 	snop  }
0x7: {  	_ = 	snop  }
__scs_overlays_trampoline_lowered:
0x8: {  	[smem:$0x3FA9] =	sst s0  }
0x9: {  	[smem:$0x3FAA] =	sst s1  }
0xa: {  	[smem:$0x3FAB] =	sst s2  }
0xb: {  	[smem:$0x3FAC] =	sst s3  }
0xc: {  	[smem:$0x3FAD] =	sst s4  }
0xd: {  	[smem:$0x3FAE] =	sst s5  }
0xe: {  	[smem:$0x3FAF] =	sst s6  }
0xf: {  	[smem:$0x3FB0] =	sst s7  }
0x10: {  	[smem:$0x3FB1] =	sst s8  }
0x11: {  	[smem:$0x3FB2] =	sst s9;
	s0 =	simm.s32 @!p0 $0x0  }
0x12: {  	s1 =	sld [smem:$0x3F98];
	s0 =	simm.s32 @p0 $0x1  }
0x13: {  	[smem:$0x3FB3] =	sst s0;
	s0 =	simm.s32 @!p1 $0x0  }
0x14: {  	s2 =	sld [smem:$0x3F97];
	s0 =	simm.s32 @p1 $0x1  }
0x15: {  	[smem:$0x3FB4] =	sst s0;
	s0 =	simm.s32 @!p2 $0x0  }
0x16: {  	s3 =	sld [smem:$0x3FDB];
	s0 =	simm.s32 @p2 $0x1  }
0x17: {  	s4 =	simm.s32 $0x1BF5;
	[smem:$0x3FB6] =	sst s0  }
0x18: {  	s0 =	sld [smem:$0x3F99];
	_ =	swait.ge [sflag:s4], $0x0  }
0x19: {  	s7 =	sld [smem:$0x3F9A]  }
0x1a: {  	s8 =	sadd.s32 $0xFFFFE003, lr  }
0x1b: {  	s9 =	sadd.s32 $0xFFFFFEF7, lr;
	s5 =	simm.s32 $0xFFFFFFFF;
	p2 =	slt.u32 s8, $0xFFFFF086  }
0x1c: {  	p1 =	slt.u32 s9, $0xF7A;
	s5 =	simm.s32 @!p2 $0x0  }
0x1d: {  	s5 =	simm.s32 @p1 $0x1;
	p0 =	seq.s32 s7, s2  }
0x1e: {  	s7 =	smul.u32 @!p0 $0xF7A, s2;
	p2 =	seq.s32 @!p0 s5, $0x0  }
0x1f: {  	s9 =	smul.u32 $0xF7A, s1;
	s8 =	simm.s32 @!p0 $0x1BF5;
	p2 =	por !p2, p0  }
0x20: {  	[sflag:s8] =	ssyncset.s32 @!p0 $0xFFFFF086;
	s6 =	sadd.s32 @!p0 s3, s7;
	s7 =	simm.s32 @!p0 $0x108  }
0x21: {  	s3 =	sadd.s32 s3, s9;
	s6 =	sadd.s32 @!p0 $0x88, s6;
	s7 =	simm.s32 @p2 $0x1082  }
0x22: {  	[simem:s7], [sflag:s8] =	dma.local @!p0 [hbm:s6], $0xF7A  }
0x23: {  	s9 =	sor.u32 $0xD0000000, s2;
	s6 =	simm.s32 $0x108;
	_ =	swait.ge @!p0 [sflag:s8], $0x0  }
0x24: {  	s3 =	sadd.s32 $0x88, s3;
	s6 =	simm.s32 @!p1 $0x1082;
	[sflag:s4] =	ssyncset.s32 $0xFFFFF086  }
0x25: {  	[simem:s6], [sflag:s4] =	dma.local [hbm:s3], $0xF7A  }
0x26: {  	[smem:$0x3F9A] =	sst s1;
	(tag) =	ssettag s2;
	_ =	strace s9  }
0x27: {  	s1 =	sld [smem:$0x3FAA]  }
0x28: {  	s2 =	sld [smem:$0x3FAB]  }
0x29: {  	s4 =	sld [smem:$0x3FAD]  }
0x2a: {  	p0 =	seq.s32 s5, $0x0;
	s5 =	sld [smem:$0x3FAE]  }
0x2b: {  	s6 =	sld [smem:$0x3FAF]  }
0x2c: {  	s7 =	sld [smem:$0x3FB0]  }
0x2d: {  	s3 =	simm.s32 $0x108;
	s8 =	sld [smem:$0x3FB1]  }
0x2e: {  	s3 =	simm.s32 @!p0 $0x1082;
	s9 =	sld [smem:$0x3FB2]  }
0x2f: {  	lr =	sadd.s32 s0, s3;
	s0 =	sld [smem:$0x3FA9]  }
0x30: {  	s3 =	sld [smem:$0x3FAC]  }
0x31: {  	[smem:$0x3FB5] =	sst s10  }
0x32: {  	s10 =	sld [smem:$0x3FB3];
	_ =	sdelay $0x3  }
0x33: {  	p0 =	seq.s32 s10, $0x1;
	s10 =	sld [smem:$0x3FB5];
	_ =	sdelay $0x3  }
0x34: {  	[smem:$0x3FB5] =	sst s10  }
0x35: {  	s10 =	sld [smem:$0x3FB4];
	_ =	sdelay $0x3  }
0x36: {  	p1 =	seq.s32 s10, $0x1;
	s10 =	sld [smem:$0x3FB5];
	_ =	sdelay $0x3  }
0x37: {  	[smem:$0x3FB5] =	sst s10  }
0x38: {  	s10 =	sld [smem:$0x3FB6]  }
0x39: {  	_ = 	snop;
	(pc) =	sbr.ind lr, $3  }
0x3a: {  	_ = 	snop  }
0x3b: {  	_ = 	snop  }
0x3c: {  	p2 =	seq.s32 s10, $0x1;
	s10 =	sld [smem:$0x3FB5]  }
0x3d: {  	_ =	shalt  }
0x3e: {  	_ =	shalt  }
0x3f: {  	_ =	shalt  }
0x40: {  	_ =	shalt  }
0x41: {  	_ =	shalt  }
0x42: {  	_ =	shalt  }
0x43: {  	_ =	shalt  }
0x44: {  	_ =	shalt  }
0x45: {  	_ =	shalt  }
0x46: {  	_ =	shalt  }
0x47: {  	_ =	shalt  }
0x48: {  	_ =	shalt  }
0x49: {  	_ =	shalt  }
0x4a: {  	_ =	shalt  }
0x4b: {  	_ =	shalt  }
0x4c: {  	_ =	shalt  }
0x4d: {  	_ =	shalt  }
0x4e: {  	_ =	shalt  }
0x4f: {  	_ =	shalt  }
0x50: {  	_ =	shalt  }
0x51: {  	_ =	shalt  }
0x52: {  	_ =	shalt  }
0x53: {  	_ =	shalt  }
0x54: {  	_ =	shalt  }
0x55: {  	_ =	shalt  }
0x56: {  	_ =	shalt  }
0x57: {  	_ =	shalt  }
0x58: {  	_ =	shalt  }
0x59: {  	_ =	shalt  }
0x5a: {  	_ =	shalt  }
0x5b: {  	_ =	shalt  }
0x5c: {  	_ =	shalt  }
0x5d: {  	_ =	shalt  }
0x5e: {  	_ =	shalt  }
0x5f: {  	_ =	shalt  }
0x60: {  	_ =	shalt  }
0x61: {  	_ =	shalt  }
0x62: {  	_ =	shalt  }
0x63: {  	_ =	shalt  }
0x64: {  	_ =	shalt  }
0x65: {  	_ =	shalt  }
0x66: {  	_ =	shalt  }
0x67: {  	_ =	shalt  }
0x68: {  	_ =	shalt  }
0x69: {  	_ =	shalt  }
0x6a: {  	_ =	shalt  }
0x6b: {  	_ =	shalt  }
0x6c: {  	_ =	shalt  }
0x6d: {  	_ =	shalt  }
0x6e: {  	_ =	shalt  }
0x6f: {  	_ =	shalt  }
0x70: {  	_ =	shalt  }
0x71: {  	_ =	shalt  }
0x72: {  	_ =	shalt  }
0x73: {  	_ =	shalt  }
0x74: {  	_ =	shalt  }
0x75: {  	_ =	shalt  }
0x76: {  	_ =	shalt  }
0x77: {  	_ =	shalt  }
0x78: {  	_ =	shalt  }
0x79: {  	_ =	shalt  }
0x7a: {  	_ =	shalt  }
0x7b: {  	_ =	shalt  }
0x7c: {  	_ =	shalt  }
0x7d: {  	_ =	shalt  }
0x7e: {  	_ =	shalt  }
0x7f: {  	_ =	shalt  }
0x80: {  	_ =	shalt  }
0x81: {  	_ =	shalt  }
0x82: {  	_ =	shalt  }
0x83: {  	_ =	shalt  }
0x84: {  	_ =	shalt  }
0x85: {  	_ =	shalt  }
0x86: {  	_ =	shalt  }
0x87: {  	_ =	shalt  }
.Lfunc_end0:
.L_simem_size_0:
called_computation_lowered:
.L_overlay_start_0:
0x88: {  	s2 =	sld [smem:$0x3FD9]  }
0x89: {  	s3 =	sld [smem:$0x3FFE];
	_ =	sdelay $0x1  }
0x8a: {  	s1 =	srdreg.scid  }
0x8b: {  	s0 =	sand.u32 $0x1, s1  }
0x8c: {  	s17 =	sshll.u32 s0, $0xA;
	s2 =	sadd.s32 s3, s2  }
0x8d: {  	s2 =	sadd.s32 s2, s17  }
0x8e: {  	[smem:$0x3FC1] =	sst s2  }
0x8f: {  	_ = 	snop  }
0x90: {  	s2 =	sld [smem:$0x3FC9]  }
0x91: {  	s18 =	sld [smem:$0x3FD0];
	(tm) =	ssettm $0x1  }
0x92: {  	s4 =	sld [smem:$0x3FFB];
	_ =	sdelay $0x3  }
0x93: {  	_ =	strace s4  }
0x94: {  	s4 =	sld [smem:$0x3FFC];
	_ =	sdelay $0x3  }
0x95: {  	_ =	strace s4  }
0x96: {  	s4 =	sld [smem:$0x3FFD];
	_ =	sdelay $0x3  }
0x97: {  	_ =	strace s4  }
0x98: {  	_ =	strace $0x8FFFFFFF  }
0x99: {  	s19 =	sld [smem:$0x3FDB];
	_ =	sdelay $0x1  }
0x9a: {  	s5 =	simm.s32 $_scs_section_size  }
0x9b: {  	s6 =	simm.s32 $_size__tile_overlayer_lowered;
	s7 =	simm.s32 $_tile_overlayer_lowered  }
0x9c: {  	s22 =	simm.s32 $0x1BFF;
	s21 =	sshll.u32 s7, $0x1;
	s4 =	sadd.s32 s5, s19  }
0x9d: {  	s8 =	simm.s32 $0x0;
	s20 =	sshll.u32 s6, $0x1;
	s6 =	sadd.s32 s21, s4  }
0x9e: {  	[timem:s8], [sflag:s22] =	dma.local [hbm:s6], s20  }
0x9f: {  	_ =	swait.ge [sflag:s22], s20  }
0xa0: {  	s5 =	ssub.s32 $0x0, s20;
	[sflag:s22] =	ssyncset.done $0x0  }
0xa1: {  	[sflag:s22] =	ssyncadd.s32 s5;
	_ =	sdelay $0x1  }
0xa2: {  	s23 =	simm.s32 $0x1B8B  }
0xa3: {  	_ =	swait.ge [sflag:s23], $0x1  }
0xa4: {  	[sflag:s23] =	ssyncset.done $0x0  }
0xa5: {  	s25 =	simm.s32 $0x1B8E;
	s24 =	sld [smem:$0x3FFE];
	[sflag:s23] =	ssyncadd.s32 $0xFFFFFFFF  }
0xa6: {  	s26 =	simm.s32 $execute0_lowered;
	[smem:$0x3FD2] =	sst s25  }
0xa7: {  	s6 =	sshll.u32 s26, $0x1;
	_ =	strace $0x80000046;
	[dreg:$0x1] =	wrdreg $0xFFFFFFFF  }
0xa8: {  	s28 =	simm.s32 $_size_execute0_lowered;
	s4 =	sadd.s32 s4, s6;
	[dreg:$0x0] =	wrdreg $0x0  }
0xa9: {  	s6 =	sshll.u32 s28, $0x1;
	[dreg:$0x2] =	wrdreg s4  }
0xaa: {  	[dreg:$0x3] =	wrdreg s6  }
0xab: {  	[dreg:$0x4] =	wrdreg $0xC0  }
0xac: {  	_ =	task [dreg:s8], $0x5FFFF  }
0xad: {  	[dreg:$0x1] =	wrdreg $0xFFFFFFFF  }
0xae: {  	[dreg:$0x0] =	wrdreg $0x60  }
0xaf: {  	[dreg:$0x2] =	wrdreg s2  }
0xb0: {  	[dreg:$0x3] =	wrdreg s18  }
0xb1: {  	[dreg:$0x4] =	wrdreg s24  }
0xb2: {  	[dreg:$0x5] =	wrdreg $0x8CA00  }
0xb3: {  	[dreg:$0x6] =	wrdreg $0x1CCA00  }
0xb4: {  	[dreg:$0x7] =	wrdreg $0x9  }
0xb5: {  	_ =	task.clear_ibuf [dreg:s8], $0x8FFFF;
	_ =	strace $0x90000046  }
0xb6: {  	s29 =	simm.s32 $0x9;
	_ =	strace $0x80000048  }
0xb7: {  	_ =	swait.ge [sflag:s29], $0x1  }
0xb8: {  	[sflag:s29] =	ssyncadd.s32 $0xFFFFFFFF  }
0xb9: {  	_ =	strace $0x90000048  }
0xba: {  	_ =	sfence  }
0xbb: {  	s30 =	sld [smem:$0x0];
	_ =	sdelay $0x2  }
0xbc: {  	s31 =	sshll.u32 s1, $0xD;
	s1 =	sshrl.u32 s1, $0x2  }
0xbd: {  	s3 =	sand.u32 $0x4000, s31;
	s1 =	sadd.s32 s1, s30  }
0xbe: {  	s0 =	sor.u32 s3, s0;
	s1 =	sshll.u32 s1, $0x11  }
0xbf: {  	s0 =	sor.u32 s1, s0  }
0xc0: {  	s0 =	sadd.s32 $0x8F2B, s0  }
0xc1: {  	[sflag:s0] =	ssyncadd.remote.s32 $0x1  }
0xc2: {  	_ =	sfence.sel $0xFFFF  }
0xc3: {  	[dreg:$0x0] =	wrdreg $0xFFFFFFFF;
	(pc) =	sbr.abs _section_cstart, $3  }
0xc4: {  	[dreg:$0x1] =	wrdreg $0xFFFFFFFF  }
0xc5: {  	_ =	task.clear_ibuf [dreg:s8], $0x2FFFF;
	_ =	strace $0x9FFFFFFF  }
0xc6: {  	(tm) =	ssettm $0x7FFFFFFF  }
0xc7: {  	_ =	shalt  }
tec
execute0_lowered:
.L_overlay_start_1:
0x0: {  	(tag) =	ssettag $0x1  }
0x1: {  	s1 =	rddreg [dreg:$0x0]  }
0x2: {  	s8 =	rddreg [dreg:$0x1]  }
0x3: {  	s2 =	rddreg [dreg:$0x2]  }
0x4: {  	s0 =	srdreg.scid;
	s14 =	stileid.u32  }
0x5: {  	s3 =	rddreg [dreg:$0x3];
	s10 =	smul.u32 $0x14000, s14  }
0x6: {  	s4 =	rddreg [dreg:$0x4];
	s11 =	smul.u32 $0x2800, s14  }
0x7: {  	s5 =	simm.s32 $0x0;
	s29 =	simm.s32 $0x6;
	s7 =	smul.u32 $0x280, s14  }
0x8: {  	s31 =	simm.s32 $0x50;
	s9 =	sand.u32 $0x1, s0;
	s16 =	smul.u32 $0x4E20, s14  }
0x9: {  	s28 =	simm.s32 $0x9B0;
	s30 =	simm.s32 $0x0;
	s0 =	smul.u32 $0x140000, s9  }
0xa: {  	[smem:$0x7FF] =	sst s5;
	s14 =	simm.s32 $0xF0;
	s6 =	smul.u32 $0x28000, s9  }
0xb: {  	_ =	strace $0x80000047;
	s12 =	ssub.s32 $0x2, s9;
	s9 =	smul.u32 $0x2710, s9  }
0xc: {  	[dreg:$0x9] =	wrdreg s14;
	s14 =	simm.s32 $0x460;
	s13 =	sshrl.u32 s12, $0x1  }
0xd: {  	s22 =	sadd.s32 s10, s3;
	s15 =	sor.u32 $0x50, s7;
	s18 =	sadd.s32 $0xA0, s7  }
0xe: {  	s23 =	sadd.s32 $0xF0, s7;
	[dreg:$0x14] =	wrdreg s14;
	s0 =	sadd.s32 s10, s0  }
0xf: {  	s6 =	sadd.s32 s11, s6;
	s10 =	sshll.u32 s15, $0x4;
	s19 =	sshll.u32 s18, $0x7  }
0x10: {  	s9 =	sadd.s32 s9, s16;
	s16 =	simm.s32 $0x140;
	[dreg:$0x1f] =	wrdreg s22  }
0x11: {  	s21 =	sshll.u32 s18, $0x4;
	s18 =	simm.s32 $0x1E0;
	[dreg:$0xa] =	wrdreg s16  }
0x12: {  	s17 =	sshll.u32 s15, $0x7;
	s10 =	sadd.s32 s10, s4;
	[dreg:$0xc] =	wrdreg s18  }
0x13: {  	s0 =	sshrl.u32 s0, $0x3;
	s20 =	sadd.s32 s19, s3;
	[smem:$0x7EE] =	sst s10  }
0x14: {  	s6 =	sshrl.u32 s6, $0x3;
	s19 =	simm.s32 $0x230;
	[smem:$0x7EF] =	sst s20  }
0x15: {  	s16 =	simm.s32 $0x500;
	s18 =	simm.s32 $0x5A0;
	[dreg:$0xd] =	wrdreg s19  }
0x16: {  	s0 =	sadd.s32 s0, s2;
	s6 =	sadd.s32 s6, s2;
	[dreg:$0x16] =	wrdreg s16  }
0x17: {  	s2 =	ssub.s32 s12, s13;
	s13 =	sadd.s32 s11, s4;
	[dreg:$0x18] =	wrdreg s18  }
0x18: {  	s14 =	simm.s32 $0xAF0;
	s12 =	sadd.s32 s17, s3;
	[smem:$0x7EC] =	sst s13  }
0x19: {  	s25 =	sshll.u32 s23, $0x7;
	s10 =	sadd.s32 s21, s4;
	[smem:$0x7ED] =	sst s12  }
0x1a: {  	s24 =	sadd.s32 $0x4E200, s9;
	s17 =	simm.s32 $0x190;
	[smem:$0x7F0] =	sst s10  }
0x1b: {  	s9 =	sshrl.u32 s9, $0x3;
	s21 =	simm.s32 $0x280;
	[dreg:$0xb] =	wrdreg s17  }
0x1c: {  	s11 =	sshll.u32 s23, $0x4;
	s10 =	sadd.s32 s25, s3;
	[dreg:$0xe] =	wrdreg s21  }
0x1d: {  	s20 =	sadd.s32 $0x190, s7;
	s11 =	sadd.s32 s11, s4;
	[smem:$0x7F1] =	sst s10  }
0x1e: {  	s12 =	sshrl.u32 s24, $0x3;
	s24 =	simm.s32 $0x2D0;
	[smem:$0x7F2] =	sst s11  }
0x1f: {  	s16 =	simm.s32 $0xB90;
	s25 =	simm.s32 $0x320;
	[dreg:$0xf] =	wrdreg s24  }
0x20: {  	s18 =	simm.s32 $0x7D0;
	s17 =	simm.s32 $0x550;
	[dreg:$0x10] =	wrdreg s25  }
0x21: {  	s13 =	sadd.s32 $0x140, s7;
	s21 =	simm.s32 $0x640;
	[dreg:$0x17] =	wrdreg s17  }
0x22: {  	s23 =	sshll.u32 s20, $0x7;
	s0 =	sadd.s32 $0x2000, s0;
	[dreg:$0x1a] =	wrdreg s21  }
0x23: {  	s6 =	sadd.s32 $0x52000, s6;
	s2 =	smax.u32 s2, $0x1;
	[smem:$0x7FB] =	sst s0  }
0x24: {  	s26 =	sadd.s32 s12, s8;
	s8 =	sadd.s32 s9, s8;
	[smem:$0x7FC] =	sst s6  }
0x25: {  	s12 =	simm.s32 $0xA0;
	s15 =	sshll.u32 s13, $0x7;
	[smem:$0x7FD] =	sst s2  }
0x26: {  	s9 =	sshll.u32 s13, $0x4;
	s11 =	sadd.s32 $0x1E0, s7;
	[dreg:$0x6] =	wrdreg s26  }
0x27: {  	s7 =	sadd.s32 $0x230, s7;
	s24 =	simm.s32 $0x6E0;
	[dreg:$0x7] =	wrdreg s8  }
0x28: {  	s25 =	simm.s32 $0x730;
	s6 =	simm.s32 $0x7D0;
	[dreg:$0x8] =	wrdreg s12  }
0x29: {  	s2 =	simm.s32 $0x37A0;
	s0 =	simm.s32 $0x5FA0;
	[dreg:$0x1c] =	wrdreg s24  }
0x2a: {  	s17 =	simm.s32 $0xBE0;
	s10 =	sadd.s32 s15, s3;
	[dreg:$0x1d] =	wrdreg s25  }
0x2b: {  	s9 =	sadd.s32 s9, s4;
	s26 =	simm.s32 $0x370;
	[smem:$0x7F3] =	sst s10  }
0x2c: {  	s12 =	simm.s32 $0x410;
	s13 =	sshll.u32 s11, $0x7;
	[smem:$0x7F4] =	sst s9  }
0x2d: {  	s15 =	simm.s32 $0x4B0;
	s19 =	sshll.u32 s7, $0x7;
	[dreg:$0x11] =	wrdreg s26  }
0x2e: {  	s7 =	sshll.u32 s7, $0x4;
	s25 =	simm.s32 $0xFA0;
	[dreg:$0x13] =	wrdreg s12  }
0x2f: {  	s8 =	simm.s32 $0x1;
	s10 =	sadd.s32 s23, s3;
	[dreg:$0x15] =	wrdreg s15  }
0x30: {  	s9 =	sshll.u32 s20, $0x4;
	s20 =	simm.s32 $0x5F0;
	[smem:$0x7F5] =	sst s10  }
0x31: {  	s24 =	simm.s32 $0x8C0;
	s7 =	sadd.s32 s7, s4;
	[dreg:$0x19] =	wrdreg s20  }
0x32: {  	s23 =	simm.s32 $0x690;
	s26 =	simm.s32 $0x780;
	[smem:$0x7FA] =	sst s7  }
0x33: {  	s12 =	simm.s32 $0xA50;
	s15 =	simm.s32 $0xB40;
	[dreg:$0x1b] =	wrdreg s23  }
0x34: {  	s9 =	sadd.s32 s9, s4;
	s10 =	simm.s32 $0x3C0;
	[dreg:$0x1e] =	wrdreg s26  }
0x35: {  	s26 =	simm.s32 $0x87A0;
	s7 =	simm.s32 $0x0;
	[smem:$0x7F6] =	sst s9  }
0x36: {  	[dreg:$0x12] =	wrdreg s10;
	s10 =	sadd.s32 s13, s3;
	s9 =	sshll.u32 s11, $0x4  }
0x37: {  	s23 =	simm.s32 $0x870;
	[smem:$0x7F7] =	sst s10;
	s9 =	sadd.s32 s9, s4  }
0x38: {  	s11 =	simm.s32 $0x3;
	[smem:$0x7F8] =	sst s9;
	s9 =	sadd.s32 s19, s3  }
0x39: {  	v0 =	vimm.f32 $0.0e+00;
	v1 =	vimm.f32 $1.000000000e+00;
	s13 =	simm.s32 $0xAA0;
	[smem:$0x7F9] =	sst s9;
	s9 =	simm.s32 $0x2  }
.LBB2_1:
0x3a: {  	s19 =	simm.s32 $0xFE0  }
0x3b: {  	[tilespmem:s19+$0xFFFFFFD0] =	vst v0  }
0x3c: {  	[tilespmem:s19+$0xFFFFFFE0] =	vst v0  }
0x3d: {  	[tilespmem:s19+$0xFFFFFFF0] =	vst v0  }
0x3e: {  	[tilespmem:s19+$0x0] =	vst v0  }
0x3f: {  	[tilespmem:s19+$0x10] =	vst v0  }
0x40: {  	[tilespmem:s19+$0x20] =	vst v0  }
0x41: {  	[tilespmem:s19+$0x30] =	vst v0  }
0x42: {  	s21 =	simm.s32 $0x0;
	s20 =	simm.s32 $0x40;
	[tilespmem:s19+$0xFFFFFFC0] =	vst v0  }
.LBB2_2:
0x43: {  	p0 =	sne.s32 s20, $0x13C0;
	[tilespmem:s21+$0x87A0] =	vst v0;
	s19 =	sadd.s32 $0x80, s19  }
0x44: {  	[tilespmem:s19+$0xFFFFFFD0] =	vst v0  }
0x45: {  	[tilespmem:s19+$0xFFFFFFE0] =	vst v0  }
0x46: {  	[tilespmem:s19+$0xFFFFFFF0] =	vst v0  }
.Ltmp0:
0x47: {  	[tilespmem:s19+$0x0] =	vst v0;
	(pc) =	sbr.rel @p0 .LBB2_2-.Ltmp0, $4  }
0x48: {  	[tilespmem:s19+$0x10] =	vst v0  }
0x49: {  	[tilespmem:s19+$0x20] =	vst v0  }
0x4a: {  	[tilespmem:s19+$0x30] =	vst v0  }
0x4b: {  	s21 =	sshra.s32 s20, $0x2;
	s20 =	sadd.s32 $0x40, s20;
	[tilespmem:s19+$0xFFFFFFC0] =	vst v0  }
0x4c: {  	[smem:$0x7EB] =	sst s7  }
0x4d: {  	[tilespmem:s21+$0x87A0] =	vst v0;
	s19 =	sld [smem:$0x7EC]  }
0x4e: {  	[spmem:s22] =	stream.linear.scatter [tilespmem:s25], [sflag:$0x5], $0x2800, $0x38;
	[tilespmem:$0x1F4A0] =	vst v63  }
0x4f: {  	s7 =	sld [smem:$0x7ED]  }
0x50: {  	[spmem:s19] =	stream.linear.scatter [tilespmem:s26], [sflag:$0x5], $0x500, $0x38;
	[tilespmem:$0x1F4A0] =	vst v63  }
0x51: {  	s10 =	sld [smem:$0x7EE]  }
0x52: {  	[spmem:s7] =	stream.linear.scatter [tilespmem:s25], [sflag:$0x5], $0x2800, $0x38;
	[tilespmem:$0x1F4A0] =	vst v63  }
0x53: {  	s20 =	sld [smem:$0x7EF]  }
0x54: {  	[spmem:s10] =	stream.linear.scatter [tilespmem:s26], [sflag:$0x5], $0x500, $0x38;
	[tilespmem:$0x1F4A0] =	vst v63  }
0x55: {  	s21 =	sld [smem:$0x7F0]  }
0x56: {  	[spmem:s20] =	stream.linear.scatter [tilespmem:s25], [sflag:$0x5], $0x2800, $0x38;
	[tilespmem:$0x1F4A0] =	vst v63  }
0x57: {  	s22 =	sld [smem:$0x7F1]  }
0x58: {  	[spmem:s21] =	stream.linear.scatter [tilespmem:s26], [sflag:$0x5], $0x500, $0x38;
	[tilespmem:$0x1F4A0] =	vst v63  }
0x59: {  	s7 =	sld [smem:$0x7F2]  }
0x5a: {  	[spmem:s22] =	stream.linear.scatter [tilespmem:s25], [sflag:$0x5], $0x2800, $0x38;
	[tilespmem:$0x1F4A0] =	vst v63  }
0x5b: {  	s10 =	sld [smem:$0x7F3]  }
0x5c: {  	[spmem:s7] =	stream.linear.scatter [tilespmem:s26], [sflag:$0x5], $0x500, $0x38;
	[tilespmem:$0x1F4A0] =	vst v63  }
0x5d: {  	s20 =	sld [smem:$0x7F4]  }
0x5e: {  	[spmem:s10] =	stream.linear.scatter [tilespmem:s25], [sflag:$0x5], $0x2800, $0x38;
	[tilespmem:$0x1F4A0] =	vst v63  }
0x5f: {  	s21 =	sld [smem:$0x7F5]  }
0x60: {  	[spmem:s20] =	stream.linear.scatter [tilespmem:s26], [sflag:$0x5], $0x500, $0x38;
	[tilespmem:$0x1F4A0] =	vst v63  }
0x61: {  	s22 =	sld [smem:$0x7F6]  }
0x62: {  	[spmem:s21] =	stream.linear.scatter [tilespmem:s25], [sflag:$0x5], $0x2800, $0x38;
	[tilespmem:$0x1F4A0] =	vst v63  }
0x63: {  	s7 =	sld [smem:$0x7F7]  }
0x64: {  	[spmem:s22] =	stream.linear.scatter [tilespmem:s26], [sflag:$0x5], $0x500, $0x38;
	[tilespmem:$0x1F4A0] =	vst v63  }
0x65: {  	s10 =	sld [smem:$0x7F8]  }
0x66: {  	[spmem:s7] =	stream.linear.scatter [tilespmem:s25], [sflag:$0x5], $0x2800, $0x38;
	[tilespmem:$0x1F4A0] =	vst v63  }
0x67: {  	s20 =	sld [smem:$0x7F9]  }
0x68: {  	[spmem:s10] =	stream.linear.scatter [tilespmem:s26], [sflag:$0x5], $0x500, $0x38;
	[tilespmem:$0x1F4A0] =	vst v63  }
0x69: {  	s21 =	sld [smem:$0x7FA]  }
0x6a: {  	[spmem:s20] =	stream.linear.scatter [tilespmem:s25], [sflag:$0x5], $0x2800, $0x38;
	[tilespmem:$0x1F4A0] =	vst v63  }
0x6b: {  	s22 =	simm.s32 $0x5  }
0x6c: {  	[spmem:s21] =	stream.linear.scatter [tilespmem:s26], [sflag:$0x5], $0x500, $0x38;
	[tilespmem:$0x1F4A0] =	vst v63  }
0x6d: {  	_ =	swait.ge [sflag:s22], $0x2800  }
0x6e: {  	[sflag:s22] =	ssyncset.done $0x0  }
0x6f: {  	[sflag:s22] =	ssyncadd.s32 $0xFFFFD800  }
0x70: {  	_ =	swait.ge [sflag:s22], $0x500  }
0x71: {  	[sflag:s22] =	ssyncset.done $0x0  }
0x72: {  	[sflag:s22] =	ssyncadd.s32 $0xFFFFFB00  }
0x73: {  	_ =	swait.ge [sflag:s22], $0x2800  }
0x74: {  	[sflag:s22] =	ssyncset.done $0x0  }
0x75: {  	[sflag:s22] =	ssyncadd.s32 $0xFFFFD800  }
0x76: {  	_ =	swait.ge [sflag:s22], $0x500  }
0x77: {  	[sflag:s22] =	ssyncset.done $0x0  }
0x78: {  	[sflag:s22] =	ssyncadd.s32 $0xFFFFFB00  }
0x79: {  	_ =	swait.ge [sflag:s22], $0x2800  }
0x7a: {  	[sflag:s22] =	ssyncset.done $0x0  }
0x7b: {  	[sflag:s22] =	ssyncadd.s32 $0xFFFFD800  }
0x7c: {  	_ =	swait.ge [sflag:s22], $0x500  }
0x7d: {  	[sflag:s22] =	ssyncset.done $0x0  }
0x7e: {  	[sflag:s22] =	ssyncadd.s32 $0xFFFFFB00  }
0x7f: {  	_ =	swait.ge [sflag:s22], $0x2800  }
0x80: {  	[sflag:s22] =	ssyncset.done $0x0  }
0x81: {  	[sflag:s22] =	ssyncadd.s32 $0xFFFFD800  }
0x82: {  	_ =	swait.ge [sflag:s22], $0x500  }
0x83: {  	[sflag:s22] =	ssyncset.done $0x0  }
0x84: {  	[sflag:s22] =	ssyncadd.s32 $0xFFFFFB00  }
0x85: {  	_ =	swait.ge [sflag:s22], $0x2800  }
0x86: {  	[sflag:s22] =	ssyncset.done $0x0  }
0x87: {  	[sflag:s22] =	ssyncadd.s32 $0xFFFFD800  }
0x88: {  	_ =	swait.ge [sflag:s22], $0x500  }
0x89: {  	[sflag:s22] =	ssyncset.done $0x0  }
0x8a: {  	[sflag:s22] =	ssyncadd.s32 $0xFFFFFB00  }
0x8b: {  	_ =	swait.ge [sflag:s22], $0x2800  }
0x8c: {  	[sflag:s22] =	ssyncset.done $0x0  }
0x8d: {  	[sflag:s22] =	ssyncadd.s32 $0xFFFFD800  }
0x8e: {  	_ =	swait.ge [sflag:s22], $0x500  }
0x8f: {  	[sflag:s22] =	ssyncset.done $0x0  }
0x90: {  	[sflag:s22] =	ssyncadd.s32 $0xFFFFFB00  }
0x91: {  	_ =	swait.ge [sflag:s22], $0x2800  }
0x92: {  	[sflag:s22] =	ssyncset.done $0x0  }
0x93: {  	[sflag:s22] =	ssyncadd.s32 $0xFFFFD800  }
0x94: {  	_ =	swait.ge [sflag:s22], $0x500  }
0x95: {  	[sflag:s22] =	ssyncset.done $0x0  }
0x96: {  	[sflag:s22] =	ssyncadd.s32 $0xFFFFFB00  }
0x97: {  	_ =	swait.ge [sflag:s22], $0x2800  }
0x98: {  	[sflag:s22] =	ssyncset.done $0x0  }
0x99: {  	[sflag:s22] =	ssyncadd.s32 $0xFFFFD800  }
0x9a: {  	_ =	swait.ge [sflag:s22], $0x500  }
0x9b: {  	[sflag:s22] =	ssyncset.done $0x0  }
0x9c: {  	s19 =	simm.s32 $0x40;
	s20 =	simm.s32 $0x0;
	[sflag:s22] =	ssyncadd.s32 $0xFFFFFB00  }
.LBB2_4:
0x9d: {  	p0 =	sne.s32 s19, $0x13C0;
	[tilespmem:s20+$0x87A0] =	vst v1;
	s20 =	smov.u32 s19;
	s19 =	sadd.s32 $0x40, s19  }
.Ltmp1:
0x9e: {  	(pc) =	sbr.rel @p0 .LBB2_4-.Ltmp1, $2  }
0x9f: {  	_ =	sdelay $0x2  }
0xa0: {  	s20 =	sshra.s32 s20, $0x2  }
0xa1: {  	[tilespmem:s20+$0x87A0] =	vst v1  }
0xa2: {  	[bflag:$0x0] =	sbarrier.arrive $0xFFFF  }
0xa3: {  	s19 =	rddreg [dreg:$0x7]  }
0xa4: {  	s19 =	sadd.s32 $0x0, s19  }
0xa5: {  	[tilespmem:s5], [sflag:$0x6] =	stream.linear.gather [hbm4b:s19+s5], $0x7D0, $0x38;
	[tilespmem:$0x1F4A0] =	vst v63  }
0xa6: {  	_ =	swait.ge [sflag:s29], $0x7D0  }
0xa7: {  	s21 =	rddreg [dreg:$0x6];
	[sflag:s29] =	ssyncset.done $0x0  }
0xa8: {  	[sflag:s29] =	ssyncadd.s32 $0xFFFFF830;
	s19 =	sadd.s32 $0x0, s21  }
0xa9: {  	[tilespmem:s6], [sflag:$0x6] =	stream.linear.gather [hbm4b:s19+s5], $0x7D0, $0x38;
	[tilespmem:$0x1F4A0] =	vst v63  }
0xaa: {  	_ =	swait.ge [sflag:s29], $0x7D0  }
0xab: {  	[sflag:s29] =	ssyncset.done $0x0  }
0xac: {  	[sflag:s29] =	ssyncadd.s32 $0xFFFFF830  }
0xad: {  	[tilespmem:s25], [sflag:$0x1] =	stream.indirect.gather [hbm4b:s1+s31], $0x80, s5, s31, $0xb8;
	[tilespmem:$0x1F4A0] =	vst v63  }
0xae: {  	_ = 	snop  }
0xaf: {  	[tilespmem:s2], [sflag:$0x2] =	stream.indirect.gather [hbm4b:s1+s31], $0x80, s31, s31, $0xb8;
	[tilespmem:$0x1F4A0] =	vst v63  }
0xb0: {  	s22 =	rddreg [dreg:$0x8]  }
0xb1: {  	[tilespmem:s0], [sflag:$0x3] =	stream.indirect.gather [hbm4b:s1+s31], $0x80, s22, s31, $0xb8;
	[tilespmem:$0x1F4A0] =	vst v63  }
0xb2: {  	_ =	swait.ge [sflag:s8], $0x2800  }
0xb3: {  	[sflag:s8] =	ssyncset.done $0x0  }
0xb4: {  	[sflag:s8] =	ssyncadd.s32 $0xFFFFD800  }
0xb5: {  	[spmem:s3] =	stream.indirect.scatter.add.f32 [tilespmem:s25], [sflag:$0x6], $0x80, s6, s31, $0xb8;
	[tilespmem:$0x1F4A0] =	vst v63  }
0xb6: {  	_ =	swait.ge [sflag:s29], $0x2800  }
0xb7: {  	[sflag:s29] =	ssyncset.done $0x0  }
0xb8: {  	[sflag:s29] =	ssyncadd.s32 $0xFFFFD800  }
0xb9: {  	[spmem:s4] =	stream.indirect.scatter.add.f32 [tilespmem:s26], [sflag:$0x4], $0x10, s6, s31, $0xb8;
	[tilespmem:$0x1F4A0] =	vst v63  }
0xba: {  	s5 =	rddreg [dreg:$0x9]  }
0xbb: {  	[tilespmem:s25], [sflag:$0x1] =	stream.indirect.gather [hbm4b:s1+s31], $0x80, s5, s31, $0xb8;
	[tilespmem:$0x1F4A0] =	vst v63  }
0xbc: {  	_ =	swait.ge [sflag:s9], $0x2800  }
0xbd: {  	[sflag:s9] =	ssyncset.done $0x0  }
0xbe: {  	s6 =	simm.s32 $0x820;
	[sflag:s9] =	ssyncadd.s32 $0xFFFFD800  }
0xbf: {  	[spmem:s3] =	stream.indirect.scatter.add.f32 [tilespmem:s2], [sflag:$0x6], $0x80, s6, s31, $0xb8;
	[tilespmem:$0x1F4A0] =	vst v63  }
0xc0: {  	_ =	swait.ge [sflag:s29], $0x2800  }
0xc1: {  	[sflag:s29] =	ssyncset.done $0x0  }
0xc2: {  	[sflag:s29] =	ssyncadd.s32 $0xFFFFD800  }
0xc3: {  	[spmem:s4] =	stream.indirect.scatter.add.f32 [tilespmem:s26], [sflag:$0x4], $0x10, s6, s31, $0xb8;
	[tilespmem:$0x1F4A0] =	vst v63  }
0xc4: {  	s7 =	rddreg [dreg:$0xa]  }
0xc5: {  	[tilespmem:s2], [sflag:$0x2] =	stream.indirect.gather [hbm4b:s1+s31], $0x80, s7, s31, $0xb8;
	[tilespmem:$0x1F4A0] =	vst v63  }
0xc6: {  	_ =	swait.ge [sflag:s11], $0x2800  }
0xc7: {  	[sflag:s11] =	ssyncset.done $0x0  }
0xc8: {  	[sflag:s11] =	ssyncadd.s32 $0xFFFFD800  }
0xc9: {  	[spmem:s3] =	stream.indirect.scatter.add.f32 [tilespmem:s0], [sflag:$0x6], $0x80, s23, s31, $0xb8;
	[tilespmem:$0x1F4A0] =	vst v63  }
0xca: {  	_ =	swait.ge [sflag:s29], $0x2800  }
0xcb: {  	[sflag:s29] =	ssyncset.done $0x0  }
0xcc: {  	[sflag:s29] =	ssyncadd.s32 $0xFFFFD800  }
0xcd: {  	[spmem:s4] =	stream.indirect.scatter.add.f32 [tilespmem:s26], [sflag:$0x4], $0x10, s23, s31, $0xb8;
	[tilespmem:$0x1F4A0] =	vst v63  }
0xce: {  	s10 =	rddreg [dreg:$0xb]  }
0xcf: {  	[tilespmem:s0], [sflag:$0x3] =	stream.indirect.gather [hbm4b:s1+s31], $0x80, s10, s31, $0xb8;
	[tilespmem:$0x1F4A0] =	vst v63  }
0xd0: {  	_ =	swait.ge [sflag:s8], $0x2800  }
0xd1: {  	[sflag:s8] =	ssyncset.done $0x0  }
0xd2: {  	[sflag:s8] =	ssyncadd.s32 $0xFFFFD800  }
0xd3: {  	[spmem:s3] =	stream.indirect.scatter.add.f32 [tilespmem:s25], [sflag:$0x6], $0x80, s24, s31, $0xb8;
	[tilespmem:$0x1F4A0] =	vst v63  }
0xd4: {  	_ =	swait.ge [sflag:s29], $0x2800  }
0xd5: {  	[sflag:s29] =	ssyncset.done $0x0  }
0xd6: {  	[sflag:s29] =	ssyncadd.s32 $0xFFFFD800  }
0xd7: {  	[spmem:s4] =	stream.indirect.scatter.add.f32 [tilespmem:s26], [sflag:$0x4], $0x10, s24, s31, $0xb8;
	[tilespmem:$0x1F4A0] =	vst v63  }
0xd8: {  	s20 =	rddreg [dreg:$0xc]  }
0xd9: {  	[tilespmem:s25], [sflag:$0x1] =	stream.indirect.gather [hbm4b:s1+s31], $0x80, s20, s31, $0xb8;
	[tilespmem:$0x1F4A0] =	vst v63  }
0xda: {  	_ =	swait.ge [sflag:s9], $0x2800  }
0xdb: {  	[sflag:s9] =	ssyncset.done $0x0  }
0xdc: {  	s21 =	simm.s32 $0x910;
	[sflag:s9] =	ssyncadd.s32 $0xFFFFD800  }
0xdd: {  	[spmem:s3] =	stream.indirect.scatter.add.f32 [tilespmem:s2], [sflag:$0x6], $0x80, s21, s31, $0xb8;
	[tilespmem:$0x1F4A0] =	vst v63  }
0xde: {  	_ =	swait.ge [sflag:s29], $0x2800  }
0xdf: {  	[sflag:s29] =	ssyncset.done $0x0  }
0xe0: {  	[sflag:s29] =	ssyncadd.s32 $0xFFFFD800  }
0xe1: {  	[spmem:s4] =	stream.indirect.scatter.add.f32 [tilespmem:s26], [sflag:$0x4], $0x10, s21, s31, $0xb8;
	[tilespmem:$0x1F4A0] =	vst v63  }
0xe2: {  	s22 =	rddreg [dreg:$0xd]  }
0xe3: {  	[tilespmem:s2], [sflag:$0x2] =	stream.indirect.gather [hbm4b:s1+s31], $0x80, s22, s31, $0xb8;
	[tilespmem:$0x1F4A0] =	vst v63  }
0xe4: {  	_ =	swait.ge [sflag:s11], $0x2800  }
0xe5: {  	[sflag:s11] =	ssyncset.done $0x0  }
0xe6: {  	s6 =	simm.s32 $0x960;
	[sflag:s11] =	ssyncadd.s32 $0xFFFFD800  }
0xe7: {  	[spmem:s3] =	stream.indirect.scatter.add.f32 [tilespmem:s0], [sflag:$0x6], $0x80, s6, s31, $0xb8;
	[tilespmem:$0x1F4A0] =	vst v63  }
0xe8: {  	_ =	swait.ge [sflag:s29], $0x2800  }
0xe9: {  	[sflag:s29] =	ssyncset.done $0x0  }
0xea: {  	[sflag:s29] =	ssyncadd.s32 $0xFFFFD800  }
0xeb: {  	[spmem:s4] =	stream.indirect.scatter.add.f32 [tilespmem:s26], [sflag:$0x4], $0x10, s6, s31, $0xb8;
	[tilespmem:$0x1F4A0] =	vst v63  }
0xec: {  	s7 =	rddreg [dreg:$0xe]  }
0xed: {  	[tilespmem:s0], [sflag:$0x3] =	stream.indirect.gather [hbm4b:s1+s31], $0x80, s7, s31, $0xb8;
	[tilespmem:$0x1F4A0] =	vst v63  }
0xee: {  	_ =	swait.ge [sflag:s8], $0x2800  }
0xef: {  	[sflag:s8] =	ssyncset.done $0x0  }
0xf0: {  	[sflag:s8] =	ssyncadd.s32 $0xFFFFD800  }
0xf1: {  	[spmem:s3] =	stream.indirect.scatter.add.f32 [tilespmem:s25], [sflag:$0x6], $0x80, s28, s31, $0xb8;
	[tilespmem:$0x1F4A0] =	vst v63  }
0xf2: {  	_ =	swait.ge [sflag:s29], $0x2800  }
0xf3: {  	[sflag:s29] =	ssyncset.done $0x0  }
0xf4: {  	[sflag:s29] =	ssyncadd.s32 $0xFFFFD800  }
0xf5: {  	[spmem:s4] =	stream.indirect.scatter.add.f32 [tilespmem:s26], [sflag:$0x4], $0x10, s28, s31, $0xb8;
	[tilespmem:$0x1F4A0] =	vst v63  }
0xf6: {  	s10 =	rddreg [dreg:$0xf]  }
0xf7: {  	[tilespmem:s25], [sflag:$0x1] =	stream.indirect.gather [hbm4b:s1+s31], $0x80, s10, s31, $0xb8;
	[tilespmem:$0x1F4A0] =	vst v63  }
0xf8: {  	_ =	swait.ge [sflag:s9], $0x2800  }
0xf9: {  	[sflag:s9] =	ssyncset.done $0x0  }
0xfa: {  	s19 =	simm.s32 $0xA00;
	[sflag:s9] =	ssyncadd.s32 $0xFFFFD800  }
0xfb: {  	[spmem:s3] =	stream.indirect.scatter.add.f32 [tilespmem:s2], [sflag:$0x6], $0x80, s19, s31, $0xb8;
	[tilespmem:$0x1F4A0] =	vst v63  }
0xfc: {  	_ =	swait.ge [sflag:s29], $0x2800  }
0xfd: {  	[sflag:s29] =	ssyncset.done $0x0  }
0xfe: {  	[sflag:s29] =	ssyncadd.s32 $0xFFFFD800  }
0xff: {  	[spmem:s4] =	stream.indirect.scatter.add.f32 [tilespmem:s26], [sflag:$0x4], $0x10, s19, s31, $0xb8;
	[tilespmem:$0x1F4A0] =	vst v63  }
0x100: {  	s20 =	rddreg [dreg:$0x10]  }
0x101: {  	[tilespmem:s2], [sflag:$0x2] =	stream.indirect.gather [hbm4b:s1+s31], $0x80, s20, s31, $0xb8;
	[tilespmem:$0x1F4A0] =	vst v63  }
0x102: {  	_ =	swait.ge [sflag:s11], $0x2800  }
0x103: {  	[sflag:s11] =	ssyncset.done $0x0  }
0x104: {  	[sflag:s11] =	ssyncadd.s32 $0xFFFFD800  }
0x105: {  	[spmem:s3] =	stream.indirect.scatter.add.f32 [tilespmem:s0], [sflag:$0x6], $0x80, s12, s31, $0xb8;
	[tilespmem:$0x1F4A0] =	vst v63  }
0x106: {  	_ =	swait.ge [sflag:s29], $0x2800  }
0x107: {  	[sflag:s29] =	ssyncset.done $0x0  }
0x108: {  	[sflag:s29] =	ssyncadd.s32 $0xFFFFD800  }
0x109: {  	[spmem:s4] =	stream.indirect.scatter.add.f32 [tilespmem:s26], [sflag:$0x4], $0x10, s12, s31, $0xb8;
	[tilespmem:$0x1F4A0] =	vst v63  }
0x10a: {  	s21 =	rddreg [dreg:$0x11]  }
0x10b: {  	[tilespmem:s0], [sflag:$0x3] =	stream.indirect.gather [hbm4b:s1+s31], $0x80, s21, s31, $0xb8;
	[tilespmem:$0x1F4A0] =	vst v63  }
0x10c: {  	_ =	swait.ge [sflag:s8], $0x2800  }
0x10d: {  	[sflag:s8] =	ssyncset.done $0x0  }
0x10e: {  	[sflag:s8] =	ssyncadd.s32 $0xFFFFD800  }
0x10f: {  	[spmem:s3] =	stream.indirect.scatter.add.f32 [tilespmem:s25], [sflag:$0x6], $0x80, s13, s31, $0xb8;
	[tilespmem:$0x1F4A0] =	vst v63  }
0x110: {  	_ =	swait.ge [sflag:s29], $0x2800  }
0x111: {  	[sflag:s29] =	ssyncset.done $0x0  }
0x112: {  	[sflag:s29] =	ssyncadd.s32 $0xFFFFD800  }
0x113: {  	[spmem:s4] =	stream.indirect.scatter.add.f32 [tilespmem:s26], [sflag:$0x4], $0x10, s13, s31, $0xb8;
	[tilespmem:$0x1F4A0] =	vst v63  }
0x114: {  	s22 =	rddreg [dreg:$0x12]  }
0x115: {  	[tilespmem:s25], [sflag:$0x1] =	stream.indirect.gather [hbm4b:s1+s31], $0x80, s22, s31, $0xb8;
	[tilespmem:$0x1F4A0] =	vst v63  }
0x116: {  	_ =	swait.ge [sflag:s9], $0x2800  }
0x117: {  	[sflag:s9] =	ssyncset.done $0x0  }
0x118: {  	[sflag:s9] =	ssyncadd.s32 $0xFFFFD800  }
0x119: {  	[spmem:s3] =	stream.indirect.scatter.add.f32 [tilespmem:s2], [sflag:$0x6], $0x80, s14, s31, $0xb8;
	[tilespmem:$0x1F4A0] =	vst v63  }
0x11a: {  	_ =	swait.ge [sflag:s29], $0x2800  }
0x11b: {  	[sflag:s29] =	ssyncset.done $0x0  }
0x11c: {  	[sflag:s29] =	ssyncadd.s32 $0xFFFFD800  }
0x11d: {  	[spmem:s4] =	stream.indirect.scatter.add.f32 [tilespmem:s26], [sflag:$0x4], $0x10, s14, s31, $0xb8;
	[tilespmem:$0x1F4A0] =	vst v63  }
0x11e: {  	s5 =	rddreg [dreg:$0x13]  }
0x11f: {  	[tilespmem:s2], [sflag:$0x2] =	stream.indirect.gather [hbm4b:s1+s31], $0x80, s5, s31, $0xb8;
	[tilespmem:$0x1F4A0] =	vst v63  }
0x120: {  	_ =	swait.ge [sflag:s11], $0x2800  }
0x121: {  	[sflag:s11] =	ssyncset.done $0x0  }
0x122: {  	[sflag:s11] =	ssyncadd.s32 $0xFFFFD800  }
0x123: {  	[spmem:s3] =	stream.indirect.scatter.add.f32 [tilespmem:s0], [sflag:$0x6], $0x80, s15, s31, $0xb8;
	[tilespmem:$0x1F4A0] =	vst v63  }
0x124: {  	_ =	swait.ge [sflag:s29], $0x2800  }
0x125: {  	[sflag:s29] =	ssyncset.done $0x0  }
0x126: {  	[sflag:s29] =	ssyncadd.s32 $0xFFFFD800  }
0x127: {  	[spmem:s4] =	stream.indirect.scatter.add.f32 [tilespmem:s26], [sflag:$0x4], $0x10, s15, s31, $0xb8;
	[tilespmem:$0x1F4A0] =	vst v63  }
0x128: {  	s6 =	rddreg [dreg:$0x14]  }
0x129: {  	[tilespmem:s0], [sflag:$0x3] =	stream.indirect.gather [hbm4b:s1+s31], $0x80, s6, s31, $0xb8;
	[tilespmem:$0x1F4A0] =	vst v63  }
0x12a: {  	_ =	swait.ge [sflag:s8], $0x2800  }
0x12b: {  	[sflag:s8] =	ssyncset.done $0x0  }
0x12c: {  	[sflag:s8] =	ssyncadd.s32 $0xFFFFD800  }
0x12d: {  	[spmem:s3] =	stream.indirect.scatter.add.f32 [tilespmem:s25], [sflag:$0x6], $0x80, s16, s31, $0xb8;
	[tilespmem:$0x1F4A0] =	vst v63  }
0x12e: {  	_ =	swait.ge [sflag:s29], $0x2800  }
0x12f: {  	[sflag:s29] =	ssyncset.done $0x0  }
0x130: {  	[sflag:s29] =	ssyncadd.s32 $0xFFFFD800  }
0x131: {  	[spmem:s4] =	stream.indirect.scatter.add.f32 [tilespmem:s26], [sflag:$0x4], $0x10, s16, s31, $0xb8;
	[tilespmem:$0x1F4A0] =	vst v63  }
0x132: {  	s7 =	rddreg [dreg:$0x15]  }
0x133: {  	[tilespmem:s25], [sflag:$0x1] =	stream.indirect.gather [hbm4b:s1+s31], $0x80, s7, s31, $0xb8;
	[tilespmem:$0x1F4A0] =	vst v63  }
0x134: {  	_ =	swait.ge [sflag:s9], $0x2800  }
0x135: {  	[sflag:s9] =	ssyncset.done $0x0  }
0x136: {  	[sflag:s9] =	ssyncadd.s32 $0xFFFFD800  }
0x137: {  	[spmem:s3] =	stream.indirect.scatter.add.f32 [tilespmem:s2], [sflag:$0x6], $0x80, s17, s31, $0xb8;
	[tilespmem:$0x1F4A0] =	vst v63  }
0x138: {  	_ =	swait.ge [sflag:s29], $0x2800  }
0x139: {  	[sflag:s29] =	ssyncset.done $0x0  }
0x13a: {  	[sflag:s29] =	ssyncadd.s32 $0xFFFFD800  }
0x13b: {  	[spmem:s4] =	stream.indirect.scatter.add.f32 [tilespmem:s26], [sflag:$0x4], $0x10, s17, s31, $0xb8;
	[tilespmem:$0x1F4A0] =	vst v63  }
0x13c: {  	s10 =	rddreg [dreg:$0x16]  }
0x13d: {  	[tilespmem:s2], [sflag:$0x2] =	stream.indirect.gather [hbm4b:s1+s31], $0x80, s10, s31, $0xb8;
	[tilespmem:$0x1F4A0] =	vst v63  }
0x13e: {  	_ =	swait.ge [sflag:s11], $0x2800  }
0x13f: {  	[sflag:s11] =	ssyncset.done $0x0  }
0x140: {  	s20 =	simm.s32 $0xC30;
	[sflag:s11] =	ssyncadd.s32 $0xFFFFD800  }
0x141: {  	[spmem:s3] =	stream.indirect.scatter.add.f32 [tilespmem:s0], [sflag:$0x6], $0x80, s20, s31, $0xb8;
	[tilespmem:$0x1F4A0] =	vst v63  }
0x142: {  	_ =	swait.ge [sflag:s29], $0x2800  }
0x143: {  	[sflag:s29] =	ssyncset.done $0x0  }
0x144: {  	[sflag:s29] =	ssyncadd.s32 $0xFFFFD800  }
0x145: {  	[spmem:s4] =	stream.indirect.scatter.add.f32 [tilespmem:s26], [sflag:$0x4], $0x10, s20, s31, $0xb8;
	[tilespmem:$0x1F4A0] =	vst v63  }
0x146: {  	s21 =	rddreg [dreg:$0x17]  }
0x147: {  	[tilespmem:s0], [sflag:$0x3] =	stream.indirect.gather [hbm4b:s1+s31], $0x80, s21, s31, $0xb8;
	[tilespmem:$0x1F4A0] =	vst v63  }
0x148: {  	_ =	swait.ge [sflag:s8], $0x2800  }
0x149: {  	[sflag:s8] =	ssyncset.done $0x0  }
0x14a: {  	s22 =	simm.s32 $0xC80;
	[sflag:s8] =	ssyncadd.s32 $0xFFFFD800  }
0x14b: {  	[spmem:s3] =	stream.indirect.scatter.add.f32 [tilespmem:s25], [sflag:$0x6], $0x80, s22, s31, $0xb8;
	[tilespmem:$0x1F4A0] =	vst v63  }
0x14c: {  	_ =	swait.ge [sflag:s29], $0x2800  }
0x14d: {  	[sflag:s29] =	ssyncset.done $0x0  }
0x14e: {  	[sflag:s29] =	ssyncadd.s32 $0xFFFFD800  }
0x14f: {  	[spmem:s4] =	stream.indirect.scatter.add.f32 [tilespmem:s26], [sflag:$0x4], $0x10, s22, s31, $0xb8;
	[tilespmem:$0x1F4A0] =	vst v63  }
0x150: {  	s6 =	rddreg [dreg:$0x18]  }
0x151: {  	[tilespmem:s25], [sflag:$0x1] =	stream.indirect.gather [hbm4b:s1+s31], $0x80, s6, s31, $0xb8;
	[tilespmem:$0x1F4A0] =	vst v63  }
0x152: {  	_ =	swait.ge [sflag:s9], $0x2800  }
0x153: {  	[sflag:s9] =	ssyncset.done $0x0  }
0x154: {  	s7 =	simm.s32 $0xCD0;
	[sflag:s9] =	ssyncadd.s32 $0xFFFFD800  }
0x155: {  	[spmem:s3] =	stream.indirect.scatter.add.f32 [tilespmem:s2], [sflag:$0x6], $0x80, s7, s31, $0xb8;
	[tilespmem:$0x1F4A0] =	vst v63  }
0x156: {  	_ =	swait.ge [sflag:s29], $0x2800  }
0x157: {  	[sflag:s29] =	ssyncset.done $0x0  }
0x158: {  	[sflag:s29] =	ssyncadd.s32 $0xFFFFD800  }
0x159: {  	[spmem:s4] =	stream.indirect.scatter.add.f32 [tilespmem:s26], [sflag:$0x4], $0x10, s7, s31, $0xb8;
	[tilespmem:$0x1F4A0] =	vst v63  }
0x15a: {  	s10 =	rddreg [dreg:$0x19]  }
0x15b: {  	[tilespmem:s2], [sflag:$0x2] =	stream.indirect.gather [hbm4b:s1+s31], $0x80, s10, s31, $0xb8;
	[tilespmem:$0x1F4A0] =	vst v63  }
0x15c: {  	_ =	swait.ge [sflag:s11], $0x2800  }
0x15d: {  	[sflag:s11] =	ssyncset.done $0x0  }
0x15e: {  	s20 =	simm.s32 $0xD20;
	[sflag:s11] =	ssyncadd.s32 $0xFFFFD800  }
0x15f: {  	[spmem:s3] =	stream.indirect.scatter.add.f32 [tilespmem:s0], [sflag:$0x6], $0x80, s20, s31, $0xb8;
	[tilespmem:$0x1F4A0] =	vst v63  }
0x160: {  	_ =	swait.ge [sflag:s29], $0x2800  }
0x161: {  	[sflag:s29] =	ssyncset.done $0x0  }
0x162: {  	[sflag:s29] =	ssyncadd.s32 $0xFFFFD800  }
0x163: {  	[spmem:s4] =	stream.indirect.scatter.add.f32 [tilespmem:s26], [sflag:$0x4], $0x10, s20, s31, $0xb8;
	[tilespmem:$0x1F4A0] =	vst v63  }
0x164: {  	s21 =	rddreg [dreg:$0x1a]  }
0x165: {  	[tilespmem:s0], [sflag:$0x3] =	stream.indirect.gather [hbm4b:s1+s31], $0x80, s21, s31, $0xb8;
	[tilespmem:$0x1F4A0] =	vst v63  }
0x166: {  	_ =	swait.ge [sflag:s8], $0x2800  }
0x167: {  	[sflag:s8] =	ssyncset.done $0x0  }
0x168: {  	s22 =	simm.s32 $0xD70;
	[sflag:s8] =	ssyncadd.s32 $0xFFFFD800  }
0x169: {  	[spmem:s3] =	stream.indirect.scatter.add.f32 [tilespmem:s25], [sflag:$0x6], $0x80, s22, s31, $0xb8;
	[tilespmem:$0x1F4A0] =	vst v63  }
0x16a: {  	_ =	swait.ge [sflag:s29], $0x2800  }
0x16b: {  	[sflag:s29] =	ssyncset.done $0x0  }
0x16c: {  	[sflag:s29] =	ssyncadd.s32 $0xFFFFD800  }
0x16d: {  	[spmem:s4] =	stream.indirect.scatter.add.f32 [tilespmem:s26], [sflag:$0x4], $0x10, s22, s31, $0xb8;
	[tilespmem:$0x1F4A0] =	vst v63  }
0x16e: {  	s6 =	rddreg [dreg:$0x1b]  }
0x16f: {  	[tilespmem:s25], [sflag:$0x1] =	stream.indirect.gather [hbm4b:s1+s31], $0x80, s6, s31, $0xb8;
	[tilespmem:$0x1F4A0] =	vst v63  }
0x170: {  	_ =	swait.ge [sflag:s9], $0x2800  }
0x171: {  	[sflag:s9] =	ssyncset.done $0x0  }
0x172: {  	s7 =	simm.s32 $0xDC0;
	[sflag:s9] =	ssyncadd.s32 $0xFFFFD800  }
0x173: {  	[spmem:s3] =	stream.indirect.scatter.add.f32 [tilespmem:s2], [sflag:$0x6], $0x80, s7, s31, $0xb8;
	[tilespmem:$0x1F4A0] =	vst v63  }
0x174: {  	_ =	swait.ge [sflag:s29], $0x2800  }
0x175: {  	[sflag:s29] =	ssyncset.done $0x0  }
0x176: {  	[sflag:s29] =	ssyncadd.s32 $0xFFFFD800  }
0x177: {  	[spmem:s4] =	stream.indirect.scatter.add.f32 [tilespmem:s26], [sflag:$0x4], $0x10, s7, s31, $0xb8;
	[tilespmem:$0x1F4A0] =	vst v63  }
0x178: {  	s10 =	rddreg [dreg:$0x1c]  }
0x179: {  	[tilespmem:s2], [sflag:$0x2] =	stream.indirect.gather [hbm4b:s1+s31], $0x80, s10, s31, $0xb8;
	[tilespmem:$0x1F4A0] =	vst v63  }
0x17a: {  	_ =	swait.ge [sflag:s11], $0x2800  }
0x17b: {  	[sflag:s11] =	ssyncset.done $0x0  }
0x17c: {  	s19 =	simm.s32 $0xE10;
	[sflag:s11] =	ssyncadd.s32 $0xFFFFD800  }
0x17d: {  	[spmem:s3] =	stream.indirect.scatter.add.f32 [tilespmem:s0], [sflag:$0x6], $0x80, s19, s31, $0xb8;
	[tilespmem:$0x1F4A0] =	vst v63  }
0x17e: {  	_ =	swait.ge [sflag:s29], $0x2800  }
0x17f: {  	[sflag:s29] =	ssyncset.done $0x0  }
0x180: {  	[sflag:s29] =	ssyncadd.s32 $0xFFFFD800  }
0x181: {  	[spmem:s4] =	stream.indirect.scatter.add.f32 [tilespmem:s26], [sflag:$0x4], $0x10, s19, s31, $0xb8;
	[tilespmem:$0x1F4A0] =	vst v63  }
0x182: {  	s20 =	rddreg [dreg:$0x1d]  }
0x183: {  	[tilespmem:s0], [sflag:$0x3] =	stream.indirect.gather [hbm4b:s1+s31], $0x80, s20, s31, $0xb8;
	[tilespmem:$0x1F4A0] =	vst v63  }
0x184: {  	_ =	swait.ge [sflag:s8], $0x2800  }
0x185: {  	[sflag:s8] =	ssyncset.done $0x0  }
0x186: {  	s21 =	simm.s32 $0xE60;
	[sflag:s8] =	ssyncadd.s32 $0xFFFFD800  }
0x187: {  	[spmem:s3] =	stream.indirect.scatter.add.f32 [tilespmem:s25], [sflag:$0x6], $0x80, s21, s31, $0xb8;
	[tilespmem:$0x1F4A0] =	vst v63  }
0x188: {  	_ =	swait.ge [sflag:s29], $0x2800  }
0x189: {  	[sflag:s29] =	ssyncset.done $0x0  }
0x18a: {  	[sflag:s29] =	ssyncadd.s32 $0xFFFFD800  }
0x18b: {  	[spmem:s4] =	stream.indirect.scatter.add.f32 [tilespmem:s26], [sflag:$0x4], $0x10, s21, s31, $0xb8;
	[tilespmem:$0x1F4A0] =	vst v63  }
0x18c: {  	s22 =	rddreg [dreg:$0x1e]  }
0x18d: {  	[tilespmem:s25], [sflag:$0x1] =	stream.indirect.gather [hbm4b:s1+s31], $0x80, s22, s31, $0xb8;
	[tilespmem:$0x1F4A0] =	vst v63  }
0x18e: {  	_ =	swait.ge [sflag:s9], $0x2800  }
0x18f: {  	[sflag:s9] =	ssyncset.done $0x0  }
0x190: {  	s5 =	simm.s32 $0xEB0;
	[sflag:s9] =	ssyncadd.s32 $0xFFFFD800  }
0x191: {  	[spmem:s3] =	stream.indirect.scatter.add.f32 [tilespmem:s2], [sflag:$0x6], $0x80, s5, s31, $0xb8;
	[tilespmem:$0x1F4A0] =	vst v63  }
0x192: {  	_ =	swait.ge [sflag:s29], $0x2800  }
0x193: {  	[sflag:s29] =	ssyncset.done $0x0  }
0x194: {  	[sflag:s29] =	ssyncadd.s32 $0xFFFFD800  }
0x195: {  	[spmem:s4] =	stream.indirect.scatter.add.f32 [tilespmem:s26], [sflag:$0x4], $0x10, s5, s31, $0xb8;
	[tilespmem:$0x1F4A0] =	vst v63  }
0x196: {  	_ =	swait.ge [sflag:s11], $0x2800  }
0x197: {  	[sflag:s11] =	ssyncset.done $0x0  }
0x198: {  	s6 =	simm.s32 $0xF00;
	[sflag:s11] =	ssyncadd.s32 $0xFFFFD800  }
0x199: {  	[spmem:s3] =	stream.indirect.scatter.add.f32 [tilespmem:s0], [sflag:$0x6], $0x80, s6, s31, $0xb8;
	[tilespmem:$0x1F4A0] =	vst v63  }
0x19a: {  	_ =	swait.ge [sflag:s29], $0x2800  }
0x19b: {  	[sflag:s29] =	ssyncset.done $0x0  }
0x19c: {  	[sflag:s29] =	ssyncadd.s32 $0xFFFFD800  }
0x19d: {  	[spmem:s4] =	stream.indirect.scatter.add.f32 [tilespmem:s26], [sflag:$0x4], $0x10, s6, s31, $0xb8;
	[tilespmem:$0x1F4A0] =	vst v63  }
0x19e: {  	_ =	swait.ge [sflag:s8], $0x2800  }
0x19f: {  	[sflag:s8] =	ssyncset.done $0x0  }
0x1a0: {  	s7 =	simm.s32 $0xF50;
	[sflag:s8] =	ssyncadd.s32 $0xFFFFD800  }
0x1a1: {  	[spmem:s3] =	stream.indirect.scatter.add.f32 [tilespmem:s25], [sflag:$0x6], $0x80, s7, s31, $0xb8;
	[tilespmem:$0x1F4A0] =	vst v63  }
0x1a2: {  	_ =	swait.ge [sflag:s29], $0x2800  }
0x1a3: {  	s19 =	simm.s32 $0xFA;
	[sflag:s29] =	ssyncset.done $0x0  }
0x1a4: {  	s20 =	simm.s32 $0x1F4;
	s21 =	rddreg [dreg:$0x7];
	[sflag:s29] =	ssyncadd.s32 $0xFFFFD800  }
.LBB2_6:
0x1a5: {  	[spmem:s4] =	stream.indirect.scatter.add.f32 [tilespmem:s26], [sflag:$0x4], $0x10, s7, s31, $0xb8;
	[tilespmem:$0x1F4A0] =	vst v63  }
0x1a6: {  	s21 =	sadd.s32 s19, s21  }
0x1a7: {  	[tilespmem:s30], [sflag:$0x6] =	stream.linear.gather [hbm4b:s21+s30], $0x7D0, $0x38;
	[tilespmem:$0x1F4A0] =	vst v63  }
0x1a8: {  	_ =	swait.ge [sflag:s29], $0x7D0  }
0x1a9: {  	s10 =	rddreg [dreg:$0x6];
	[sflag:s29] =	ssyncset.done $0x0  }
0x1aa: {  	[sflag:s29] =	ssyncadd.s32 $0xFFFFF830;
	s21 =	sadd.s32 s19, s10  }
0x1ab: {  	[tilespmem:s18], [sflag:$0x6] =	stream.linear.gather [hbm4b:s21+s30], $0x7D0, $0x38;
	[tilespmem:$0x1F4A0] =	vst v63  }
0x1ac: {  	_ =	swait.ge [sflag:s29], $0x7D0  }
0x1ad: {  	[sflag:s29] =	ssyncset.done $0x0  }
0x1ae: {  	[sflag:s29] =	ssyncadd.s32 $0xFFFFF830  }
0x1af: {  	[tilespmem:s25], [sflag:$0x1] =	stream.indirect.gather [hbm4b:s1+s31], $0x80, s30, s31, $0xb8;
	[tilespmem:$0x1F4A0] =	vst v63  }
0x1b0: {  	_ = 	snop  }
0x1b1: {  	[tilespmem:s2], [sflag:$0x2] =	stream.indirect.gather [hbm4b:s1+s31], $0x80, s31, s31, $0xb8;
	[tilespmem:$0x1F4A0] =	vst v63  }
0x1b2: {  	s10 =	rddreg [dreg:$0x8]  }
0x1b3: {  	[tilespmem:s0], [sflag:$0x3] =	stream.indirect.gather [hbm4b:s1+s31], $0x80, s10, s31, $0xb8;
	[tilespmem:$0x1F4A0] =	vst v63  }
0x1b4: {  	_ =	swait.ge [sflag:s8], $0x2800  }
0x1b5: {  	[sflag:s8] =	ssyncset.done $0x0  }
0x1b6: {  	[sflag:s8] =	ssyncadd.s32 $0xFFFFD800  }
0x1b7: {  	[spmem:s3] =	stream.indirect.scatter.add.f32 [tilespmem:s25], [sflag:$0x6], $0x80, s18, s31, $0xb8;
	[tilespmem:$0x1F4A0] =	vst v63  }
0x1b8: {  	_ =	swait.ge [sflag:s29], $0x2800  }
0x1b9: {  	[sflag:s29] =	ssyncset.done $0x0  }
0x1ba: {  	[sflag:s29] =	ssyncadd.s32 $0xFFFFD800  }
0x1bb: {  	[spmem:s4] =	stream.indirect.scatter.add.f32 [tilespmem:s26], [sflag:$0x4], $0x10, s18, s31, $0xb8;
	[tilespmem:$0x1F4A0] =	vst v63  }
0x1bc: {  	s10 =	rddreg [dreg:$0x9]  }
0x1bd: {  	[tilespmem:s25], [sflag:$0x1] =	stream.indirect.gather [hbm4b:s1+s31], $0x80, s10, s31, $0xb8;
	[tilespmem:$0x1F4A0] =	vst v63  }
0x1be: {  	_ =	swait.ge [sflag:s9], $0x2800  }
0x1bf: {  	s22 =	smov.u32 s20;
	[sflag:s9] =	ssyncset.done $0x0  }
0x1c0: {  	s19 =	smov.u32 s22;
	s22 =	simm.s32 $0x820;
	[sflag:s9] =	ssyncadd.s32 $0xFFFFD800  }
0x1c1: {  	[spmem:s3] =	stream.indirect.scatter.add.f32 [tilespmem:s2], [sflag:$0x6], $0x80, s22, s31, $0xb8;
	[tilespmem:$0x1F4A0] =	vst v63  }
0x1c2: {  	_ =	swait.ge [sflag:s29], $0x2800  }
0x1c3: {  	[sflag:s29] =	ssyncset.done $0x0  }
0x1c4: {  	[sflag:s29] =	ssyncadd.s32 $0xFFFFD800  }
0x1c5: {  	[spmem:s4] =	stream.indirect.scatter.add.f32 [tilespmem:s26], [sflag:$0x4], $0x10, s22, s31, $0xb8;
	[tilespmem:$0x1F4A0] =	vst v63  }
0x1c6: {  	s10 =	rddreg [dreg:$0xa]  }
0x1c7: {  	[tilespmem:s2], [sflag:$0x2] =	stream.indirect.gather [hbm4b:s1+s31], $0x80, s10, s31, $0xb8;
	[tilespmem:$0x1F4A0] =	vst v63  }
0x1c8: {  	_ =	swait.ge [sflag:s11], $0x2800  }
0x1c9: {  	[sflag:s11] =	ssyncset.done $0x0  }
0x1ca: {  	[sflag:s11] =	ssyncadd.s32 $0xFFFFD800  }
0x1cb: {  	[spmem:s3] =	stream.indirect.scatter.add.f32 [tilespmem:s0], [sflag:$0x6], $0x80, s23, s31, $0xb8;
	[tilespmem:$0x1F4A0] =	vst v63  }
0x1cc: {  	_ =	swait.ge [sflag:s29], $0x2800  }
0x1cd: {  	[sflag:s29] =	ssyncset.done $0x0  }
0x1ce: {  	[sflag:s29] =	ssyncadd.s32 $0xFFFFD800  }
0x1cf: {  	[spmem:s4] =	stream.indirect.scatter.add.f32 [tilespmem:s26], [sflag:$0x4], $0x10, s23, s31, $0xb8;
	[tilespmem:$0x1F4A0] =	vst v63  }
0x1d0: {  	s10 =	rddreg [dreg:$0xb]  }
0x1d1: {  	[tilespmem:s0], [sflag:$0x3] =	stream.indirect.gather [hbm4b:s1+s31], $0x80, s10, s31, $0xb8;
	[tilespmem:$0x1F4A0] =	vst v63  }
0x1d2: {  	_ =	swait.ge [sflag:s8], $0x2800  }
0x1d3: {  	[sflag:s8] =	ssyncset.done $0x0  }
0x1d4: {  	[sflag:s8] =	ssyncadd.s32 $0xFFFFD800  }
0x1d5: {  	[spmem:s3] =	stream.indirect.scatter.add.f32 [tilespmem:s25], [sflag:$0x6], $0x80, s24, s31, $0xb8;
	[tilespmem:$0x1F4A0] =	vst v63  }
0x1d6: {  	_ =	swait.ge [sflag:s29], $0x2800  }
0x1d7: {  	[sflag:s29] =	ssyncset.done $0x0  }
0x1d8: {  	[sflag:s29] =	ssyncadd.s32 $0xFFFFD800  }
0x1d9: {  	[spmem:s4] =	stream.indirect.scatter.add.f32 [tilespmem:s26], [sflag:$0x4], $0x10, s24, s31, $0xb8;
	[tilespmem:$0x1F4A0] =	vst v63  }
0x1da: {  	s10 =	rddreg [dreg:$0xc]  }
0x1db: {  	[tilespmem:s25], [sflag:$0x1] =	stream.indirect.gather [hbm4b:s1+s31], $0x80, s10, s31, $0xb8;
	[tilespmem:$0x1F4A0] =	vst v63  }
0x1dc: {  	_ =	swait.ge [sflag:s9], $0x2800  }
0x1dd: {  	[sflag:s9] =	ssyncset.done $0x0  }
0x1de: {  	s10 =	simm.s32 $0x910;
	[sflag:s9] =	ssyncadd.s32 $0xFFFFD800  }
0x1df: {  	[spmem:s3] =	stream.indirect.scatter.add.f32 [tilespmem:s2], [sflag:$0x6], $0x80, s10, s31, $0xb8;
	[tilespmem:$0x1F4A0] =	vst v63  }
0x1e0: {  	_ =	swait.ge [sflag:s29], $0x2800  }
0x1e1: {  	[sflag:s29] =	ssyncset.done $0x0  }
0x1e2: {  	[sflag:s29] =	ssyncadd.s32 $0xFFFFD800  }
0x1e3: {  	[spmem:s4] =	stream.indirect.scatter.add.f32 [tilespmem:s26], [sflag:$0x4], $0x10, s10, s31, $0xb8;
	[tilespmem:$0x1F4A0] =	vst v63  }
0x1e4: {  	s21 =	rddreg [dreg:$0xd]  }
0x1e5: {  	[tilespmem:s2], [sflag:$0x2] =	stream.indirect.gather [hbm4b:s1+s31], $0x80, s21, s31, $0xb8;
	[tilespmem:$0x1F4A0] =	vst v63  }
0x1e6: {  	_ =	swait.ge [sflag:s11], $0x2800  }
0x1e7: {  	[sflag:s11] =	ssyncset.done $0x0  }
0x1e8: {  	s10 =	simm.s32 $0x960;
	[sflag:s11] =	ssyncadd.s32 $0xFFFFD800  }
0x1e9: {  	[spmem:s3] =	stream.indirect.scatter.add.f32 [tilespmem:s0], [sflag:$0x6], $0x80, s10, s31, $0xb8;
	[tilespmem:$0x1F4A0] =	vst v63  }
0x1ea: {  	_ =	swait.ge [sflag:s29], $0x2800  }
0x1eb: {  	[sflag:s29] =	ssyncset.done $0x0  }
0x1ec: {  	[sflag:s29] =	ssyncadd.s32 $0xFFFFD800  }
0x1ed: {  	[spmem:s4] =	stream.indirect.scatter.add.f32 [tilespmem:s26], [sflag:$0x4], $0x10, s10, s31, $0xb8;
	[tilespmem:$0x1F4A0] =	vst v63  }
0x1ee: {  	s21 =	rddreg [dreg:$0xe]  }
0x1ef: {  	[tilespmem:s0], [sflag:$0x3] =	stream.indirect.gather [hbm4b:s1+s31], $0x80, s21, s31, $0xb8;
	[tilespmem:$0x1F4A0] =	vst v63  }
0x1f0: {  	_ =	swait.ge [sflag:s8], $0x2800  }
0x1f1: {  	[sflag:s8] =	ssyncset.done $0x0  }
0x1f2: {  	[sflag:s8] =	ssyncadd.s32 $0xFFFFD800  }
0x1f3: {  	[spmem:s3] =	stream.indirect.scatter.add.f32 [tilespmem:s25], [sflag:$0x6], $0x80, s28, s31, $0xb8;
	[tilespmem:$0x1F4A0] =	vst v63  }
0x1f4: {  	_ =	swait.ge [sflag:s29], $0x2800  }
0x1f5: {  	[sflag:s29] =	ssyncset.done $0x0  }
0x1f6: {  	[sflag:s29] =	ssyncadd.s32 $0xFFFFD800  }
0x1f7: {  	[spmem:s4] =	stream.indirect.scatter.add.f32 [tilespmem:s26], [sflag:$0x4], $0x10, s28, s31, $0xb8;
	[tilespmem:$0x1F4A0] =	vst v63  }
0x1f8: {  	s10 =	rddreg [dreg:$0xf]  }
0x1f9: {  	[tilespmem:s25], [sflag:$0x1] =	stream.indirect.gather [hbm4b:s1+s31], $0x80, s10, s31, $0xb8;
	[tilespmem:$0x1F4A0] =	vst v63  }
0x1fa: {  	_ =	swait.ge [sflag:s9], $0x2800  }
0x1fb: {  	[sflag:s9] =	ssyncset.done $0x0  }
0x1fc: {  	s10 =	simm.s32 $0xA00;
	[sflag:s9] =	ssyncadd.s32 $0xFFFFD800  }
0x1fd: {  	[spmem:s3] =	stream.indirect.scatter.add.f32 [tilespmem:s2], [sflag:$0x6], $0x80, s10, s31, $0xb8;
	[tilespmem:$0x1F4A0] =	vst v63  }
0x1fe: {  	_ =	swait.ge [sflag:s29], $0x2800  }
0x1ff: {  	[sflag:s29] =	ssyncset.done $0x0  }
0x200: {  	[sflag:s29] =	ssyncadd.s32 $0xFFFFD800  }
0x201: {  	[spmem:s4] =	stream.indirect.scatter.add.f32 [tilespmem:s26], [sflag:$0x4], $0x10, s10, s31, $0xb8;
	[tilespmem:$0x1F4A0] =	vst v63  }
0x202: {  	s21 =	rddreg [dreg:$0x10]  }
0x203: {  	[tilespmem:s2], [sflag:$0x2] =	stream.indirect.gather [hbm4b:s1+s31], $0x80, s21, s31, $0xb8;
	[tilespmem:$0x1F4A0] =	vst v63  }
0x204: {  	_ =	swait.ge [sflag:s11], $0x2800  }
0x205: {  	[sflag:s11] =	ssyncset.done $0x0  }
0x206: {  	[sflag:s11] =	ssyncadd.s32 $0xFFFFD800  }
0x207: {  	[spmem:s3] =	stream.indirect.scatter.add.f32 [tilespmem:s0], [sflag:$0x6], $0x80, s12, s31, $0xb8;
	[tilespmem:$0x1F4A0] =	vst v63  }
0x208: {  	_ =	swait.ge [sflag:s29], $0x2800  }
0x209: {  	[sflag:s29] =	ssyncset.done $0x0  }
0x20a: {  	[sflag:s29] =	ssyncadd.s32 $0xFFFFD800  }
0x20b: {  	[spmem:s4] =	stream.indirect.scatter.add.f32 [tilespmem:s26], [sflag:$0x4], $0x10, s12, s31, $0xb8;
	[tilespmem:$0x1F4A0] =	vst v63  }
0x20c: {  	s10 =	rddreg [dreg:$0x11]  }
0x20d: {  	[tilespmem:s0], [sflag:$0x3] =	stream.indirect.gather [hbm4b:s1+s31], $0x80, s10, s31, $0xb8;
	[tilespmem:$0x1F4A0] =	vst v63  }
0x20e: {  	_ =	swait.ge [sflag:s8], $0x2800  }
0x20f: {  	[sflag:s8] =	ssyncset.done $0x0  }
0x210: {  	[sflag:s8] =	ssyncadd.s32 $0xFFFFD800  }
0x211: {  	[spmem:s3] =	stream.indirect.scatter.add.f32 [tilespmem:s25], [sflag:$0x6], $0x80, s13, s31, $0xb8;
	[tilespmem:$0x1F4A0] =	vst v63  }
0x212: {  	_ =	swait.ge [sflag:s29], $0x2800  }
0x213: {  	[sflag:s29] =	ssyncset.done $0x0  }
0x214: {  	[sflag:s29] =	ssyncadd.s32 $0xFFFFD800  }
0x215: {  	[spmem:s4] =	stream.indirect.scatter.add.f32 [tilespmem:s26], [sflag:$0x4], $0x10, s13, s31, $0xb8;
	[tilespmem:$0x1F4A0] =	vst v63  }
0x216: {  	s10 =	rddreg [dreg:$0x12]  }
0x217: {  	[tilespmem:s25], [sflag:$0x1] =	stream.indirect.gather [hbm4b:s1+s31], $0x80, s10, s31, $0xb8;
	[tilespmem:$0x1F4A0] =	vst v63  }
0x218: {  	_ =	swait.ge [sflag:s9], $0x2800  }
0x219: {  	[sflag:s9] =	ssyncset.done $0x0  }
0x21a: {  	[sflag:s9] =	ssyncadd.s32 $0xFFFFD800  }
0x21b: {  	[spmem:s3] =	stream.indirect.scatter.add.f32 [tilespmem:s2], [sflag:$0x6], $0x80, s14, s31, $0xb8;
	[tilespmem:$0x1F4A0] =	vst v63  }
0x21c: {  	_ =	swait.ge [sflag:s29], $0x2800  }
0x21d: {  	[sflag:s29] =	ssyncset.done $0x0  }
0x21e: {  	[sflag:s29] =	ssyncadd.s32 $0xFFFFD800  }
0x21f: {  	[spmem:s4] =	stream.indirect.scatter.add.f32 [tilespmem:s26], [sflag:$0x4], $0x10, s14, s31, $0xb8;
	[tilespmem:$0x1F4A0] =	vst v63  }
0x220: {  	s10 =	rddreg [dreg:$0x13]  }
0x221: {  	[tilespmem:s2], [sflag:$0x2] =	stream.indirect.gather [hbm4b:s1+s31], $0x80, s10, s31, $0xb8;
	[tilespmem:$0x1F4A0] =	vst v63  }
0x222: {  	_ =	swait.ge [sflag:s11], $0x2800  }
0x223: {  	[sflag:s11] =	ssyncset.done $0x0  }
0x224: {  	[sflag:s11] =	ssyncadd.s32 $0xFFFFD800  }
0x225: {  	[spmem:s3] =	stream.indirect.scatter.add.f32 [tilespmem:s0], [sflag:$0x6], $0x80, s15, s31, $0xb8;
	[tilespmem:$0x1F4A0] =	vst v63  }
0x226: {  	_ =	swait.ge [sflag:s29], $0x2800  }
0x227: {  	[sflag:s29] =	ssyncset.done $0x0  }
0x228: {  	[sflag:s29] =	ssyncadd.s32 $0xFFFFD800  }
0x229: {  	[spmem:s4] =	stream.indirect.scatter.add.f32 [tilespmem:s26], [sflag:$0x4], $0x10, s15, s31, $0xb8;
	[tilespmem:$0x1F4A0] =	vst v63  }
0x22a: {  	s10 =	rddreg [dreg:$0x14]  }
0x22b: {  	[tilespmem:s0], [sflag:$0x3] =	stream.indirect.gather [hbm4b:s1+s31], $0x80, s10, s31, $0xb8;
	[tilespmem:$0x1F4A0] =	vst v63  }
0x22c: {  	_ =	swait.ge [sflag:s8], $0x2800  }
0x22d: {  	[sflag:s8] =	ssyncset.done $0x0  }
0x22e: {  	[sflag:s8] =	ssyncadd.s32 $0xFFFFD800  }
0x22f: {  	[spmem:s3] =	stream.indirect.scatter.add.f32 [tilespmem:s25], [sflag:$0x6], $0x80, s16, s31, $0xb8;
	[tilespmem:$0x1F4A0] =	vst v63  }
0x230: {  	_ =	swait.ge [sflag:s29], $0x2800  }
0x231: {  	[sflag:s29] =	ssyncset.done $0x0  }
0x232: {  	[sflag:s29] =	ssyncadd.s32 $0xFFFFD800  }
0x233: {  	[spmem:s4] =	stream.indirect.scatter.add.f32 [tilespmem:s26], [sflag:$0x4], $0x10, s16, s31, $0xb8;
	[tilespmem:$0x1F4A0] =	vst v63  }
0x234: {  	s10 =	rddreg [dreg:$0x15]  }
0x235: {  	[tilespmem:s25], [sflag:$0x1] =	stream.indirect.gather [hbm4b:s1+s31], $0x80, s10, s31, $0xb8;
	[tilespmem:$0x1F4A0] =	vst v63  }
0x236: {  	_ =	swait.ge [sflag:s9], $0x2800  }
0x237: {  	[sflag:s9] =	ssyncset.done $0x0  }
0x238: {  	[sflag:s9] =	ssyncadd.s32 $0xFFFFD800  }
0x239: {  	[spmem:s3] =	stream.indirect.scatter.add.f32 [tilespmem:s2], [sflag:$0x6], $0x80, s17, s31, $0xb8;
	[tilespmem:$0x1F4A0] =	vst v63  }
0x23a: {  	_ =	swait.ge [sflag:s29], $0x2800  }
0x23b: {  	[sflag:s29] =	ssyncset.done $0x0  }
0x23c: {  	[sflag:s29] =	ssyncadd.s32 $0xFFFFD800  }
0x23d: {  	[spmem:s4] =	stream.indirect.scatter.add.f32 [tilespmem:s26], [sflag:$0x4], $0x10, s17, s31, $0xb8;
	[tilespmem:$0x1F4A0] =	vst v63  }
0x23e: {  	s10 =	rddreg [dreg:$0x16]  }
0x23f: {  	[tilespmem:s2], [sflag:$0x2] =	stream.indirect.gather [hbm4b:s1+s31], $0x80, s10, s31, $0xb8;
	[tilespmem:$0x1F4A0] =	vst v63  }
0x240: {  	_ =	swait.ge [sflag:s11], $0x2800  }
0x241: {  	[sflag:s11] =	ssyncset.done $0x0  }
0x242: {  	s10 =	simm.s32 $0xC30;
	[sflag:s11] =	ssyncadd.s32 $0xFFFFD800  }
0x243: {  	[spmem:s3] =	stream.indirect.scatter.add.f32 [tilespmem:s0], [sflag:$0x6], $0x80, s10, s31, $0xb8;
	[tilespmem:$0x1F4A0] =	vst v63  }
0x244: {  	_ =	swait.ge [sflag:s29], $0x2800  }
0x245: {  	[sflag:s29] =	ssyncset.done $0x0  }
0x246: {  	[sflag:s29] =	ssyncadd.s32 $0xFFFFD800  }
0x247: {  	[spmem:s4] =	stream.indirect.scatter.add.f32 [tilespmem:s26], [sflag:$0x4], $0x10, s10, s31, $0xb8;
	[tilespmem:$0x1F4A0] =	vst v63  }
0x248: {  	s21 =	rddreg [dreg:$0x17]  }
0x249: {  	[tilespmem:s0], [sflag:$0x3] =	stream.indirect.gather [hbm4b:s1+s31], $0x80, s21, s31, $0xb8;
	[tilespmem:$0x1F4A0] =	vst v63  }
0x24a: {  	_ =	swait.ge [sflag:s8], $0x2800  }
0x24b: {  	[sflag:s8] =	ssyncset.done $0x0  }
0x24c: {  	s10 =	simm.s32 $0xC80;
	[sflag:s8] =	ssyncadd.s32 $0xFFFFD800  }
0x24d: {  	[spmem:s3] =	stream.indirect.scatter.add.f32 [tilespmem:s25], [sflag:$0x6], $0x80, s10, s31, $0xb8;
	[tilespmem:$0x1F4A0] =	vst v63  }
0x24e: {  	_ =	swait.ge [sflag:s29], $0x2800  }
0x24f: {  	[sflag:s29] =	ssyncset.done $0x0  }
0x250: {  	[sflag:s29] =	ssyncadd.s32 $0xFFFFD800  }
0x251: {  	[spmem:s4] =	stream.indirect.scatter.add.f32 [tilespmem:s26], [sflag:$0x4], $0x10, s10, s31, $0xb8;
	[tilespmem:$0x1F4A0] =	vst v63  }
0x252: {  	s21 =	rddreg [dreg:$0x18]  }
0x253: {  	[tilespmem:s25], [sflag:$0x1] =	stream.indirect.gather [hbm4b:s1+s31], $0x80, s21, s31, $0xb8;
	[tilespmem:$0x1F4A0] =	vst v63  }
0x254: {  	_ =	swait.ge [sflag:s9], $0x2800  }
0x255: {  	[sflag:s9] =	ssyncset.done $0x0  }
0x256: {  	s10 =	simm.s32 $0xCD0;
	[sflag:s9] =	ssyncadd.s32 $0xFFFFD800  }
0x257: {  	[spmem:s3] =	stream.indirect.scatter.add.f32 [tilespmem:s2], [sflag:$0x6], $0x80, s10, s31, $0xb8;
	[tilespmem:$0x1F4A0] =	vst v63  }
0x258: {  	_ =	swait.ge [sflag:s29], $0x2800  }
0x259: {  	[sflag:s29] =	ssyncset.done $0x0  }
0x25a: {  	[sflag:s29] =	ssyncadd.s32 $0xFFFFD800  }
0x25b: {  	[spmem:s4] =	stream.indirect.scatter.add.f32 [tilespmem:s26], [sflag:$0x4], $0x10, s10, s31, $0xb8;
	[tilespmem:$0x1F4A0] =	vst v63  }
0x25c: {  	s21 =	rddreg [dreg:$0x19]  }
0x25d: {  	[tilespmem:s2], [sflag:$0x2] =	stream.indirect.gather [hbm4b:s1+s31], $0x80, s21, s31, $0xb8;
	[tilespmem:$0x1F4A0] =	vst v63  }
0x25e: {  	_ =	swait.ge [sflag:s11], $0x2800  }
0x25f: {  	[sflag:s11] =	ssyncset.done $0x0  }
0x260: {  	s10 =	simm.s32 $0xD20;
	[sflag:s11] =	ssyncadd.s32 $0xFFFFD800  }
0x261: {  	[spmem:s3] =	stream.indirect.scatter.add.f32 [tilespmem:s0], [sflag:$0x6], $0x80, s10, s31, $0xb8;
	[tilespmem:$0x1F4A0] =	vst v63  }
0x262: {  	_ =	swait.ge [sflag:s29], $0x2800  }
0x263: {  	[sflag:s29] =	ssyncset.done $0x0  }
0x264: {  	[sflag:s29] =	ssyncadd.s32 $0xFFFFD800  }
0x265: {  	[spmem:s4] =	stream.indirect.scatter.add.f32 [tilespmem:s26], [sflag:$0x4], $0x10, s10, s31, $0xb8;
	[tilespmem:$0x1F4A0] =	vst v63  }
0x266: {  	s21 =	rddreg [dreg:$0x1a]  }
0x267: {  	[tilespmem:s0], [sflag:$0x3] =	stream.indirect.gather [hbm4b:s1+s31], $0x80, s21, s31, $0xb8;
	[tilespmem:$0x1F4A0] =	vst v63  }
0x268: {  	_ =	swait.ge [sflag:s8], $0x2800  }
0x269: {  	[sflag:s8] =	ssyncset.done $0x0  }
0x26a: {  	s10 =	simm.s32 $0xD70;
	[sflag:s8] =	ssyncadd.s32 $0xFFFFD800  }
0x26b: {  	[spmem:s3] =	stream.indirect.scatter.add.f32 [tilespmem:s25], [sflag:$0x6], $0x80, s10, s31, $0xb8;
	[tilespmem:$0x1F4A0] =	vst v63  }
0x26c: {  	_ =	swait.ge [sflag:s29], $0x2800  }
0x26d: {  	[sflag:s29] =	ssyncset.done $0x0  }
0x26e: {  	[sflag:s29] =	ssyncadd.s32 $0xFFFFD800  }
0x26f: {  	[spmem:s4] =	stream.indirect.scatter.add.f32 [tilespmem:s26], [sflag:$0x4], $0x10, s10, s31, $0xb8;
	[tilespmem:$0x1F4A0] =	vst v63  }
0x270: {  	s21 =	rddreg [dreg:$0x1b]  }
0x271: {  	[tilespmem:s25], [sflag:$0x1] =	stream.indirect.gather [hbm4b:s1+s31], $0x80, s21, s31, $0xb8;
	[tilespmem:$0x1F4A0] =	vst v63  }
0x272: {  	_ =	swait.ge [sflag:s9], $0x2800  }
0x273: {  	[sflag:s9] =	ssyncset.done $0x0  }
0x274: {  	s10 =	simm.s32 $0xDC0;
	[sflag:s9] =	ssyncadd.s32 $0xFFFFD800  }
0x275: {  	[spmem:s3] =	stream.indirect.scatter.add.f32 [tilespmem:s2], [sflag:$0x6], $0x80, s10, s31, $0xb8;
	[tilespmem:$0x1F4A0] =	vst v63  }
0x276: {  	_ =	swait.ge [sflag:s29], $0x2800  }
0x277: {  	[sflag:s29] =	ssyncset.done $0x0  }
0x278: {  	[sflag:s29] =	ssyncadd.s32 $0xFFFFD800  }
0x279: {  	[spmem:s4] =	stream.indirect.scatter.add.f32 [tilespmem:s26], [sflag:$0x4], $0x10, s10, s31, $0xb8;
	[tilespmem:$0x1F4A0] =	vst v63  }
0x27a: {  	s21 =	rddreg [dreg:$0x1c]  }
0x27b: {  	[tilespmem:s2], [sflag:$0x2] =	stream.indirect.gather [hbm4b:s1+s31], $0x80, s21, s31, $0xb8;
	[tilespmem:$0x1F4A0] =	vst v63  }
0x27c: {  	_ =	swait.ge [sflag:s11], $0x2800  }
0x27d: {  	[sflag:s11] =	ssyncset.done $0x0  }
0x27e: {  	s10 =	simm.s32 $0xE10;
	[sflag:s11] =	ssyncadd.s32 $0xFFFFD800  }
0x27f: {  	[spmem:s3] =	stream.indirect.scatter.add.f32 [tilespmem:s0], [sflag:$0x6], $0x80, s10, s31, $0xb8;
	[tilespmem:$0x1F4A0] =	vst v63  }
0x280: {  	_ =	swait.ge [sflag:s29], $0x2800  }
0x281: {  	[sflag:s29] =	ssyncset.done $0x0  }
0x282: {  	[sflag:s29] =	ssyncadd.s32 $0xFFFFD800  }
0x283: {  	[spmem:s4] =	stream.indirect.scatter.add.f32 [tilespmem:s26], [sflag:$0x4], $0x10, s10, s31, $0xb8;
	[tilespmem:$0x1F4A0] =	vst v63  }
0x284: {  	s21 =	rddreg [dreg:$0x1d]  }
0x285: {  	[tilespmem:s0], [sflag:$0x3] =	stream.indirect.gather [hbm4b:s1+s31], $0x80, s21, s31, $0xb8;
	[tilespmem:$0x1F4A0] =	vst v63  }
0x286: {  	_ =	swait.ge [sflag:s8], $0x2800  }
0x287: {  	[sflag:s8] =	ssyncset.done $0x0  }
0x288: {  	s10 =	simm.s32 $0xE60;
	[sflag:s8] =	ssyncadd.s32 $0xFFFFD800  }
0x289: {  	[spmem:s3] =	stream.indirect.scatter.add.f32 [tilespmem:s25], [sflag:$0x6], $0x80, s10, s31, $0xb8;
	[tilespmem:$0x1F4A0] =	vst v63  }
0x28a: {  	_ =	swait.ge [sflag:s29], $0x2800  }
0x28b: {  	[sflag:s29] =	ssyncset.done $0x0  }
0x28c: {  	[sflag:s29] =	ssyncadd.s32 $0xFFFFD800  }
0x28d: {  	[spmem:s4] =	stream.indirect.scatter.add.f32 [tilespmem:s26], [sflag:$0x4], $0x10, s10, s31, $0xb8;
	[tilespmem:$0x1F4A0] =	vst v63  }
0x28e: {  	s21 =	rddreg [dreg:$0x1e]  }
0x28f: {  	[tilespmem:s25], [sflag:$0x1] =	stream.indirect.gather [hbm4b:s1+s31], $0x80, s21, s31, $0xb8;
	[tilespmem:$0x1F4A0] =	vst v63  }
0x290: {  	_ =	swait.ge [sflag:s9], $0x2800  }
0x291: {  	[sflag:s9] =	ssyncset.done $0x0  }
0x292: {  	[sflag:s9] =	ssyncadd.s32 $0xFFFFD800  }
0x293: {  	[spmem:s3] =	stream.indirect.scatter.add.f32 [tilespmem:s2], [sflag:$0x6], $0x80, s5, s31, $0xb8;
	[tilespmem:$0x1F4A0] =	vst v63  }
0x294: {  	_ =	swait.ge [sflag:s29], $0x2800  }
0x295: {  	[sflag:s29] =	ssyncset.done $0x0  }
0x296: {  	[sflag:s29] =	ssyncadd.s32 $0xFFFFD800  }
0x297: {  	[spmem:s4] =	stream.indirect.scatter.add.f32 [tilespmem:s26], [sflag:$0x4], $0x10, s5, s31, $0xb8;
	[tilespmem:$0x1F4A0] =	vst v63  }
0x298: {  	_ =	swait.ge [sflag:s11], $0x2800  }
0x299: {  	[sflag:s11] =	ssyncset.done $0x0  }
0x29a: {  	[sflag:s11] =	ssyncadd.s32 $0xFFFFD800  }
0x29b: {  	[spmem:s3] =	stream.indirect.scatter.add.f32 [tilespmem:s0], [sflag:$0x6], $0x80, s6, s31, $0xb8;
	[tilespmem:$0x1F4A0] =	vst v63  }
0x29c: {  	_ =	swait.ge [sflag:s29], $0x2800  }
0x29d: {  	[sflag:s29] =	ssyncset.done $0x0  }
0x29e: {  	[sflag:s29] =	ssyncadd.s32 $0xFFFFD800  }
0x29f: {  	[spmem:s4] =	stream.indirect.scatter.add.f32 [tilespmem:s26], [sflag:$0x4], $0x10, s6, s31, $0xb8;
	[tilespmem:$0x1F4A0] =	vst v63  }
0x2a0: {  	_ =	swait.ge [sflag:s8], $0x2800  }
0x2a1: {  	p0 =	sne.s32 s20, $0x3E8;
	[sflag:s8] =	ssyncset.done $0x0  }
.Ltmp2:
0x2a2: {  	[sflag:s8] =	ssyncadd.s32 $0xFFFFD800;
	(pc) =	sbr.rel @p0 .LBB2_6-.Ltmp2, $4  }
0x2a3: {  	[spmem:s3] =	stream.indirect.scatter.add.f32 [tilespmem:s25], [sflag:$0x6], $0x80, s7, s31, $0xb8;
	[tilespmem:$0x1F4A0] =	vst v63  }
0x2a4: {  	_ =	swait.ge [sflag:s29], $0x2800  }
0x2a5: {  	[sflag:s29] =	ssyncset.done $0x0  }
0x2a6: {  	s20 =	sadd.s32 $0xFA, s20;
	s21 =	rddreg [dreg:$0x7];
	[sflag:s29] =	ssyncadd.s32 $0xFFFFD800  }
0x2a7: {  	[spmem:s4] =	stream.indirect.scatter.add.f32 [tilespmem:s26], [sflag:$0x4], $0x10, s7, s31, $0xb8;
	[tilespmem:$0x1F4A0] =	vst v63  }
0x2a8: {  	s20 =	sadd.s32 s19, s21  }
0x2a9: {  	[tilespmem:s30], [sflag:$0x6] =	stream.linear.gather [hbm4b:s20+s30], $0x7D0, $0x38;
	[tilespmem:$0x1F4A0] =	vst v63  }
0x2aa: {  	_ =	swait.ge [sflag:s29], $0x7D0  }
0x2ab: {  	s10 =	rddreg [dreg:$0x6];
	[sflag:s29] =	ssyncset.done $0x0  }
0x2ac: {  	s21 =	sadd.s32 s19, s10;
	[sflag:s29] =	ssyncadd.s32 $0xFFFFF830  }
0x2ad: {  	[tilespmem:s18], [sflag:$0x6] =	stream.linear.gather [hbm4b:s21+s30], $0x7D0, $0x38;
	[tilespmem:$0x1F4A0] =	vst v63  }
0x2ae: {  	_ =	swait.ge [sflag:s29], $0x7D0  }
0x2af: {  	[sflag:s29] =	ssyncset.done $0x0  }
0x2b0: {  	[sflag:s29] =	ssyncadd.s32 $0xFFFFF830  }
0x2b1: {  	[tilespmem:s25], [sflag:$0x1] =	stream.indirect.gather [hbm4b:s1+s31], $0x80, s30, s31, $0xb8;
	[tilespmem:$0x1F4A0] =	vst v63  }
0x2b2: {  	_ = 	snop  }
0x2b3: {  	[tilespmem:s2], [sflag:$0x2] =	stream.indirect.gather [hbm4b:s1+s31], $0x80, s31, s31, $0xb8;
	[tilespmem:$0x1F4A0] =	vst v63  }
0x2b4: {  	s10 =	rddreg [dreg:$0x8]  }
0x2b5: {  	[tilespmem:s0], [sflag:$0x3] =	stream.indirect.gather [hbm4b:s1+s31], $0x80, s10, s31, $0xb8;
	[tilespmem:$0x1F4A0] =	vst v63  }
0x2b6: {  	_ =	swait.ge [sflag:s8], $0x2800  }
0x2b7: {  	[sflag:s8] =	ssyncset.done $0x0  }
0x2b8: {  	[sflag:s8] =	ssyncadd.s32 $0xFFFFD800  }
0x2b9: {  	[spmem:s3] =	stream.indirect.scatter.add.f32 [tilespmem:s25], [sflag:$0x6], $0x80, s18, s31, $0xb8;
	[tilespmem:$0x1F4A0] =	vst v63  }
0x2ba: {  	_ =	swait.ge [sflag:s29], $0x2800  }
0x2bb: {  	[sflag:s29] =	ssyncset.done $0x0  }
0x2bc: {  	[sflag:s29] =	ssyncadd.s32 $0xFFFFD800  }
0x2bd: {  	[spmem:s4] =	stream.indirect.scatter.add.f32 [tilespmem:s26], [sflag:$0x4], $0x10, s18, s31, $0xb8;
	[tilespmem:$0x1F4A0] =	vst v63  }
0x2be: {  	s20 =	rddreg [dreg:$0x9]  }
0x2bf: {  	[tilespmem:s25], [sflag:$0x1] =	stream.indirect.gather [hbm4b:s1+s31], $0x80, s20, s31, $0xb8;
	[tilespmem:$0x1F4A0] =	vst v63  }
0x2c0: {  	_ =	swait.ge [sflag:s9], $0x2800  }
0x2c1: {  	[sflag:s9] =	ssyncset.done $0x0  }
0x2c2: {  	[sflag:s9] =	ssyncadd.s32 $0xFFFFD800  }
0x2c3: {  	[spmem:s3] =	stream.indirect.scatter.add.f32 [tilespmem:s2], [sflag:$0x6], $0x80, s22, s31, $0xb8;
	[tilespmem:$0x1F4A0] =	vst v63  }
0x2c4: {  	_ =	swait.ge [sflag:s29], $0x2800  }
0x2c5: {  	[sflag:s29] =	ssyncset.done $0x0  }
0x2c6: {  	[sflag:s29] =	ssyncadd.s32 $0xFFFFD800  }
0x2c7: {  	[spmem:s4] =	stream.indirect.scatter.add.f32 [tilespmem:s26], [sflag:$0x4], $0x10, s22, s31, $0xb8;
	[tilespmem:$0x1F4A0] =	vst v63  }
0x2c8: {  	s21 =	rddreg [dreg:$0xa]  }
0x2c9: {  	[tilespmem:s2], [sflag:$0x2] =	stream.indirect.gather [hbm4b:s1+s31], $0x80, s21, s31, $0xb8;
	[tilespmem:$0x1F4A0] =	vst v63  }
0x2ca: {  	_ =	swait.ge [sflag:s11], $0x2800  }
0x2cb: {  	[sflag:s11] =	ssyncset.done $0x0  }
0x2cc: {  	[sflag:s11] =	ssyncadd.s32 $0xFFFFD800  }
0x2cd: {  	[spmem:s3] =	stream.indirect.scatter.add.f32 [tilespmem:s0], [sflag:$0x6], $0x80, s23, s31, $0xb8;
	[tilespmem:$0x1F4A0] =	vst v63  }
0x2ce: {  	_ =	swait.ge [sflag:s29], $0x2800  }
0x2cf: {  	[sflag:s29] =	ssyncset.done $0x0  }
0x2d0: {  	[sflag:s29] =	ssyncadd.s32 $0xFFFFD800  }
0x2d1: {  	[spmem:s4] =	stream.indirect.scatter.add.f32 [tilespmem:s26], [sflag:$0x4], $0x10, s23, s31, $0xb8;
	[tilespmem:$0x1F4A0] =	vst v63  }
0x2d2: {  	s22 =	rddreg [dreg:$0xb]  }
0x2d3: {  	[tilespmem:s0], [sflag:$0x3] =	stream.indirect.gather [hbm4b:s1+s31], $0x80, s22, s31, $0xb8;
	[tilespmem:$0x1F4A0] =	vst v63  }
0x2d4: {  	_ =	swait.ge [sflag:s8], $0x2800  }
0x2d5: {  	[sflag:s8] =	ssyncset.done $0x0  }
0x2d6: {  	[sflag:s8] =	ssyncadd.s32 $0xFFFFD800  }
0x2d7: {  	[spmem:s3] =	stream.indirect.scatter.add.f32 [tilespmem:s25], [sflag:$0x6], $0x80, s24, s31, $0xb8;
	[tilespmem:$0x1F4A0] =	vst v63  }
0x2d8: {  	_ =	swait.ge [sflag:s29], $0x2800  }
0x2d9: {  	[sflag:s29] =	ssyncset.done $0x0  }
0x2da: {  	[sflag:s29] =	ssyncadd.s32 $0xFFFFD800  }
0x2db: {  	[spmem:s4] =	stream.indirect.scatter.add.f32 [tilespmem:s26], [sflag:$0x4], $0x10, s24, s31, $0xb8;
	[tilespmem:$0x1F4A0] =	vst v63  }
0x2dc: {  	s10 =	rddreg [dreg:$0xc]  }
0x2dd: {  	[tilespmem:s25], [sflag:$0x1] =	stream.indirect.gather [hbm4b:s1+s31], $0x80, s10, s31, $0xb8;
	[tilespmem:$0x1F4A0] =	vst v63  }
0x2de: {  	_ =	swait.ge [sflag:s9], $0x2800  }
0x2df: {  	[sflag:s9] =	ssyncset.done $0x0  }
0x2e0: {  	s10 =	simm.s32 $0x910;
	[sflag:s9] =	ssyncadd.s32 $0xFFFFD800  }
0x2e1: {  	[spmem:s3] =	stream.indirect.scatter.add.f32 [tilespmem:s2], [sflag:$0x6], $0x80, s10, s31, $0xb8;
	[tilespmem:$0x1F4A0] =	vst v63  }
0x2e2: {  	_ =	swait.ge [sflag:s29], $0x2800  }
0x2e3: {  	[sflag:s29] =	ssyncset.done $0x0  }
0x2e4: {  	[sflag:s29] =	ssyncadd.s32 $0xFFFFD800  }
0x2e5: {  	[spmem:s4] =	stream.indirect.scatter.add.f32 [tilespmem:s26], [sflag:$0x4], $0x10, s10, s31, $0xb8;
	[tilespmem:$0x1F4A0] =	vst v63  }
0x2e6: {  	s20 =	rddreg [dreg:$0xd]  }
0x2e7: {  	[tilespmem:s2], [sflag:$0x2] =	stream.indirect.gather [hbm4b:s1+s31], $0x80, s20, s31, $0xb8;
	[tilespmem:$0x1F4A0] =	vst v63  }
0x2e8: {  	_ =	swait.ge [sflag:s11], $0x2800  }
0x2e9: {  	[sflag:s11] =	ssyncset.done $0x0  }
0x2ea: {  	s21 =	simm.s32 $0x960;
	[sflag:s11] =	ssyncadd.s32 $0xFFFFD800  }
0x2eb: {  	[spmem:s3] =	stream.indirect.scatter.add.f32 [tilespmem:s0], [sflag:$0x6], $0x80, s21, s31, $0xb8;
	[tilespmem:$0x1F4A0] =	vst v63  }
0x2ec: {  	_ =	swait.ge [sflag:s29], $0x2800  }
0x2ed: {  	[sflag:s29] =	ssyncset.done $0x0  }
0x2ee: {  	[sflag:s29] =	ssyncadd.s32 $0xFFFFD800  }
0x2ef: {  	[spmem:s4] =	stream.indirect.scatter.add.f32 [tilespmem:s26], [sflag:$0x4], $0x10, s21, s31, $0xb8;
	[tilespmem:$0x1F4A0] =	vst v63  }
0x2f0: {  	s22 =	rddreg [dreg:$0xe]  }
0x2f1: {  	[tilespmem:s0], [sflag:$0x3] =	stream.indirect.gather [hbm4b:s1+s31], $0x80, s22, s31, $0xb8;
	[tilespmem:$0x1F4A0] =	vst v63  }
0x2f2: {  	_ =	swait.ge [sflag:s8], $0x2800  }
0x2f3: {  	[sflag:s8] =	ssyncset.done $0x0  }
0x2f4: {  	[sflag:s8] =	ssyncadd.s32 $0xFFFFD800  }
0x2f5: {  	[spmem:s3] =	stream.indirect.scatter.add.f32 [tilespmem:s25], [sflag:$0x6], $0x80, s28, s31, $0xb8;
	[tilespmem:$0x1F4A0] =	vst v63  }
0x2f6: {  	_ =	swait.ge [sflag:s29], $0x2800  }
0x2f7: {  	[sflag:s29] =	ssyncset.done $0x0  }
0x2f8: {  	[sflag:s29] =	ssyncadd.s32 $0xFFFFD800  }
0x2f9: {  	[spmem:s4] =	stream.indirect.scatter.add.f32 [tilespmem:s26], [sflag:$0x4], $0x10, s28, s31, $0xb8;
	[tilespmem:$0x1F4A0] =	vst v63  }
0x2fa: {  	s10 =	rddreg [dreg:$0xf]  }
0x2fb: {  	[tilespmem:s25], [sflag:$0x1] =	stream.indirect.gather [hbm4b:s1+s31], $0x80, s10, s31, $0xb8;
	[tilespmem:$0x1F4A0] =	vst v63  }
0x2fc: {  	_ =	swait.ge [sflag:s9], $0x2800  }
0x2fd: {  	[sflag:s9] =	ssyncset.done $0x0  }
0x2fe: {  	s20 =	simm.s32 $0xA00;
	[sflag:s9] =	ssyncadd.s32 $0xFFFFD800  }
0x2ff: {  	[spmem:s3] =	stream.indirect.scatter.add.f32 [tilespmem:s2], [sflag:$0x6], $0x80, s20, s31, $0xb8;
	[tilespmem:$0x1F4A0] =	vst v63  }
0x300: {  	_ =	swait.ge [sflag:s29], $0x2800  }
0x301: {  	[sflag:s29] =	ssyncset.done $0x0  }
0x302: {  	[sflag:s29] =	ssyncadd.s32 $0xFFFFD800  }
0x303: {  	[spmem:s4] =	stream.indirect.scatter.add.f32 [tilespmem:s26], [sflag:$0x4], $0x10, s20, s31, $0xb8;
	[tilespmem:$0x1F4A0] =	vst v63  }
0x304: {  	s21 =	rddreg [dreg:$0x10]  }
0x305: {  	[tilespmem:s2], [sflag:$0x2] =	stream.indirect.gather [hbm4b:s1+s31], $0x80, s21, s31, $0xb8;
	[tilespmem:$0x1F4A0] =	vst v63  }
0x306: {  	_ =	swait.ge [sflag:s11], $0x2800  }
0x307: {  	[sflag:s11] =	ssyncset.done $0x0  }
0x308: {  	[sflag:s11] =	ssyncadd.s32 $0xFFFFD800  }
0x309: {  	[spmem:s3] =	stream.indirect.scatter.add.f32 [tilespmem:s0], [sflag:$0x6], $0x80, s12, s31, $0xb8;
	[tilespmem:$0x1F4A0] =	vst v63  }
0x30a: {  	_ =	swait.ge [sflag:s29], $0x2800  }
0x30b: {  	[sflag:s29] =	ssyncset.done $0x0  }
0x30c: {  	[sflag:s29] =	ssyncadd.s32 $0xFFFFD800  }
0x30d: {  	[spmem:s4] =	stream.indirect.scatter.add.f32 [tilespmem:s26], [sflag:$0x4], $0x10, s12, s31, $0xb8;
	[tilespmem:$0x1F4A0] =	vst v63  }
0x30e: {  	s22 =	rddreg [dreg:$0x11]  }
0x30f: {  	[tilespmem:s0], [sflag:$0x3] =	stream.indirect.gather [hbm4b:s1+s31], $0x80, s22, s31, $0xb8;
	[tilespmem:$0x1F4A0] =	vst v63  }
0x310: {  	_ =	swait.ge [sflag:s8], $0x2800  }
0x311: {  	[sflag:s8] =	ssyncset.done $0x0  }
0x312: {  	[sflag:s8] =	ssyncadd.s32 $0xFFFFD800  }
0x313: {  	[spmem:s3] =	stream.indirect.scatter.add.f32 [tilespmem:s25], [sflag:$0x6], $0x80, s13, s31, $0xb8;
	[tilespmem:$0x1F4A0] =	vst v63  }
0x314: {  	_ =	swait.ge [sflag:s29], $0x2800  }
0x315: {  	[sflag:s29] =	ssyncset.done $0x0  }
0x316: {  	[sflag:s29] =	ssyncadd.s32 $0xFFFFD800  }
0x317: {  	[spmem:s4] =	stream.indirect.scatter.add.f32 [tilespmem:s26], [sflag:$0x4], $0x10, s13, s31, $0xb8;
	[tilespmem:$0x1F4A0] =	vst v63  }
0x318: {  	s10 =	rddreg [dreg:$0x12]  }
0x319: {  	[tilespmem:s25], [sflag:$0x1] =	stream.indirect.gather [hbm4b:s1+s31], $0x80, s10, s31, $0xb8;
	[tilespmem:$0x1F4A0] =	vst v63  }
0x31a: {  	_ =	swait.ge [sflag:s9], $0x2800  }
0x31b: {  	[sflag:s9] =	ssyncset.done $0x0  }
0x31c: {  	[sflag:s9] =	ssyncadd.s32 $0xFFFFD800  }
0x31d: {  	[spmem:s3] =	stream.indirect.scatter.add.f32 [tilespmem:s2], [sflag:$0x6], $0x80, s14, s31, $0xb8;
	[tilespmem:$0x1F4A0] =	vst v63  }
0x31e: {  	_ =	swait.ge [sflag:s29], $0x2800  }
0x31f: {  	[sflag:s29] =	ssyncset.done $0x0  }
0x320: {  	[sflag:s29] =	ssyncadd.s32 $0xFFFFD800  }
0x321: {  	[spmem:s4] =	stream.indirect.scatter.add.f32 [tilespmem:s26], [sflag:$0x4], $0x10, s14, s31, $0xb8;
	[tilespmem:$0x1F4A0] =	vst v63  }
0x322: {  	s20 =	rddreg [dreg:$0x13]  }
0x323: {  	[tilespmem:s2], [sflag:$0x2] =	stream.indirect.gather [hbm4b:s1+s31], $0x80, s20, s31, $0xb8;
	[tilespmem:$0x1F4A0] =	vst v63  }
0x324: {  	_ =	swait.ge [sflag:s11], $0x2800  }
0x325: {  	[sflag:s11] =	ssyncset.done $0x0  }
0x326: {  	[sflag:s11] =	ssyncadd.s32 $0xFFFFD800  }
0x327: {  	[spmem:s3] =	stream.indirect.scatter.add.f32 [tilespmem:s0], [sflag:$0x6], $0x80, s15, s31, $0xb8;
	[tilespmem:$0x1F4A0] =	vst v63  }
0x328: {  	_ =	swait.ge [sflag:s29], $0x2800  }
0x329: {  	[sflag:s29] =	ssyncset.done $0x0  }
0x32a: {  	[sflag:s29] =	ssyncadd.s32 $0xFFFFD800  }
0x32b: {  	[spmem:s4] =	stream.indirect.scatter.add.f32 [tilespmem:s26], [sflag:$0x4], $0x10, s15, s31, $0xb8;
	[tilespmem:$0x1F4A0] =	vst v63  }
0x32c: {  	s21 =	rddreg [dreg:$0x14]  }
0x32d: {  	[tilespmem:s0], [sflag:$0x3] =	stream.indirect.gather [hbm4b:s1+s31], $0x80, s21, s31, $0xb8;
	[tilespmem:$0x1F4A0] =	vst v63  }
0x32e: {  	_ =	swait.ge [sflag:s8], $0x2800  }
0x32f: {  	[sflag:s8] =	ssyncset.done $0x0  }
0x330: {  	[sflag:s8] =	ssyncadd.s32 $0xFFFFD800  }
0x331: {  	[spmem:s3] =	stream.indirect.scatter.add.f32 [tilespmem:s25], [sflag:$0x6], $0x80, s16, s31, $0xb8;
	[tilespmem:$0x1F4A0] =	vst v63  }
0x332: {  	_ =	swait.ge [sflag:s29], $0x2800  }
0x333: {  	[sflag:s29] =	ssyncset.done $0x0  }
0x334: {  	[sflag:s29] =	ssyncadd.s32 $0xFFFFD800  }
0x335: {  	[spmem:s4] =	stream.indirect.scatter.add.f32 [tilespmem:s26], [sflag:$0x4], $0x10, s16, s31, $0xb8;
	[tilespmem:$0x1F4A0] =	vst v63  }
0x336: {  	s22 =	rddreg [dreg:$0x15]  }
0x337: {  	[tilespmem:s25], [sflag:$0x1] =	stream.indirect.gather [hbm4b:s1+s31], $0x80, s22, s31, $0xb8;
	[tilespmem:$0x1F4A0] =	vst v63  }
0x338: {  	_ =	swait.ge [sflag:s9], $0x2800  }
0x339: {  	[sflag:s9] =	ssyncset.done $0x0  }
0x33a: {  	[sflag:s9] =	ssyncadd.s32 $0xFFFFD800  }
0x33b: {  	[spmem:s3] =	stream.indirect.scatter.add.f32 [tilespmem:s2], [sflag:$0x6], $0x80, s17, s31, $0xb8;
	[tilespmem:$0x1F4A0] =	vst v63  }
0x33c: {  	_ =	swait.ge [sflag:s29], $0x2800  }
0x33d: {  	[sflag:s29] =	ssyncset.done $0x0  }
0x33e: {  	[sflag:s29] =	ssyncadd.s32 $0xFFFFD800  }
0x33f: {  	[spmem:s4] =	stream.indirect.scatter.add.f32 [tilespmem:s26], [sflag:$0x4], $0x10, s17, s31, $0xb8;
	[tilespmem:$0x1F4A0] =	vst v63  }
0x340: {  	s10 =	rddreg [dreg:$0x16]  }
0x341: {  	[tilespmem:s2], [sflag:$0x2] =	stream.indirect.gather [hbm4b:s1+s31], $0x80, s10, s31, $0xb8;
	[tilespmem:$0x1F4A0] =	vst v63  }
0x342: {  	_ =	swait.ge [sflag:s11], $0x2800  }
0x343: {  	[sflag:s11] =	ssyncset.done $0x0  }
0x344: {  	s19 =	simm.s32 $0xC30;
	[sflag:s11] =	ssyncadd.s32 $0xFFFFD800  }
0x345: {  	[spmem:s3] =	stream.indirect.scatter.add.f32 [tilespmem:s0], [sflag:$0x6], $0x80, s19, s31, $0xb8;
	[tilespmem:$0x1F4A0] =	vst v63  }
0x346: {  	_ =	swait.ge [sflag:s29], $0x2800  }
0x347: {  	[sflag:s29] =	ssyncset.done $0x0  }
0x348: {  	[sflag:s29] =	ssyncadd.s32 $0xFFFFD800  }
0x349: {  	[spmem:s4] =	stream.indirect.scatter.add.f32 [tilespmem:s26], [sflag:$0x4], $0x10, s19, s31, $0xb8;
	[tilespmem:$0x1F4A0] =	vst v63  }
0x34a: {  	s20 =	rddreg [dreg:$0x17]  }
0x34b: {  	[tilespmem:s0], [sflag:$0x3] =	stream.indirect.gather [hbm4b:s1+s31], $0x80, s20, s31, $0xb8;
	[tilespmem:$0x1F4A0] =	vst v63  }
0x34c: {  	_ =	swait.ge [sflag:s8], $0x2800  }
0x34d: {  	[sflag:s8] =	ssyncset.done $0x0  }
0x34e: {  	s21 =	simm.s32 $0xC80;
	[sflag:s8] =	ssyncadd.s32 $0xFFFFD800  }
0x34f: {  	[spmem:s3] =	stream.indirect.scatter.add.f32 [tilespmem:s25], [sflag:$0x6], $0x80, s21, s31, $0xb8;
	[tilespmem:$0x1F4A0] =	vst v63  }
0x350: {  	_ =	swait.ge [sflag:s29], $0x2800  }
0x351: {  	[sflag:s29] =	ssyncset.done $0x0  }
0x352: {  	[sflag:s29] =	ssyncadd.s32 $0xFFFFD800  }
0x353: {  	[spmem:s4] =	stream.indirect.scatter.add.f32 [tilespmem:s26], [sflag:$0x4], $0x10, s21, s31, $0xb8;
	[tilespmem:$0x1F4A0] =	vst v63  }
0x354: {  	s22 =	rddreg [dreg:$0x18]  }
0x355: {  	[tilespmem:s25], [sflag:$0x1] =	stream.indirect.gather [hbm4b:s1+s31], $0x80, s22, s31, $0xb8;
	[tilespmem:$0x1F4A0] =	vst v63  }
0x356: {  	_ =	swait.ge [sflag:s9], $0x2800  }
0x357: {  	[sflag:s9] =	ssyncset.done $0x0  }
0x358: {  	s19 =	simm.s32 $0xCD0;
	[sflag:s9] =	ssyncadd.s32 $0xFFFFD800  }
0x359: {  	[spmem:s3] =	stream.indirect.scatter.add.f32 [tilespmem:s2], [sflag:$0x6], $0x80, s19, s31, $0xb8;
	[tilespmem:$0x1F4A0] =	vst v63  }
0x35a: {  	_ =	swait.ge [sflag:s29], $0x2800  }
0x35b: {  	[sflag:s29] =	ssyncset.done $0x0  }
0x35c: {  	[sflag:s29] =	ssyncadd.s32 $0xFFFFD800  }
0x35d: {  	[spmem:s4] =	stream.indirect.scatter.add.f32 [tilespmem:s26], [sflag:$0x4], $0x10, s19, s31, $0xb8;
	[tilespmem:$0x1F4A0] =	vst v63  }
0x35e: {  	s20 =	rddreg [dreg:$0x19]  }
0x35f: {  	[tilespmem:s2], [sflag:$0x2] =	stream.indirect.gather [hbm4b:s1+s31], $0x80, s20, s31, $0xb8;
	[tilespmem:$0x1F4A0] =	vst v63  }
0x360: {  	_ =	swait.ge [sflag:s11], $0x2800  }
0x361: {  	[sflag:s11] =	ssyncset.done $0x0  }
0x362: {  	s21 =	simm.s32 $0xD20;
	[sflag:s11] =	ssyncadd.s32 $0xFFFFD800  }
0x363: {  	[spmem:s3] =	stream.indirect.scatter.add.f32 [tilespmem:s0], [sflag:$0x6], $0x80, s21, s31, $0xb8;
	[tilespmem:$0x1F4A0] =	vst v63  }
0x364: {  	_ =	swait.ge [sflag:s29], $0x2800  }
0x365: {  	[sflag:s29] =	ssyncset.done $0x0  }
0x366: {  	[sflag:s29] =	ssyncadd.s32 $0xFFFFD800  }
0x367: {  	[spmem:s4] =	stream.indirect.scatter.add.f32 [tilespmem:s26], [sflag:$0x4], $0x10, s21, s31, $0xb8;
	[tilespmem:$0x1F4A0] =	vst v63  }
0x368: {  	s22 =	rddreg [dreg:$0x1a]  }
0x369: {  	[tilespmem:s0], [sflag:$0x3] =	stream.indirect.gather [hbm4b:s1+s31], $0x80, s22, s31, $0xb8;
	[tilespmem:$0x1F4A0] =	vst v63  }
0x36a: {  	_ =	swait.ge [sflag:s8], $0x2800  }
0x36b: {  	[sflag:s8] =	ssyncset.done $0x0  }
0x36c: {  	s19 =	simm.s32 $0xD70;
	[sflag:s8] =	ssyncadd.s32 $0xFFFFD800  }
0x36d: {  	[spmem:s3] =	stream.indirect.scatter.add.f32 [tilespmem:s25], [sflag:$0x6], $0x80, s19, s31, $0xb8;
	[tilespmem:$0x1F4A0] =	vst v63  }
0x36e: {  	_ =	swait.ge [sflag:s29], $0x2800  }
0x36f: {  	[sflag:s29] =	ssyncset.done $0x0  }
0x370: {  	[sflag:s29] =	ssyncadd.s32 $0xFFFFD800  }
0x371: {  	[spmem:s4] =	stream.indirect.scatter.add.f32 [tilespmem:s26], [sflag:$0x4], $0x10, s19, s31, $0xb8;
	[tilespmem:$0x1F4A0] =	vst v63  }
0x372: {  	s20 =	rddreg [dreg:$0x1b]  }
0x373: {  	[tilespmem:s25], [sflag:$0x1] =	stream.indirect.gather [hbm4b:s1+s31], $0x80, s20, s31, $0xb8;
	[tilespmem:$0x1F4A0] =	vst v63  }
0x374: {  	_ =	swait.ge [sflag:s9], $0x2800  }
0x375: {  	[sflag:s9] =	ssyncset.done $0x0  }
0x376: {  	s21 =	simm.s32 $0xDC0;
	[sflag:s9] =	ssyncadd.s32 $0xFFFFD800  }
0x377: {  	[spmem:s3] =	stream.indirect.scatter.add.f32 [tilespmem:s2], [sflag:$0x6], $0x80, s21, s31, $0xb8;
	[tilespmem:$0x1F4A0] =	vst v63  }
0x378: {  	_ =	swait.ge [sflag:s29], $0x2800  }
0x379: {  	[sflag:s29] =	ssyncset.done $0x0  }
0x37a: {  	[sflag:s29] =	ssyncadd.s32 $0xFFFFD800  }
0x37b: {  	[spmem:s4] =	stream.indirect.scatter.add.f32 [tilespmem:s26], [sflag:$0x4], $0x10, s21, s31, $0xb8;
	[tilespmem:$0x1F4A0] =	vst v63  }
0x37c: {  	s22 =	rddreg [dreg:$0x1c]  }
0x37d: {  	[tilespmem:s2], [sflag:$0x2] =	stream.indirect.gather [hbm4b:s1+s31], $0x80, s22, s31, $0xb8;
	[tilespmem:$0x1F4A0] =	vst v63  }
0x37e: {  	_ =	swait.ge [sflag:s11], $0x2800  }
0x37f: {  	[sflag:s11] =	ssyncset.done $0x0  }
0x380: {  	s19 =	simm.s32 $0xE10;
	[sflag:s11] =	ssyncadd.s32 $0xFFFFD800  }
0x381: {  	[spmem:s3] =	stream.indirect.scatter.add.f32 [tilespmem:s0], [sflag:$0x6], $0x80, s19, s31, $0xb8;
	[tilespmem:$0x1F4A0] =	vst v63  }
0x382: {  	_ =	swait.ge [sflag:s29], $0x2800  }
0x383: {  	[sflag:s29] =	ssyncset.done $0x0  }
0x384: {  	[sflag:s29] =	ssyncadd.s32 $0xFFFFD800  }
0x385: {  	[spmem:s4] =	stream.indirect.scatter.add.f32 [tilespmem:s26], [sflag:$0x4], $0x10, s19, s31, $0xb8;
	[tilespmem:$0x1F4A0] =	vst v63  }
0x386: {  	s20 =	rddreg [dreg:$0x1d]  }
0x387: {  	[tilespmem:s0], [sflag:$0x3] =	stream.indirect.gather [hbm4b:s1+s31], $0x80, s20, s31, $0xb8;
	[tilespmem:$0x1F4A0] =	vst v63  }
0x388: {  	_ =	swait.ge [sflag:s8], $0x2800  }
0x389: {  	[sflag:s8] =	ssyncset.done $0x0  }
0x38a: {  	s21 =	simm.s32 $0xE60;
	[sflag:s8] =	ssyncadd.s32 $0xFFFFD800  }
0x38b: {  	[spmem:s3] =	stream.indirect.scatter.add.f32 [tilespmem:s25], [sflag:$0x6], $0x80, s21, s31, $0xb8;
	[tilespmem:$0x1F4A0] =	vst v63  }
0x38c: {  	_ =	swait.ge [sflag:s29], $0x2800  }
0x38d: {  	[sflag:s29] =	ssyncset.done $0x0  }
0x38e: {  	[sflag:s29] =	ssyncadd.s32 $0xFFFFD800  }
0x38f: {  	[spmem:s4] =	stream.indirect.scatter.add.f32 [tilespmem:s26], [sflag:$0x4], $0x10, s21, s31, $0xb8;
	[tilespmem:$0x1F4A0] =	vst v63  }
0x390: {  	s22 =	rddreg [dreg:$0x1e]  }
0x391: {  	[tilespmem:s25], [sflag:$0x1] =	stream.indirect.gather [hbm4b:s1+s31], $0x80, s22, s31, $0xb8;
	[tilespmem:$0x1F4A0] =	vst v63  }
0x392: {  	_ =	swait.ge [sflag:s9], $0x2800  }
0x393: {  	[sflag:s9] =	ssyncset.done $0x0  }
0x394: {  	[sflag:s9] =	ssyncadd.s32 $0xFFFFD800  }
0x395: {  	[spmem:s3] =	stream.indirect.scatter.add.f32 [tilespmem:s2], [sflag:$0x6], $0x80, s5, s31, $0xb8;
	[tilespmem:$0x1F4A0] =	vst v63  }
0x396: {  	_ =	swait.ge [sflag:s29], $0x2800  }
0x397: {  	[sflag:s29] =	ssyncset.done $0x0  }
0x398: {  	[sflag:s29] =	ssyncadd.s32 $0xFFFFD800  }
0x399: {  	[spmem:s4] =	stream.indirect.scatter.add.f32 [tilespmem:s26], [sflag:$0x4], $0x10, s5, s31, $0xb8;
	[tilespmem:$0x1F4A0] =	vst v63  }
0x39a: {  	_ =	swait.ge [sflag:s11], $0x2800  }
0x39b: {  	[sflag:s11] =	ssyncset.done $0x0  }
0x39c: {  	[sflag:s11] =	ssyncadd.s32 $0xFFFFD800  }
0x39d: {  	[spmem:s3] =	stream.indirect.scatter.add.f32 [tilespmem:s0], [sflag:$0x6], $0x80, s6, s31, $0xb8;
	[tilespmem:$0x1F4A0] =	vst v63  }
0x39e: {  	_ =	swait.ge [sflag:s29], $0x2800  }
0x39f: {  	[sflag:s29] =	ssyncset.done $0x0  }
0x3a0: {  	[sflag:s29] =	ssyncadd.s32 $0xFFFFD800  }
0x3a1: {  	[spmem:s4] =	stream.indirect.scatter.add.f32 [tilespmem:s26], [sflag:$0x4], $0x10, s6, s31, $0xb8;
	[tilespmem:$0x1F4A0] =	vst v63  }
0x3a2: {  	_ =	swait.ge [sflag:s8], $0x2800  }
0x3a3: {  	[sflag:s8] =	ssyncset.done $0x0  }
0x3a4: {  	[sflag:s8] =	ssyncadd.s32 $0xFFFFD800  }
0x3a5: {  	[spmem:s3] =	stream.indirect.scatter.add.f32 [tilespmem:s25], [sflag:$0x6], $0x80, s7, s31, $0xb8;
	[tilespmem:$0x1F4A0] =	vst v63  }
0x3a6: {  	_ =	swait.ge [sflag:s29], $0x2800  }
0x3a7: {  	[sflag:s29] =	ssyncset.done $0x0  }
0x3a8: {  	s5 =	simm.s32 $0x4;
	[sflag:s29] =	ssyncadd.s32 $0xFFFFD800  }
0x3a9: {  	[spmem:s4] =	stream.indirect.scatter.add.f32 [tilespmem:s26], [sflag:$0x4], $0x10, s7, s31, $0xb8;
	[tilespmem:$0x1F4A0] =	vst v63  }
0x3aa: {  	_ =	swait.ge [sflag:s5], $0x500  }
0x3ab: {  	s19 =	simm.s32 $0x7C;
	s6 =	simm.s32 $0x7D0;
	[sflag:s5] =	ssyncset.done $0x0  }
.LBB2_8:
0x3ac: {  	p0 =	sne.s32 s19, $0x1;
	s19 =	sadd.s32 $0xFFFFFFFF, s19;
	[sflag:s5] =	ssyncadd.s32 $0xFFFFFB00  }
.Ltmp3:
0x3ad: {  	(pc) =	sbr.rel @p0 .LBB2_8-.Ltmp3, $3  }
0x3ae: {  	_ =	sdelay $0x1  }
0x3af: {  	_ =	swait.ge [sflag:s5], $0x500  }
0x3b0: {  	[sflag:s5] =	ssyncset.done $0x0  }
0x3b1: {  	[sflag:s5] =	ssyncadd.s32 $0xFFFFFB00  }
0x3b2: {  	[bflag:$0x0] =	sbarrier.arrive $0xFFFF  }
0x3b3: {  	s19 =	stileid.u32;
	s21 =	sld [smem:$0x7FB]  }
0x3b4: {  	s19 =	sshll.u32 s19, $0x6;
	s22 =	rddreg [dreg:$0x1f]  }
0x3b5: {  	s19 =	sor.u32 $0x1C06, s19;
	s20 =	sshrl.u32 s22, $0x3  }
0x3b6: {  	[hbm:s21], [sflag:s19] =	dma.local [spmem:s20], $0x2800  }
0x3b7: {  	_ =	swait.ge [sflag:s29], $0x2800  }
0x3b8: {  	s7 =	sld [smem:$0x7EC]  }
0x3b9: {  	s10 =	sld [smem:$0x7FC]  }
0x3ba: {  	[sflag:s29] =	ssyncset.done $0x0  }
0x3bb: {  	[sflag:s29] =	ssyncadd.s32 $0xFFFFD800;
	s20 =	sshrl.u32 s7, $0x3  }
0x3bc: {  	[hbm:s10], [sflag:s19] =	dma.local [spmem:s20], $0x500  }
0x3bd: {  	_ =	swait.ge [sflag:s29], $0x500  }
0x3be: {  	s7 =	sld [smem:$0x7EB]  }
0x3bf: {  	s21 =	sld [smem:$0x7FD];
	_ =	sdelay $0x1  }
0x3c0: {  	s7 =	sadd.s32 $0x1, s7  }
0x3c1: {  	p0 =	sne.s32 s7, s21  }
.Ltmp4:
0x3c2: {  	_ = 	snop;
	(pc) =	sbr.rel @p0 .LBB2_1-.Ltmp4, $3  }
0x3c3: {  	_ =	sdelay $0x1  }
0x3c4: {  	[sflag:s29] =	ssyncset.done $0x0  }
0x3c5: {  	s5 =	simm.s32 $0x0;
	[sflag:s29] =	ssyncadd.s32 $0xFFFFFB00  }
0x3c6: {  	_ =	sfence.sel $0x180000  }
0x3c7: {  	[bflag:$0x0] =	sbarrier.arrive $0xFFFF  }
0x3c8: {  	_ =	strace $0x90000047  }
0x3c9: {  	s0 =	stileid.u32;
	[bflag:$0x2] =	sbarrier.arrive $0xFFFF  }
0x3ca: {  	p0 =	sne.s32 s0, $0x0;
	s0 =	rddreg [dreg:$0x5]  }
0x3cb: {  	s0 =	sadd.s32 @!p0 $0x100000, s0  }
0x3cc: {  	[sflag:s0] =	ssyncadd.tile.s32 @!p0 $0x1;
	_ =	shalt  }
.Lfunc_end2:
_tile_overlayer_lowered:
.L_overlay_start_2:
0x3cd: {  	(tag) =	ssettag $0x2  }
0x3ce: {  	s0 =	rddreg [dreg:$0x0];
	s2 =	stileid.u32  }
0x3cf: {  	s1 =	rddreg [dreg:$0x1];
	p0 =	sne.s32 s2, $0x0  }
0x3d0: {  	s3 =	rddreg [dreg:$0x2];
	[bflag:$0x3] =	sbarrier.arrive $0xFFFF;
	s2 =	simm.s32 @!p0 $0x1C06  }
0x3d1: {  	[timem:s3], [sflag:s2] =	dma.local @!p0 [hbm:s0], s1  }
0x3d2: {  	s0 =	simm.s32 @!p0 $0x6  }
0x3d3: {  	_ =	swait.ge @!p0 [sflag:s0], s1  }
0x3d4: {  	s1 =	ssub.s32 @!p0 $0x0, s1;
	[sflag:s0] =	ssyncset.done @!p0 $0x0  }
0x3d5: {  	[sflag:s0] =	ssyncadd.s32 @!p0 s1  }
0x3d6: {  	[bflag:$0x3] =	sbarrier.arrive $0xFFFF  }
0x3d7: {  	_ =	shalt  }

</sc_bundles>
